<compile_context>
chip_gen: v7x
topology: tpu7x:2x2x1
jax: 0.10.2.dev20260603
libtpu: 0.0.44.dev20260713+nightly
codegen_flags: <defaults>
</compile_context>

<pallas_src>
import functools

import jax
import jax.numpy as jnp
from jax import lax
from jax.experimental import pallas as pl
from jax.experimental.pallas import tpu as pltpu
from jax.experimental.pallas import tpu_sc as plsc

_QUANTILES = (0.1, 0.2, 0.3, 0.4, 0.5, 0.6, 0.7, 0.8, 0.9)

_NC = 2
_NS = 16
_NW = _NC * _NS
_L = 16

_G = 8
_IC = 300
_ICP = 304
_CHN = _G * _IC
_IDXW = 100
_NGATH = _CHN // _IDXW
_F16 = 16
_FTOT = 20


def _sc_body(nch, table_hbm, idx_hbm, freq_hbm, mbb_hbm, sidx_hbm, embt_hbm,
             idx_v, stage16, stage_t, freq_v, sidx_v, mbb_v, sem):
  wid = lax.axis_index("s") * _NC + lax.axis_index("c")
  pltpu.sync_copy(mbb_hbm, mbb_v)
  pltpu.sync_copy(sidx_hbm, sidx_v)
  iota = lax.iota(jnp.int32, _L)
  iota304 = iota * _ICP

  def chunk(c, carry):
    b0 = wid * (nch * _G) + c * _G
    pltpu.sync_copy(idx_hbm.at[wid, c], idx_v)
    copies = []
    for j in range(_NGATH):
      copies.append(
          pltpu.async_copy(
              table_hbm.at[idx_v.at[j]],
              stage16.at[pl.ds(j * _IDXW, _IDXW)],
              sem,
          )
      )
    pltpu.sync_copy(freq_hbm.at[wid, c], freq_v)

    @plsc.parallel_loop(0, _CHN // _L, unroll=2)
    def mbb_step(t):
      fv = freq_v[pl.ds(t * _L, _L)]
      bucket = jnp.zeros((_L,), jnp.int32)
      for q in _QUANTILES:
        bucket = bucket + jnp.where(fv > q, 1, 0)
      sv = sidx_v[pl.ds(t * _L, _L)]
      i_idx = lax.shift_right_logical(sv, 3)
      b_idx = jnp.bitwise_and(sv, 7)
      a4 = bucket * 4
      for fcol in range(4):
        vals = plsc.load_gather(mbb_v, [a4 + fcol])
        plsc.store_scatter(
            stage_t, [i_idx + ((_F16 + fcol) * _ICP), b_idx], vals
        )

    for cp in copies:
      cp.wait()

    def tb(bl, c2):
      blv = jnp.full((_L,), bl, jnp.int32)
      rbase = bl * _IC

      @plsc.parallel_loop(0, _IC, unroll=8)
      def ti(i):
        row = stage16[rbase + i]
        plsc.store_scatter(stage_t, [iota304 + i, blv], row)

      return c2

    lax.fori_loop(0, _G, tb, 0)
    pltpu.sync_copy(stage_t, embt_hbm.at[:, pl.ds(b0, _G)])
    return carry

  lax.fori_loop(0, nch, chunk, 0)


def _sc_embed(table, idx4d, freq3d, mbb_flat, sidx, batch):
  nch = batch // (_NW * _G)
  mesh = plsc.VectorSubcoreMesh(core_axis_name="c", subcore_axis_name="s")
  return pl.kernel(
      functools.partial(_sc_body, nch),
      out_type=jax.ShapeDtypeStruct((_FTOT * _ICP, batch), jnp.float32),
      mesh=mesh,
      scratch_types=[
          pltpu.VMEM((_NGATH, _IDXW), jnp.int32),
          pltpu.VMEM((_CHN, _F16), jnp.float32),
          pltpu.VMEM((_FTOT * _ICP, _G), jnp.float32),
          pltpu.VMEM((_CHN,), jnp.float32),
          pltpu.VMEM((_CHN,), jnp.int32),
          pltpu.VMEM((40,), jnp.float32),
          pltpu.SemaphoreType.DMA,
      ],
      compiler_params=pltpu.CompilerParams(
          use_tc_tiling_on_sc=False, needs_layout_passes=False
      ),
  )(table, idx4d, freq3d, mbb_flat, sidx)


def _tc_body(rc, bm_ref, e_ref, out_ref):
  def rowpair(rp, carry):
    r = rp * 2
    p0 = bm_ref[r].astype(jnp.float32)
    p1 = bm_ref[r + 1].astype(jnp.float32)
    for f in range(_FTOT):
      e = e_ref[pl.ds(f * _ICP, _IC)]
      out_ref[r, f] = jnp.sum(p0 * e, axis=0)
      out_ref[r + 1, f] = jnp.sum(p1 * e, axis=0)
    return carry

  lax.fori_loop(0, rc // 2, rowpair, 0)
  p = bm_ref[rc - 1].astype(jnp.float32)
  for f in range(_FTOT):
    e = e_ref[pl.ds(f * _ICP, _IC)]
    out_ref[rc - 1, f] = jnp.sum(p * e, axis=0)


def _tc_combine(bm_t, embt, nbl, boff):
  rc, ic, _ = bm_t.shape
  batch = embt.shape[1]
  grid = (batch // nbl,)
  return pl.pallas_call(
      functools.partial(_tc_body, rc),
      grid=grid,
      in_specs=[
          pl.BlockSpec((rc, ic, nbl), lambda i: (0, 0, i + boff)),
          pl.BlockSpec((_FTOT * _ICP, nbl), lambda i: (0, i)),
      ],
      out_specs=pl.BlockSpec((rc, _FTOT, nbl), lambda i: (0, 0, i)),
      out_shape=jax.ShapeDtypeStruct((rc, _FTOT, batch), jnp.float32),
      compiler_params=pltpu.CompilerParams(
          dimension_semantics=("arbitrary",),
      ),
  )(bm_t, embt)


def kernel(instruction_opcodes, binary_mapping_matrix, mbb_frequencies,
           opcode_table, mbb_table):
  b, ic = instruction_opcodes.shape
  nsplit = 2
  bh = b // nsplit
  nch = bh // (_NW * _G)
  mbb_flat = mbb_table[:10].reshape(40)
  p = jnp.arange(_CHN, dtype=jnp.int32)
  sidx = (p % _IC) * _G + p // _IC
  bm_t = jnp.transpose(binary_mapping_matrix, (1, 2, 0))
  op_s = instruction_opcodes.reshape(nsplit, _NW, nch, _NGATH, _IDXW)
  fr_s = mbb_frequencies.reshape(nsplit, _NW, nch, _CHN)
  outs = []
  for s in range(nsplit):
    embt = _sc_embed(opcode_table, op_s[s], fr_s[s], mbb_flat, sidx, bh)
    outs.append(_tc_combine(bm_t, embt, 128, s * (bh // 128)))
  out_t = jnp.concatenate(outs, axis=2)
  return jnp.transpose(out_t, (2, 0, 1))

# --- scband reference (transcript-rebuilt; emitter-appended) ---
"""Pipeline reference for scband-process-instruction-features-25580825215331 (READ-ONLY COPY).

The authoritative reference and input builder live on the scoring server;
editing this copy changes nothing except your own understanding.
"""

import jax, jax.numpy as jnp
import numpy as np

MBB_QUANTILES = jnp.array([0.1, 0.2, 0.3, 0.4, 0.5, 0.6, 0.7, 0.8, 0.9], dtype=jnp.float32)
INSTRUCTION_COUNT = 300


def setup_inputs(seed: int = 0) -> dict:
    key = jax.random.key(seed)
    k1, k2, k3, k4, k5 = jax.random.split(key, 5)
    B = 4096
    IC = INSTRUCTION_COUNT
    RC = 33
    instruction_opcodes = jax.random.randint(k1, (B, IC), 0, 20000, dtype=jnp.int32)
    binary_mapping_matrix = jax.random.randint(k2, (B, RC, IC), 0, 2, dtype=jnp.int32)
    mbb_frequencies = jax.random.uniform(k3, (B, IC), dtype=jnp.float32)
    opcode_table = jax.random.normal(k4, (20000, 16), dtype=jnp.float32) * 0.05
    mbb_table = jax.random.normal(k5, (1000, 4), dtype=jnp.float32) * 0.05
    return {
        "instruction_opcodes": instruction_opcodes,
        "binary_mapping_matrix": binary_mapping_matrix,
        "mbb_frequencies": mbb_frequencies,
        "opcode_table": opcode_table,
        "mbb_table": mbb_table,
    }


def reference(instruction_opcodes, binary_mapping_matrix, mbb_frequencies, opcode_table, mbb_table):
    op = instruction_opcodes.reshape(-1, INSTRUCTION_COUNT)
    bm = binary_mapping_matrix.astype(jnp.float32)
    # opcode embedding lookup: [B, IC, 16]
    instruction_embeddings = jnp.take(opcode_table, op, axis=0)
    # [B, RC, IC] @ [B, IC, 16] -> [B, RC, 16]
    matrix_product = jnp.matmul(bm, instruction_embeddings)
    freq = mbb_frequencies.reshape(-1, INSTRUCTION_COUNT)
    # tft.apply_buckets == bucketize by quantile boundaries
    mbb_quantized = jnp.searchsorted(MBB_QUANTILES, freq)
    embedded_mbb_frequencies = jnp.take(mbb_table, mbb_quantized, axis=0)
    # [B, RC, IC] @ [B, IC, 4] -> [B, RC, 4]
    mbb_matrix_product = jnp.matmul(bm, embedded_mbb_frequencies)
    concatenated_products = jnp.concatenate([matrix_product, mbb_matrix_product], axis=2)
    return concatenated_products

if __name__ == "__main__":
    import jax
    _d = setup_inputs()
    print(jax.jit(kernel)(*tuple(_d.values())))

</pallas_src>

<mosaic_0001>
#map = affine_map<(d0, d1) -> (0, 0)>
#map1 = affine_map<(d0, d1) -> (0, 0, 0, 0)>
#map2 = affine_map<(d0, d1) -> (0, 0, 0)>
#map3 = affine_map<(d0, d1) -> (0)>
module attributes {stable_mosaic.version = 14 : i64} {
  func.func @_sc_body(%arg0: i32, %arg1: i32, %arg2: memref<20000x16xf32, #tpu.memory_space<hbm>>, %arg3: memref<32x8x24x100xi32, #tpu.memory_space<hbm>>, %arg4: memref<32x8x2400xf32, #tpu.memory_space<hbm>>, %arg5: memref<40xf32, #tpu.memory_space<hbm>>, %arg6: memref<2400xi32, #tpu.memory_space<hbm>>, %arg7: memref<6080x2048xf32, #tpu.memory_space<hbm>>, %arg8: memref<24x100xi32, #tpu.memory_space<vmem>>, %arg9: memref<2400x16xf32, #tpu.memory_space<vmem>>, %arg10: memref<6080x8xf32, #tpu.memory_space<vmem>>, %arg11: memref<2400xf32, #tpu.memory_space<vmem>>, %arg12: memref<2400xi32, #tpu.memory_space<vmem>>, %arg13: memref<40xf32, #tpu.memory_space<vmem>>, %arg14: memref<!tpu.dma_semaphore, #tpu.memory_space<semaphore_mem>>) attributes {dimension_semantics = [#tpu.dimension_semantics<core_parallel>, #tpu.dimension_semantics<subcore_parallel>], iteration_bounds = array<i64: 2, 16>, scalar_prefetch = 0 : i64, scratch_operands = 7 : i64, tpu.core_type = #tpu.core_type<sc_vector_subcore>, window_params = [{transform_indices = #map}, {transform_indices = #map1}, {transform_indices = #map2}, {transform_indices = #map3}, {transform_indices = #map3}, {transform_indices = #map}]} {
    %mul3A = arith.constant 2 : i32
    %mul3A_0 = arith.muli %arg1, %mul3A : i32
    %add3A = arith.addi %mul3A_0, %arg0 : i32
    "tpu.region"() ({
      %run_scoped3A = tpu.sem_alloc : memref<!tpu.dma_semaphore, #tpu.memory_space<semaphore_mem>>
      tpu.enqueue_dma source(%arg5 : memref<40xf32, #tpu.memory_space<hbm>>) target(%arg13 : memref<40xf32, #tpu.memory_space<vmem>>) target_semaphore(%run_scoped3A : memref<!tpu.dma_semaphore, #tpu.memory_space<semaphore_mem>>)
      tpu.wait_dma2 semaphore(%run_scoped3A : memref<!tpu.dma_semaphore, #tpu.memory_space<semaphore_mem>>) src(%arg5 : memref<40xf32, #tpu.memory_space<hbm>>) dst(%arg13 : memref<40xf32, #tpu.memory_space<vmem>>)
      tpu.yield
    }) : () -> ()
    "tpu.region"() ({
      %run_scoped3A = tpu.sem_alloc : memref<!tpu.dma_semaphore, #tpu.memory_space<semaphore_mem>>
      tpu.enqueue_dma source(%arg6 : memref<2400xi32, #tpu.memory_space<hbm>>) target(%arg12 : memref<2400xi32, #tpu.memory_space<vmem>>) target_semaphore(%run_scoped3A : memref<!tpu.dma_semaphore, #tpu.memory_space<semaphore_mem>>)
      tpu.wait_dma2 semaphore(%run_scoped3A : memref<!tpu.dma_semaphore, #tpu.memory_space<semaphore_mem>>) src(%arg6 : memref<2400xi32, #tpu.memory_space<hbm>>) dst(%arg12 : memref<2400xi32, #tpu.memory_space<vmem>>)
      tpu.yield
    }) : () -> ()
    %iota3A = tpu.iota {dimensions = array<i32: 0>} : vector<16xi32>
    %mul3A_1 = arith.constant 304 : i32
    %mul3A_2 = vector.broadcast %mul3A_1 : i32 to vector<16xi32>
    %mul3A_3 = arith.muli %iota3A, %mul3A_2 : vector<16xi32>
    %scan3A = arith.constant 0 : i32
    %scan3A_4 = arith.constant 0 : i32
    %scan3A_5 = arith.constant 8 : i32
    %scan3A_6 = arith.addi %scan3A_4, %scan3A_5 : i32
    %scan3A_7 = arith.constant 1 : i32
    scf.for %scan3A_9 = %scan3A_4 to %scan3A_6 step %scan3A_7  : i32 {
      %mul3A_10 = arith.constant 64 : i32
      %mul3A_11 = arith.muli %add3A, %mul3A_10 : i32
      %mul3A_12 = arith.constant 8 : i32
      %mul3A_13 = arith.muli %scan3A_9, %mul3A_12 : i32
      %add3A_14 = arith.addi %mul3A_11, %mul3A_13 : i32
      "tpu.region"() ({
        %run_scoped3A = tpu.sem_alloc : memref<!tpu.dma_semaphore, #tpu.memory_space<semaphore_mem>>
        %dma_start3A_501 = arith.constant 0 : i32
        %dma_start3A_502 = arith.constant 0 : i32
        %dma_start3A_503 = tpu.memref_slice %arg3[%add3A, %scan3A_9, %dma_start3A_501, %dma_start3A_502] : memref<32x8x24x100xi32, #tpu.memory_space<hbm>> -> memref<1x1x24x100xi32, #tpu.memory_space<hbm>>
        %dma_start3A_504 = tpu.memref_squeeze %dma_start3A_503 : memref<1x1x24x100xi32, #tpu.memory_space<hbm>> -> memref<24x100xi32, #tpu.memory_space<hbm>>
        %dma_start3A_505 = arith.constant 0 : i32
        %dma_start3A_506 = arith.constant 0 : i32
        %dma_start3A_507 = tpu.memref_slice %arg3[%add3A, %scan3A_9, %dma_start3A_505, %dma_start3A_506] : memref<32x8x24x100xi32, #tpu.memory_space<hbm>> -> memref<1x1x24x100xi32, #tpu.memory_space<hbm>>
        %dma_start3A_508 = tpu.memref_squeeze %dma_start3A_507 : memref<1x1x24x100xi32, #tpu.memory_space<hbm>> -> memref<24x100xi32, #tpu.memory_space<hbm>>
        tpu.enqueue_dma source(%dma_start3A_508 : memref<24x100xi32, #tpu.memory_space<hbm>>) target(%arg8 : memref<24x100xi32, #tpu.memory_space<vmem>>) target_semaphore(%run_scoped3A : memref<!tpu.dma_semaphore, #tpu.memory_space<semaphore_mem>>)
        %dma_wait3A_509 = arith.constant 0 : i32
        %dma_wait3A_510 = arith.constant 0 : i32
        %dma_wait3A_511 = tpu.memref_slice %arg3[%add3A, %scan3A_9, %dma_wait3A_509, %dma_wait3A_510] : memref<32x8x24x100xi32, #tpu.memory_space<hbm>> -> memref<1x1x24x100xi32, #tpu.memory_space<hbm>>
        %dma_wait3A_512 = tpu.memref_squeeze %dma_wait3A_511 : memref<1x1x24x100xi32, #tpu.memory_space<hbm>> -> memref<24x100xi32, #tpu.memory_space<hbm>>
        %dma_wait3A_513 = arith.constant 0 : i32
        %dma_wait3A_514 = arith.constant 0 : i32
        %dma_wait3A_515 = tpu.memref_slice %arg3[%add3A, %scan3A_9, %dma_wait3A_513, %dma_wait3A_514] : memref<32x8x24x100xi32, #tpu.memory_space<hbm>> -> memref<1x1x24x100xi32, #tpu.memory_space<hbm>>
        %dma_wait3A_516 = tpu.memref_squeeze %dma_wait3A_515 : memref<1x1x24x100xi32, #tpu.memory_space<hbm>> -> memref<24x100xi32, #tpu.memory_space<hbm>>
        tpu.wait_dma2 semaphore(%run_scoped3A : memref<!tpu.dma_semaphore, #tpu.memory_space<semaphore_mem>>) src(%dma_wait3A_516 : memref<24x100xi32, #tpu.memory_space<hbm>>) dst(%arg8 : memref<24x100xi32, #tpu.memory_space<vmem>>)
        tpu.yield
      }) : () -> ()
      %dma_start3A = arith.constant 0 : i32
      %dma_start3A_15 = arith.constant 0 : i32
      %dma_start3A_16 = arith.constant 0 : i32
      %dma_start3A_17 = tpu.memref_slice %arg9[%dma_start3A_15, %dma_start3A_16] : memref<2400x16xf32, #tpu.memory_space<vmem>> -> memref<100x16xf32, #tpu.memory_space<vmem>>
      %dma_start3A_18 = arith.constant 0 : i32
      %dma_start3A_19 = tpu.memref_slice %arg8[%dma_start3A, %dma_start3A_18] : memref<24x100xi32, #tpu.memory_space<vmem>> -> memref<1x100xi32, #tpu.memory_space<vmem>>
      %dma_start3A_20 = tpu.memref_squeeze %dma_start3A_19 : memref<1x100xi32, #tpu.memory_space<vmem>> -> memref<100xi32, #tpu.memory_space<vmem>>
      %dma_start3A_21 = arith.constant 0 : i32
      %dma_start3A_22 = arith.constant 0 : i32
      %dma_start3A_23 = tpu.memref_slice %arg2[%dma_start3A_21, %dma_start3A_22] : memref<20000x16xf32, #tpu.memory_space<hbm>> -> memref<20000x16xf32, #tpu.memory_space<hbm>>
      tpu.enqueue_indirect_dma source(%dma_start3A_23 : memref<20000x16xf32, #tpu.memory_space<hbm>>) target(%dma_start3A_17 : memref<100x16xf32, #tpu.memory_space<vmem>>) offsets(%dma_start3A_20 : memref<100xi32, #tpu.memory_space<vmem>>) semaphore(%arg14 : memref<!tpu.dma_semaphore, #tpu.memory_space<semaphore_mem>>)
      %dma_start3A_24 = arith.constant 1 : i32
      %dma_start3A_25 = arith.constant 100 : i32
      %dma_start3A_26 = arith.constant 0 : i32
      %dma_start3A_27 = tpu.memref_slice %arg9[%dma_start3A_25, %dma_start3A_26] : memref<2400x16xf32, #tpu.memory_space<vmem>> -> memref<100x16xf32, #tpu.memory_space<vmem>>
      %dma_start3A_28 = arith.constant 0 : i32
      %dma_start3A_29 = tpu.memref_slice %arg8[%dma_start3A_24, %dma_start3A_28] : memref<24x100xi32, #tpu.memory_space<vmem>> -> memref<1x100xi32, #tpu.memory_space<vmem>>
      %dma_start3A_30 = tpu.memref_squeeze %dma_start3A_29 : memref<1x100xi32, #tpu.memory_space<vmem>> -> memref<100xi32, #tpu.memory_space<vmem>>
      %dma_start3A_31 = arith.constant 0 : i32
      %dma_start3A_32 = arith.constant 0 : i32
      %dma_start3A_33 = tpu.memref_slice %arg2[%dma_start3A_31, %dma_start3A_32] : memref<20000x16xf32, #tpu.memory_space<hbm>> -> memref<20000x16xf32, #tpu.memory_space<hbm>>
      tpu.enqueue_indirect_dma source(%dma_start3A_33 : memref<20000x16xf32, #tpu.memory_space<hbm>>) target(%dma_start3A_27 : memref<100x16xf32, #tpu.memory_space<vmem>>) offsets(%dma_start3A_30 : memref<100xi32, #tpu.memory_space<vmem>>) semaphore(%arg14 : memref<!tpu.dma_semaphore, #tpu.memory_space<semaphore_mem>>)
      %dma_start3A_34 = arith.constant 2 : i32
      %dma_start3A_35 = arith.constant 200 : i32
      %dma_start3A_36 = arith.constant 0 : i32
      %dma_start3A_37 = tpu.memref_slice %arg9[%dma_start3A_35, %dma_start3A_36] : memref<2400x16xf32, #tpu.memory_space<vmem>> -> memref<100x16xf32, #tpu.memory_space<vmem>>
      %dma_start3A_38 = arith.constant 0 : i32
      %dma_start3A_39 = tpu.memref_slice %arg8[%dma_start3A_34, %dma_start3A_38] : memref<24x100xi32, #tpu.memory_space<vmem>> -> memref<1x100xi32, #tpu.memory_space<vmem>>
      %dma_start3A_40 = tpu.memref_squeeze %dma_start3A_39 : memref<1x100xi32, #tpu.memory_space<vmem>> -> memref<100xi32, #tpu.memory_space<vmem>>
      %dma_start3A_41 = arith.constant 0 : i32
      %dma_start3A_42 = arith.constant 0 : i32
      %dma_start3A_43 = tpu.memref_slice %arg2[%dma_start3A_41, %dma_start3A_42] : memref<20000x16xf32, #tpu.memory_space<hbm>> -> memref<20000x16xf32, #tpu.memory_space<hbm>>
      tpu.enqueue_indirect_dma source(%dma_start3A_43 : memref<20000x16xf32, #tpu.memory_space<hbm>>) target(%dma_start3A_37 : memref<100x16xf32, #tpu.memory_space<vmem>>) offsets(%dma_start3A_40 : memref<100xi32, #tpu.memory_space<vmem>>) semaphore(%arg14 : memref<!tpu.dma_semaphore, #tpu.memory_space<semaphore_mem>>)
      %dma_start3A_44 = arith.constant 3 : i32
      %dma_start3A_45 = arith.constant 300 : i32
      %dma_start3A_46 = arith.constant 0 : i32
      %dma_start3A_47 = tpu.memref_slice %arg9[%dma_start3A_45, %dma_start3A_46] : memref<2400x16xf32, #tpu.memory_space<vmem>> -> memref<100x16xf32, #tpu.memory_space<vmem>>
      %dma_start3A_48 = arith.constant 0 : i32
      %dma_start3A_49 = tpu.memref_slice %arg8[%dma_start3A_44, %dma_start3A_48] : memref<24x100xi32, #tpu.memory_space<vmem>> -> memref<1x100xi32, #tpu.memory_space<vmem>>
      %dma_start3A_50 = tpu.memref_squeeze %dma_start3A_49 : memref<1x100xi32, #tpu.memory_space<vmem>> -> memref<100xi32, #tpu.memory_space<vmem>>
      %dma_start3A_51 = arith.constant 0 : i32
      %dma_start3A_52 = arith.constant 0 : i32
      %dma_start3A_53 = tpu.memref_slice %arg2[%dma_start3A_51, %dma_start3A_52] : memref<20000x16xf32, #tpu.memory_space<hbm>> -> memref<20000x16xf32, #tpu.memory_space<hbm>>
      tpu.enqueue_indirect_dma source(%dma_start3A_53 : memref<20000x16xf32, #tpu.memory_space<hbm>>) target(%dma_start3A_47 : memref<100x16xf32, #tpu.memory_space<vmem>>) offsets(%dma_start3A_50 : memref<100xi32, #tpu.memory_space<vmem>>) semaphore(%arg14 : memref<!tpu.dma_semaphore, #tpu.memory_space<semaphore_mem>>)
      %dma_start3A_54 = arith.constant 4 : i32
      %dma_start3A_55 = arith.constant 400 : i32
      %dma_start3A_56 = arith.constant 0 : i32
      %dma_start3A_57 = tpu.memref_slice %arg9[%dma_start3A_55, %dma_start3A_56] : memref<2400x16xf32, #tpu.memory_space<vmem>> -> memref<100x16xf32, #tpu.memory_space<vmem>>
      %dma_start3A_58 = arith.constant 0 : i32
      %dma_start3A_59 = tpu.memref_slice %arg8[%dma_start3A_54, %dma_start3A_58] : memref<24x100xi32, #tpu.memory_space<vmem>> -> memref<1x100xi32, #tpu.memory_space<vmem>>
      %dma_start3A_60 = tpu.memref_squeeze %dma_start3A_59 : memref<1x100xi32, #tpu.memory_space<vmem>> -> memref<100xi32, #tpu.memory_space<vmem>>
      %dma_start3A_61 = arith.constant 0 : i32
      %dma_start3A_62 = arith.constant 0 : i32
      %dma_start3A_63 = tpu.memref_slice %arg2[%dma_start3A_61, %dma_start3A_62] : memref<20000x16xf32, #tpu.memory_space<hbm>> -> memref<20000x16xf32, #tpu.memory_space<hbm>>
      tpu.enqueue_indirect_dma source(%dma_start3A_63 : memref<20000x16xf32, #tpu.memory_space<hbm>>) target(%dma_start3A_57 : memref<100x16xf32, #tpu.memory_space<vmem>>) offsets(%dma_start3A_60 : memref<100xi32, #tpu.memory_space<vmem>>) semaphore(%arg14 : memref<!tpu.dma_semaphore, #tpu.memory_space<semaphore_mem>>)
      %dma_start3A_64 = arith.constant 5 : i32
      %dma_start3A_65 = arith.constant 500 : i32
      %dma_start3A_66 = arith.constant 0 : i32
      %dma_start3A_67 = tpu.memref_slice %arg9[%dma_start3A_65, %dma_start3A_66] : memref<2400x16xf32, #tpu.memory_space<vmem>> -> memref<100x16xf32, #tpu.memory_space<vmem>>
      %dma_start3A_68 = arith.constant 0 : i32
      %dma_start3A_69 = tpu.memref_slice %arg8[%dma_start3A_64, %dma_start3A_68] : memref<24x100xi32, #tpu.memory_space<vmem>> -> memref<1x100xi32, #tpu.memory_space<vmem>>
      %dma_start3A_70 = tpu.memref_squeeze %dma_start3A_69 : memref<1x100xi32, #tpu.memory_space<vmem>> -> memref<100xi32, #tpu.memory_space<vmem>>
      %dma_start3A_71 = arith.constant 0 : i32
      %dma_start3A_72 = arith.constant 0 : i32
      %dma_start3A_73 = tpu.memref_slice %arg2[%dma_start3A_71, %dma_start3A_72] : memref<20000x16xf32, #tpu.memory_space<hbm>> -> memref<20000x16xf32, #tpu.memory_space<hbm>>
      tpu.enqueue_indirect_dma source(%dma_start3A_73 : memref<20000x16xf32, #tpu.memory_space<hbm>>) target(%dma_start3A_67 : memref<100x16xf32, #tpu.memory_space<vmem>>) offsets(%dma_start3A_70 : memref<100xi32, #tpu.memory_space<vmem>>) semaphore(%arg14 : memref<!tpu.dma_semaphore, #tpu.memory_space<semaphore_mem>>)
      %dma_start3A_74 = arith.constant 6 : i32
      %dma_start3A_75 = arith.constant 600 : i32
      %dma_start3A_76 = arith.constant 0 : i32
      %dma_start3A_77 = tpu.memref_slice %arg9[%dma_start3A_75, %dma_start3A_76] : memref<2400x16xf32, #tpu.memory_space<vmem>> -> memref<100x16xf32, #tpu.memory_space<vmem>>
      %dma_start3A_78 = arith.constant 0 : i32
      %dma_start3A_79 = tpu.memref_slice %arg8[%dma_start3A_74, %dma_start3A_78] : memref<24x100xi32, #tpu.memory_space<vmem>> -> memref<1x100xi32, #tpu.memory_space<vmem>>
      %dma_start3A_80 = tpu.memref_squeeze %dma_start3A_79 : memref<1x100xi32, #tpu.memory_space<vmem>> -> memref<100xi32, #tpu.memory_space<vmem>>
      %dma_start3A_81 = arith.constant 0 : i32
      %dma_start3A_82 = arith.constant 0 : i32
      %dma_start3A_83 = tpu.memref_slice %arg2[%dma_start3A_81, %dma_start3A_82] : memref<20000x16xf32, #tpu.memory_space<hbm>> -> memref<20000x16xf32, #tpu.memory_space<hbm>>
      tpu.enqueue_indirect_dma source(%dma_start3A_83 : memref<20000x16xf32, #tpu.memory_space<hbm>>) target(%dma_start3A_77 : memref<100x16xf32, #tpu.memory_space<vmem>>) offsets(%dma_start3A_80 : memref<100xi32, #tpu.memory_space<vmem>>) semaphore(%arg14 : memref<!tpu.dma_semaphore, #tpu.memory_space<semaphore_mem>>)
      %dma_start3A_84 = arith.constant 7 : i32
      %dma_start3A_85 = arith.constant 700 : i32
      %dma_start3A_86 = arith.constant 0 : i32
      %dma_start3A_87 = tpu.memref_slice %arg9[%dma_start3A_85, %dma_start3A_86] : memref<2400x16xf32, #tpu.memory_space<vmem>> -> memref<100x16xf32, #tpu.memory_space<vmem>>
      %dma_start3A_88 = arith.constant 0 : i32
      %dma_start3A_89 = tpu.memref_slice %arg8[%dma_start3A_84, %dma_start3A_88] : memref<24x100xi32, #tpu.memory_space<vmem>> -> memref<1x100xi32, #tpu.memory_space<vmem>>
      %dma_start3A_90 = tpu.memref_squeeze %dma_start3A_89 : memref<1x100xi32, #tpu.memory_space<vmem>> -> memref<100xi32, #tpu.memory_space<vmem>>
      %dma_start3A_91 = arith.constant 0 : i32
      %dma_start3A_92 = arith.constant 0 : i32
      %dma_start3A_93 = tpu.memref_slice %arg2[%dma_start3A_91, %dma_start3A_92] : memref<20000x16xf32, #tpu.memory_space<hbm>> -> memref<20000x16xf32, #tpu.memory_space<hbm>>
      tpu.enqueue_indirect_dma source(%dma_start3A_93 : memref<20000x16xf32, #tpu.memory_space<hbm>>) target(%dma_start3A_87 : memref<100x16xf32, #tpu.memory_space<vmem>>) offsets(%dma_start3A_90 : memref<100xi32, #tpu.memory_space<vmem>>) semaphore(%arg14 : memref<!tpu.dma_semaphore, #tpu.memory_space<semaphore_mem>>)
      %dma_start3A_94 = arith.constant 8 : i32
      %dma_start3A_95 = arith.constant 800 : i32
      %dma_start3A_96 = arith.constant 0 : i32
      %dma_start3A_97 = tpu.memref_slice %arg9[%dma_start3A_95, %dma_start3A_96] : memref<2400x16xf32, #tpu.memory_space<vmem>> -> memref<100x16xf32, #tpu.memory_space<vmem>>
      %dma_start3A_98 = arith.constant 0 : i32
      %dma_start3A_99 = tpu.memref_slice %arg8[%dma_start3A_94, %dma_start3A_98] : memref<24x100xi32, #tpu.memory_space<vmem>> -> memref<1x100xi32, #tpu.memory_space<vmem>>
      %dma_start3A_100 = tpu.memref_squeeze %dma_start3A_99 : memref<1x100xi32, #tpu.memory_space<vmem>> -> memref<100xi32, #tpu.memory_space<vmem>>
      %dma_start3A_101 = arith.constant 0 : i32
      %dma_start3A_102 = arith.constant 0 : i32
      %dma_start3A_103 = tpu.memref_slice %arg2[%dma_start3A_101, %dma_start3A_102] : memref<20000x16xf32, #tpu.memory_space<hbm>> -> memref<20000x16xf32, #tpu.memory_space<hbm>>
      tpu.enqueue_indirect_dma source(%dma_start3A_103 : memref<20000x16xf32, #tpu.memory_space<hbm>>) target(%dma_start3A_97 : memref<100x16xf32, #tpu.memory_space<vmem>>) offsets(%dma_start3A_100 : memref<100xi32, #tpu.memory_space<vmem>>) semaphore(%arg14 : memref<!tpu.dma_semaphore, #tpu.memory_space<semaphore_mem>>)
      %dma_start3A_104 = arith.constant 9 : i32
      %dma_start3A_105 = arith.constant 900 : i32
      %dma_start3A_106 = arith.constant 0 : i32
      %dma_start3A_107 = tpu.memref_slice %arg9[%dma_start3A_105, %dma_start3A_106] : memref<2400x16xf32, #tpu.memory_space<vmem>> -> memref<100x16xf32, #tpu.memory_space<vmem>>
      %dma_start3A_108 = arith.constant 0 : i32
      %dma_start3A_109 = tpu.memref_slice %arg8[%dma_start3A_104, %dma_start3A_108] : memref<24x100xi32, #tpu.memory_space<vmem>> -> memref<1x100xi32, #tpu.memory_space<vmem>>
      %dma_start3A_110 = tpu.memref_squeeze %dma_start3A_109 : memref<1x100xi32, #tpu.memory_space<vmem>> -> memref<100xi32, #tpu.memory_space<vmem>>
      %dma_start3A_111 = arith.constant 0 : i32
      %dma_start3A_112 = arith.constant 0 : i32
      %dma_start3A_113 = tpu.memref_slice %arg2[%dma_start3A_111, %dma_start3A_112] : memref<20000x16xf32, #tpu.memory_space<hbm>> -> memref<20000x16xf32, #tpu.memory_space<hbm>>
      tpu.enqueue_indirect_dma source(%dma_start3A_113 : memref<20000x16xf32, #tpu.memory_space<hbm>>) target(%dma_start3A_107 : memref<100x16xf32, #tpu.memory_space<vmem>>) offsets(%dma_start3A_110 : memref<100xi32, #tpu.memory_space<vmem>>) semaphore(%arg14 : memref<!tpu.dma_semaphore, #tpu.memory_space<semaphore_mem>>)
      %dma_start3A_114 = arith.constant 10 : i32
      %dma_start3A_115 = arith.constant 1000 : i32
      %dma_start3A_116 = arith.constant 0 : i32
      %dma_start3A_117 = tpu.memref_slice %arg9[%dma_start3A_115, %dma_start3A_116] : memref<2400x16xf32, #tpu.memory_space<vmem>> -> memref<100x16xf32, #tpu.memory_space<vmem>>
      %dma_start3A_118 = arith.constant 0 : i32
      %dma_start3A_119 = tpu.memref_slice %arg8[%dma_start3A_114, %dma_start3A_118] : memref<24x100xi32, #tpu.memory_space<vmem>> -> memref<1x100xi32, #tpu.memory_space<vmem>>
      %dma_start3A_120 = tpu.memref_squeeze %dma_start3A_119 : memref<1x100xi32, #tpu.memory_space<vmem>> -> memref<100xi32, #tpu.memory_space<vmem>>
      %dma_start3A_121 = arith.constant 0 : i32
      %dma_start3A_122 = arith.constant 0 : i32
      %dma_start3A_123 = tpu.memref_slice %arg2[%dma_start3A_121, %dma_start3A_122] : memref<20000x16xf32, #tpu.memory_space<hbm>> -> memref<20000x16xf32, #tpu.memory_space<hbm>>
      tpu.enqueue_indirect_dma source(%dma_start3A_123 : memref<20000x16xf32, #tpu.memory_space<hbm>>) target(%dma_start3A_117 : memref<100x16xf32, #tpu.memory_space<vmem>>) offsets(%dma_start3A_120 : memref<100xi32, #tpu.memory_space<vmem>>) semaphore(%arg14 : memref<!tpu.dma_semaphore, #tpu.memory_space<semaphore_mem>>)
      %dma_start3A_124 = arith.constant 11 : i32
      %dma_start3A_125 = arith.constant 1100 : i32
      %dma_start3A_126 = arith.constant 0 : i32
      %dma_start3A_127 = tpu.memref_slice %arg9[%dma_start3A_125, %dma_start3A_126] : memref<2400x16xf32, #tpu.memory_space<vmem>> -> memref<100x16xf32, #tpu.memory_space<vmem>>
      %dma_start3A_128 = arith.constant 0 : i32
      %dma_start3A_129 = tpu.memref_slice %arg8[%dma_start3A_124, %dma_start3A_128] : memref<24x100xi32, #tpu.memory_space<vmem>> -> memref<1x100xi32, #tpu.memory_space<vmem>>
      %dma_start3A_130 = tpu.memref_squeeze %dma_start3A_129 : memref<1x100xi32, #tpu.memory_space<vmem>> -> memref<100xi32, #tpu.memory_space<vmem>>
      %dma_start3A_131 = arith.constant 0 : i32
      %dma_start3A_132 = arith.constant 0 : i32
      %dma_start3A_133 = tpu.memref_slice %arg2[%dma_start3A_131, %dma_start3A_132] : memref<20000x16xf32, #tpu.memory_space<hbm>> -> memref<20000x16xf32, #tpu.memory_space<hbm>>
      tpu.enqueue_indirect_dma source(%dma_start3A_133 : memref<20000x16xf32, #tpu.memory_space<hbm>>) target(%dma_start3A_127 : memref<100x16xf32, #tpu.memory_space<vmem>>) offsets(%dma_start3A_130 : memref<100xi32, #tpu.memory_space<vmem>>) semaphore(%arg14 : memref<!tpu.dma_semaphore, #tpu.memory_space<semaphore_mem>>)
      %dma_start3A_134 = arith.constant 12 : i32
      %dma_start3A_135 = arith.constant 1200 : i32
      %dma_start3A_136 = arith.constant 0 : i32
      %dma_start3A_137 = tpu.memref_slice %arg9[%dma_start3A_135, %dma_start3A_136] : memref<2400x16xf32, #tpu.memory_space<vmem>> -> memref<100x16xf32, #tpu.memory_space<vmem>>
      %dma_start3A_138 = arith.constant 0 : i32
      %dma_start3A_139 = tpu.memref_slice %arg8[%dma_start3A_134, %dma_start3A_138] : memref<24x100xi32, #tpu.memory_space<vmem>> -> memref<1x100xi32, #tpu.memory_space<vmem>>
      %dma_start3A_140 = tpu.memref_squeeze %dma_start3A_139 : memref<1x100xi32, #tpu.memory_space<vmem>> -> memref<100xi32, #tpu.memory_space<vmem>>
      %dma_start3A_141 = arith.constant 0 : i32
      %dma_start3A_142 = arith.constant 0 : i32
      %dma_start3A_143 = tpu.memref_slice %arg2[%dma_start3A_141, %dma_start3A_142] : memref<20000x16xf32, #tpu.memory_space<hbm>> -> memref<20000x16xf32, #tpu.memory_space<hbm>>
      tpu.enqueue_indirect_dma source(%dma_start3A_143 : memref<20000x16xf32, #tpu.memory_space<hbm>>) target(%dma_start3A_137 : memref<100x16xf32, #tpu.memory_space<vmem>>) offsets(%dma_start3A_140 : memref<100xi32, #tpu.memory_space<vmem>>) semaphore(%arg14 : memref<!tpu.dma_semaphore, #tpu.memory_space<semaphore_mem>>)
      %dma_start3A_144 = arith.constant 13 : i32
      %dma_start3A_145 = arith.constant 1300 : i32
      %dma_start3A_146 = arith.constant 0 : i32
      %dma_start3A_147 = tpu.memref_slice %arg9[%dma_start3A_145, %dma_start3A_146] : memref<2400x16xf32, #tpu.memory_space<vmem>> -> memref<100x16xf32, #tpu.memory_space<vmem>>
      %dma_start3A_148 = arith.constant 0 : i32
      %dma_start3A_149 = tpu.memref_slice %arg8[%dma_start3A_144, %dma_start3A_148] : memref<24x100xi32, #tpu.memory_space<vmem>> -> memref<1x100xi32, #tpu.memory_space<vmem>>
      %dma_start3A_150 = tpu.memref_squeeze %dma_start3A_149 : memref<1x100xi32, #tpu.memory_space<vmem>> -> memref<100xi32, #tpu.memory_space<vmem>>
      %dma_start3A_151 = arith.constant 0 : i32
      %dma_start3A_152 = arith.constant 0 : i32
      %dma_start3A_153 = tpu.memref_slice %arg2[%dma_start3A_151, %dma_start3A_152] : memref<20000x16xf32, #tpu.memory_space<hbm>> -> memref<20000x16xf32, #tpu.memory_space<hbm>>
      tpu.enqueue_indirect_dma source(%dma_start3A_153 : memref<20000x16xf32, #tpu.memory_space<hbm>>) target(%dma_start3A_147 : memref<100x16xf32, #tpu.memory_space<vmem>>) offsets(%dma_start3A_150 : memref<100xi32, #tpu.memory_space<vmem>>) semaphore(%arg14 : memref<!tpu.dma_semaphore, #tpu.memory_space<semaphore_mem>>)
      %dma_start3A_154 = arith.constant 14 : i32
      %dma_start3A_155 = arith.constant 1400 : i32
      %dma_start3A_156 = arith.constant 0 : i32
      %dma_start3A_157 = tpu.memref_slice %arg9[%dma_start3A_155, %dma_start3A_156] : memref<2400x16xf32, #tpu.memory_space<vmem>> -> memref<100x16xf32, #tpu.memory_space<vmem>>
      %dma_start3A_158 = arith.constant 0 : i32
      %dma_start3A_159 = tpu.memref_slice %arg8[%dma_start3A_154, %dma_start3A_158] : memref<24x100xi32, #tpu.memory_space<vmem>> -> memref<1x100xi32, #tpu.memory_space<vmem>>
      %dma_start3A_160 = tpu.memref_squeeze %dma_start3A_159 : memref<1x100xi32, #tpu.memory_space<vmem>> -> memref<100xi32, #tpu.memory_space<vmem>>
      %dma_start3A_161 = arith.constant 0 : i32
      %dma_start3A_162 = arith.constant 0 : i32
      %dma_start3A_163 = tpu.memref_slice %arg2[%dma_start3A_161, %dma_start3A_162] : memref<20000x16xf32, #tpu.memory_space<hbm>> -> memref<20000x16xf32, #tpu.memory_space<hbm>>
      tpu.enqueue_indirect_dma source(%dma_start3A_163 : memref<20000x16xf32, #tpu.memory_space<hbm>>) target(%dma_start3A_157 : memref<100x16xf32, #tpu.memory_space<vmem>>) offsets(%dma_start3A_160 : memref<100xi32, #tpu.memory_space<vmem>>) semaphore(%arg14 : memref<!tpu.dma_semaphore, #tpu.memory_space<semaphore_mem>>)
      %dma_start3A_164 = arith.constant 15 : i32
      %dma_start3A_165 = arith.constant 1500 : i32
      %dma_start3A_166 = arith.constant 0 : i32
      %dma_start3A_167 = tpu.memref_slice %arg9[%dma_start3A_165, %dma_start3A_166] : memref<2400x16xf32, #tpu.memory_space<vmem>> -> memref<100x16xf32, #tpu.memory_space<vmem>>
      %dma_start3A_168 = arith.constant 0 : i32
      %dma_start3A_169 = tpu.memref_slice %arg8[%dma_start3A_164, %dma_start3A_168] : memref<24x100xi32, #tpu.memory_space<vmem>> -> memref<1x100xi32, #tpu.memory_space<vmem>>
      %dma_start3A_170 = tpu.memref_squeeze %dma_start3A_169 : memref<1x100xi32, #tpu.memory_space<vmem>> -> memref<100xi32, #tpu.memory_space<vmem>>
      %dma_start3A_171 = arith.constant 0 : i32
      %dma_start3A_172 = arith.constant 0 : i32
      %dma_start3A_173 = tpu.memref_slice %arg2[%dma_start3A_171, %dma_start3A_172] : memref<20000x16xf32, #tpu.memory_space<hbm>> -> memref<20000x16xf32, #tpu.memory_space<hbm>>
      tpu.enqueue_indirect_dma source(%dma_start3A_173 : memref<20000x16xf32, #tpu.memory_space<hbm>>) target(%dma_start3A_167 : memref<100x16xf32, #tpu.memory_space<vmem>>) offsets(%dma_start3A_170 : memref<100xi32, #tpu.memory_space<vmem>>) semaphore(%arg14 : memref<!tpu.dma_semaphore, #tpu.memory_space<semaphore_mem>>)
      %dma_start3A_174 = arith.constant 16 : i32
      %dma_start3A_175 = arith.constant 1600 : i32
      %dma_start3A_176 = arith.constant 0 : i32
      %dma_start3A_177 = tpu.memref_slice %arg9[%dma_start3A_175, %dma_start3A_176] : memref<2400x16xf32, #tpu.memory_space<vmem>> -> memref<100x16xf32, #tpu.memory_space<vmem>>
      %dma_start3A_178 = arith.constant 0 : i32
      %dma_start3A_179 = tpu.memref_slice %arg8[%dma_start3A_174, %dma_start3A_178] : memref<24x100xi32, #tpu.memory_space<vmem>> -> memref<1x100xi32, #tpu.memory_space<vmem>>
      %dma_start3A_180 = tpu.memref_squeeze %dma_start3A_179 : memref<1x100xi32, #tpu.memory_space<vmem>> -> memref<100xi32, #tpu.memory_space<vmem>>
      %dma_start3A_181 = arith.constant 0 : i32
      %dma_start3A_182 = arith.constant 0 : i32
      %dma_start3A_183 = tpu.memref_slice %arg2[%dma_start3A_181, %dma_start3A_182] : memref<20000x16xf32, #tpu.memory_space<hbm>> -> memref<20000x16xf32, #tpu.memory_space<hbm>>
      tpu.enqueue_indirect_dma source(%dma_start3A_183 : memref<20000x16xf32, #tpu.memory_space<hbm>>) target(%dma_start3A_177 : memref<100x16xf32, #tpu.memory_space<vmem>>) offsets(%dma_start3A_180 : memref<100xi32, #tpu.memory_space<vmem>>) semaphore(%arg14 : memref<!tpu.dma_semaphore, #tpu.memory_space<semaphore_mem>>)
      %dma_start3A_184 = arith.constant 17 : i32
      %dma_start3A_185 = arith.constant 1700 : i32
      %dma_start3A_186 = arith.constant 0 : i32
      %dma_start3A_187 = tpu.memref_slice %arg9[%dma_start3A_185, %dma_start3A_186] : memref<2400x16xf32, #tpu.memory_space<vmem>> -> memref<100x16xf32, #tpu.memory_space<vmem>>
      %dma_start3A_188 = arith.constant 0 : i32
      %dma_start3A_189 = tpu.memref_slice %arg8[%dma_start3A_184, %dma_start3A_188] : memref<24x100xi32, #tpu.memory_space<vmem>> -> memref<1x100xi32, #tpu.memory_space<vmem>>
      %dma_start3A_190 = tpu.memref_squeeze %dma_start3A_189 : memref<1x100xi32, #tpu.memory_space<vmem>> -> memref<100xi32, #tpu.memory_space<vmem>>
      %dma_start3A_191 = arith.constant 0 : i32
      %dma_start3A_192 = arith.constant 0 : i32
      %dma_start3A_193 = tpu.memref_slice %arg2[%dma_start3A_191, %dma_start3A_192] : memref<20000x16xf32, #tpu.memory_space<hbm>> -> memref<20000x16xf32, #tpu.memory_space<hbm>>
      tpu.enqueue_indirect_dma source(%dma_start3A_193 : memref<20000x16xf32, #tpu.memory_space<hbm>>) target(%dma_start3A_187 : memref<100x16xf32, #tpu.memory_space<vmem>>) offsets(%dma_start3A_190 : memref<100xi32, #tpu.memory_space<vmem>>) semaphore(%arg14 : memref<!tpu.dma_semaphore, #tpu.memory_space<semaphore_mem>>)
      %dma_start3A_194 = arith.constant 18 : i32
      %dma_start3A_195 = arith.constant 1800 : i32
      %dma_start3A_196 = arith.constant 0 : i32
      %dma_start3A_197 = tpu.memref_slice %arg9[%dma_start3A_195, %dma_start3A_196] : memref<2400x16xf32, #tpu.memory_space<vmem>> -> memref<100x16xf32, #tpu.memory_space<vmem>>
      %dma_start3A_198 = arith.constant 0 : i32
      %dma_start3A_199 = tpu.memref_slice %arg8[%dma_start3A_194, %dma_start3A_198] : memref<24x100xi32, #tpu.memory_space<vmem>> -> memref<1x100xi32, #tpu.memory_space<vmem>>
      %dma_start3A_200 = tpu.memref_squeeze %dma_start3A_199 : memref<1x100xi32, #tpu.memory_space<vmem>> -> memref<100xi32, #tpu.memory_space<vmem>>
      %dma_start3A_201 = arith.constant 0 : i32
      %dma_start3A_202 = arith.constant 0 : i32
      %dma_start3A_203 = tpu.memref_slice %arg2[%dma_start3A_201, %dma_start3A_202] : memref<20000x16xf32, #tpu.memory_space<hbm>> -> memref<20000x16xf32, #tpu.memory_space<hbm>>
      tpu.enqueue_indirect_dma source(%dma_start3A_203 : memref<20000x16xf32, #tpu.memory_space<hbm>>) target(%dma_start3A_197 : memref<100x16xf32, #tpu.memory_space<vmem>>) offsets(%dma_start3A_200 : memref<100xi32, #tpu.memory_space<vmem>>) semaphore(%arg14 : memref<!tpu.dma_semaphore, #tpu.memory_space<semaphore_mem>>)
      %dma_start3A_204 = arith.constant 19 : i32
      %dma_start3A_205 = arith.constant 1900 : i32
      %dma_start3A_206 = arith.constant 0 : i32
      %dma_start3A_207 = tpu.memref_slice %arg9[%dma_start3A_205, %dma_start3A_206] : memref<2400x16xf32, #tpu.memory_space<vmem>> -> memref<100x16xf32, #tpu.memory_space<vmem>>
      %dma_start3A_208 = arith.constant 0 : i32
      %dma_start3A_209 = tpu.memref_slice %arg8[%dma_start3A_204, %dma_start3A_208] : memref<24x100xi32, #tpu.memory_space<vmem>> -> memref<1x100xi32, #tpu.memory_space<vmem>>
      %dma_start3A_210 = tpu.memref_squeeze %dma_start3A_209 : memref<1x100xi32, #tpu.memory_space<vmem>> -> memref<100xi32, #tpu.memory_space<vmem>>
      %dma_start3A_211 = arith.constant 0 : i32
      %dma_start3A_212 = arith.constant 0 : i32
      %dma_start3A_213 = tpu.memref_slice %arg2[%dma_start3A_211, %dma_start3A_212] : memref<20000x16xf32, #tpu.memory_space<hbm>> -> memref<20000x16xf32, #tpu.memory_space<hbm>>
      tpu.enqueue_indirect_dma source(%dma_start3A_213 : memref<20000x16xf32, #tpu.memory_space<hbm>>) target(%dma_start3A_207 : memref<100x16xf32, #tpu.memory_space<vmem>>) offsets(%dma_start3A_210 : memref<100xi32, #tpu.memory_space<vmem>>) semaphore(%arg14 : memref<!tpu.dma_semaphore, #tpu.memory_space<semaphore_mem>>)
      %dma_start3A_214 = arith.constant 20 : i32
      %dma_start3A_215 = arith.constant 2000 : i32
      %dma_start3A_216 = arith.constant 0 : i32
      %dma_start3A_217 = tpu.memref_slice %arg9[%dma_start3A_215, %dma_start3A_216] : memref<2400x16xf32, #tpu.memory_space<vmem>> -> memref<100x16xf32, #tpu.memory_space<vmem>>
      %dma_start3A_218 = arith.constant 0 : i32
      %dma_start3A_219 = tpu.memref_slice %arg8[%dma_start3A_214, %dma_start3A_218] : memref<24x100xi32, #tpu.memory_space<vmem>> -> memref<1x100xi32, #tpu.memory_space<vmem>>
      %dma_start3A_220 = tpu.memref_squeeze %dma_start3A_219 : memref<1x100xi32, #tpu.memory_space<vmem>> -> memref<100xi32, #tpu.memory_space<vmem>>
      %dma_start3A_221 = arith.constant 0 : i32
      %dma_start3A_222 = arith.constant 0 : i32
      %dma_start3A_223 = tpu.memref_slice %arg2[%dma_start3A_221, %dma_start3A_222] : memref<20000x16xf32, #tpu.memory_space<hbm>> -> memref<20000x16xf32, #tpu.memory_space<hbm>>
      tpu.enqueue_indirect_dma source(%dma_start3A_223 : memref<20000x16xf32, #tpu.memory_space<hbm>>) target(%dma_start3A_217 : memref<100x16xf32, #tpu.memory_space<vmem>>) offsets(%dma_start3A_220 : memref<100xi32, #tpu.memory_space<vmem>>) semaphore(%arg14 : memref<!tpu.dma_semaphore, #tpu.memory_space<semaphore_mem>>)
      %dma_start3A_224 = arith.constant 21 : i32
      %dma_start3A_225 = arith.constant 2100 : i32
      %dma_start3A_226 = arith.constant 0 : i32
      %dma_start3A_227 = tpu.memref_slice %arg9[%dma_start3A_225, %dma_start3A_226] : memref<2400x16xf32, #tpu.memory_space<vmem>> -> memref<100x16xf32, #tpu.memory_space<vmem>>
      %dma_start3A_228 = arith.constant 0 : i32
      %dma_start3A_229 = tpu.memref_slice %arg8[%dma_start3A_224, %dma_start3A_228] : memref<24x100xi32, #tpu.memory_space<vmem>> -> memref<1x100xi32, #tpu.memory_space<vmem>>
      %dma_start3A_230 = tpu.memref_squeeze %dma_start3A_229 : memref<1x100xi32, #tpu.memory_space<vmem>> -> memref<100xi32, #tpu.memory_space<vmem>>
      %dma_start3A_231 = arith.constant 0 : i32
      %dma_start3A_232 = arith.constant 0 : i32
      %dma_start3A_233 = tpu.memref_slice %arg2[%dma_start3A_231, %dma_start3A_232] : memref<20000x16xf32, #tpu.memory_space<hbm>> -> memref<20000x16xf32, #tpu.memory_space<hbm>>
      tpu.enqueue_indirect_dma source(%dma_start3A_233 : memref<20000x16xf32, #tpu.memory_space<hbm>>) target(%dma_start3A_227 : memref<100x16xf32, #tpu.memory_space<vmem>>) offsets(%dma_start3A_230 : memref<100xi32, #tpu.memory_space<vmem>>) semaphore(%arg14 : memref<!tpu.dma_semaphore, #tpu.memory_space<semaphore_mem>>)
      %dma_start3A_234 = arith.constant 22 : i32
      %dma_start3A_235 = arith.constant 2200 : i32
      %dma_start3A_236 = arith.constant 0 : i32
      %dma_start3A_237 = tpu.memref_slice %arg9[%dma_start3A_235, %dma_start3A_236] : memref<2400x16xf32, #tpu.memory_space<vmem>> -> memref<100x16xf32, #tpu.memory_space<vmem>>
      %dma_start3A_238 = arith.constant 0 : i32
      %dma_start3A_239 = tpu.memref_slice %arg8[%dma_start3A_234, %dma_start3A_238] : memref<24x100xi32, #tpu.memory_space<vmem>> -> memref<1x100xi32, #tpu.memory_space<vmem>>
      %dma_start3A_240 = tpu.memref_squeeze %dma_start3A_239 : memref<1x100xi32, #tpu.memory_space<vmem>> -> memref<100xi32, #tpu.memory_space<vmem>>
      %dma_start3A_241 = arith.constant 0 : i32
      %dma_start3A_242 = arith.constant 0 : i32
      %dma_start3A_243 = tpu.memref_slice %arg2[%dma_start3A_241, %dma_start3A_242] : memref<20000x16xf32, #tpu.memory_space<hbm>> -> memref<20000x16xf32, #tpu.memory_space<hbm>>
      tpu.enqueue_indirect_dma source(%dma_start3A_243 : memref<20000x16xf32, #tpu.memory_space<hbm>>) target(%dma_start3A_237 : memref<100x16xf32, #tpu.memory_space<vmem>>) offsets(%dma_start3A_240 : memref<100xi32, #tpu.memory_space<vmem>>) semaphore(%arg14 : memref<!tpu.dma_semaphore, #tpu.memory_space<semaphore_mem>>)
      %dma_start3A_244 = arith.constant 23 : i32
      %dma_start3A_245 = arith.constant 2300 : i32
      %dma_start3A_246 = arith.constant 0 : i32
      %dma_start3A_247 = tpu.memref_slice %arg9[%dma_start3A_245, %dma_start3A_246] : memref<2400x16xf32, #tpu.memory_space<vmem>> -> memref<100x16xf32, #tpu.memory_space<vmem>>
      %dma_start3A_248 = arith.constant 0 : i32
      %dma_start3A_249 = tpu.memref_slice %arg8[%dma_start3A_244, %dma_start3A_248] : memref<24x100xi32, #tpu.memory_space<vmem>> -> memref<1x100xi32, #tpu.memory_space<vmem>>
      %dma_start3A_250 = tpu.memref_squeeze %dma_start3A_249 : memref<1x100xi32, #tpu.memory_space<vmem>> -> memref<100xi32, #tpu.memory_space<vmem>>
      %dma_start3A_251 = arith.constant 0 : i32
      %dma_start3A_252 = arith.constant 0 : i32
      %dma_start3A_253 = tpu.memref_slice %arg2[%dma_start3A_251, %dma_start3A_252] : memref<20000x16xf32, #tpu.memory_space<hbm>> -> memref<20000x16xf32, #tpu.memory_space<hbm>>
      tpu.enqueue_indirect_dma source(%dma_start3A_253 : memref<20000x16xf32, #tpu.memory_space<hbm>>) target(%dma_start3A_247 : memref<100x16xf32, #tpu.memory_space<vmem>>) offsets(%dma_start3A_250 : memref<100xi32, #tpu.memory_space<vmem>>) semaphore(%arg14 : memref<!tpu.dma_semaphore, #tpu.memory_space<semaphore_mem>>)
      "tpu.region"() ({
        %run_scoped3A = tpu.sem_alloc : memref<!tpu.dma_semaphore, #tpu.memory_space<semaphore_mem>>
        %dma_start3A_501 = arith.constant 0 : i32
        %dma_start3A_502 = tpu.memref_slice %arg4[%add3A, %scan3A_9, %dma_start3A_501] : memref<32x8x2400xf32, #tpu.memory_space<hbm>> -> memref<1x1x2400xf32, #tpu.memory_space<hbm>>
        %dma_start3A_503 = tpu.memref_squeeze %dma_start3A_502 : memref<1x1x2400xf32, #tpu.memory_space<hbm>> -> memref<2400xf32, #tpu.memory_space<hbm>>
        %dma_start3A_504 = arith.constant 0 : i32
        %dma_start3A_505 = tpu.memref_slice %arg4[%add3A, %scan3A_9, %dma_start3A_504] : memref<32x8x2400xf32, #tpu.memory_space<hbm>> -> memref<1x1x2400xf32, #tpu.memory_space<hbm>>
        %dma_start3A_506 = tpu.memref_squeeze %dma_start3A_505 : memref<1x1x2400xf32, #tpu.memory_space<hbm>> -> memref<2400xf32, #tpu.memory_space<hbm>>
        tpu.enqueue_dma source(%dma_start3A_506 : memref<2400xf32, #tpu.memory_space<hbm>>) target(%arg11 : memref<2400xf32, #tpu.memory_space<vmem>>) target_semaphore(%run_scoped3A : memref<!tpu.dma_semaphore, #tpu.memory_space<semaphore_mem>>)
        %dma_wait3A_507 = arith.constant 0 : i32
        %dma_wait3A_508 = tpu.memref_slice %arg4[%add3A, %scan3A_9, %dma_wait3A_507] : memref<32x8x2400xf32, #tpu.memory_space<hbm>> -> memref<1x1x2400xf32, #tpu.memory_space<hbm>>
        %dma_wait3A_509 = tpu.memref_squeeze %dma_wait3A_508 : memref<1x1x2400xf32, #tpu.memory_space<hbm>> -> memref<2400xf32, #tpu.memory_space<hbm>>
        %dma_wait3A_510 = arith.constant 0 : i32
        %dma_wait3A_511 = tpu.memref_slice %arg4[%add3A, %scan3A_9, %dma_wait3A_510] : memref<32x8x2400xf32, #tpu.memory_space<hbm>> -> memref<1x1x2400xf32, #tpu.memory_space<hbm>>
        %dma_wait3A_512 = tpu.memref_squeeze %dma_wait3A_511 : memref<1x1x2400xf32, #tpu.memory_space<hbm>> -> memref<2400xf32, #tpu.memory_space<hbm>>
        tpu.wait_dma2 semaphore(%run_scoped3A : memref<!tpu.dma_semaphore, #tpu.memory_space<semaphore_mem>>) src(%dma_wait3A_512 : memref<2400xf32, #tpu.memory_space<hbm>>) dst(%arg11 : memref<2400xf32, #tpu.memory_space<vmem>>)
        tpu.yield
      }) : () -> ()
      %parallel_loop3A = arith.constant 0 : i32
      %parallel_loop3A_254 = arith.constant 150 : i32
      %parallel_loop3A_255 = arith.constant 1 : i32
      scf.for %parallel_loop3A_501 = %parallel_loop3A to %parallel_loop3A_254 step %parallel_loop3A_255  : i32 {
        %parallel_loop3A_502 = arith.constant 16 : i32
        %parallel_loop3A_503 = arith.muli %parallel_loop3A_501, %parallel_loop3A_502 : i32
        %parallel_loop3A_504 = arith.index_cast %parallel_loop3A_503 : i32 to index
        %parallel_loop3A_505 = tpu.vector_load %arg11[%parallel_loop3A_504] {strides = array<i32>} : memref<2400xf32, #tpu.memory_space<vmem>>, vector<16xf32>,
        %parallel_loop3A_506 = arith.constant 0 : i32
        %parallel_loop3A_507 = vector.broadcast %parallel_loop3A_506 : i32 to vector<16xi32>
        %parallel_loop3A_508 = arith.constant 1.000000e-01 : f32
        %parallel_loop3A_509 = vector.broadcast %parallel_loop3A_508 : f32 to vector<16xf32>
        %parallel_loop3A_510 = arith.cmpf ogt, %parallel_loop3A_505, %parallel_loop3A_509 : vector<16xf32>
        %parallel_loop3A_511 = arith.constant 1 : i32
        %parallel_loop3A_512 = arith.constant 0 : i32
        %parallel_loop3A_513 = vector.broadcast %parallel_loop3A_511 : i32 to vector<16xi32>
        %parallel_loop3A_514 = vector.broadcast %parallel_loop3A_512 : i32 to vector<16xi32>
        %parallel_loop3A_515 = arith.select %parallel_loop3A_510, %parallel_loop3A_513, %parallel_loop3A_514 : vector<16xi1>, vector<16xi32>
        %parallel_loop3A_516 = arith.addi %parallel_loop3A_507, %parallel_loop3A_515 : vector<16xi32>
        %parallel_loop3A_517 = arith.constant 2.000000e-01 : f32
        %parallel_loop3A_518 = vector.broadcast %parallel_loop3A_517 : f32 to vector<16xf32>
        %parallel_loop3A_519 = arith.cmpf ogt, %parallel_loop3A_505, %parallel_loop3A_518 : vector<16xf32>
        %parallel_loop3A_520 = arith.constant 1 : i32
        %parallel_loop3A_521 = arith.constant 0 : i32
        %parallel_loop3A_522 = vector.broadcast %parallel_loop3A_520 : i32 to vector<16xi32>
        %parallel_loop3A_523 = vector.broadcast %parallel_loop3A_521 : i32 to vector<16xi32>
        %parallel_loop3A_524 = arith.select %parallel_loop3A_519, %parallel_loop3A_522, %parallel_loop3A_523 : vector<16xi1>, vector<16xi32>
        %parallel_loop3A_525 = arith.addi %parallel_loop3A_516, %parallel_loop3A_524 : vector<16xi32>
        %parallel_loop3A_526 = arith.constant 3.000000e-01 : f32
        %parallel_loop3A_527 = vector.broadcast %parallel_loop3A_526 : f32 to vector<16xf32>
        %parallel_loop3A_528 = arith.cmpf ogt, %parallel_loop3A_505, %parallel_loop3A_527 : vector<16xf32>
        %parallel_loop3A_529 = arith.constant 1 : i32
        %parallel_loop3A_530 = arith.constant 0 : i32
        %parallel_loop3A_531 = vector.broadcast %parallel_loop3A_529 : i32 to vector<16xi32>
        %parallel_loop3A_532 = vector.broadcast %parallel_loop3A_530 : i32 to vector<16xi32>
        %parallel_loop3A_533 = arith.select %parallel_loop3A_528, %parallel_loop3A_531, %parallel_loop3A_532 : vector<16xi1>, vector<16xi32>
        %parallel_loop3A_534 = arith.addi %parallel_loop3A_525, %parallel_loop3A_533 : vector<16xi32>
        %parallel_loop3A_535 = arith.constant 4.000000e-01 : f32
        %parallel_loop3A_536 = vector.broadcast %parallel_loop3A_535 : f32 to vector<16xf32>
        %parallel_loop3A_537 = arith.cmpf ogt, %parallel_loop3A_505, %parallel_loop3A_536 : vector<16xf32>
        %parallel_loop3A_538 = arith.constant 1 : i32
        %parallel_loop3A_539 = arith.constant 0 : i32
        %parallel_loop3A_540 = vector.broadcast %parallel_loop3A_538 : i32 to vector<16xi32>
        %parallel_loop3A_541 = vector.broadcast %parallel_loop3A_539 : i32 to vector<16xi32>
        %parallel_loop3A_542 = arith.select %parallel_loop3A_537, %parallel_loop3A_540, %parallel_loop3A_541 : vector<16xi1>, vector<16xi32>
        %parallel_loop3A_543 = arith.addi %parallel_loop3A_534, %parallel_loop3A_542 : vector<16xi32>
        %parallel_loop3A_544 = arith.constant 5.000000e-01 : f32
        %parallel_loop3A_545 = vector.broadcast %parallel_loop3A_544 : f32 to vector<16xf32>
        %parallel_loop3A_546 = arith.cmpf ogt, %parallel_loop3A_505, %parallel_loop3A_545 : vector<16xf32>
        %parallel_loop3A_547 = arith.constant 1 : i32
        %parallel_loop3A_548 = arith.constant 0 : i32
        %parallel_loop3A_549 = vector.broadcast %parallel_loop3A_547 : i32 to vector<16xi32>
        %parallel_loop3A_550 = vector.broadcast %parallel_loop3A_548 : i32 to vector<16xi32>
        %parallel_loop3A_551 = arith.select %parallel_loop3A_546, %parallel_loop3A_549, %parallel_loop3A_550 : vector<16xi1>, vector<16xi32>
        %parallel_loop3A_552 = arith.addi %parallel_loop3A_543, %parallel_loop3A_551 : vector<16xi32>
        %parallel_loop3A_553 = arith.constant 6.000000e-01 : f32
        %parallel_loop3A_554 = vector.broadcast %parallel_loop3A_553 : f32 to vector<16xf32>
        %parallel_loop3A_555 = arith.cmpf ogt, %parallel_loop3A_505, %parallel_loop3A_554 : vector<16xf32>
        %parallel_loop3A_556 = arith.constant 1 : i32
        %parallel_loop3A_557 = arith.constant 0 : i32
        %parallel_loop3A_558 = vector.broadcast %parallel_loop3A_556 : i32 to vector<16xi32>
        %parallel_loop3A_559 = vector.broadcast %parallel_loop3A_557 : i32 to vector<16xi32>
        %parallel_loop3A_560 = arith.select %parallel_loop3A_555, %parallel_loop3A_558, %parallel_loop3A_559 : vector<16xi1>, vector<16xi32>
        %parallel_loop3A_561 = arith.addi %parallel_loop3A_552, %parallel_loop3A_560 : vector<16xi32>
        %parallel_loop3A_562 = arith.constant 0.699999988 : f32
        %parallel_loop3A_563 = vector.broadcast %parallel_loop3A_562 : f32 to vector<16xf32>
        %parallel_loop3A_564 = arith.cmpf ogt, %parallel_loop3A_505, %parallel_loop3A_563 : vector<16xf32>
        %parallel_loop3A_565 = arith.constant 1 : i32
        %parallel_loop3A_566 = arith.constant 0 : i32
        %parallel_loop3A_567 = vector.broadcast %parallel_loop3A_565 : i32 to vector<16xi32>
        %parallel_loop3A_568 = vector.broadcast %parallel_loop3A_566 : i32 to vector<16xi32>
        %parallel_loop3A_569 = arith.select %parallel_loop3A_564, %parallel_loop3A_567, %parallel_loop3A_568 : vector<16xi1>, vector<16xi32>
        %parallel_loop3A_570 = arith.addi %parallel_loop3A_561, %parallel_loop3A_569 : vector<16xi32>
        %parallel_loop3A_571 = arith.constant 8.000000e-01 : f32
        %parallel_loop3A_572 = vector.broadcast %parallel_loop3A_571 : f32 to vector<16xf32>
        %parallel_loop3A_573 = arith.cmpf ogt, %parallel_loop3A_505, %parallel_loop3A_572 : vector<16xf32>
        %parallel_loop3A_574 = arith.constant 1 : i32
        %parallel_loop3A_575 = arith.constant 0 : i32
        %parallel_loop3A_576 = vector.broadcast %parallel_loop3A_574 : i32 to vector<16xi32>
        %parallel_loop3A_577 = vector.broadcast %parallel_loop3A_575 : i32 to vector<16xi32>
        %parallel_loop3A_578 = arith.select %parallel_loop3A_573, %parallel_loop3A_576, %parallel_loop3A_577 : vector<16xi1>, vector<16xi32>
        %parallel_loop3A_579 = arith.addi %parallel_loop3A_570, %parallel_loop3A_578 : vector<16xi32>
        %parallel_loop3A_580 = arith.constant 0.899999976 : f32
        %parallel_loop3A_581 = vector.broadcast %parallel_loop3A_580 : f32 to vector<16xf32>
        %parallel_loop3A_582 = arith.cmpf ogt, %parallel_loop3A_505, %parallel_loop3A_581 : vector<16xf32>
        %parallel_loop3A_583 = arith.constant 1 : i32
        %parallel_loop3A_584 = arith.constant 0 : i32
        %parallel_loop3A_585 = vector.broadcast %parallel_loop3A_583 : i32 to vector<16xi32>
        %parallel_loop3A_586 = vector.broadcast %parallel_loop3A_584 : i32 to vector<16xi32>
        %parallel_loop3A_587 = arith.select %parallel_loop3A_582, %parallel_loop3A_585, %parallel_loop3A_586 : vector<16xi1>, vector<16xi32>
        %parallel_loop3A_588 = arith.addi %parallel_loop3A_579, %parallel_loop3A_587 : vector<16xi32>
        %parallel_loop3A_589 = arith.constant 16 : i32
        %parallel_loop3A_590 = arith.muli %parallel_loop3A_501, %parallel_loop3A_589 : i32
        %parallel_loop3A_591 = arith.index_cast %parallel_loop3A_590 : i32 to index
        %parallel_loop3A_592 = tpu.vector_load %arg12[%parallel_loop3A_591] {strides = array<i32>} : memref<2400xi32, #tpu.memory_space<vmem>>, vector<16xi32>,
        %parallel_loop3A_593 = arith.constant 3 : i32
        %parallel_loop3A_594 = vector.broadcast %parallel_loop3A_593 : i32 to vector<16xi32>
        %parallel_loop3A_595 = arith.shrui %parallel_loop3A_592, %parallel_loop3A_594 : vector<16xi32>
        %parallel_loop3A_596 = arith.constant 7 : i32
        %parallel_loop3A_597 = vector.broadcast %parallel_loop3A_596 : i32 to vector<16xi32>
        %parallel_loop3A_598 = arith.andi %parallel_loop3A_592, %parallel_loop3A_597 : vector<16xi32>
        %parallel_loop3A_599 = arith.constant 4 : i32
        %parallel_loop3A_600 = vector.broadcast %parallel_loop3A_599 : i32 to vector<16xi32>
        %parallel_loop3A_601 = arith.muli %parallel_loop3A_588, %parallel_loop3A_600 : vector<16xi32>
        %parallel_loop3A_602 = arith.constant 0 : i32
        %parallel_loop3A_603 = vector.broadcast %parallel_loop3A_602 : i32 to vector<16xi32>
        %parallel_loop3A_604 = arith.addi %parallel_loop3A_601, %parallel_loop3A_603 : vector<16xi32>
        %parallel_loop3A_605 = tpu.vector_load_idx %arg13[%parallel_loop3A_604] : memref<40xf32, #tpu.memory_space<vmem>>[vector<16xi32>], vector<16xf32>,
        %parallel_loop3A_606 = arith.constant 4864 : i32
        %parallel_loop3A_607 = vector.broadcast %parallel_loop3A_606 : i32 to vector<16xi32>
        %parallel_loop3A_608 = arith.addi %parallel_loop3A_595, %parallel_loop3A_607 : vector<16xi32>
        tpu.vector_store_idx %arg10[%parallel_loop3A_608, %parallel_loop3A_598], %parallel_loop3A_605 : memref<6080x8xf32, #tpu.memory_space<vmem>>[vector<16xi32>, vector<16xi32>], vector<16xf32>,
        %parallel_loop3A_609 = arith.constant 1 : i32
        %parallel_loop3A_610 = vector.broadcast %parallel_loop3A_609 : i32 to vector<16xi32>
        %parallel_loop3A_611 = arith.addi %parallel_loop3A_601, %parallel_loop3A_610 : vector<16xi32>
        %parallel_loop3A_612 = tpu.vector_load_idx %arg13[%parallel_loop3A_611] : memref<40xf32, #tpu.memory_space<vmem>>[vector<16xi32>], vector<16xf32>,
        %parallel_loop3A_613 = arith.constant 5168 : i32
        %parallel_loop3A_614 = vector.broadcast %parallel_loop3A_613 : i32 to vector<16xi32>
        %parallel_loop3A_615 = arith.addi %parallel_loop3A_595, %parallel_loop3A_614 : vector<16xi32>
        tpu.vector_store_idx %arg10[%parallel_loop3A_615, %parallel_loop3A_598], %parallel_loop3A_612 : memref<6080x8xf32, #tpu.memory_space<vmem>>[vector<16xi32>, vector<16xi32>], vector<16xf32>,
        %parallel_loop3A_616 = arith.constant 2 : i32
        %parallel_loop3A_617 = vector.broadcast %parallel_loop3A_616 : i32 to vector<16xi32>
        %parallel_loop3A_618 = arith.addi %parallel_loop3A_601, %parallel_loop3A_617 : vector<16xi32>
        %parallel_loop3A_619 = tpu.vector_load_idx %arg13[%parallel_loop3A_618] : memref<40xf32, #tpu.memory_space<vmem>>[vector<16xi32>], vector<16xf32>,
        %parallel_loop3A_620 = arith.constant 5472 : i32
        %parallel_loop3A_621 = vector.broadcast %parallel_loop3A_620 : i32 to vector<16xi32>
        %parallel_loop3A_622 = arith.addi %parallel_loop3A_595, %parallel_loop3A_621 : vector<16xi32>
        tpu.vector_store_idx %arg10[%parallel_loop3A_622, %parallel_loop3A_598], %parallel_loop3A_619 : memref<6080x8xf32, #tpu.memory_space<vmem>>[vector<16xi32>, vector<16xi32>], vector<16xf32>,
        %parallel_loop3A_623 = arith.constant 3 : i32
        %parallel_loop3A_624 = vector.broadcast %parallel_loop3A_623 : i32 to vector<16xi32>
        %parallel_loop3A_625 = arith.addi %parallel_loop3A_601, %parallel_loop3A_624 : vector<16xi32>
        %parallel_loop3A_626 = tpu.vector_load_idx %arg13[%parallel_loop3A_625] : memref<40xf32, #tpu.memory_space<vmem>>[vector<16xi32>], vector<16xf32>,
        %parallel_loop3A_627 = arith.constant 5776 : i32
        %parallel_loop3A_628 = vector.broadcast %parallel_loop3A_627 : i32 to vector<16xi32>
        %parallel_loop3A_629 = arith.addi %parallel_loop3A_595, %parallel_loop3A_628 : vector<16xi32>
        tpu.vector_store_idx %arg10[%parallel_loop3A_629, %parallel_loop3A_598], %parallel_loop3A_626 : memref<6080x8xf32, #tpu.memory_space<vmem>>[vector<16xi32>, vector<16xi32>], vector<16xf32>,
      } {sc.loop_unroll_factor = 2 : i64, sc.parallel_access}
      %dma_wait3A = arith.constant 0 : i32
      %dma_wait3A_256 = arith.constant 0 : i32
      %dma_wait3A_257 = arith.constant 0 : i32
      %dma_wait3A_258 = tpu.memref_slice %arg9[%dma_wait3A_256, %dma_wait3A_257] : memref<2400x16xf32, #tpu.memory_space<vmem>> -> memref<100x16xf32, #tpu.memory_space<vmem>>
      %dma_wait3A_259 = arith.constant 0 : i32
      %dma_wait3A_260 = tpu.memref_slice %arg8[%dma_wait3A, %dma_wait3A_259] : memref<24x100xi32, #tpu.memory_space<vmem>> -> memref<1x100xi32, #tpu.memory_space<vmem>>
      %dma_wait3A_261 = tpu.memref_squeeze %dma_wait3A_260 : memref<1x100xi32, #tpu.memory_space<vmem>> -> memref<100xi32, #tpu.memory_space<vmem>>
      %dma_wait3A_262 = arith.constant 0 : i32
      %dma_wait3A_263 = arith.constant 0 : i32
      %dma_wait3A_264 = tpu.memref_slice %arg2[%dma_wait3A_262, %dma_wait3A_263] : memref<20000x16xf32, #tpu.memory_space<hbm>> -> memref<20000x16xf32, #tpu.memory_space<hbm>>
      tpu.wait_indirect_dma semaphore(%arg14 : memref<!tpu.dma_semaphore, #tpu.memory_space<semaphore_mem>>) src(%dma_wait3A_264 : memref<20000x16xf32, #tpu.memory_space<hbm>>) dst(%dma_wait3A_258 : memref<100x16xf32, #tpu.memory_space<vmem>>)
      %dma_wait3A_265 = arith.constant 1 : i32
      %dma_wait3A_266 = arith.constant 100 : i32
      %dma_wait3A_267 = arith.constant 0 : i32
      %dma_wait3A_268 = tpu.memref_slice %arg9[%dma_wait3A_266, %dma_wait3A_267] : memref<2400x16xf32, #tpu.memory_space<vmem>> -> memref<100x16xf32, #tpu.memory_space<vmem>>
      %dma_wait3A_269 = arith.constant 0 : i32
      %dma_wait3A_270 = tpu.memref_slice %arg8[%dma_wait3A_265, %dma_wait3A_269] : memref<24x100xi32, #tpu.memory_space<vmem>> -> memref<1x100xi32, #tpu.memory_space<vmem>>
      %dma_wait3A_271 = tpu.memref_squeeze %dma_wait3A_270 : memref<1x100xi32, #tpu.memory_space<vmem>> -> memref<100xi32, #tpu.memory_space<vmem>>
      %dma_wait3A_272 = arith.constant 0 : i32
      %dma_wait3A_273 = arith.constant 0 : i32
      %dma_wait3A_274 = tpu.memref_slice %arg2[%dma_wait3A_272, %dma_wait3A_273] : memref<20000x16xf32, #tpu.memory_space<hbm>> -> memref<20000x16xf32, #tpu.memory_space<hbm>>
      tpu.wait_indirect_dma semaphore(%arg14 : memref<!tpu.dma_semaphore, #tpu.memory_space<semaphore_mem>>) src(%dma_wait3A_274 : memref<20000x16xf32, #tpu.memory_space<hbm>>) dst(%dma_wait3A_268 : memref<100x16xf32, #tpu.memory_space<vmem>>)
      %dma_wait3A_275 = arith.constant 2 : i32
      %dma_wait3A_276 = arith.constant 200 : i32
      %dma_wait3A_277 = arith.constant 0 : i32
      %dma_wait3A_278 = tpu.memref_slice %arg9[%dma_wait3A_276, %dma_wait3A_277] : memref<2400x16xf32, #tpu.memory_space<vmem>> -> memref<100x16xf32, #tpu.memory_space<vmem>>
      %dma_wait3A_279 = arith.constant 0 : i32
      %dma_wait3A_280 = tpu.memref_slice %arg8[%dma_wait3A_275, %dma_wait3A_279] : memref<24x100xi32, #tpu.memory_space<vmem>> -> memref<1x100xi32, #tpu.memory_space<vmem>>
      %dma_wait3A_281 = tpu.memref_squeeze %dma_wait3A_280 : memref<1x100xi32, #tpu.memory_space<vmem>> -> memref<100xi32, #tpu.memory_space<vmem>>
      %dma_wait3A_282 = arith.constant 0 : i32
      %dma_wait3A_283 = arith.constant 0 : i32
      %dma_wait3A_284 = tpu.memref_slice %arg2[%dma_wait3A_282, %dma_wait3A_283] : memref<20000x16xf32, #tpu.memory_space<hbm>> -> memref<20000x16xf32, #tpu.memory_space<hbm>>
      tpu.wait_indirect_dma semaphore(%arg14 : memref<!tpu.dma_semaphore, #tpu.memory_space<semaphore_mem>>) src(%dma_wait3A_284 : memref<20000x16xf32, #tpu.memory_space<hbm>>) dst(%dma_wait3A_278 : memref<100x16xf32, #tpu.memory_space<vmem>>)
      %dma_wait3A_285 = arith.constant 3 : i32
      %dma_wait3A_286 = arith.constant 300 : i32
      %dma_wait3A_287 = arith.constant 0 : i32
      %dma_wait3A_288 = tpu.memref_slice %arg9[%dma_wait3A_286, %dma_wait3A_287] : memref<2400x16xf32, #tpu.memory_space<vmem>> -> memref<100x16xf32, #tpu.memory_space<vmem>>
      %dma_wait3A_289 = arith.constant 0 : i32
      %dma_wait3A_290 = tpu.memref_slice %arg8[%dma_wait3A_285, %dma_wait3A_289] : memref<24x100xi32, #tpu.memory_space<vmem>> -> memref<1x100xi32, #tpu.memory_space<vmem>>
      %dma_wait3A_291 = tpu.memref_squeeze %dma_wait3A_290 : memref<1x100xi32, #tpu.memory_space<vmem>> -> memref<100xi32, #tpu.memory_space<vmem>>
      %dma_wait3A_292 = arith.constant 0 : i32
      %dma_wait3A_293 = arith.constant 0 : i32
      %dma_wait3A_294 = tpu.memref_slice %arg2[%dma_wait3A_292, %dma_wait3A_293] : memref<20000x16xf32, #tpu.memory_space<hbm>> -> memref<20000x16xf32, #tpu.memory_space<hbm>>
      tpu.wait_indirect_dma semaphore(%arg14 : memref<!tpu.dma_semaphore, #tpu.memory_space<semaphore_mem>>) src(%dma_wait3A_294 : memref<20000x16xf32, #tpu.memory_space<hbm>>) dst(%dma_wait3A_288 : memref<100x16xf32, #tpu.memory_space<vmem>>)
      %dma_wait3A_295 = arith.constant 4 : i32
      %dma_wait3A_296 = arith.constant 400 : i32
      %dma_wait3A_297 = arith.constant 0 : i32
      %dma_wait3A_298 = tpu.memref_slice %arg9[%dma_wait3A_296, %dma_wait3A_297] : memref<2400x16xf32, #tpu.memory_space<vmem>> -> memref<100x16xf32, #tpu.memory_space<vmem>>
      %dma_wait3A_299 = arith.constant 0 : i32
      %dma_wait3A_300 = tpu.memref_slice %arg8[%dma_wait3A_295, %dma_wait3A_299] : memref<24x100xi32, #tpu.memory_space<vmem>> -> memref<1x100xi32, #tpu.memory_space<vmem>>
      %dma_wait3A_301 = tpu.memref_squeeze %dma_wait3A_300 : memref<1x100xi32, #tpu.memory_space<vmem>> -> memref<100xi32, #tpu.memory_space<vmem>>
      %dma_wait3A_302 = arith.constant 0 : i32
      %dma_wait3A_303 = arith.constant 0 : i32
      %dma_wait3A_304 = tpu.memref_slice %arg2[%dma_wait3A_302, %dma_wait3A_303] : memref<20000x16xf32, #tpu.memory_space<hbm>> -> memref<20000x16xf32, #tpu.memory_space<hbm>>
      tpu.wait_indirect_dma semaphore(%arg14 : memref<!tpu.dma_semaphore, #tpu.memory_space<semaphore_mem>>) src(%dma_wait3A_304 : memref<20000x16xf32, #tpu.memory_space<hbm>>) dst(%dma_wait3A_298 : memref<100x16xf32, #tpu.memory_space<vmem>>)
      %dma_wait3A_305 = arith.constant 5 : i32
      %dma_wait3A_306 = arith.constant 500 : i32
      %dma_wait3A_307 = arith.constant 0 : i32
      %dma_wait3A_308 = tpu.memref_slice %arg9[%dma_wait3A_306, %dma_wait3A_307] : memref<2400x16xf32, #tpu.memory_space<vmem>> -> memref<100x16xf32, #tpu.memory_space<vmem>>
      %dma_wait3A_309 = arith.constant 0 : i32
      %dma_wait3A_310 = tpu.memref_slice %arg8[%dma_wait3A_305, %dma_wait3A_309] : memref<24x100xi32, #tpu.memory_space<vmem>> -> memref<1x100xi32, #tpu.memory_space<vmem>>
      %dma_wait3A_311 = tpu.memref_squeeze %dma_wait3A_310 : memref<1x100xi32, #tpu.memory_space<vmem>> -> memref<100xi32, #tpu.memory_space<vmem>>
      %dma_wait3A_312 = arith.constant 0 : i32
      %dma_wait3A_313 = arith.constant 0 : i32
      %dma_wait3A_314 = tpu.memref_slice %arg2[%dma_wait3A_312, %dma_wait3A_313] : memref<20000x16xf32, #tpu.memory_space<hbm>> -> memref<20000x16xf32, #tpu.memory_space<hbm>>
      tpu.wait_indirect_dma semaphore(%arg14 : memref<!tpu.dma_semaphore, #tpu.memory_space<semaphore_mem>>) src(%dma_wait3A_314 : memref<20000x16xf32, #tpu.memory_space<hbm>>) dst(%dma_wait3A_308 : memref<100x16xf32, #tpu.memory_space<vmem>>)
      %dma_wait3A_315 = arith.constant 6 : i32
      %dma_wait3A_316 = arith.constant 600 : i32
      %dma_wait3A_317 = arith.constant 0 : i32
      %dma_wait3A_318 = tpu.memref_slice %arg9[%dma_wait3A_316, %dma_wait3A_317] : memref<2400x16xf32, #tpu.memory_space<vmem>> -> memref<100x16xf32, #tpu.memory_space<vmem>>
      %dma_wait3A_319 = arith.constant 0 : i32
      %dma_wait3A_320 = tpu.memref_slice %arg8[%dma_wait3A_315, %dma_wait3A_319] : memref<24x100xi32, #tpu.memory_space<vmem>> -> memref<1x100xi32, #tpu.memory_space<vmem>>
      %dma_wait3A_321 = tpu.memref_squeeze %dma_wait3A_320 : memref<1x100xi32, #tpu.memory_space<vmem>> -> memref<100xi32, #tpu.memory_space<vmem>>
      %dma_wait3A_322 = arith.constant 0 : i32
      %dma_wait3A_323 = arith.constant 0 : i32
      %dma_wait3A_324 = tpu.memref_slice %arg2[%dma_wait3A_322, %dma_wait3A_323] : memref<20000x16xf32, #tpu.memory_space<hbm>> -> memref<20000x16xf32, #tpu.memory_space<hbm>>
      tpu.wait_indirect_dma semaphore(%arg14 : memref<!tpu.dma_semaphore, #tpu.memory_space<semaphore_mem>>) src(%dma_wait3A_324 : memref<20000x16xf32, #tpu.memory_space<hbm>>) dst(%dma_wait3A_318 : memref<100x16xf32, #tpu.memory_space<vmem>>)
      %dma_wait3A_325 = arith.constant 7 : i32
      %dma_wait3A_326 = arith.constant 700 : i32
      %dma_wait3A_327 = arith.constant 0 : i32
      %dma_wait3A_328 = tpu.memref_slice %arg9[%dma_wait3A_326, %dma_wait3A_327] : memref<2400x16xf32, #tpu.memory_space<vmem>> -> memref<100x16xf32, #tpu.memory_space<vmem>>
      %dma_wait3A_329 = arith.constant 0 : i32
      %dma_wait3A_330 = tpu.memref_slice %arg8[%dma_wait3A_325, %dma_wait3A_329] : memref<24x100xi32, #tpu.memory_space<vmem>> -> memref<1x100xi32, #tpu.memory_space<vmem>>
      %dma_wait3A_331 = tpu.memref_squeeze %dma_wait3A_330 : memref<1x100xi32, #tpu.memory_space<vmem>> -> memref<100xi32, #tpu.memory_space<vmem>>
      %dma_wait3A_332 = arith.constant 0 : i32
      %dma_wait3A_333 = arith.constant 0 : i32
      %dma_wait3A_334 = tpu.memref_slice %arg2[%dma_wait3A_332, %dma_wait3A_333] : memref<20000x16xf32, #tpu.memory_space<hbm>> -> memref<20000x16xf32, #tpu.memory_space<hbm>>
      tpu.wait_indirect_dma semaphore(%arg14 : memref<!tpu.dma_semaphore, #tpu.memory_space<semaphore_mem>>) src(%dma_wait3A_334 : memref<20000x16xf32, #tpu.memory_space<hbm>>) dst(%dma_wait3A_328 : memref<100x16xf32, #tpu.memory_space<vmem>>)
      %dma_wait3A_335 = arith.constant 8 : i32
      %dma_wait3A_336 = arith.constant 800 : i32
      %dma_wait3A_337 = arith.constant 0 : i32
      %dma_wait3A_338 = tpu.memref_slice %arg9[%dma_wait3A_336, %dma_wait3A_337] : memref<2400x16xf32, #tpu.memory_space<vmem>> -> memref<100x16xf32, #tpu.memory_space<vmem>>
      %dma_wait3A_339 = arith.constant 0 : i32
      %dma_wait3A_340 = tpu.memref_slice %arg8[%dma_wait3A_335, %dma_wait3A_339] : memref<24x100xi32, #tpu.memory_space<vmem>> -> memref<1x100xi32, #tpu.memory_space<vmem>>
      %dma_wait3A_341 = tpu.memref_squeeze %dma_wait3A_340 : memref<1x100xi32, #tpu.memory_space<vmem>> -> memref<100xi32, #tpu.memory_space<vmem>>
      %dma_wait3A_342 = arith.constant 0 : i32
      %dma_wait3A_343 = arith.constant 0 : i32
      %dma_wait3A_344 = tpu.memref_slice %arg2[%dma_wait3A_342, %dma_wait3A_343] : memref<20000x16xf32, #tpu.memory_space<hbm>> -> memref<20000x16xf32, #tpu.memory_space<hbm>>
      tpu.wait_indirect_dma semaphore(%arg14 : memref<!tpu.dma_semaphore, #tpu.memory_space<semaphore_mem>>) src(%dma_wait3A_344 : memref<20000x16xf32, #tpu.memory_space<hbm>>) dst(%dma_wait3A_338 : memref<100x16xf32, #tpu.memory_space<vmem>>)
      %dma_wait3A_345 = arith.constant 9 : i32
      %dma_wait3A_346 = arith.constant 900 : i32
      %dma_wait3A_347 = arith.constant 0 : i32
      %dma_wait3A_348 = tpu.memref_slice %arg9[%dma_wait3A_346, %dma_wait3A_347] : memref<2400x16xf32, #tpu.memory_space<vmem>> -> memref<100x16xf32, #tpu.memory_space<vmem>>
      %dma_wait3A_349 = arith.constant 0 : i32
      %dma_wait3A_350 = tpu.memref_slice %arg8[%dma_wait3A_345, %dma_wait3A_349] : memref<24x100xi32, #tpu.memory_space<vmem>> -> memref<1x100xi32, #tpu.memory_space<vmem>>
      %dma_wait3A_351 = tpu.memref_squeeze %dma_wait3A_350 : memref<1x100xi32, #tpu.memory_space<vmem>> -> memref<100xi32, #tpu.memory_space<vmem>>
      %dma_wait3A_352 = arith.constant 0 : i32
      %dma_wait3A_353 = arith.constant 0 : i32
      %dma_wait3A_354 = tpu.memref_slice %arg2[%dma_wait3A_352, %dma_wait3A_353] : memref<20000x16xf32, #tpu.memory_space<hbm>> -> memref<20000x16xf32, #tpu.memory_space<hbm>>
      tpu.wait_indirect_dma semaphore(%arg14 : memref<!tpu.dma_semaphore, #tpu.memory_space<semaphore_mem>>) src(%dma_wait3A_354 : memref<20000x16xf32, #tpu.memory_space<hbm>>) dst(%dma_wait3A_348 : memref<100x16xf32, #tpu.memory_space<vmem>>)
      %dma_wait3A_355 = arith.constant 10 : i32
      %dma_wait3A_356 = arith.constant 1000 : i32
      %dma_wait3A_357 = arith.constant 0 : i32
      %dma_wait3A_358 = tpu.memref_slice %arg9[%dma_wait3A_356, %dma_wait3A_357] : memref<2400x16xf32, #tpu.memory_space<vmem>> -> memref<100x16xf32, #tpu.memory_space<vmem>>
      %dma_wait3A_359 = arith.constant 0 : i32
      %dma_wait3A_360 = tpu.memref_slice %arg8[%dma_wait3A_355, %dma_wait3A_359] : memref<24x100xi32, #tpu.memory_space<vmem>> -> memref<1x100xi32, #tpu.memory_space<vmem>>
      %dma_wait3A_361 = tpu.memref_squeeze %dma_wait3A_360 : memref<1x100xi32, #tpu.memory_space<vmem>> -> memref<100xi32, #tpu.memory_space<vmem>>
      %dma_wait3A_362 = arith.constant 0 : i32
      %dma_wait3A_363 = arith.constant 0 : i32
      %dma_wait3A_364 = tpu.memref_slice %arg2[%dma_wait3A_362, %dma_wait3A_363] : memref<20000x16xf32, #tpu.memory_space<hbm>> -> memref<20000x16xf32, #tpu.memory_space<hbm>>
      tpu.wait_indirect_dma semaphore(%arg14 : memref<!tpu.dma_semaphore, #tpu.memory_space<semaphore_mem>>) src(%dma_wait3A_364 : memref<20000x16xf32, #tpu.memory_space<hbm>>) dst(%dma_wait3A_358 : memref<100x16xf32, #tpu.memory_space<vmem>>)
      %dma_wait3A_365 = arith.constant 11 : i32
      %dma_wait3A_366 = arith.constant 1100 : i32
      %dma_wait3A_367 = arith.constant 0 : i32
      %dma_wait3A_368 = tpu.memref_slice %arg9[%dma_wait3A_366, %dma_wait3A_367] : memref<2400x16xf32, #tpu.memory_space<vmem>> -> memref<100x16xf32, #tpu.memory_space<vmem>>
      %dma_wait3A_369 = arith.constant 0 : i32
      %dma_wait3A_370 = tpu.memref_slice %arg8[%dma_wait3A_365, %dma_wait3A_369] : memref<24x100xi32, #tpu.memory_space<vmem>> -> memref<1x100xi32, #tpu.memory_space<vmem>>
      %dma_wait3A_371 = tpu.memref_squeeze %dma_wait3A_370 : memref<1x100xi32, #tpu.memory_space<vmem>> -> memref<100xi32, #tpu.memory_space<vmem>>
      %dma_wait3A_372 = arith.constant 0 : i32
      %dma_wait3A_373 = arith.constant 0 : i32
      %dma_wait3A_374 = tpu.memref_slice %arg2[%dma_wait3A_372, %dma_wait3A_373] : memref<20000x16xf32, #tpu.memory_space<hbm>> -> memref<20000x16xf32, #tpu.memory_space<hbm>>
      tpu.wait_indirect_dma semaphore(%arg14 : memref<!tpu.dma_semaphore, #tpu.memory_space<semaphore_mem>>) src(%dma_wait3A_374 : memref<20000x16xf32, #tpu.memory_space<hbm>>) dst(%dma_wait3A_368 : memref<100x16xf32, #tpu.memory_space<vmem>>)
      %dma_wait3A_375 = arith.constant 12 : i32
      %dma_wait3A_376 = arith.constant 1200 : i32
      %dma_wait3A_377 = arith.constant 0 : i32
      %dma_wait3A_378 = tpu.memref_slice %arg9[%dma_wait3A_376, %dma_wait3A_377] : memref<2400x16xf32, #tpu.memory_space<vmem>> -> memref<100x16xf32, #tpu.memory_space<vmem>>
      %dma_wait3A_379 = arith.constant 0 : i32
      %dma_wait3A_380 = tpu.memref_slice %arg8[%dma_wait3A_375, %dma_wait3A_379] : memref<24x100xi32, #tpu.memory_space<vmem>> -> memref<1x100xi32, #tpu.memory_space<vmem>>
      %dma_wait3A_381 = tpu.memref_squeeze %dma_wait3A_380 : memref<1x100xi32, #tpu.memory_space<vmem>> -> memref<100xi32, #tpu.memory_space<vmem>>
      %dma_wait3A_382 = arith.constant 0 : i32
      %dma_wait3A_383 = arith.constant 0 : i32
      %dma_wait3A_384 = tpu.memref_slice %arg2[%dma_wait3A_382, %dma_wait3A_383] : memref<20000x16xf32, #tpu.memory_space<hbm>> -> memref<20000x16xf32, #tpu.memory_space<hbm>>
      tpu.wait_indirect_dma semaphore(%arg14 : memref<!tpu.dma_semaphore, #tpu.memory_space<semaphore_mem>>) src(%dma_wait3A_384 : memref<20000x16xf32, #tpu.memory_space<hbm>>) dst(%dma_wait3A_378 : memref<100x16xf32, #tpu.memory_space<vmem>>)
      %dma_wait3A_385 = arith.constant 13 : i32
      %dma_wait3A_386 = arith.constant 1300 : i32
      %dma_wait3A_387 = arith.constant 0 : i32
      %dma_wait3A_388 = tpu.memref_slice %arg9[%dma_wait3A_386, %dma_wait3A_387] : memref<2400x16xf32, #tpu.memory_space<vmem>> -> memref<100x16xf32, #tpu.memory_space<vmem>>
      %dma_wait3A_389 = arith.constant 0 : i32
      %dma_wait3A_390 = tpu.memref_slice %arg8[%dma_wait3A_385, %dma_wait3A_389] : memref<24x100xi32, #tpu.memory_space<vmem>> -> memref<1x100xi32, #tpu.memory_space<vmem>>
      %dma_wait3A_391 = tpu.memref_squeeze %dma_wait3A_390 : memref<1x100xi32, #tpu.memory_space<vmem>> -> memref<100xi32, #tpu.memory_space<vmem>>
      %dma_wait3A_392 = arith.constant 0 : i32
      %dma_wait3A_393 = arith.constant 0 : i32
      %dma_wait3A_394 = tpu.memref_slice %arg2[%dma_wait3A_392, %dma_wait3A_393] : memref<20000x16xf32, #tpu.memory_space<hbm>> -> memref<20000x16xf32, #tpu.memory_space<hbm>>
      tpu.wait_indirect_dma semaphore(%arg14 : memref<!tpu.dma_semaphore, #tpu.memory_space<semaphore_mem>>) src(%dma_wait3A_394 : memref<20000x16xf32, #tpu.memory_space<hbm>>) dst(%dma_wait3A_388 : memref<100x16xf32, #tpu.memory_space<vmem>>)
      %dma_wait3A_395 = arith.constant 14 : i32
      %dma_wait3A_396 = arith.constant 1400 : i32
      %dma_wait3A_397 = arith.constant 0 : i32
      %dma_wait3A_398 = tpu.memref_slice %arg9[%dma_wait3A_396, %dma_wait3A_397] : memref<2400x16xf32, #tpu.memory_space<vmem>> -> memref<100x16xf32, #tpu.memory_space<vmem>>
      %dma_wait3A_399 = arith.constant 0 : i32
      %dma_wait3A_400 = tpu.memref_slice %arg8[%dma_wait3A_395, %dma_wait3A_399] : memref<24x100xi32, #tpu.memory_space<vmem>> -> memref<1x100xi32, #tpu.memory_space<vmem>>
      %dma_wait3A_401 = tpu.memref_squeeze %dma_wait3A_400 : memref<1x100xi32, #tpu.memory_space<vmem>> -> memref<100xi32, #tpu.memory_space<vmem>>
      %dma_wait3A_402 = arith.constant 0 : i32
      %dma_wait3A_403 = arith.constant 0 : i32
      %dma_wait3A_404 = tpu.memref_slice %arg2[%dma_wait3A_402, %dma_wait3A_403] : memref<20000x16xf32, #tpu.memory_space<hbm>> -> memref<20000x16xf32, #tpu.memory_space<hbm>>
      tpu.wait_indirect_dma semaphore(%arg14 : memref<!tpu.dma_semaphore, #tpu.memory_space<semaphore_mem>>) src(%dma_wait3A_404 : memref<20000x16xf32, #tpu.memory_space<hbm>>) dst(%dma_wait3A_398 : memref<100x16xf32, #tpu.memory_space<vmem>>)
      %dma_wait3A_405 = arith.constant 15 : i32
      %dma_wait3A_406 = arith.constant 1500 : i32
      %dma_wait3A_407 = arith.constant 0 : i32
      %dma_wait3A_408 = tpu.memref_slice %arg9[%dma_wait3A_406, %dma_wait3A_407] : memref<2400x16xf32, #tpu.memory_space<vmem>> -> memref<100x16xf32, #tpu.memory_space<vmem>>
      %dma_wait3A_409 = arith.constant 0 : i32
      %dma_wait3A_410 = tpu.memref_slice %arg8[%dma_wait3A_405, %dma_wait3A_409] : memref<24x100xi32, #tpu.memory_space<vmem>> -> memref<1x100xi32, #tpu.memory_space<vmem>>
      %dma_wait3A_411 = tpu.memref_squeeze %dma_wait3A_410 : memref<1x100xi32, #tpu.memory_space<vmem>> -> memref<100xi32, #tpu.memory_space<vmem>>
      %dma_wait3A_412 = arith.constant 0 : i32
      %dma_wait3A_413 = arith.constant 0 : i32
      %dma_wait3A_414 = tpu.memref_slice %arg2[%dma_wait3A_412, %dma_wait3A_413] : memref<20000x16xf32, #tpu.memory_space<hbm>> -> memref<20000x16xf32, #tpu.memory_space<hbm>>
      tpu.wait_indirect_dma semaphore(%arg14 : memref<!tpu.dma_semaphore, #tpu.memory_space<semaphore_mem>>) src(%dma_wait3A_414 : memref<20000x16xf32, #tpu.memory_space<hbm>>) dst(%dma_wait3A_408 : memref<100x16xf32, #tpu.memory_space<vmem>>)
      %dma_wait3A_415 = arith.constant 16 : i32
      %dma_wait3A_416 = arith.constant 1600 : i32
      %dma_wait3A_417 = arith.constant 0 : i32
      %dma_wait3A_418 = tpu.memref_slice %arg9[%dma_wait3A_416, %dma_wait3A_417] : memref<2400x16xf32, #tpu.memory_space<vmem>> -> memref<100x16xf32, #tpu.memory_space<vmem>>
      %dma_wait3A_419 = arith.constant 0 : i32
      %dma_wait3A_420 = tpu.memref_slice %arg8[%dma_wait3A_415, %dma_wait3A_419] : memref<24x100xi32, #tpu.memory_space<vmem>> -> memref<1x100xi32, #tpu.memory_space<vmem>>
      %dma_wait3A_421 = tpu.memref_squeeze %dma_wait3A_420 : memref<1x100xi32, #tpu.memory_space<vmem>> -> memref<100xi32, #tpu.memory_space<vmem>>
      %dma_wait3A_422 = arith.constant 0 : i32
      %dma_wait3A_423 = arith.constant 0 : i32
      %dma_wait3A_424 = tpu.memref_slice %arg2[%dma_wait3A_422, %dma_wait3A_423] : memref<20000x16xf32, #tpu.memory_space<hbm>> -> memref<20000x16xf32, #tpu.memory_space<hbm>>
      tpu.wait_indirect_dma semaphore(%arg14 : memref<!tpu.dma_semaphore, #tpu.memory_space<semaphore_mem>>) src(%dma_wait3A_424 : memref<20000x16xf32, #tpu.memory_space<hbm>>) dst(%dma_wait3A_418 : memref<100x16xf32, #tpu.memory_space<vmem>>)
      %dma_wait3A_425 = arith.constant 17 : i32
      %dma_wait3A_426 = arith.constant 1700 : i32
      %dma_wait3A_427 = arith.constant 0 : i32
      %dma_wait3A_428 = tpu.memref_slice %arg9[%dma_wait3A_426, %dma_wait3A_427] : memref<2400x16xf32, #tpu.memory_space<vmem>> -> memref<100x16xf32, #tpu.memory_space<vmem>>
      %dma_wait3A_429 = arith.constant 0 : i32
      %dma_wait3A_430 = tpu.memref_slice %arg8[%dma_wait3A_425, %dma_wait3A_429] : memref<24x100xi32, #tpu.memory_space<vmem>> -> memref<1x100xi32, #tpu.memory_space<vmem>>
      %dma_wait3A_431 = tpu.memref_squeeze %dma_wait3A_430 : memref<1x100xi32, #tpu.memory_space<vmem>> -> memref<100xi32, #tpu.memory_space<vmem>>
      %dma_wait3A_432 = arith.constant 0 : i32
      %dma_wait3A_433 = arith.constant 0 : i32
      %dma_wait3A_434 = tpu.memref_slice %arg2[%dma_wait3A_432, %dma_wait3A_433] : memref<20000x16xf32, #tpu.memory_space<hbm>> -> memref<20000x16xf32, #tpu.memory_space<hbm>>
      tpu.wait_indirect_dma semaphore(%arg14 : memref<!tpu.dma_semaphore, #tpu.memory_space<semaphore_mem>>) src(%dma_wait3A_434 : memref<20000x16xf32, #tpu.memory_space<hbm>>) dst(%dma_wait3A_428 : memref<100x16xf32, #tpu.memory_space<vmem>>)
      %dma_wait3A_435 = arith.constant 18 : i32
      %dma_wait3A_436 = arith.constant 1800 : i32
      %dma_wait3A_437 = arith.constant 0 : i32
      %dma_wait3A_438 = tpu.memref_slice %arg9[%dma_wait3A_436, %dma_wait3A_437] : memref<2400x16xf32, #tpu.memory_space<vmem>> -> memref<100x16xf32, #tpu.memory_space<vmem>>
      %dma_wait3A_439 = arith.constant 0 : i32
      %dma_wait3A_440 = tpu.memref_slice %arg8[%dma_wait3A_435, %dma_wait3A_439] : memref<24x100xi32, #tpu.memory_space<vmem>> -> memref<1x100xi32, #tpu.memory_space<vmem>>
      %dma_wait3A_441 = tpu.memref_squeeze %dma_wait3A_440 : memref<1x100xi32, #tpu.memory_space<vmem>> -> memref<100xi32, #tpu.memory_space<vmem>>
      %dma_wait3A_442 = arith.constant 0 : i32
      %dma_wait3A_443 = arith.constant 0 : i32
      %dma_wait3A_444 = tpu.memref_slice %arg2[%dma_wait3A_442, %dma_wait3A_443] : memref<20000x16xf32, #tpu.memory_space<hbm>> -> memref<20000x16xf32, #tpu.memory_space<hbm>>
      tpu.wait_indirect_dma semaphore(%arg14 : memref<!tpu.dma_semaphore, #tpu.memory_space<semaphore_mem>>) src(%dma_wait3A_444 : memref<20000x16xf32, #tpu.memory_space<hbm>>) dst(%dma_wait3A_438 : memref<100x16xf32, #tpu.memory_space<vmem>>)
      %dma_wait3A_445 = arith.constant 19 : i32
      %dma_wait3A_446 = arith.constant 1900 : i32
      %dma_wait3A_447 = arith.constant 0 : i32
      %dma_wait3A_448 = tpu.memref_slice %arg9[%dma_wait3A_446, %dma_wait3A_447] : memref<2400x16xf32, #tpu.memory_space<vmem>> -> memref<100x16xf32, #tpu.memory_space<vmem>>
      %dma_wait3A_449 = arith.constant 0 : i32
      %dma_wait3A_450 = tpu.memref_slice %arg8[%dma_wait3A_445, %dma_wait3A_449] : memref<24x100xi32, #tpu.memory_space<vmem>> -> memref<1x100xi32, #tpu.memory_space<vmem>>
      %dma_wait3A_451 = tpu.memref_squeeze %dma_wait3A_450 : memref<1x100xi32, #tpu.memory_space<vmem>> -> memref<100xi32, #tpu.memory_space<vmem>>
      %dma_wait3A_452 = arith.constant 0 : i32
      %dma_wait3A_453 = arith.constant 0 : i32
      %dma_wait3A_454 = tpu.memref_slice %arg2[%dma_wait3A_452, %dma_wait3A_453] : memref<20000x16xf32, #tpu.memory_space<hbm>> -> memref<20000x16xf32, #tpu.memory_space<hbm>>
      tpu.wait_indirect_dma semaphore(%arg14 : memref<!tpu.dma_semaphore, #tpu.memory_space<semaphore_mem>>) src(%dma_wait3A_454 : memref<20000x16xf32, #tpu.memory_space<hbm>>) dst(%dma_wait3A_448 : memref<100x16xf32, #tpu.memory_space<vmem>>)
      %dma_wait3A_455 = arith.constant 20 : i32
      %dma_wait3A_456 = arith.constant 2000 : i32
      %dma_wait3A_457 = arith.constant 0 : i32
      %dma_wait3A_458 = tpu.memref_slice %arg9[%dma_wait3A_456, %dma_wait3A_457] : memref<2400x16xf32, #tpu.memory_space<vmem>> -> memref<100x16xf32, #tpu.memory_space<vmem>>
      %dma_wait3A_459 = arith.constant 0 : i32
      %dma_wait3A_460 = tpu.memref_slice %arg8[%dma_wait3A_455, %dma_wait3A_459] : memref<24x100xi32, #tpu.memory_space<vmem>> -> memref<1x100xi32, #tpu.memory_space<vmem>>
      %dma_wait3A_461 = tpu.memref_squeeze %dma_wait3A_460 : memref<1x100xi32, #tpu.memory_space<vmem>> -> memref<100xi32, #tpu.memory_space<vmem>>
      %dma_wait3A_462 = arith.constant 0 : i32
      %dma_wait3A_463 = arith.constant 0 : i32
      %dma_wait3A_464 = tpu.memref_slice %arg2[%dma_wait3A_462, %dma_wait3A_463] : memref<20000x16xf32, #tpu.memory_space<hbm>> -> memref<20000x16xf32, #tpu.memory_space<hbm>>
      tpu.wait_indirect_dma semaphore(%arg14 : memref<!tpu.dma_semaphore, #tpu.memory_space<semaphore_mem>>) src(%dma_wait3A_464 : memref<20000x16xf32, #tpu.memory_space<hbm>>) dst(%dma_wait3A_458 : memref<100x16xf32, #tpu.memory_space<vmem>>)
      %dma_wait3A_465 = arith.constant 21 : i32
      %dma_wait3A_466 = arith.constant 2100 : i32
      %dma_wait3A_467 = arith.constant 0 : i32
      %dma_wait3A_468 = tpu.memref_slice %arg9[%dma_wait3A_466, %dma_wait3A_467] : memref<2400x16xf32, #tpu.memory_space<vmem>> -> memref<100x16xf32, #tpu.memory_space<vmem>>
      %dma_wait3A_469 = arith.constant 0 : i32
      %dma_wait3A_470 = tpu.memref_slice %arg8[%dma_wait3A_465, %dma_wait3A_469] : memref<24x100xi32, #tpu.memory_space<vmem>> -> memref<1x100xi32, #tpu.memory_space<vmem>>
      %dma_wait3A_471 = tpu.memref_squeeze %dma_wait3A_470 : memref<1x100xi32, #tpu.memory_space<vmem>> -> memref<100xi32, #tpu.memory_space<vmem>>
      %dma_wait3A_472 = arith.constant 0 : i32
      %dma_wait3A_473 = arith.constant 0 : i32
      %dma_wait3A_474 = tpu.memref_slice %arg2[%dma_wait3A_472, %dma_wait3A_473] : memref<20000x16xf32, #tpu.memory_space<hbm>> -> memref<20000x16xf32, #tpu.memory_space<hbm>>
      tpu.wait_indirect_dma semaphore(%arg14 : memref<!tpu.dma_semaphore, #tpu.memory_space<semaphore_mem>>) src(%dma_wait3A_474 : memref<20000x16xf32, #tpu.memory_space<hbm>>) dst(%dma_wait3A_468 : memref<100x16xf32, #tpu.memory_space<vmem>>)
      %dma_wait3A_475 = arith.constant 22 : i32
      %dma_wait3A_476 = arith.constant 2200 : i32
      %dma_wait3A_477 = arith.constant 0 : i32
      %dma_wait3A_478 = tpu.memref_slice %arg9[%dma_wait3A_476, %dma_wait3A_477] : memref<2400x16xf32, #tpu.memory_space<vmem>> -> memref<100x16xf32, #tpu.memory_space<vmem>>
      %dma_wait3A_479 = arith.constant 0 : i32
      %dma_wait3A_480 = tpu.memref_slice %arg8[%dma_wait3A_475, %dma_wait3A_479] : memref<24x100xi32, #tpu.memory_space<vmem>> -> memref<1x100xi32, #tpu.memory_space<vmem>>
      %dma_wait3A_481 = tpu.memref_squeeze %dma_wait3A_480 : memref<1x100xi32, #tpu.memory_space<vmem>> -> memref<100xi32, #tpu.memory_space<vmem>>
      %dma_wait3A_482 = arith.constant 0 : i32
      %dma_wait3A_483 = arith.constant 0 : i32
      %dma_wait3A_484 = tpu.memref_slice %arg2[%dma_wait3A_482, %dma_wait3A_483] : memref<20000x16xf32, #tpu.memory_space<hbm>> -> memref<20000x16xf32, #tpu.memory_space<hbm>>
      tpu.wait_indirect_dma semaphore(%arg14 : memref<!tpu.dma_semaphore, #tpu.memory_space<semaphore_mem>>) src(%dma_wait3A_484 : memref<20000x16xf32, #tpu.memory_space<hbm>>) dst(%dma_wait3A_478 : memref<100x16xf32, #tpu.memory_space<vmem>>)
      %dma_wait3A_485 = arith.constant 23 : i32
      %dma_wait3A_486 = arith.constant 2300 : i32
      %dma_wait3A_487 = arith.constant 0 : i32
      %dma_wait3A_488 = tpu.memref_slice %arg9[%dma_wait3A_486, %dma_wait3A_487] : memref<2400x16xf32, #tpu.memory_space<vmem>> -> memref<100x16xf32, #tpu.memory_space<vmem>>
      %dma_wait3A_489 = arith.constant 0 : i32
      %dma_wait3A_490 = tpu.memref_slice %arg8[%dma_wait3A_485, %dma_wait3A_489] : memref<24x100xi32, #tpu.memory_space<vmem>> -> memref<1x100xi32, #tpu.memory_space<vmem>>
      %dma_wait3A_491 = tpu.memref_squeeze %dma_wait3A_490 : memref<1x100xi32, #tpu.memory_space<vmem>> -> memref<100xi32, #tpu.memory_space<vmem>>
      %dma_wait3A_492 = arith.constant 0 : i32
      %dma_wait3A_493 = arith.constant 0 : i32
      %dma_wait3A_494 = tpu.memref_slice %arg2[%dma_wait3A_492, %dma_wait3A_493] : memref<20000x16xf32, #tpu.memory_space<hbm>> -> memref<20000x16xf32, #tpu.memory_space<hbm>>
      tpu.wait_indirect_dma semaphore(%arg14 : memref<!tpu.dma_semaphore, #tpu.memory_space<semaphore_mem>>) src(%dma_wait3A_494 : memref<20000x16xf32, #tpu.memory_space<hbm>>) dst(%dma_wait3A_488 : memref<100x16xf32, #tpu.memory_space<vmem>>)
      %scan3A_495 = arith.constant 0 : i32
      %scan3A_496 = arith.constant 0 : i32
      %scan3A_497 = arith.constant 8 : i32
      %scan3A_498 = arith.addi %scan3A_496, %scan3A_497 : i32
      %scan3A_499 = arith.constant 1 : i32
      scf.for %scan3A_501 = %scan3A_496 to %scan3A_498 step %scan3A_499  : i32 {
        %broadcast_in_dim3A = vector.broadcast %scan3A_501 : i32 to vector<16xi32>
        %mul3A_502 = arith.constant 300 : i32
        %mul3A_503 = arith.muli %scan3A_501, %mul3A_502 : i32
        %parallel_loop3A_504 = arith.constant 0 : i32
        %parallel_loop3A_505 = arith.constant 300 : i32
        %parallel_loop3A_506 = arith.constant 1 : i32
        scf.for %parallel_loop3A_507 = %parallel_loop3A_504 to %parallel_loop3A_505 step %parallel_loop3A_506  : i32 {
          %parallel_loop3A_508 = arith.addi %mul3A_503, %parallel_loop3A_507 : i32
          %parallel_loop3A_509 = arith.index_cast %parallel_loop3A_508 : i32 to index
          %parallel_loop3A_510 = arith.constant 0 : index
          %parallel_loop3A_511 = tpu.vector_load %arg9[%parallel_loop3A_509, %parallel_loop3A_510] {strides = array<i32>} : memref<2400x16xf32, #tpu.memory_space<vmem>>, vector<16xf32>,
          %parallel_loop3A_512 = vector.broadcast %parallel_loop3A_507 : i32 to vector<16xi32>
          %parallel_loop3A_513 = arith.addi %mul3A_3, %parallel_loop3A_512 : vector<16xi32>
          tpu.vector_store_idx %arg10[%parallel_loop3A_513, %broadcast_in_dim3A], %parallel_loop3A_511 : memref<6080x8xf32, #tpu.memory_space<vmem>>[vector<16xi32>, vector<16xi32>], vector<16xf32>,
        } {sc.loop_unroll_factor = 8 : i64, sc.parallel_access}
      }
      %scan3A_500 = arith.constant 8 : i32
      "tpu.region"() ({
        %run_scoped3A = tpu.sem_alloc : memref<!tpu.dma_semaphore, #tpu.memory_space<semaphore_mem>>
        %dma_start3A_501 = arith.constant 0 : i32
        %dma_start3A_502 = tpu.memref_slice %arg7[%dma_start3A_501, %add3A_14] : memref<6080x2048xf32, #tpu.memory_space<hbm>> -> memref<6080x8xf32, #tpu.memory_space<hbm>>
        %dma_start3A_503 = arith.constant 0 : i32
        %dma_start3A_504 = tpu.memref_slice %arg7[%dma_start3A_503, %add3A_14] : memref<6080x2048xf32, #tpu.memory_space<hbm>> -> memref<6080x8xf32, #tpu.memory_space<hbm>>
        tpu.enqueue_dma source(%arg10 : memref<6080x8xf32, #tpu.memory_space<vmem>>) target(%dma_start3A_504 : memref<6080x8xf32, #tpu.memory_space<hbm>>) target_semaphore(%run_scoped3A : memref<!tpu.dma_semaphore, #tpu.memory_space<semaphore_mem>>)
        %dma_wait3A_505 = arith.constant 0 : i32
        %dma_wait3A_506 = tpu.memref_slice %arg7[%dma_wait3A_505, %add3A_14] : memref<6080x2048xf32, #tpu.memory_space<hbm>> -> memref<6080x8xf32, #tpu.memory_space<hbm>>
        %dma_wait3A_507 = arith.constant 0 : i32
        %dma_wait3A_508 = tpu.memref_slice %arg7[%dma_wait3A_507, %add3A_14] : memref<6080x2048xf32, #tpu.memory_space<hbm>> -> memref<6080x8xf32, #tpu.memory_space<hbm>>
        tpu.wait_dma2 semaphore(%run_scoped3A : memref<!tpu.dma_semaphore, #tpu.memory_space<semaphore_mem>>) src(%arg10 : memref<6080x8xf32, #tpu.memory_space<vmem>>) dst(%dma_wait3A_508 : memref<6080x8xf32, #tpu.memory_space<hbm>>)
        tpu.yield
      }) : () -> ()
    }
    %scan3A_8 = arith.constant 8 : i32
    return
  }
}

#map = affine_map<(d0, d1) -> (0, 0)>
#map1 = affine_map<(d0, d1) -> (0, 0, 0, 0)>
#map2 = affine_map<(d0, d1) -> (0, 0, 0)>
#map3 = affine_map<(d0, d1) -> (0)>
module attributes {stable_mosaic.version = 14 : i64} {
  func.func @_sc_body(%arg0: i32, %arg1: i32, %arg2: memref<20000x16xf32, #tpu.memory_space<hbm>>, %arg3: memref<32x8x24x100xi32, #tpu.memory_space<hbm>>, %arg4: memref<32x8x2400xf32, #tpu.memory_space<hbm>>, %arg5: memref<40xf32, #tpu.memory_space<hbm>>, %arg6: memref<2400xi32, #tpu.memory_space<hbm>>, %arg7: memref<6080x2048xf32, #tpu.memory_space<hbm>>, %arg8: memref<24x100xi32, #tpu.memory_space<vmem>>, %arg9: memref<2400x16xf32, #tpu.memory_space<vmem>>, %arg10: memref<6080x8xf32, #tpu.memory_space<vmem>>, %arg11: memref<2400xf32, #tpu.memory_space<vmem>>, %arg12: memref<2400xi32, #tpu.memory_space<vmem>>, %arg13: memref<40xf32, #tpu.memory_space<vmem>>, %arg14: memref<!tpu.dma_semaphore, #tpu.memory_space<semaphore_mem>>) attributes {dimension_semantics = [#tpu.dimension_semantics<core_parallel>, #tpu.dimension_semantics<subcore_parallel>], iteration_bounds = array<i64: 2, 16>, scalar_prefetch = 0 : i64, scratch_operands = 7 : i64, tpu.core_type = #tpu.core_type<sc_vector_subcore>, window_params = [{transform_indices = #map}, {transform_indices = #map1}, {transform_indices = #map2}, {transform_indices = #map3}, {transform_indices = #map3}, {transform_indices = #map}]} {
    %mul3A = arith.constant 2 : i32
    %mul3A_0 = arith.muli %arg1, %mul3A : i32
    %add3A = arith.addi %mul3A_0, %arg0 : i32
    "tpu.region"() ({
      %run_scoped3A = tpu.sem_alloc : memref<!tpu.dma_semaphore, #tpu.memory_space<semaphore_mem>>
      tpu.enqueue_dma source(%arg5 : memref<40xf32, #tpu.memory_space<hbm>>) target(%arg13 : memref<40xf32, #tpu.memory_space<vmem>>) target_semaphore(%run_scoped3A : memref<!tpu.dma_semaphore, #tpu.memory_space<semaphore_mem>>)
      tpu.wait_dma2 semaphore(%run_scoped3A : memref<!tpu.dma_semaphore, #tpu.memory_space<semaphore_mem>>) src(%arg5 : memref<40xf32, #tpu.memory_space<hbm>>) dst(%arg13 : memref<40xf32, #tpu.memory_space<vmem>>)
      tpu.yield
    }) : () -> ()
    "tpu.region"() ({
      %run_scoped3A = tpu.sem_alloc : memref<!tpu.dma_semaphore, #tpu.memory_space<semaphore_mem>>
      tpu.enqueue_dma source(%arg6 : memref<2400xi32, #tpu.memory_space<hbm>>) target(%arg12 : memref<2400xi32, #tpu.memory_space<vmem>>) target_semaphore(%run_scoped3A : memref<!tpu.dma_semaphore, #tpu.memory_space<semaphore_mem>>)
      tpu.wait_dma2 semaphore(%run_scoped3A : memref<!tpu.dma_semaphore, #tpu.memory_space<semaphore_mem>>) src(%arg6 : memref<2400xi32, #tpu.memory_space<hbm>>) dst(%arg12 : memref<2400xi32, #tpu.memory_space<vmem>>)
      tpu.yield
    }) : () -> ()
    %iota3A = tpu.iota {dimensions = array<i32: 0>} : vector<16xi32>
    %mul3A_1 = arith.constant 304 : i32
    %mul3A_2 = vector.broadcast %mul3A_1 : i32 to vector<16xi32>
    %mul3A_3 = arith.muli %iota3A, %mul3A_2 : vector<16xi32>
    %scan3A = arith.constant 0 : i32
    %scan3A_4 = arith.constant 0 : i32
    %scan3A_5 = arith.constant 8 : i32
    %scan3A_6 = arith.addi %scan3A_4, %scan3A_5 : i32
    %scan3A_7 = arith.constant 1 : i32
    scf.for %scan3A_9 = %scan3A_4 to %scan3A_6 step %scan3A_7  : i32 {
      %mul3A_10 = arith.constant 64 : i32
      %mul3A_11 = arith.muli %add3A, %mul3A_10 : i32
      %mul3A_12 = arith.constant 8 : i32
      %mul3A_13 = arith.muli %scan3A_9, %mul3A_12 : i32
      %add3A_14 = arith.addi %mul3A_11, %mul3A_13 : i32
      "tpu.region"() ({
        %run_scoped3A = tpu.sem_alloc : memref<!tpu.dma_semaphore, #tpu.memory_space<semaphore_mem>>
        %dma_start3A_501 = arith.constant 0 : i32
        %dma_start3A_502 = arith.constant 0 : i32
        %dma_start3A_503 = tpu.memref_slice %arg3[%add3A, %scan3A_9, %dma_start3A_501, %dma_start3A_502] : memref<32x8x24x100xi32, #tpu.memory_space<hbm>> -> memref<1x1x24x100xi32, #tpu.memory_space<hbm>>
        %dma_start3A_504 = tpu.memref_squeeze %dma_start3A_503 : memref<1x1x24x100xi32, #tpu.memory_space<hbm>> -> memref<24x100xi32, #tpu.memory_space<hbm>>
        %dma_start3A_505 = arith.constant 0 : i32
        %dma_start3A_506 = arith.constant 0 : i32
        %dma_start3A_507 = tpu.memref_slice %arg3[%add3A, %scan3A_9, %dma_start3A_505, %dma_start3A_506] : memref<32x8x24x100xi32, #tpu.memory_space<hbm>> -> memref<1x1x24x100xi32, #tpu.memory_space<hbm>>
        %dma_start3A_508 = tpu.memref_squeeze %dma_start3A_507 : memref<1x1x24x100xi32, #tpu.memory_space<hbm>> -> memref<24x100xi32, #tpu.memory_space<hbm>>
        tpu.enqueue_dma source(%dma_start3A_508 : memref<24x100xi32, #tpu.memory_space<hbm>>) target(%arg8 : memref<24x100xi32, #tpu.memory_space<vmem>>) target_semaphore(%run_scoped3A : memref<!tpu.dma_semaphore, #tpu.memory_space<semaphore_mem>>)
        %dma_wait3A_509 = arith.constant 0 : i32
        %dma_wait3A_510 = arith.constant 0 : i32
        %dma_wait3A_511 = tpu.memref_slice %arg3[%add3A, %scan3A_9, %dma_wait3A_509, %dma_wait3A_510] : memref<32x8x24x100xi32, #tpu.memory_space<hbm>> -> memref<1x1x24x100xi32, #tpu.memory_space<hbm>>
        %dma_wait3A_512 = tpu.memref_squeeze %dma_wait3A_511 : memref<1x1x24x100xi32, #tpu.memory_space<hbm>> -> memref<24x100xi32, #tpu.memory_space<hbm>>
        %dma_wait3A_513 = arith.constant 0 : i32
        %dma_wait3A_514 = arith.constant 0 : i32
        %dma_wait3A_515 = tpu.memref_slice %arg3[%add3A, %scan3A_9, %dma_wait3A_513, %dma_wait3A_514] : memref<32x8x24x100xi32, #tpu.memory_space<hbm>> -> memref<1x1x24x100xi32, #tpu.memory_space<hbm>>
        %dma_wait3A_516 = tpu.memref_squeeze %dma_wait3A_515 : memref<1x1x24x100xi32, #tpu.memory_space<hbm>> -> memref<24x100xi32, #tpu.memory_space<hbm>>
        tpu.wait_dma2 semaphore(%run_scoped3A : memref<!tpu.dma_semaphore, #tpu.memory_space<semaphore_mem>>) src(%dma_wait3A_516 : memref<24x100xi32, #tpu.memory_space<hbm>>) dst(%arg8 : memref<24x100xi32, #tpu.memory_space<vmem>>)
        tpu.yield
      }) : () -> ()
      %dma_start3A = arith.constant 0 : i32
      %dma_start3A_15 = arith.constant 0 : i32
      %dma_start3A_16 = arith.constant 0 : i32
      %dma_start3A_17 = tpu.memref_slice %arg9[%dma_start3A_15, %dma_start3A_16] : memref<2400x16xf32, #tpu.memory_space<vmem>> -> memref<100x16xf32, #tpu.memory_space<vmem>>
      %dma_start3A_18 = arith.constant 0 : i32
      %dma_start3A_19 = tpu.memref_slice %arg8[%dma_start3A, %dma_start3A_18] : memref<24x100xi32, #tpu.memory_space<vmem>> -> memref<1x100xi32, #tpu.memory_space<vmem>>
      %dma_start3A_20 = tpu.memref_squeeze %dma_start3A_19 : memref<1x100xi32, #tpu.memory_space<vmem>> -> memref<100xi32, #tpu.memory_space<vmem>>
      %dma_start3A_21 = arith.constant 0 : i32
      %dma_start3A_22 = arith.constant 0 : i32
      %dma_start3A_23 = tpu.memref_slice %arg2[%dma_start3A_21, %dma_start3A_22] : memref<20000x16xf32, #tpu.memory_space<hbm>> -> memref<20000x16xf32, #tpu.memory_space<hbm>>
      tpu.enqueue_indirect_dma source(%dma_start3A_23 : memref<20000x16xf32, #tpu.memory_space<hbm>>) target(%dma_start3A_17 : memref<100x16xf32, #tpu.memory_space<vmem>>) offsets(%dma_start3A_20 : memref<100xi32, #tpu.memory_space<vmem>>) semaphore(%arg14 : memref<!tpu.dma_semaphore, #tpu.memory_space<semaphore_mem>>)
      %dma_start3A_24 = arith.constant 1 : i32
      %dma_start3A_25 = arith.constant 100 : i32
      %dma_start3A_26 = arith.constant 0 : i32
      %dma_start3A_27 = tpu.memref_slice %arg9[%dma_start3A_25, %dma_start3A_26] : memref<2400x16xf32, #tpu.memory_space<vmem>> -> memref<100x16xf32, #tpu.memory_space<vmem>>
      %dma_start3A_28 = arith.constant 0 : i32
      %dma_start3A_29 = tpu.memref_slice %arg8[%dma_start3A_24, %dma_start3A_28] : memref<24x100xi32, #tpu.memory_space<vmem>> -> memref<1x100xi32, #tpu.memory_space<vmem>>
      %dma_start3A_30 = tpu.memref_squeeze %dma_start3A_29 : memref<1x100xi32, #tpu.memory_space<vmem>> -> memref<100xi32, #tpu.memory_space<vmem>>
      %dma_start3A_31 = arith.constant 0 : i32
      %dma_start3A_32 = arith.constant 0 : i32
      %dma_start3A_33 = tpu.memref_slice %arg2[%dma_start3A_31, %dma_start3A_32] : memref<20000x16xf32, #tpu.memory_space<hbm>> -> memref<20000x16xf32, #tpu.memory_space<hbm>>
      tpu.enqueue_indirect_dma source(%dma_start3A_33 : memref<20000x16xf32, #tpu.memory_space<hbm>>) target(%dma_start3A_27 : memref<100x16xf32, #tpu.memory_space<vmem>>) offsets(%dma_start3A_30 : memref<100xi32, #tpu.memory_space<vmem>>) semaphore(%arg14 : memref<!tpu.dma_semaphore, #tpu.memory_space<semaphore_mem>>)
      %dma_start3A_34 = arith.constant 2 : i32
      %dma_start3A_35 = arith.constant 200 : i32
      %dma_start3A_36 = arith.constant 0 : i32
      %dma_start3A_37 = tpu.memref_slice %arg9[%dma_start3A_35, %dma_start3A_36] : memref<2400x16xf32, #tpu.memory_space<vmem>> -> memref<100x16xf32, #tpu.memory_space<vmem>>
      %dma_start3A_38 = arith.constant 0 : i32
      %dma_start3A_39 = tpu.memref_slice %arg8[%dma_start3A_34, %dma_start3A_38] : memref<24x100xi32, #tpu.memory_space<vmem>> -> memref<1x100xi32, #tpu.memory_space<vmem>>
      %dma_start3A_40 = tpu.memref_squeeze %dma_start3A_39 : memref<1x100xi32, #tpu.memory_space<vmem>> -> memref<100xi32, #tpu.memory_space<vmem>>
      %dma_start3A_41 = arith.constant 0 : i32
      %dma_start3A_42 = arith.constant 0 : i32
      %dma_start3A_43 = tpu.memref_slice %arg2[%dma_start3A_41, %dma_start3A_42] : memref<20000x16xf32, #tpu.memory_space<hbm>> -> memref<20000x16xf32, #tpu.memory_space<hbm>>
      tpu.enqueue_indirect_dma source(%dma_start3A_43 : memref<20000x16xf32, #tpu.memory_space<hbm>>) target(%dma_start3A_37 : memref<100x16xf32, #tpu.memory_space<vmem>>) offsets(%dma_start3A_40 : memref<100xi32, #tpu.memory_space<vmem>>) semaphore(%arg14 : memref<!tpu.dma_semaphore, #tpu.memory_space<semaphore_mem>>)
      %dma_start3A_44 = arith.constant 3 : i32
      %dma_start3A_45 = arith.constant 300 : i32
      %dma_start3A_46 = arith.constant 0 : i32
      %dma_start3A_47 = tpu.memref_slice %arg9[%dma_start3A_45, %dma_start3A_46] : memref<2400x16xf32, #tpu.memory_space<vmem>> -> memref<100x16xf32, #tpu.memory_space<vmem>>
      %dma_start3A_48 = arith.constant 0 : i32
      %dma_start3A_49 = tpu.memref_slice %arg8[%dma_start3A_44, %dma_start3A_48] : memref<24x100xi32, #tpu.memory_space<vmem>> -> memref<1x100xi32, #tpu.memory_space<vmem>>
      %dma_start3A_50 = tpu.memref_squeeze %dma_start3A_49 : memref<1x100xi32, #tpu.memory_space<vmem>> -> memref<100xi32, #tpu.memory_space<vmem>>
      %dma_start3A_51 = arith.constant 0 : i32
      %dma_start3A_52 = arith.constant 0 : i32
      %dma_start3A_53 = tpu.memref_slice %arg2[%dma_start3A_51, %dma_start3A_52] : memref<20000x16xf32, #tpu.memory_space<hbm>> -> memref<20000x16xf32, #tpu.memory_space<hbm>>
      tpu.enqueue_indirect_dma source(%dma_start3A_53 : memref<20000x16xf32, #tpu.memory_space<hbm>>) target(%dma_start3A_47 : memref<100x16xf32, #tpu.memory_space<vmem>>) offsets(%dma_start3A_50 : memref<100xi32, #tpu.memory_space<vmem>>) semaphore(%arg14 : memref<!tpu.dma_semaphore, #tpu.memory_space<semaphore_mem>>)
      %dma_start3A_54 = arith.constant 4 : i32
      %dma_start3A_55 = arith.constant 400 : i32
      %dma_start3A_56 = arith.constant 0 : i32
      %dma_start3A_57 = tpu.memref_slice %arg9[%dma_start3A_55, %dma_start3A_56] : memref<2400x16xf32, #tpu.memory_space<vmem>> -> memref<100x16xf32, #tpu.memory_space<vmem>>
      %dma_start3A_58 = arith.constant 0 : i32
      %dma_start3A_59 = tpu.memref_slice %arg8[%dma_start3A_54, %dma_start3A_58] : memref<24x100xi32, #tpu.memory_space<vmem>> -> memref<1x100xi32, #tpu.memory_space<vmem>>
      %dma_start3A_60 = tpu.memref_squeeze %dma_start3A_59 : memref<1x100xi32, #tpu.memory_space<vmem>> -> memref<100xi32, #tpu.memory_space<vmem>>
      %dma_start3A_61 = arith.constant 0 : i32
      %dma_start3A_62 = arith.constant 0 : i32
      %dma_start3A_63 = tpu.memref_slice %arg2[%dma_start3A_61, %dma_start3A_62] : memref<20000x16xf32, #tpu.memory_space<hbm>> -> memref<20000x16xf32, #tpu.memory_space<hbm>>
      tpu.enqueue_indirect_dma source(%dma_start3A_63 : memref<20000x16xf32, #tpu.memory_space<hbm>>) target(%dma_start3A_57 : memref<100x16xf32, #tpu.memory_space<vmem>>) offsets(%dma_start3A_60 : memref<100xi32, #tpu.memory_space<vmem>>) semaphore(%arg14 : memref<!tpu.dma_semaphore, #tpu.memory_space<semaphore_mem>>)
      %dma_start3A_64 = arith.constant 5 : i32
      %dma_start3A_65 = arith.constant 500 : i32
      %dma_start3A_66 = arith.constant 0 : i32
      %dma_start3A_67 = tpu.memref_slice %arg9[%dma_start3A_65, %dma_start3A_66] : memref<2400x16xf32, #tpu.memory_space<vmem>> -> memref<100x16xf32, #tpu.memory_space<vmem>>
      %dma_start3A_68 = arith.constant 0 : i32
      %dma_start3A_69 = tpu.memref_slice %arg8[%dma_start3A_64, %dma_start3A_68] : memref<24x100xi32, #tpu.memory_space<vmem>> -> memref<1x100xi32, #tpu.memory_space<vmem>>
      %dma_start3A_70 = tpu.memref_squeeze %dma_start3A_69 : memref<1x100xi32, #tpu.memory_space<vmem>> -> memref<100xi32, #tpu.memory_space<vmem>>
      %dma_start3A_71 = arith.constant 0 : i32
      %dma_start3A_72 = arith.constant 0 : i32
      %dma_start3A_73 = tpu.memref_slice %arg2[%dma_start3A_71, %dma_start3A_72] : memref<20000x16xf32, #tpu.memory_space<hbm>> -> memref<20000x16xf32, #tpu.memory_space<hbm>>
      tpu.enqueue_indirect_dma source(%dma_start3A_73 : memref<20000x16xf32, #tpu.memory_space<hbm>>) target(%dma_start3A_67 : memref<100x16xf32, #tpu.memory_space<vmem>>) offsets(%dma_start3A_70 : memref<100xi32, #tpu.memory_space<vmem>>) semaphore(%arg14 : memref<!tpu.dma_semaphore, #tpu.memory_space<semaphore_mem>>)
      %dma_start3A_74 = arith.constant 6 : i32
      %dma_start3A_75 = arith.constant 600 : i32
      %dma_start3A_76 = arith.constant 0 : i32
      %dma_start3A_77 = tpu.memref_slice %arg9[%dma_start3A_75, %dma_start3A_76] : memref<2400x16xf32, #tpu.memory_space<vmem>> -> memref<100x16xf32, #tpu.memory_space<vmem>>
      %dma_start3A_78 = arith.constant 0 : i32
      %dma_start3A_79 = tpu.memref_slice %arg8[%dma_start3A_74, %dma_start3A_78] : memref<24x100xi32, #tpu.memory_space<vmem>> -> memref<1x100xi32, #tpu.memory_space<vmem>>
      %dma_start3A_80 = tpu.memref_squeeze %dma_start3A_79 : memref<1x100xi32, #tpu.memory_space<vmem>> -> memref<100xi32, #tpu.memory_space<vmem>>
      %dma_start3A_81 = arith.constant 0 : i32
      %dma_start3A_82 = arith.constant 0 : i32
      %dma_start3A_83 = tpu.memref_slice %arg2[%dma_start3A_81, %dma_start3A_82] : memref<20000x16xf32, #tpu.memory_space<hbm>> -> memref<20000x16xf32, #tpu.memory_space<hbm>>
      tpu.enqueue_indirect_dma source(%dma_start3A_83 : memref<20000x16xf32, #tpu.memory_space<hbm>>) target(%dma_start3A_77 : memref<100x16xf32, #tpu.memory_space<vmem>>) offsets(%dma_start3A_80 : memref<100xi32, #tpu.memory_space<vmem>>) semaphore(%arg14 : memref<!tpu.dma_semaphore, #tpu.memory_space<semaphore_mem>>)
      %dma_start3A_84 = arith.constant 7 : i32
      %dma_start3A_85 = arith.constant 700 : i32
      %dma_start3A_86 = arith.constant 0 : i32
      %dma_start3A_87 = tpu.memref_slice %arg9[%dma_start3A_85, %dma_start3A_86] : memref<2400x16xf32, #tpu.memory_space<vmem>> -> memref<100x16xf32, #tpu.memory_space<vmem>>
      %dma_start3A_88 = arith.constant 0 : i32
      %dma_start3A_89 = tpu.memref_slice %arg8[%dma_start3A_84, %dma_start3A_88] : memref<24x100xi32, #tpu.memory_space<vmem>> -> memref<1x100xi32, #tpu.memory_space<vmem>>
      %dma_start3A_90 = tpu.memref_squeeze %dma_start3A_89 : memref<1x100xi32, #tpu.memory_space<vmem>> -> memref<100xi32, #tpu.memory_space<vmem>>
      %dma_start3A_91 = arith.constant 0 : i32
      %dma_start3A_92 = arith.constant 0 : i32
      %dma_start3A_93 = tpu.memref_slice %arg2[%dma_start3A_91, %dma_start3A_92] : memref<20000x16xf32, #tpu.memory_space<hbm>> -> memref<20000x16xf32, #tpu.memory_space<hbm>>
      tpu.enqueue_indirect_dma source(%dma_start3A_93 : memref<20000x16xf32, #tpu.memory_space<hbm>>) target(%dma_start3A_87 : memref<100x16xf32, #tpu.memory_space<vmem>>) offsets(%dma_start3A_90 : memref<100xi32, #tpu.memory_space<vmem>>) semaphore(%arg14 : memref<!tpu.dma_semaphore, #tpu.memory_space<semaphore_mem>>)
      %dma_start3A_94 = arith.constant 8 : i32
      %dma_start3A_95 = arith.constant 800 : i32
      %dma_start3A_96 = arith.constant 0 : i32
      %dma_start3A_97 = tpu.memref_slice %arg9[%dma_start3A_95, %dma_start3A_96] : memref<2400x16xf32, #tpu.memory_space<vmem>> -> memref<100x16xf32, #tpu.memory_space<vmem>>
      %dma_start3A_98 = arith.constant 0 : i32
      %dma_start3A_99 = tpu.memref_slice %arg8[%dma_start3A_94, %dma_start3A_98] : memref<24x100xi32, #tpu.memory_space<vmem>> -> memref<1x100xi32, #tpu.memory_space<vmem>>
      %dma_start3A_100 = tpu.memref_squeeze %dma_start3A_99 : memref<1x100xi32, #tpu.memory_space<vmem>> -> memref<100xi32, #tpu.memory_space<vmem>>
      %dma_start3A_101 = arith.constant 0 : i32
      %dma_start3A_102 = arith.constant 0 : i32
      %dma_start3A_103 = tpu.memref_slice %arg2[%dma_start3A_101, %dma_start3A_102] : memref<20000x16xf32, #tpu.memory_space<hbm>> -> memref<20000x16xf32, #tpu.memory_space<hbm>>
      tpu.enqueue_indirect_dma source(%dma_start3A_103 : memref<20000x16xf32, #tpu.memory_space<hbm>>) target(%dma_start3A_97 : memref<100x16xf32, #tpu.memory_space<vmem>>) offsets(%dma_start3A_100 : memref<100xi32, #tpu.memory_space<vmem>>) semaphore(%arg14 : memref<!tpu.dma_semaphore, #tpu.memory_space<semaphore_mem>>)
      %dma_start3A_104 = arith.constant 9 : i32
      %dma_start3A_105 = arith.constant 900 : i32
      %dma_start3A_106 = arith.constant 0 : i32
      %dma_start3A_107 = tpu.memref_slice %arg9[%dma_start3A_105, %dma_start3A_106] : memref<2400x16xf32, #tpu.memory_space<vmem>> -> memref<100x16xf32, #tpu.memory_space<vmem>>
      %dma_start3A_108 = arith.constant 0 : i32
      %dma_start3A_109 = tpu.memref_slice %arg8[%dma_start3A_104, %dma_start3A_108] : memref<24x100xi32, #tpu.memory_space<vmem>> -> memref<1x100xi32, #tpu.memory_space<vmem>>
      %dma_start3A_110 = tpu.memref_squeeze %dma_start3A_109 : memref<1x100xi32, #tpu.memory_space<vmem>> -> memref<100xi32, #tpu.memory_space<vmem>>
      %dma_start3A_111 = arith.constant 0 : i32
      %dma_start3A_112 = arith.constant 0 : i32
      %dma_start3A_113 = tpu.memref_slice %arg2[%dma_start3A_111, %dma_start3A_112] : memref<20000x16xf32, #tpu.memory_space<hbm>> -> memref<20000x16xf32, #tpu.memory_space<hbm>>
      tpu.enqueue_indirect_dma source(%dma_start3A_113 : memref<20000x16xf32, #tpu.memory_space<hbm>>) target(%dma_start3A_107 : memref<100x16xf32, #tpu.memory_space<vmem>>) offsets(%dma_start3A_110 : memref<100xi32, #tpu.memory_space<vmem>>) semaphore(%arg14 : memref<!tpu.dma_semaphore, #tpu.memory_space<semaphore_mem>>)
      %dma_start3A_114 = arith.constant 10 : i32
      %dma_start3A_115 = arith.constant 1000 : i32
      %dma_start3A_116 = arith.constant 0 : i32
      %dma_start3A_117 = tpu.memref_slice %arg9[%dma_start3A_115, %dma_start3A_116] : memref<2400x16xf32, #tpu.memory_space<vmem>> -> memref<100x16xf32, #tpu.memory_space<vmem>>
      %dma_start3A_118 = arith.constant 0 : i32
      %dma_start3A_119 = tpu.memref_slice %arg8[%dma_start3A_114, %dma_start3A_118] : memref<24x100xi32, #tpu.memory_space<vmem>> -> memref<1x100xi32, #tpu.memory_space<vmem>>
      %dma_start3A_120 = tpu.memref_squeeze %dma_start3A_119 : memref<1x100xi32, #tpu.memory_space<vmem>> -> memref<100xi32, #tpu.memory_space<vmem>>
      %dma_start3A_121 = arith.constant 0 : i32
      %dma_start3A_122 = arith.constant 0 : i32
      %dma_start3A_123 = tpu.memref_slice %arg2[%dma_start3A_121, %dma_start3A_122] : memref<20000x16xf32, #tpu.memory_space<hbm>> -> memref<20000x16xf32, #tpu.memory_space<hbm>>
      tpu.enqueue_indirect_dma source(%dma_start3A_123 : memref<20000x16xf32, #tpu.memory_space<hbm>>) target(%dma_start3A_117 : memref<100x16xf32, #tpu.memory_space<vmem>>) offsets(%dma_start3A_120 : memref<100xi32, #tpu.memory_space<vmem>>) semaphore(%arg14 : memref<!tpu.dma_semaphore, #tpu.memory_space<semaphore_mem>>)
      %dma_start3A_124 = arith.constant 11 : i32
      %dma_start3A_125 = arith.constant 1100 : i32
      %dma_start3A_126 = arith.constant 0 : i32
      %dma_start3A_127 = tpu.memref_slice %arg9[%dma_start3A_125, %dma_start3A_126] : memref<2400x16xf32, #tpu.memory_space<vmem>> -> memref<100x16xf32, #tpu.memory_space<vmem>>
      %dma_start3A_128 = arith.constant 0 : i32
      %dma_start3A_129 = tpu.memref_slice %arg8[%dma_start3A_124, %dma_start3A_128] : memref<24x100xi32, #tpu.memory_space<vmem>> -> memref<1x100xi32, #tpu.memory_space<vmem>>
      %dma_start3A_130 = tpu.memref_squeeze %dma_start3A_129 : memref<1x100xi32, #tpu.memory_space<vmem>> -> memref<100xi32, #tpu.memory_space<vmem>>
      %dma_start3A_131 = arith.constant 0 : i32
      %dma_start3A_132 = arith.constant 0 : i32
      %dma_start3A_133 = tpu.memref_slice %arg2[%dma_start3A_131, %dma_start3A_132] : memref<20000x16xf32, #tpu.memory_space<hbm>> -> memref<20000x16xf32, #tpu.memory_space<hbm>>
      tpu.enqueue_indirect_dma source(%dma_start3A_133 : memref<20000x16xf32, #tpu.memory_space<hbm>>) target(%dma_start3A_127 : memref<100x16xf32, #tpu.memory_space<vmem>>) offsets(%dma_start3A_130 : memref<100xi32, #tpu.memory_space<vmem>>) semaphore(%arg14 : memref<!tpu.dma_semaphore, #tpu.memory_space<semaphore_mem>>)
      %dma_start3A_134 = arith.constant 12 : i32
      %dma_start3A_135 = arith.constant 1200 : i32
      %dma_start3A_136 = arith.constant 0 : i32
      %dma_start3A_137 = tpu.memref_slice %arg9[%dma_start3A_135, %dma_start3A_136] : memref<2400x16xf32, #tpu.memory_space<vmem>> -> memref<100x16xf32, #tpu.memory_space<vmem>>
      %dma_start3A_138 = arith.constant 0 : i32
      %dma_start3A_139 = tpu.memref_slice %arg8[%dma_start3A_134, %dma_start3A_138] : memref<24x100xi32, #tpu.memory_space<vmem>> -> memref<1x100xi32, #tpu.memory_space<vmem>>
      %dma_start3A_140 = tpu.memref_squeeze %dma_start3A_139 : memref<1x100xi32, #tpu.memory_space<vmem>> -> memref<100xi32, #tpu.memory_space<vmem>>
      %dma_start3A_141 = arith.constant 0 : i32
      %dma_start3A_142 = arith.constant 0 : i32
      %dma_start3A_143 = tpu.memref_slice %arg2[%dma_start3A_141, %dma_start3A_142] : memref<20000x16xf32, #tpu.memory_space<hbm>> -> memref<20000x16xf32, #tpu.memory_space<hbm>>
      tpu.enqueue_indirect_dma source(%dma_start3A_143 : memref<20000x16xf32, #tpu.memory_space<hbm>>) target(%dma_start3A_137 : memref<100x16xf32, #tpu.memory_space<vmem>>) offsets(%dma_start3A_140 : memref<100xi32, #tpu.memory_space<vmem>>) semaphore(%arg14 : memref<!tpu.dma_semaphore, #tpu.memory_space<semaphore_mem>>)
      %dma_start3A_144 = arith.constant 13 : i32
      %dma_start3A_145 = arith.constant 1300 : i32
      %dma_start3A_146 = arith.constant 0 : i32
      %dma_start3A_147 = tpu.memref_slice %arg9[%dma_start3A_145, %dma_start3A_146] : memref<2400x16xf32, #tpu.memory_space<vmem>> -> memref<100x16xf32, #tpu.memory_space<vmem>>
      %dma_start3A_148 = arith.constant 0 : i32
      %dma_start3A_149 = tpu.memref_slice %arg8[%dma_start3A_144, %dma_start3A_148] : memref<24x100xi32, #tpu.memory_space<vmem>> -> memref<1x100xi32, #tpu.memory_space<vmem>>
      %dma_start3A_150 = tpu.memref_squeeze %dma_start3A_149 : memref<1x100xi32, #tpu.memory_space<vmem>> -> memref<100xi32, #tpu.memory_space<vmem>>
      %dma_start3A_151 = arith.constant 0 : i32
      %dma_start3A_152 = arith.constant 0 : i32
      %dma_start3A_153 = tpu.memref_slice %arg2[%dma_start3A_151, %dma_start3A_152] : memref<20000x16xf32, #tpu.memory_space<hbm>> -> memref<20000x16xf32, #tpu.memory_space<hbm>>
      tpu.enqueue_indirect_dma source(%dma_start3A_153 : memref<20000x16xf32, #tpu.memory_space<hbm>>) target(%dma_start3A_147 : memref<100x16xf32, #tpu.memory_space<vmem>>) offsets(%dma_start3A_150 : memref<100xi32, #tpu.memory_space<vmem>>) semaphore(%arg14 : memref<!tpu.dma_semaphore, #tpu.memory_space<semaphore_mem>>)
      %dma_start3A_154 = arith.constant 14 : i32
      %dma_start3A_155 = arith.constant 1400 : i32
      %dma_start3A_156 = arith.constant 0 : i32
      %dma_start3A_157 = tpu.memref_slice %arg9[%dma_start3A_155, %dma_start3A_156] : memref<2400x16xf32, #tpu.memory_space<vmem>> -> memref<100x16xf32, #tpu.memory_space<vmem>>
      %dma_start3A_158 = arith.constant 0 : i32
      %dma_start3A_159 = tpu.memref_slice %arg8[%dma_start3A_154, %dma_start3A_158] : memref<24x100xi32, #tpu.memory_space<vmem>> -> memref<1x100xi32, #tpu.memory_space<vmem>>
      %dma_start3A_160 = tpu.memref_squeeze %dma_start3A_159 : memref<1x100xi32, #tpu.memory_space<vmem>> -> memref<100xi32, #tpu.memory_space<vmem>>
      %dma_start3A_161 = arith.constant 0 : i32
      %dma_start3A_162 = arith.constant 0 : i32
      %dma_start3A_163 = tpu.memref_slice %arg2[%dma_start3A_161, %dma_start3A_162] : memref<20000x16xf32, #tpu.memory_space<hbm>> -> memref<20000x16xf32, #tpu.memory_space<hbm>>
      tpu.enqueue_indirect_dma source(%dma_start3A_163 : memref<20000x16xf32, #tpu.memory_space<hbm>>) target(%dma_start3A_157 : memref<100x16xf32, #tpu.memory_space<vmem>>) offsets(%dma_start3A_160 : memref<100xi32, #tpu.memory_space<vmem>>) semaphore(%arg14 : memref<!tpu.dma_semaphore, #tpu.memory_space<semaphore_mem>>)
      %dma_start3A_164 = arith.constant 15 : i32
      %dma_start3A_165 = arith.constant 1500 : i32
      %dma_start3A_166 = arith.constant 0 : i32
      %dma_start3A_167 = tpu.memref_slice %arg9[%dma_start3A_165, %dma_start3A_166] : memref<2400x16xf32, #tpu.memory_space<vmem>> -> memref<100x16xf32, #tpu.memory_space<vmem>>
      %dma_start3A_168 = arith.constant 0 : i32
      %dma_start3A_169 = tpu.memref_slice %arg8[%dma_start3A_164, %dma_start3A_168] : memref<24x100xi32, #tpu.memory_space<vmem>> -> memref<1x100xi32, #tpu.memory_space<vmem>>
      %dma_start3A_170 = tpu.memref_squeeze %dma_start3A_169 : memref<1x100xi32, #tpu.memory_space<vmem>> -> memref<100xi32, #tpu.memory_space<vmem>>
      %dma_start3A_171 = arith.constant 0 : i32
      %dma_start3A_172 = arith.constant 0 : i32
      %dma_start3A_173 = tpu.memref_slice %arg2[%dma_start3A_171, %dma_start3A_172] : memref<20000x16xf32, #tpu.memory_space<hbm>> -> memref<20000x16xf32, #tpu.memory_space<hbm>>
      tpu.enqueue_indirect_dma source(%dma_start3A_173 : memref<20000x16xf32, #tpu.memory_space<hbm>>) target(%dma_start3A_167 : memref<100x16xf32, #tpu.memory_space<vmem>>) offsets(%dma_start3A_170 : memref<100xi32, #tpu.memory_space<vmem>>) semaphore(%arg14 : memref<!tpu.dma_semaphore, #tpu.memory_space<semaphore_mem>>)
      %dma_start3A_174 = arith.constant 16 : i32
      %dma_start3A_175 = arith.constant 1600 : i32
      %dma_start3A_176 = arith.constant 0 : i32
      %dma_start3A_177 = tpu.memref_slice %arg9[%dma_start3A_175, %dma_start3A_176] : memref<2400x16xf32, #tpu.memory_space<vmem>> -> memref<100x16xf32, #tpu.memory_space<vmem>>
      %dma_start3A_178 = arith.constant 0 : i32
      %dma_start3A_179 = tpu.memref_slice %arg8[%dma_start3A_174, %dma_start3A_178] : memref<24x100xi32, #tpu.memory_space<vmem>> -> memref<1x100xi32, #tpu.memory_space<vmem>>
      %dma_start3A_180 = tpu.memref_squeeze %dma_start3A_179 : memref<1x100xi32, #tpu.memory_space<vmem>> -> memref<100xi32, #tpu.memory_space<vmem>>
      %dma_start3A_181 = arith.constant 0 : i32
      %dma_start3A_182 = arith.constant 0 : i32
      %dma_start3A_183 = tpu.memref_slice %arg2[%dma_start3A_181, %dma_start3A_182] : memref<20000x16xf32, #tpu.memory_space<hbm>> -> memref<20000x16xf32, #tpu.memory_space<hbm>>
      tpu.enqueue_indirect_dma source(%dma_start3A_183 : memref<20000x16xf32, #tpu.memory_space<hbm>>) target(%dma_start3A_177 : memref<100x16xf32, #tpu.memory_space<vmem>>) offsets(%dma_start3A_180 : memref<100xi32, #tpu.memory_space<vmem>>) semaphore(%arg14 : memref<!tpu.dma_semaphore, #tpu.memory_space<semaphore_mem>>)
      %dma_start3A_184 = arith.constant 17 : i32
      %dma_start3A_185 = arith.constant 1700 : i32
      %dma_start3A_186 = arith.constant 0 : i32
      %dma_start3A_187 = tpu.memref_slice %arg9[%dma_start3A_185, %dma_start3A_186] : memref<2400x16xf32, #tpu.memory_space<vmem>> -> memref<100x16xf32, #tpu.memory_space<vmem>>
      %dma_start3A_188 = arith.constant 0 : i32
      %dma_start3A_189 = tpu.memref_slice %arg8[%dma_start3A_184, %dma_start3A_188] : memref<24x100xi32, #tpu.memory_space<vmem>> -> memref<1x100xi32, #tpu.memory_space<vmem>>
      %dma_start3A_190 = tpu.memref_squeeze %dma_start3A_189 : memref<1x100xi32, #tpu.memory_space<vmem>> -> memref<100xi32, #tpu.memory_space<vmem>>
      %dma_start3A_191 = arith.constant 0 : i32
      %dma_start3A_192 = arith.constant 0 : i32
      %dma_start3A_193 = tpu.memref_slice %arg2[%dma_start3A_191, %dma_start3A_192] : memref<20000x16xf32, #tpu.memory_space<hbm>> -> memref<20000x16xf32, #tpu.memory_space<hbm>>
      tpu.enqueue_indirect_dma source(%dma_start3A_193 : memref<20000x16xf32, #tpu.memory_space<hbm>>) target(%dma_start3A_187 : memref<100x16xf32, #tpu.memory_space<vmem>>) offsets(%dma_start3A_190 : memref<100xi32, #tpu.memory_space<vmem>>) semaphore(%arg14 : memref<!tpu.dma_semaphore, #tpu.memory_space<semaphore_mem>>)
      %dma_start3A_194 = arith.constant 18 : i32
      %dma_start3A_195 = arith.constant 1800 : i32
      %dma_start3A_196 = arith.constant 0 : i32
      %dma_start3A_197 = tpu.memref_slice %arg9[%dma_start3A_195, %dma_start3A_196] : memref<2400x16xf32, #tpu.memory_space<vmem>> -> memref<100x16xf32, #tpu.memory_space<vmem>>
      %dma_start3A_198 = arith.constant 0 : i32
      %dma_start3A_199 = tpu.memref_slice %arg8[%dma_start3A_194, %dma_start3A_198] : memref<24x100xi32, #tpu.memory_space<vmem>> -> memref<1x100xi32, #tpu.memory_space<vmem>>
      %dma_start3A_200 = tpu.memref_squeeze %dma_start3A_199 : memref<1x100xi32, #tpu.memory_space<vmem>> -> memref<100xi32, #tpu.memory_space<vmem>>
      %dma_start3A_201 = arith.constant 0 : i32
      %dma_start3A_202 = arith.constant 0 : i32
      %dma_start3A_203 = tpu.memref_slice %arg2[%dma_start3A_201, %dma_start3A_202] : memref<20000x16xf32, #tpu.memory_space<hbm>> -> memref<20000x16xf32, #tpu.memory_space<hbm>>
      tpu.enqueue_indirect_dma source(%dma_start3A_203 : memref<20000x16xf32, #tpu.memory_space<hbm>>) target(%dma_start3A_197 : memref<100x16xf32, #tpu.memory_space<vmem>>) offsets(%dma_start3A_200 : memref<100xi32, #tpu.memory_space<vmem>>) semaphore(%arg14 : memref<!tpu.dma_semaphore, #tpu.memory_space<semaphore_mem>>)
      %dma_start3A_204 = arith.constant 19 : i32
      %dma_start3A_205 = arith.constant 1900 : i32
      %dma_start3A_206 = arith.constant 0 : i32
      %dma_start3A_207 = tpu.memref_slice %arg9[%dma_start3A_205, %dma_start3A_206] : memref<2400x16xf32, #tpu.memory_space<vmem>> -> memref<100x16xf32, #tpu.memory_space<vmem>>
      %dma_start3A_208 = arith.constant 0 : i32
      %dma_start3A_209 = tpu.memref_slice %arg8[%dma_start3A_204, %dma_start3A_208] : memref<24x100xi32, #tpu.memory_space<vmem>> -> memref<1x100xi32, #tpu.memory_space<vmem>>
      %dma_start3A_210 = tpu.memref_squeeze %dma_start3A_209 : memref<1x100xi32, #tpu.memory_space<vmem>> -> memref<100xi32, #tpu.memory_space<vmem>>
      %dma_start3A_211 = arith.constant 0 : i32
      %dma_start3A_212 = arith.constant 0 : i32
      %dma_start3A_213 = tpu.memref_slice %arg2[%dma_start3A_211, %dma_start3A_212] : memref<20000x16xf32, #tpu.memory_space<hbm>> -> memref<20000x16xf32, #tpu.memory_space<hbm>>
      tpu.enqueue_indirect_dma source(%dma_start3A_213 : memref<20000x16xf32, #tpu.memory_space<hbm>>) target(%dma_start3A_207 : memref<100x16xf32, #tpu.memory_space<vmem>>) offsets(%dma_start3A_210 : memref<100xi32, #tpu.memory_space<vmem>>) semaphore(%arg14 : memref<!tpu.dma_semaphore, #tpu.memory_space<semaphore_mem>>)
      %dma_start3A_214 = arith.constant 20 : i32
      %dma_start3A_215 = arith.constant 2000 : i32
      %dma_start3A_216 = arith.constant 0 : i32
      %dma_start3A_217 = tpu.memref_slice %arg9[%dma_start3A_215, %dma_start3A_216] : memref<2400x16xf32, #tpu.memory_space<vmem>> -> memref<100x16xf32, #tpu.memory_space<vmem>>
      %dma_start3A_218 = arith.constant 0 : i32
      %dma_start3A_219 = tpu.memref_slice %arg8[%dma_start3A_214, %dma_start3A_218] : memref<24x100xi32, #tpu.memory_space<vmem>> -> memref<1x100xi32, #tpu.memory_space<vmem>>
      %dma_start3A_220 = tpu.memref_squeeze %dma_start3A_219 : memref<1x100xi32, #tpu.memory_space<vmem>> -> memref<100xi32, #tpu.memory_space<vmem>>
      %dma_start3A_221 = arith.constant 0 : i32
      %dma_start3A_222 = arith.constant 0 : i32
      %dma_start3A_223 = tpu.memref_slice %arg2[%dma_start3A_221, %dma_start3A_222] : memref<20000x16xf32, #tpu.memory_space<hbm>> -> memref<20000x16xf32, #tpu.memory_space<hbm>>
      tpu.enqueue_indirect_dma source(%dma_start3A_223 : memref<20000x16xf32, #tpu.memory_space<hbm>>) target(%dma_start3A_217 : memref<100x16xf32, #tpu.memory_space<vmem>>) offsets(%dma_start3A_220 : memref<100xi32, #tpu.memory_space<vmem>>) semaphore(%arg14 : memref<!tpu.dma_semaphore, #tpu.memory_space<semaphore_mem>>)
      %dma_start3A_224 = arith.constant 21 : i32
      %dma_start3A_225 = arith.constant 2100 : i32
      %dma_start3A_226 = arith.constant 0 : i32
      %dma_start3A_227 = tpu.memref_slice %arg9[%dma_start3A_225, %dma_start3A_226] : memref<2400x16xf32, #tpu.memory_space<vmem>> -> memref<100x16xf32, #tpu.memory_space<vmem>>
      %dma_start3A_228 = arith.constant 0 : i32
      %dma_start3A_229 = tpu.memref_slice %arg8[%dma_start3A_224, %dma_start3A_228] : memref<24x100xi32, #tpu.memory_space<vmem>> -> memref<1x100xi32, #tpu.memory_space<vmem>>
      %dma_start3A_230 = tpu.memref_squeeze %dma_start3A_229 : memref<1x100xi32, #tpu.memory_space<vmem>> -> memref<100xi32, #tpu.memory_space<vmem>>
      %dma_start3A_231 = arith.constant 0 : i32
      %dma_start3A_232 = arith.constant 0 : i32
      %dma_start3A_233 = tpu.memref_slice %arg2[%dma_start3A_231, %dma_start3A_232] : memref<20000x16xf32, #tpu.memory_space<hbm>> -> memref<20000x16xf32, #tpu.memory_space<hbm>>
      tpu.enqueue_indirect_dma source(%dma_start3A_233 : memref<20000x16xf32, #tpu.memory_space<hbm>>) target(%dma_start3A_227 : memref<100x16xf32, #tpu.memory_space<vmem>>) offsets(%dma_start3A_230 : memref<100xi32, #tpu.memory_space<vmem>>) semaphore(%arg14 : memref<!tpu.dma_semaphore, #tpu.memory_space<semaphore_mem>>)
      %dma_start3A_234 = arith.constant 22 : i32
      %dma_start3A_235 = arith.constant 2200 : i32
      %dma_start3A_236 = arith.constant 0 : i32
      %dma_start3A_237 = tpu.memref_slice %arg9[%dma_start3A_235, %dma_start3A_236] : memref<2400x16xf32, #tpu.memory_space<vmem>> -> memref<100x16xf32, #tpu.memory_space<vmem>>
      %dma_start3A_238 = arith.constant 0 : i32
      %dma_start3A_239 = tpu.memref_slice %arg8[%dma_start3A_234, %dma_start3A_238] : memref<24x100xi32, #tpu.memory_space<vmem>> -> memref<1x100xi32, #tpu.memory_space<vmem>>
      %dma_start3A_240 = tpu.memref_squeeze %dma_start3A_239 : memref<1x100xi32, #tpu.memory_space<vmem>> -> memref<100xi32, #tpu.memory_space<vmem>>
      %dma_start3A_241 = arith.constant 0 : i32
      %dma_start3A_242 = arith.constant 0 : i32
      %dma_start3A_243 = tpu.memref_slice %arg2[%dma_start3A_241, %dma_start3A_242] : memref<20000x16xf32, #tpu.memory_space<hbm>> -> memref<20000x16xf32, #tpu.memory_space<hbm>>
      tpu.enqueue_indirect_dma source(%dma_start3A_243 : memref<20000x16xf32, #tpu.memory_space<hbm>>) target(%dma_start3A_237 : memref<100x16xf32, #tpu.memory_space<vmem>>) offsets(%dma_start3A_240 : memref<100xi32, #tpu.memory_space<vmem>>) semaphore(%arg14 : memref<!tpu.dma_semaphore, #tpu.memory_space<semaphore_mem>>)
      %dma_start3A_244 = arith.constant 23 : i32
      %dma_start3A_245 = arith.constant 2300 : i32
      %dma_start3A_246 = arith.constant 0 : i32
      %dma_start3A_247 = tpu.memref_slice %arg9[%dma_start3A_245, %dma_start3A_246] : memref<2400x16xf32, #tpu.memory_space<vmem>> -> memref<100x16xf32, #tpu.memory_space<vmem>>
      %dma_start3A_248 = arith.constant 0 : i32
      %dma_start3A_249 = tpu.memref_slice %arg8[%dma_start3A_244, %dma_start3A_248] : memref<24x100xi32, #tpu.memory_space<vmem>> -> memref<1x100xi32, #tpu.memory_space<vmem>>
      %dma_start3A_250 = tpu.memref_squeeze %dma_start3A_249 : memref<1x100xi32, #tpu.memory_space<vmem>> -> memref<100xi32, #tpu.memory_space<vmem>>
      %dma_start3A_251 = arith.constant 0 : i32
      %dma_start3A_252 = arith.constant 0 : i32
      %dma_start3A_253 = tpu.memref_slice %arg2[%dma_start3A_251, %dma_start3A_252] : memref<20000x16xf32, #tpu.memory_space<hbm>> -> memref<20000x16xf32, #tpu.memory_space<hbm>>
      tpu.enqueue_indirect_dma source(%dma_start3A_253 : memref<20000x16xf32, #tpu.memory_space<hbm>>) target(%dma_start3A_247 : memref<100x16xf32, #tpu.memory_space<vmem>>) offsets(%dma_start3A_250 : memref<100xi32, #tpu.memory_space<vmem>>) semaphore(%arg14 : memref<!tpu.dma_semaphore, #tpu.memory_space<semaphore_mem>>)
      "tpu.region"() ({
        %run_scoped3A = tpu.sem_alloc : memref<!tpu.dma_semaphore, #tpu.memory_space<semaphore_mem>>
        %dma_start3A_501 = arith.constant 0 : i32
        %dma_start3A_502 = tpu.memref_slice %arg4[%add3A, %scan3A_9, %dma_start3A_501] : memref<32x8x2400xf32, #tpu.memory_space<hbm>> -> memref<1x1x2400xf32, #tpu.memory_space<hbm>>
        %dma_start3A_503 = tpu.memref_squeeze %dma_start3A_502 : memref<1x1x2400xf32, #tpu.memory_space<hbm>> -> memref<2400xf32, #tpu.memory_space<hbm>>
        %dma_start3A_504 = arith.constant 0 : i32
        %dma_start3A_505 = tpu.memref_slice %arg4[%add3A, %scan3A_9, %dma_start3A_504] : memref<32x8x2400xf32, #tpu.memory_space<hbm>> -> memref<1x1x2400xf32, #tpu.memory_space<hbm>>
        %dma_start3A_506 = tpu.memref_squeeze %dma_start3A_505 : memref<1x1x2400xf32, #tpu.memory_space<hbm>> -> memref<2400xf32, #tpu.memory_space<hbm>>
        tpu.enqueue_dma source(%dma_start3A_506 : memref<2400xf32, #tpu.memory_space<hbm>>) target(%arg11 : memref<2400xf32, #tpu.memory_space<vmem>>) target_semaphore(%run_scoped3A : memref<!tpu.dma_semaphore, #tpu.memory_space<semaphore_mem>>)
        %dma_wait3A_507 = arith.constant 0 : i32
        %dma_wait3A_508 = tpu.memref_slice %arg4[%add3A, %scan3A_9, %dma_wait3A_507] : memref<32x8x2400xf32, #tpu.memory_space<hbm>> -> memref<1x1x2400xf32, #tpu.memory_space<hbm>>
        %dma_wait3A_509 = tpu.memref_squeeze %dma_wait3A_508 : memref<1x1x2400xf32, #tpu.memory_space<hbm>> -> memref<2400xf32, #tpu.memory_space<hbm>>
        %dma_wait3A_510 = arith.constant 0 : i32
        %dma_wait3A_511 = tpu.memref_slice %arg4[%add3A, %scan3A_9, %dma_wait3A_510] : memref<32x8x2400xf32, #tpu.memory_space<hbm>> -> memref<1x1x2400xf32, #tpu.memory_space<hbm>>
        %dma_wait3A_512 = tpu.memref_squeeze %dma_wait3A_511 : memref<1x1x2400xf32, #tpu.memory_space<hbm>> -> memref<2400xf32, #tpu.memory_space<hbm>>
        tpu.wait_dma2 semaphore(%run_scoped3A : memref<!tpu.dma_semaphore, #tpu.memory_space<semaphore_mem>>) src(%dma_wait3A_512 : memref<2400xf32, #tpu.memory_space<hbm>>) dst(%arg11 : memref<2400xf32, #tpu.memory_space<vmem>>)
        tpu.yield
      }) : () -> ()
      %parallel_loop3A = arith.constant 0 : i32
      %parallel_loop3A_254 = arith.constant 150 : i32
      %parallel_loop3A_255 = arith.constant 1 : i32
      scf.for %parallel_loop3A_501 = %parallel_loop3A to %parallel_loop3A_254 step %parallel_loop3A_255  : i32 {
        %parallel_loop3A_502 = arith.constant 16 : i32
        %parallel_loop3A_503 = arith.muli %parallel_loop3A_501, %parallel_loop3A_502 : i32
        %parallel_loop3A_504 = arith.index_cast %parallel_loop3A_503 : i32 to index
        %parallel_loop3A_505 = tpu.vector_load %arg11[%parallel_loop3A_504] {strides = array<i32>} : memref<2400xf32, #tpu.memory_space<vmem>>, vector<16xf32>,
        %parallel_loop3A_506 = arith.constant 0 : i32
        %parallel_loop3A_507 = vector.broadcast %parallel_loop3A_506 : i32 to vector<16xi32>
        %parallel_loop3A_508 = arith.constant 1.000000e-01 : f32
        %parallel_loop3A_509 = vector.broadcast %parallel_loop3A_508 : f32 to vector<16xf32>
        %parallel_loop3A_510 = arith.cmpf ogt, %parallel_loop3A_505, %parallel_loop3A_509 : vector<16xf32>
        %parallel_loop3A_511 = arith.constant 1 : i32
        %parallel_loop3A_512 = arith.constant 0 : i32
        %parallel_loop3A_513 = vector.broadcast %parallel_loop3A_511 : i32 to vector<16xi32>
        %parallel_loop3A_514 = vector.broadcast %parallel_loop3A_512 : i32 to vector<16xi32>
        %parallel_loop3A_515 = arith.select %parallel_loop3A_510, %parallel_loop3A_513, %parallel_loop3A_514 : vector<16xi1>, vector<16xi32>
        %parallel_loop3A_516 = arith.addi %parallel_loop3A_507, %parallel_loop3A_515 : vector<16xi32>
        %parallel_loop3A_517 = arith.constant 2.000000e-01 : f32
        %parallel_loop3A_518 = vector.broadcast %parallel_loop3A_517 : f32 to vector<16xf32>
        %parallel_loop3A_519 = arith.cmpf ogt, %parallel_loop3A_505, %parallel_loop3A_518 : vector<16xf32>
        %parallel_loop3A_520 = arith.constant 1 : i32
        %parallel_loop3A_521 = arith.constant 0 : i32
        %parallel_loop3A_522 = vector.broadcast %parallel_loop3A_520 : i32 to vector<16xi32>
        %parallel_loop3A_523 = vector.broadcast %parallel_loop3A_521 : i32 to vector<16xi32>
        %parallel_loop3A_524 = arith.select %parallel_loop3A_519, %parallel_loop3A_522, %parallel_loop3A_523 : vector<16xi1>, vector<16xi32>
        %parallel_loop3A_525 = arith.addi %parallel_loop3A_516, %parallel_loop3A_524 : vector<16xi32>
        %parallel_loop3A_526 = arith.constant 3.000000e-01 : f32
        %parallel_loop3A_527 = vector.broadcast %parallel_loop3A_526 : f32 to vector<16xf32>
        %parallel_loop3A_528 = arith.cmpf ogt, %parallel_loop3A_505, %parallel_loop3A_527 : vector<16xf32>
        %parallel_loop3A_529 = arith.constant 1 : i32
        %parallel_loop3A_530 = arith.constant 0 : i32
        %parallel_loop3A_531 = vector.broadcast %parallel_loop3A_529 : i32 to vector<16xi32>
        %parallel_loop3A_532 = vector.broadcast %parallel_loop3A_530 : i32 to vector<16xi32>
        %parallel_loop3A_533 = arith.select %parallel_loop3A_528, %parallel_loop3A_531, %parallel_loop3A_532 : vector<16xi1>, vector<16xi32>
        %parallel_loop3A_534 = arith.addi %parallel_loop3A_525, %parallel_loop3A_533 : vector<16xi32>
        %parallel_loop3A_535 = arith.constant 4.000000e-01 : f32
        %parallel_loop3A_536 = vector.broadcast %parallel_loop3A_535 : f32 to vector<16xf32>
        %parallel_loop3A_537 = arith.cmpf ogt, %parallel_loop3A_505, %parallel_loop3A_536 : vector<16xf32>
        %parallel_loop3A_538 = arith.constant 1 : i32
        %parallel_loop3A_539 = arith.constant 0 : i32
        %parallel_loop3A_540 = vector.broadcast %parallel_loop3A_538 : i32 to vector<16xi32>
        %parallel_loop3A_541 = vector.broadcast %parallel_loop3A_539 : i32 to vector<16xi32>
        %parallel_loop3A_542 = arith.select %parallel_loop3A_537, %parallel_loop3A_540, %parallel_loop3A_541 : vector<16xi1>, vector<16xi32>
        %parallel_loop3A_543 = arith.addi %parallel_loop3A_534, %parallel_loop3A_542 : vector<16xi32>
        %parallel_loop3A_544 = arith.constant 5.000000e-01 : f32
        %parallel_loop3A_545 = vector.broadcast %parallel_loop3A_544 : f32 to vector<16xf32>
        %parallel_loop3A_546 = arith.cmpf ogt, %parallel_loop3A_505, %parallel_loop3A_545 : vector<16xf32>
        %parallel_loop3A_547 = arith.constant 1 : i32
        %parallel_loop3A_548 = arith.constant 0 : i32
        %parallel_loop3A_549 = vector.broadcast %parallel_loop3A_547 : i32 to vector<16xi32>
        %parallel_loop3A_550 = vector.broadcast %parallel_loop3A_548 : i32 to vector<16xi32>
        %parallel_loop3A_551 = arith.select %parallel_loop3A_546, %parallel_loop3A_549, %parallel_loop3A_550 : vector<16xi1>, vector<16xi32>
        %parallel_loop3A_552 = arith.addi %parallel_loop3A_543, %parallel_loop3A_551 : vector<16xi32>
        %parallel_loop3A_553 = arith.constant 6.000000e-01 : f32
        %parallel_loop3A_554 = vector.broadcast %parallel_loop3A_553 : f32 to vector<16xf32>
        %parallel_loop3A_555 = arith.cmpf ogt, %parallel_loop3A_505, %parallel_loop3A_554 : vector<16xf32>
        %parallel_loop3A_556 = arith.constant 1 : i32
        %parallel_loop3A_557 = arith.constant 0 : i32
        %parallel_loop3A_558 = vector.broadcast %parallel_loop3A_556 : i32 to vector<16xi32>
        %parallel_loop3A_559 = vector.broadcast %parallel_loop3A_557 : i32 to vector<16xi32>
        %parallel_loop3A_560 = arith.select %parallel_loop3A_555, %parallel_loop3A_558, %parallel_loop3A_559 : vector<16xi1>, vector<16xi32>
        %parallel_loop3A_561 = arith.addi %parallel_loop3A_552, %parallel_loop3A_560 : vector<16xi32>
        %parallel_loop3A_562 = arith.constant 0.699999988 : f32
        %parallel_loop3A_563 = vector.broadcast %parallel_loop3A_562 : f32 to vector<16xf32>
        %parallel_loop3A_564 = arith.cmpf ogt, %parallel_loop3A_505, %parallel_loop3A_563 : vector<16xf32>
        %parallel_loop3A_565 = arith.constant 1 : i32
        %parallel_loop3A_566 = arith.constant 0 : i32
        %parallel_loop3A_567 = vector.broadcast %parallel_loop3A_565 : i32 to vector<16xi32>
        %parallel_loop3A_568 = vector.broadcast %parallel_loop3A_566 : i32 to vector<16xi32>
        %parallel_loop3A_569 = arith.select %parallel_loop3A_564, %parallel_loop3A_567, %parallel_loop3A_568 : vector<16xi1>, vector<16xi32>
        %parallel_loop3A_570 = arith.addi %parallel_loop3A_561, %parallel_loop3A_569 : vector<16xi32>
        %parallel_loop3A_571 = arith.constant 8.000000e-01 : f32
        %parallel_loop3A_572 = vector.broadcast %parallel_loop3A_571 : f32 to vector<16xf32>
        %parallel_loop3A_573 = arith.cmpf ogt, %parallel_loop3A_505, %parallel_loop3A_572 : vector<16xf32>
        %parallel_loop3A_574 = arith.constant 1 : i32
        %parallel_loop3A_575 = arith.constant 0 : i32
        %parallel_loop3A_576 = vector.broadcast %parallel_loop3A_574 : i32 to vector<16xi32>
        %parallel_loop3A_577 = vector.broadcast %parallel_loop3A_575 : i32 to vector<16xi32>
        %parallel_loop3A_578 = arith.select %parallel_loop3A_573, %parallel_loop3A_576, %parallel_loop3A_577 : vector<16xi1>, vector<16xi32>
        %parallel_loop3A_579 = arith.addi %parallel_loop3A_570, %parallel_loop3A_578 : vector<16xi32>
        %parallel_loop3A_580 = arith.constant 0.899999976 : f32
        %parallel_loop3A_581 = vector.broadcast %parallel_loop3A_580 : f32 to vector<16xf32>
        %parallel_loop3A_582 = arith.cmpf ogt, %parallel_loop3A_505, %parallel_loop3A_581 : vector<16xf32>
        %parallel_loop3A_583 = arith.constant 1 : i32
        %parallel_loop3A_584 = arith.constant 0 : i32
        %parallel_loop3A_585 = vector.broadcast %parallel_loop3A_583 : i32 to vector<16xi32>
        %parallel_loop3A_586 = vector.broadcast %parallel_loop3A_584 : i32 to vector<16xi32>
        %parallel_loop3A_587 = arith.select %parallel_loop3A_582, %parallel_loop3A_585, %parallel_loop3A_586 : vector<16xi1>, vector<16xi32>
        %parallel_loop3A_588 = arith.addi %parallel_loop3A_579, %parallel_loop3A_587 : vector<16xi32>
        %parallel_loop3A_589 = arith.constant 16 : i32
        %parallel_loop3A_590 = arith.muli %parallel_loop3A_501, %parallel_loop3A_589 : i32
        %parallel_loop3A_591 = arith.index_cast %parallel_loop3A_590 : i32 to index
        %parallel_loop3A_592 = tpu.vector_load %arg12[%parallel_loop3A_591] {strides = array<i32>} : memref<2400xi32, #tpu.memory_space<vmem>>, vector<16xi32>,
        %parallel_loop3A_593 = arith.constant 3 : i32
        %parallel_loop3A_594 = vector.broadcast %parallel_loop3A_593 : i32 to vector<16xi32>
        %parallel_loop3A_595 = arith.shrui %parallel_loop3A_592, %parallel_loop3A_594 : vector<16xi32>
        %parallel_loop3A_596 = arith.constant 7 : i32
        %parallel_loop3A_597 = vector.broadcast %parallel_loop3A_596 : i32 to vector<16xi32>
        %parallel_loop3A_598 = arith.andi %parallel_loop3A_592, %parallel_loop3A_597 : vector<16xi32>
        %parallel_loop3A_599 = arith.constant 4 : i32
        %parallel_loop3A_600 = vector.broadcast %parallel_loop3A_599 : i32 to vector<16xi32>
        %parallel_loop3A_601 = arith.muli %parallel_loop3A_588, %parallel_loop3A_600 : vector<16xi32>
        %parallel_loop3A_602 = arith.constant 0 : i32
        %parallel_loop3A_603 = vector.broadcast %parallel_loop3A_602 : i32 to vector<16xi32>
        %parallel_loop3A_604 = arith.addi %parallel_loop3A_601, %parallel_loop3A_603 : vector<16xi32>
        %parallel_loop3A_605 = tpu.vector_load_idx %arg13[%parallel_loop3A_604] : memref<40xf32, #tpu.memory_space<vmem>>[vector<16xi32>], vector<16xf32>,
        %parallel_loop3A_606 = arith.constant 4864 : i32
        %parallel_loop3A_607 = vector.broadcast %parallel_loop3A_606 : i32 to vector<16xi32>
        %parallel_loop3A_608 = arith.addi %parallel_loop3A_595, %parallel_loop3A_607 : vector<16xi32>
        tpu.vector_store_idx %arg10[%parallel_loop3A_608, %parallel_loop3A_598], %parallel_loop3A_605 : memref<6080x8xf32, #tpu.memory_space<vmem>>[vector<16xi32>, vector<16xi32>], vector<16xf32>,
        %parallel_loop3A_609 = arith.constant 1 : i32
        %parallel_loop3A_610 = vector.broadcast %parallel_loop3A_609 : i32 to vector<16xi32>
        %parallel_loop3A_611 = arith.addi %parallel_loop3A_601, %parallel_loop3A_610 : vector<16xi32>
        %parallel_loop3A_612 = tpu.vector_load_idx %arg13[%parallel_loop3A_611] : memref<40xf32, #tpu.memory_space<vmem>>[vector<16xi32>], vector<16xf32>,
        %parallel_loop3A_613 = arith.constant 5168 : i32
        %parallel_loop3A_614 = vector.broadcast %parallel_loop3A_613 : i32 to vector<16xi32>
        %parallel_loop3A_615 = arith.addi %parallel_loop3A_595, %parallel_loop3A_614 : vector<16xi32>
        tpu.vector_store_idx %arg10[%parallel_loop3A_615, %parallel_loop3A_598], %parallel_loop3A_612 : memref<6080x8xf32, #tpu.memory_space<vmem>>[vector<16xi32>, vector<16xi32>], vector<16xf32>,
        %parallel_loop3A_616 = arith.constant 2 : i32
        %parallel_loop3A_617 = vector.broadcast %parallel_loop3A_616 : i32 to vector<16xi32>
        %parallel_loop3A_618 = arith.addi %parallel_loop3A_601, %parallel_loop3A_617 : vector<16xi32>
        %parallel_loop3A_619 = tpu.vector_load_idx %arg13[%parallel_loop3A_618] : memref<40xf32, #tpu.memory_space<vmem>>[vector<16xi32>], vector<16xf32>,
        %parallel_loop3A_620 = arith.constant 5472 : i32
        %parallel_loop3A_621 = vector.broadcast %parallel_loop3A_620 : i32 to vector<16xi32>
        %parallel_loop3A_622 = arith.addi %parallel_loop3A_595, %parallel_loop3A_621 : vector<16xi32>
        tpu.vector_store_idx %arg10[%parallel_loop3A_622, %parallel_loop3A_598], %parallel_loop3A_619 : memref<6080x8xf32, #tpu.memory_space<vmem>>[vector<16xi32>, vector<16xi32>], vector<16xf32>,
        %parallel_loop3A_623 = arith.constant 3 : i32
        %parallel_loop3A_624 = vector.broadcast %parallel_loop3A_623 : i32 to vector<16xi32>
        %parallel_loop3A_625 = arith.addi %parallel_loop3A_601, %parallel_loop3A_624 : vector<16xi32>
        %parallel_loop3A_626 = tpu.vector_load_idx %arg13[%parallel_loop3A_625] : memref<40xf32, #tpu.memory_space<vmem>>[vector<16xi32>], vector<16xf32>,
        %parallel_loop3A_627 = arith.constant 5776 : i32
        %parallel_loop3A_628 = vector.broadcast %parallel_loop3A_627 : i32 to vector<16xi32>
        %parallel_loop3A_629 = arith.addi %parallel_loop3A_595, %parallel_loop3A_628 : vector<16xi32>
        tpu.vector_store_idx %arg10[%parallel_loop3A_629, %parallel_loop3A_598], %parallel_loop3A_626 : memref<6080x8xf32, #tpu.memory_space<vmem>>[vector<16xi32>, vector<16xi32>], vector<16xf32>,
      } {sc.loop_unroll_factor = 2 : i64, sc.parallel_access}
      %dma_wait3A = arith.constant 0 : i32
      %dma_wait3A_256 = arith.constant 0 : i32
      %dma_wait3A_257 = arith.constant 0 : i32
      %dma_wait3A_258 = tpu.memref_slice %arg9[%dma_wait3A_256, %dma_wait3A_257] : memref<2400x16xf32, #tpu.memory_space<vmem>> -> memref<100x16xf32, #tpu.memory_space<vmem>>
      %dma_wait3A_259 = arith.constant 0 : i32
      %dma_wait3A_260 = tpu.memref_slice %arg8[%dma_wait3A, %dma_wait3A_259] : memref<24x100xi32, #tpu.memory_space<vmem>> -> memref<1x100xi32, #tpu.memory_space<vmem>>
      %dma_wait3A_261 = tpu.memref_squeeze %dma_wait3A_260 : memref<1x100xi32, #tpu.memory_space<vmem>> -> memref<100xi32, #tpu.memory_space<vmem>>
      %dma_wait3A_262 = arith.constant 0 : i32
      %dma_wait3A_263 = arith.constant 0 : i32
      %dma_wait3A_264 = tpu.memref_slice %arg2[%dma_wait3A_262, %dma_wait3A_263] : memref<20000x16xf32, #tpu.memory_space<hbm>> -> memref<20000x16xf32, #tpu.memory_space<hbm>>
      tpu.wait_indirect_dma semaphore(%arg14 : memref<!tpu.dma_semaphore, #tpu.memory_space<semaphore_mem>>) src(%dma_wait3A_264 : memref<20000x16xf32, #tpu.memory_space<hbm>>) dst(%dma_wait3A_258 : memref<100x16xf32, #tpu.memory_space<vmem>>)
      %dma_wait3A_265 = arith.constant 1 : i32
      %dma_wait3A_266 = arith.constant 100 : i32
      %dma_wait3A_267 = arith.constant 0 : i32
      %dma_wait3A_268 = tpu.memref_slice %arg9[%dma_wait3A_266, %dma_wait3A_267] : memref<2400x16xf32, #tpu.memory_space<vmem>> -> memref<100x16xf32, #tpu.memory_space<vmem>>
      %dma_wait3A_269 = arith.constant 0 : i32
      %dma_wait3A_270 = tpu.memref_slice %arg8[%dma_wait3A_265, %dma_wait3A_269] : memref<24x100xi32, #tpu.memory_space<vmem>> -> memref<1x100xi32, #tpu.memory_space<vmem>>
      %dma_wait3A_271 = tpu.memref_squeeze %dma_wait3A_270 : memref<1x100xi32, #tpu.memory_space<vmem>> -> memref<100xi32, #tpu.memory_space<vmem>>
      %dma_wait3A_272 = arith.constant 0 : i32
      %dma_wait3A_273 = arith.constant 0 : i32
      %dma_wait3A_274 = tpu.memref_slice %arg2[%dma_wait3A_272, %dma_wait3A_273] : memref<20000x16xf32, #tpu.memory_space<hbm>> -> memref<20000x16xf32, #tpu.memory_space<hbm>>
      tpu.wait_indirect_dma semaphore(%arg14 : memref<!tpu.dma_semaphore, #tpu.memory_space<semaphore_mem>>) src(%dma_wait3A_274 : memref<20000x16xf32, #tpu.memory_space<hbm>>) dst(%dma_wait3A_268 : memref<100x16xf32, #tpu.memory_space<vmem>>)
      %dma_wait3A_275 = arith.constant 2 : i32
      %dma_wait3A_276 = arith.constant 200 : i32
      %dma_wait3A_277 = arith.constant 0 : i32
      %dma_wait3A_278 = tpu.memref_slice %arg9[%dma_wait3A_276, %dma_wait3A_277] : memref<2400x16xf32, #tpu.memory_space<vmem>> -> memref<100x16xf32, #tpu.memory_space<vmem>>
      %dma_wait3A_279 = arith.constant 0 : i32
      %dma_wait3A_280 = tpu.memref_slice %arg8[%dma_wait3A_275, %dma_wait3A_279] : memref<24x100xi32, #tpu.memory_space<vmem>> -> memref<1x100xi32, #tpu.memory_space<vmem>>
      %dma_wait3A_281 = tpu.memref_squeeze %dma_wait3A_280 : memref<1x100xi32, #tpu.memory_space<vmem>> -> memref<100xi32, #tpu.memory_space<vmem>>
      %dma_wait3A_282 = arith.constant 0 : i32
      %dma_wait3A_283 = arith.constant 0 : i32
      %dma_wait3A_284 = tpu.memref_slice %arg2[%dma_wait3A_282, %dma_wait3A_283] : memref<20000x16xf32, #tpu.memory_space<hbm>> -> memref<20000x16xf32, #tpu.memory_space<hbm>>
      tpu.wait_indirect_dma semaphore(%arg14 : memref<!tpu.dma_semaphore, #tpu.memory_space<semaphore_mem>>) src(%dma_wait3A_284 : memref<20000x16xf32, #tpu.memory_space<hbm>>) dst(%dma_wait3A_278 : memref<100x16xf32, #tpu.memory_space<vmem>>)
      %dma_wait3A_285 = arith.constant 3 : i32
      %dma_wait3A_286 = arith.constant 300 : i32
      %dma_wait3A_287 = arith.constant 0 : i32
      %dma_wait3A_288 = tpu.memref_slice %arg9[%dma_wait3A_286, %dma_wait3A_287] : memref<2400x16xf32, #tpu.memory_space<vmem>> -> memref<100x16xf32, #tpu.memory_space<vmem>>
      %dma_wait3A_289 = arith.constant 0 : i32
      %dma_wait3A_290 = tpu.memref_slice %arg8[%dma_wait3A_285, %dma_wait3A_289] : memref<24x100xi32, #tpu.memory_space<vmem>> -> memref<1x100xi32, #tpu.memory_space<vmem>>
      %dma_wait3A_291 = tpu.memref_squeeze %dma_wait3A_290 : memref<1x100xi32, #tpu.memory_space<vmem>> -> memref<100xi32, #tpu.memory_space<vmem>>
      %dma_wait3A_292 = arith.constant 0 : i32
      %dma_wait3A_293 = arith.constant 0 : i32
      %dma_wait3A_294 = tpu.memref_slice %arg2[%dma_wait3A_292, %dma_wait3A_293] : memref<20000x16xf32, #tpu.memory_space<hbm>> -> memref<20000x16xf32, #tpu.memory_space<hbm>>
      tpu.wait_indirect_dma semaphore(%arg14 : memref<!tpu.dma_semaphore, #tpu.memory_space<semaphore_mem>>) src(%dma_wait3A_294 : memref<20000x16xf32, #tpu.memory_space<hbm>>) dst(%dma_wait3A_288 : memref<100x16xf32, #tpu.memory_space<vmem>>)
      %dma_wait3A_295 = arith.constant 4 : i32
      %dma_wait3A_296 = arith.constant 400 : i32
      %dma_wait3A_297 = arith.constant 0 : i32
      %dma_wait3A_298 = tpu.memref_slice %arg9[%dma_wait3A_296, %dma_wait3A_297] : memref<2400x16xf32, #tpu.memory_space<vmem>> -> memref<100x16xf32, #tpu.memory_space<vmem>>
      %dma_wait3A_299 = arith.constant 0 : i32
      %dma_wait3A_300 = tpu.memref_slice %arg8[%dma_wait3A_295, %dma_wait3A_299] : memref<24x100xi32, #tpu.memory_space<vmem>> -> memref<1x100xi32, #tpu.memory_space<vmem>>
      %dma_wait3A_301 = tpu.memref_squeeze %dma_wait3A_300 : memref<1x100xi32, #tpu.memory_space<vmem>> -> memref<100xi32, #tpu.memory_space<vmem>>
      %dma_wait3A_302 = arith.constant 0 : i32
      %dma_wait3A_303 = arith.constant 0 : i32
      %dma_wait3A_304 = tpu.memref_slice %arg2[%dma_wait3A_302, %dma_wait3A_303] : memref<20000x16xf32, #tpu.memory_space<hbm>> -> memref<20000x16xf32, #tpu.memory_space<hbm>>
      tpu.wait_indirect_dma semaphore(%arg14 : memref<!tpu.dma_semaphore, #tpu.memory_space<semaphore_mem>>) src(%dma_wait3A_304 : memref<20000x16xf32, #tpu.memory_space<hbm>>) dst(%dma_wait3A_298 : memref<100x16xf32, #tpu.memory_space<vmem>>)
      %dma_wait3A_305 = arith.constant 5 : i32
      %dma_wait3A_306 = arith.constant 500 : i32
      %dma_wait3A_307 = arith.constant 0 : i32
      %dma_wait3A_308 = tpu.memref_slice %arg9[%dma_wait3A_306, %dma_wait3A_307] : memref<2400x16xf32, #tpu.memory_space<vmem>> -> memref<100x16xf32, #tpu.memory_space<vmem>>
      %dma_wait3A_309 = arith.constant 0 : i32
      %dma_wait3A_310 = tpu.memref_slice %arg8[%dma_wait3A_305, %dma_wait3A_309] : memref<24x100xi32, #tpu.memory_space<vmem>> -> memref<1x100xi32, #tpu.memory_space<vmem>>
      %dma_wait3A_311 = tpu.memref_squeeze %dma_wait3A_310 : memref<1x100xi32, #tpu.memory_space<vmem>> -> memref<100xi32, #tpu.memory_space<vmem>>
      %dma_wait3A_312 = arith.constant 0 : i32
      %dma_wait3A_313 = arith.constant 0 : i32
      %dma_wait3A_314 = tpu.memref_slice %arg2[%dma_wait3A_312, %dma_wait3A_313] : memref<20000x16xf32, #tpu.memory_space<hbm>> -> memref<20000x16xf32, #tpu.memory_space<hbm>>
      tpu.wait_indirect_dma semaphore(%arg14 : memref<!tpu.dma_semaphore, #tpu.memory_space<semaphore_mem>>) src(%dma_wait3A_314 : memref<20000x16xf32, #tpu.memory_space<hbm>>) dst(%dma_wait3A_308 : memref<100x16xf32, #tpu.memory_space<vmem>>)
      %dma_wait3A_315 = arith.constant 6 : i32
      %dma_wait3A_316 = arith.constant 600 : i32
      %dma_wait3A_317 = arith.constant 0 : i32
      %dma_wait3A_318 = tpu.memref_slice %arg9[%dma_wait3A_316, %dma_wait3A_317] : memref<2400x16xf32, #tpu.memory_space<vmem>> -> memref<100x16xf32, #tpu.memory_space<vmem>>
      %dma_wait3A_319 = arith.constant 0 : i32
      %dma_wait3A_320 = tpu.memref_slice %arg8[%dma_wait3A_315, %dma_wait3A_319] : memref<24x100xi32, #tpu.memory_space<vmem>> -> memref<1x100xi32, #tpu.memory_space<vmem>>
      %dma_wait3A_321 = tpu.memref_squeeze %dma_wait3A_320 : memref<1x100xi32, #tpu.memory_space<vmem>> -> memref<100xi32, #tpu.memory_space<vmem>>
      %dma_wait3A_322 = arith.constant 0 : i32
      %dma_wait3A_323 = arith.constant 0 : i32
      %dma_wait3A_324 = tpu.memref_slice %arg2[%dma_wait3A_322, %dma_wait3A_323] : memref<20000x16xf32, #tpu.memory_space<hbm>> -> memref<20000x16xf32, #tpu.memory_space<hbm>>
      tpu.wait_indirect_dma semaphore(%arg14 : memref<!tpu.dma_semaphore, #tpu.memory_space<semaphore_mem>>) src(%dma_wait3A_324 : memref<20000x16xf32, #tpu.memory_space<hbm>>) dst(%dma_wait3A_318 : memref<100x16xf32, #tpu.memory_space<vmem>>)
      %dma_wait3A_325 = arith.constant 7 : i32
      %dma_wait3A_326 = arith.constant 700 : i32
      %dma_wait3A_327 = arith.constant 0 : i32
      %dma_wait3A_328 = tpu.memref_slice %arg9[%dma_wait3A_326, %dma_wait3A_327] : memref<2400x16xf32, #tpu.memory_space<vmem>> -> memref<100x16xf32, #tpu.memory_space<vmem>>
      %dma_wait3A_329 = arith.constant 0 : i32
      %dma_wait3A_330 = tpu.memref_slice %arg8[%dma_wait3A_325, %dma_wait3A_329] : memref<24x100xi32, #tpu.memory_space<vmem>> -> memref<1x100xi32, #tpu.memory_space<vmem>>
      %dma_wait3A_331 = tpu.memref_squeeze %dma_wait3A_330 : memref<1x100xi32, #tpu.memory_space<vmem>> -> memref<100xi32, #tpu.memory_space<vmem>>
      %dma_wait3A_332 = arith.constant 0 : i32
      %dma_wait3A_333 = arith.constant 0 : i32
      %dma_wait3A_334 = tpu.memref_slice %arg2[%dma_wait3A_332, %dma_wait3A_333] : memref<20000x16xf32, #tpu.memory_space<hbm>> -> memref<20000x16xf32, #tpu.memory_space<hbm>>
      tpu.wait_indirect_dma semaphore(%arg14 : memref<!tpu.dma_semaphore, #tpu.memory_space<semaphore_mem>>) src(%dma_wait3A_334 : memref<20000x16xf32, #tpu.memory_space<hbm>>) dst(%dma_wait3A_328 : memref<100x16xf32, #tpu.memory_space<vmem>>)
      %dma_wait3A_335 = arith.constant 8 : i32
      %dma_wait3A_336 = arith.constant 800 : i32
      %dma_wait3A_337 = arith.constant 0 : i32
      %dma_wait3A_338 = tpu.memref_slice %arg9[%dma_wait3A_336, %dma_wait3A_337] : memref<2400x16xf32, #tpu.memory_space<vmem>> -> memref<100x16xf32, #tpu.memory_space<vmem>>
      %dma_wait3A_339 = arith.constant 0 : i32
      %dma_wait3A_340 = tpu.memref_slice %arg8[%dma_wait3A_335, %dma_wait3A_339] : memref<24x100xi32, #tpu.memory_space<vmem>> -> memref<1x100xi32, #tpu.memory_space<vmem>>
      %dma_wait3A_341 = tpu.memref_squeeze %dma_wait3A_340 : memref<1x100xi32, #tpu.memory_space<vmem>> -> memref<100xi32, #tpu.memory_space<vmem>>
      %dma_wait3A_342 = arith.constant 0 : i32
      %dma_wait3A_343 = arith.constant 0 : i32
      %dma_wait3A_344 = tpu.memref_slice %arg2[%dma_wait3A_342, %dma_wait3A_343] : memref<20000x16xf32, #tpu.memory_space<hbm>> -> memref<20000x16xf32, #tpu.memory_space<hbm>>
      tpu.wait_indirect_dma semaphore(%arg14 : memref<!tpu.dma_semaphore, #tpu.memory_space<semaphore_mem>>) src(%dma_wait3A_344 : memref<20000x16xf32, #tpu.memory_space<hbm>>) dst(%dma_wait3A_338 : memref<100x16xf32, #tpu.memory_space<vmem>>)
      %dma_wait3A_345 = arith.constant 9 : i32
      %dma_wait3A_346 = arith.constant 900 : i32
      %dma_wait3A_347 = arith.constant 0 : i32
      %dma_wait3A_348 = tpu.memref_slice %arg9[%dma_wait3A_346, %dma_wait3A_347] : memref<2400x16xf32, #tpu.memory_space<vmem>> -> memref<100x16xf32, #tpu.memory_space<vmem>>
      %dma_wait3A_349 = arith.constant 0 : i32
      %dma_wait3A_350 = tpu.memref_slice %arg8[%dma_wait3A_345, %dma_wait3A_349] : memref<24x100xi32, #tpu.memory_space<vmem>> -> memref<1x100xi32, #tpu.memory_space<vmem>>
      %dma_wait3A_351 = tpu.memref_squeeze %dma_wait3A_350 : memref<1x100xi32, #tpu.memory_space<vmem>> -> memref<100xi32, #tpu.memory_space<vmem>>
      %dma_wait3A_352 = arith.constant 0 : i32
      %dma_wait3A_353 = arith.constant 0 : i32
      %dma_wait3A_354 = tpu.memref_slice %arg2[%dma_wait3A_352, %dma_wait3A_353] : memref<20000x16xf32, #tpu.memory_space<hbm>> -> memref<20000x16xf32, #tpu.memory_space<hbm>>
      tpu.wait_indirect_dma semaphore(%arg14 : memref<!tpu.dma_semaphore, #tpu.memory_space<semaphore_mem>>) src(%dma_wait3A_354 : memref<20000x16xf32, #tpu.memory_space<hbm>>) dst(%dma_wait3A_348 : memref<100x16xf32, #tpu.memory_space<vmem>>)
      %dma_wait3A_355 = arith.constant 10 : i32
      %dma_wait3A_356 = arith.constant 1000 : i32
      %dma_wait3A_357 = arith.constant 0 : i32
      %dma_wait3A_358 = tpu.memref_slice %arg9[%dma_wait3A_356, %dma_wait3A_357] : memref<2400x16xf32, #tpu.memory_space<vmem>> -> memref<100x16xf32, #tpu.memory_space<vmem>>
      %dma_wait3A_359 = arith.constant 0 : i32
      %dma_wait3A_360 = tpu.memref_slice %arg8[%dma_wait3A_355, %dma_wait3A_359] : memref<24x100xi32, #tpu.memory_space<vmem>> -> memref<1x100xi32, #tpu.memory_space<vmem>>
      %dma_wait3A_361 = tpu.memref_squeeze %dma_wait3A_360 : memref<1x100xi32, #tpu.memory_space<vmem>> -> memref<100xi32, #tpu.memory_space<vmem>>
      %dma_wait3A_362 = arith.constant 0 : i32
      %dma_wait3A_363 = arith.constant 0 : i32
      %dma_wait3A_364 = tpu.memref_slice %arg2[%dma_wait3A_362, %dma_wait3A_363] : memref<20000x16xf32, #tpu.memory_space<hbm>> -> memref<20000x16xf32, #tpu.memory_space<hbm>>
      tpu.wait_indirect_dma semaphore(%arg14 : memref<!tpu.dma_semaphore, #tpu.memory_space<semaphore_mem>>) src(%dma_wait3A_364 : memref<20000x16xf32, #tpu.memory_space<hbm>>) dst(%dma_wait3A_358 : memref<100x16xf32, #tpu.memory_space<vmem>>)
      %dma_wait3A_365 = arith.constant 11 : i32
      %dma_wait3A_366 = arith.constant 1100 : i32
      %dma_wait3A_367 = arith.constant 0 : i32
      %dma_wait3A_368 = tpu.memref_slice %arg9[%dma_wait3A_366, %dma_wait3A_367] : memref<2400x16xf32, #tpu.memory_space<vmem>> -> memref<100x16xf32, #tpu.memory_space<vmem>>
      %dma_wait3A_369 = arith.constant 0 : i32
      %dma_wait3A_370 = tpu.memref_slice %arg8[%dma_wait3A_365, %dma_wait3A_369] : memref<24x100xi32, #tpu.memory_space<vmem>> -> memref<1x100xi32, #tpu.memory_space<vmem>>
      %dma_wait3A_371 = tpu.memref_squeeze %dma_wait3A_370 : memref<1x100xi32, #tpu.memory_space<vmem>> -> memref<100xi32, #tpu.memory_space<vmem>>
      %dma_wait3A_372 = arith.constant 0 : i32
      %dma_wait3A_373 = arith.constant 0 : i32
      %dma_wait3A_374 = tpu.memref_slice %arg2[%dma_wait3A_372, %dma_wait3A_373] : memref<20000x16xf32, #tpu.memory_space<hbm>> -> memref<20000x16xf32, #tpu.memory_space<hbm>>
      tpu.wait_indirect_dma semaphore(%arg14 : memref<!tpu.dma_semaphore, #tpu.memory_space<semaphore_mem>>) src(%dma_wait3A_374 : memref<20000x16xf32, #tpu.memory_space<hbm>>) dst(%dma_wait3A_368 : memref<100x16xf32, #tpu.memory_space<vmem>>)
      %dma_wait3A_375 = arith.constant 12 : i32
      %dma_wait3A_376 = arith.constant 1200 : i32
      %dma_wait3A_377 = arith.constant 0 : i32
      %dma_wait3A_378 = tpu.memref_slice %arg9[%dma_wait3A_376, %dma_wait3A_377] : memref<2400x16xf32, #tpu.memory_space<vmem>> -> memref<100x16xf32, #tpu.memory_space<vmem>>
      %dma_wait3A_379 = arith.constant 0 : i32
      %dma_wait3A_380 = tpu.memref_slice %arg8[%dma_wait3A_375, %dma_wait3A_379] : memref<24x100xi32, #tpu.memory_space<vmem>> -> memref<1x100xi32, #tpu.memory_space<vmem>>
      %dma_wait3A_381 = tpu.memref_squeeze %dma_wait3A_380 : memref<1x100xi32, #tpu.memory_space<vmem>> -> memref<100xi32, #tpu.memory_space<vmem>>
      %dma_wait3A_382 = arith.constant 0 : i32
      %dma_wait3A_383 = arith.constant 0 : i32
      %dma_wait3A_384 = tpu.memref_slice %arg2[%dma_wait3A_382, %dma_wait3A_383] : memref<20000x16xf32, #tpu.memory_space<hbm>> -> memref<20000x16xf32, #tpu.memory_space<hbm>>
      tpu.wait_indirect_dma semaphore(%arg14 : memref<!tpu.dma_semaphore, #tpu.memory_space<semaphore_mem>>) src(%dma_wait3A_384 : memref<20000x16xf32, #tpu.memory_space<hbm>>) dst(%dma_wait3A_378 : memref<100x16xf32, #tpu.memory_space<vmem>>)
      %dma_wait3A_385 = arith.constant 13 : i32
      %dma_wait3A_386 = arith.constant 1300 : i32
      %dma_wait3A_387 = arith.constant 0 : i32
      %dma_wait3A_388 = tpu.memref_slice %arg9[%dma_wait3A_386, %dma_wait3A_387] : memref<2400x16xf32, #tpu.memory_space<vmem>> -> memref<100x16xf32, #tpu.memory_space<vmem>>
      %dma_wait3A_389 = arith.constant 0 : i32
      %dma_wait3A_390 = tpu.memref_slice %arg8[%dma_wait3A_385, %dma_wait3A_389] : memref<24x100xi32, #tpu.memory_space<vmem>> -> memref<1x100xi32, #tpu.memory_space<vmem>>
      %dma_wait3A_391 = tpu.memref_squeeze %dma_wait3A_390 : memref<1x100xi32, #tpu.memory_space<vmem>> -> memref<100xi32, #tpu.memory_space<vmem>>
      %dma_wait3A_392 = arith.constant 0 : i32
      %dma_wait3A_393 = arith.constant 0 : i32
      %dma_wait3A_394 = tpu.memref_slice %arg2[%dma_wait3A_392, %dma_wait3A_393] : memref<20000x16xf32, #tpu.memory_space<hbm>> -> memref<20000x16xf32, #tpu.memory_space<hbm>>
      tpu.wait_indirect_dma semaphore(%arg14 : memref<!tpu.dma_semaphore, #tpu.memory_space<semaphore_mem>>) src(%dma_wait3A_394 : memref<20000x16xf32, #tpu.memory_space<hbm>>) dst(%dma_wait3A_388 : memref<100x16xf32, #tpu.memory_space<vmem>>)
      %dma_wait3A_395 = arith.constant 14 : i32
      %dma_wait3A_396 = arith.constant 1400 : i32
      %dma_wait3A_397 = arith.constant 0 : i32
      %dma_wait3A_398 = tpu.memref_slice %arg9[%dma_wait3A_396, %dma_wait3A_397] : memref<2400x16xf32, #tpu.memory_space<vmem>> -> memref<100x16xf32, #tpu.memory_space<vmem>>
      %dma_wait3A_399 = arith.constant 0 : i32
      %dma_wait3A_400 = tpu.memref_slice %arg8[%dma_wait3A_395, %dma_wait3A_399] : memref<24x100xi32, #tpu.memory_space<vmem>> -> memref<1x100xi32, #tpu.memory_space<vmem>>
      %dma_wait3A_401 = tpu.memref_squeeze %dma_wait3A_400 : memref<1x100xi32, #tpu.memory_space<vmem>> -> memref<100xi32, #tpu.memory_space<vmem>>
      %dma_wait3A_402 = arith.constant 0 : i32
      %dma_wait3A_403 = arith.constant 0 : i32
      %dma_wait3A_404 = tpu.memref_slice %arg2[%dma_wait3A_402, %dma_wait3A_403] : memref<20000x16xf32, #tpu.memory_space<hbm>> -> memref<20000x16xf32, #tpu.memory_space<hbm>>
      tpu.wait_indirect_dma semaphore(%arg14 : memref<!tpu.dma_semaphore, #tpu.memory_space<semaphore_mem>>) src(%dma_wait3A_404 : memref<20000x16xf32, #tpu.memory_space<hbm>>) dst(%dma_wait3A_398 : memref<100x16xf32, #tpu.memory_space<vmem>>)
      %dma_wait3A_405 = arith.constant 15 : i32
      %dma_wait3A_406 = arith.constant 1500 : i32
      %dma_wait3A_407 = arith.constant 0 : i32
      %dma_wait3A_408 = tpu.memref_slice %arg9[%dma_wait3A_406, %dma_wait3A_407] : memref<2400x16xf32, #tpu.memory_space<vmem>> -> memref<100x16xf32, #tpu.memory_space<vmem>>
      %dma_wait3A_409 = arith.constant 0 : i32
      %dma_wait3A_410 = tpu.memref_slice %arg8[%dma_wait3A_405, %dma_wait3A_409] : memref<24x100xi32, #tpu.memory_space<vmem>> -> memref<1x100xi32, #tpu.memory_space<vmem>>
      %dma_wait3A_411 = tpu.memref_squeeze %dma_wait3A_410 : memref<1x100xi32, #tpu.memory_space<vmem>> -> memref<100xi32, #tpu.memory_space<vmem>>
      %dma_wait3A_412 = arith.constant 0 : i32
      %dma_wait3A_413 = arith.constant 0 : i32
      %dma_wait3A_414 = tpu.memref_slice %arg2[%dma_wait3A_412, %dma_wait3A_413] : memref<20000x16xf32, #tpu.memory_space<hbm>> -> memref<20000x16xf32, #tpu.memory_space<hbm>>
      tpu.wait_indirect_dma semaphore(%arg14 : memref<!tpu.dma_semaphore, #tpu.memory_space<semaphore_mem>>) src(%dma_wait3A_414 : memref<20000x16xf32, #tpu.memory_space<hbm>>) dst(%dma_wait3A_408 : memref<100x16xf32, #tpu.memory_space<vmem>>)
      %dma_wait3A_415 = arith.constant 16 : i32
      %dma_wait3A_416 = arith.constant 1600 : i32
      %dma_wait3A_417 = arith.constant 0 : i32
      %dma_wait3A_418 = tpu.memref_slice %arg9[%dma_wait3A_416, %dma_wait3A_417] : memref<2400x16xf32, #tpu.memory_space<vmem>> -> memref<100x16xf32, #tpu.memory_space<vmem>>
      %dma_wait3A_419 = arith.constant 0 : i32
      %dma_wait3A_420 = tpu.memref_slice %arg8[%dma_wait3A_415, %dma_wait3A_419] : memref<24x100xi32, #tpu.memory_space<vmem>> -> memref<1x100xi32, #tpu.memory_space<vmem>>
      %dma_wait3A_421 = tpu.memref_squeeze %dma_wait3A_420 : memref<1x100xi32, #tpu.memory_space<vmem>> -> memref<100xi32, #tpu.memory_space<vmem>>
      %dma_wait3A_422 = arith.constant 0 : i32
      %dma_wait3A_423 = arith.constant 0 : i32
      %dma_wait3A_424 = tpu.memref_slice %arg2[%dma_wait3A_422, %dma_wait3A_423] : memref<20000x16xf32, #tpu.memory_space<hbm>> -> memref<20000x16xf32, #tpu.memory_space<hbm>>
      tpu.wait_indirect_dma semaphore(%arg14 : memref<!tpu.dma_semaphore, #tpu.memory_space<semaphore_mem>>) src(%dma_wait3A_424 : memref<20000x16xf32, #tpu.memory_space<hbm>>) dst(%dma_wait3A_418 : memref<100x16xf32, #tpu.memory_space<vmem>>)
      %dma_wait3A_425 = arith.constant 17 : i32
      %dma_wait3A_426 = arith.constant 1700 : i32
      %dma_wait3A_427 = arith.constant 0 : i32
      %dma_wait3A_428 = tpu.memref_slice %arg9[%dma_wait3A_426, %dma_wait3A_427] : memref<2400x16xf32, #tpu.memory_space<vmem>> -> memref<100x16xf32, #tpu.memory_space<vmem>>
      %dma_wait3A_429 = arith.constant 0 : i32
      %dma_wait3A_430 = tpu.memref_slice %arg8[%dma_wait3A_425, %dma_wait3A_429] : memref<24x100xi32, #tpu.memory_space<vmem>> -> memref<1x100xi32, #tpu.memory_space<vmem>>
      %dma_wait3A_431 = tpu.memref_squeeze %dma_wait3A_430 : memref<1x100xi32, #tpu.memory_space<vmem>> -> memref<100xi32, #tpu.memory_space<vmem>>
      %dma_wait3A_432 = arith.constant 0 : i32
      %dma_wait3A_433 = arith.constant 0 : i32
      %dma_wait3A_434 = tpu.memref_slice %arg2[%dma_wait3A_432, %dma_wait3A_433] : memref<20000x16xf32, #tpu.memory_space<hbm>> -> memref<20000x16xf32, #tpu.memory_space<hbm>>
      tpu.wait_indirect_dma semaphore(%arg14 : memref<!tpu.dma_semaphore, #tpu.memory_space<semaphore_mem>>) src(%dma_wait3A_434 : memref<20000x16xf32, #tpu.memory_space<hbm>>) dst(%dma_wait3A_428 : memref<100x16xf32, #tpu.memory_space<vmem>>)
      %dma_wait3A_435 = arith.constant 18 : i32
      %dma_wait3A_436 = arith.constant 1800 : i32
      %dma_wait3A_437 = arith.constant 0 : i32
      %dma_wait3A_438 = tpu.memref_slice %arg9[%dma_wait3A_436, %dma_wait3A_437] : memref<2400x16xf32, #tpu.memory_space<vmem>> -> memref<100x16xf32, #tpu.memory_space<vmem>>
      %dma_wait3A_439 = arith.constant 0 : i32
      %dma_wait3A_440 = tpu.memref_slice %arg8[%dma_wait3A_435, %dma_wait3A_439] : memref<24x100xi32, #tpu.memory_space<vmem>> -> memref<1x100xi32, #tpu.memory_space<vmem>>
      %dma_wait3A_441 = tpu.memref_squeeze %dma_wait3A_440 : memref<1x100xi32, #tpu.memory_space<vmem>> -> memref<100xi32, #tpu.memory_space<vmem>>
      %dma_wait3A_442 = arith.constant 0 : i32
      %dma_wait3A_443 = arith.constant 0 : i32
      %dma_wait3A_444 = tpu.memref_slice %arg2[%dma_wait3A_442, %dma_wait3A_443] : memref<20000x16xf32, #tpu.memory_space<hbm>> -> memref<20000x16xf32, #tpu.memory_space<hbm>>
      tpu.wait_indirect_dma semaphore(%arg14 : memref<!tpu.dma_semaphore, #tpu.memory_space<semaphore_mem>>) src(%dma_wait3A_444 : memref<20000x16xf32, #tpu.memory_space<hbm>>) dst(%dma_wait3A_438 : memref<100x16xf32, #tpu.memory_space<vmem>>)
      %dma_wait3A_445 = arith.constant 19 : i32
      %dma_wait3A_446 = arith.constant 1900 : i32
      %dma_wait3A_447 = arith.constant 0 : i32
      %dma_wait3A_448 = tpu.memref_slice %arg9[%dma_wait3A_446, %dma_wait3A_447] : memref<2400x16xf32, #tpu.memory_space<vmem>> -> memref<100x16xf32, #tpu.memory_space<vmem>>
      %dma_wait3A_449 = arith.constant 0 : i32
      %dma_wait3A_450 = tpu.memref_slice %arg8[%dma_wait3A_445, %dma_wait3A_449] : memref<24x100xi32, #tpu.memory_space<vmem>> -> memref<1x100xi32, #tpu.memory_space<vmem>>
      %dma_wait3A_451 = tpu.memref_squeeze %dma_wait3A_450 : memref<1x100xi32, #tpu.memory_space<vmem>> -> memref<100xi32, #tpu.memory_space<vmem>>
      %dma_wait3A_452 = arith.constant 0 : i32
      %dma_wait3A_453 = arith.constant 0 : i32
      %dma_wait3A_454 = tpu.memref_slice %arg2[%dma_wait3A_452, %dma_wait3A_453] : memref<20000x16xf32, #tpu.memory_space<hbm>> -> memref<20000x16xf32, #tpu.memory_space<hbm>>
      tpu.wait_indirect_dma semaphore(%arg14 : memref<!tpu.dma_semaphore, #tpu.memory_space<semaphore_mem>>) src(%dma_wait3A_454 : memref<20000x16xf32, #tpu.memory_space<hbm>>) dst(%dma_wait3A_448 : memref<100x16xf32, #tpu.memory_space<vmem>>)
      %dma_wait3A_455 = arith.constant 20 : i32
      %dma_wait3A_456 = arith.constant 2000 : i32
      %dma_wait3A_457 = arith.constant 0 : i32
      %dma_wait3A_458 = tpu.memref_slice %arg9[%dma_wait3A_456, %dma_wait3A_457] : memref<2400x16xf32, #tpu.memory_space<vmem>> -> memref<100x16xf32, #tpu.memory_space<vmem>>
      %dma_wait3A_459 = arith.constant 0 : i32
      %dma_wait3A_460 = tpu.memref_slice %arg8[%dma_wait3A_455, %dma_wait3A_459] : memref<24x100xi32, #tpu.memory_space<vmem>> -> memref<1x100xi32, #tpu.memory_space<vmem>>
      %dma_wait3A_461 = tpu.memref_squeeze %dma_wait3A_460 : memref<1x100xi32, #tpu.memory_space<vmem>> -> memref<100xi32, #tpu.memory_space<vmem>>
      %dma_wait3A_462 = arith.constant 0 : i32
      %dma_wait3A_463 = arith.constant 0 : i32
      %dma_wait3A_464 = tpu.memref_slice %arg2[%dma_wait3A_462, %dma_wait3A_463] : memref<20000x16xf32, #tpu.memory_space<hbm>> -> memref<20000x16xf32, #tpu.memory_space<hbm>>
      tpu.wait_indirect_dma semaphore(%arg14 : memref<!tpu.dma_semaphore, #tpu.memory_space<semaphore_mem>>) src(%dma_wait3A_464 : memref<20000x16xf32, #tpu.memory_space<hbm>>) dst(%dma_wait3A_458 : memref<100x16xf32, #tpu.memory_space<vmem>>)
      %dma_wait3A_465 = arith.constant 21 : i32
      %dma_wait3A_466 = arith.constant 2100 : i32
      %dma_wait3A_467 = arith.constant 0 : i32
      %dma_wait3A_468 = tpu.memref_slice %arg9[%dma_wait3A_466, %dma_wait3A_467] : memref<2400x16xf32, #tpu.memory_space<vmem>> -> memref<100x16xf32, #tpu.memory_space<vmem>>
      %dma_wait3A_469 = arith.constant 0 : i32
      %dma_wait3A_470 = tpu.memref_slice %arg8[%dma_wait3A_465, %dma_wait3A_469] : memref<24x100xi32, #tpu.memory_space<vmem>> -> memref<1x100xi32, #tpu.memory_space<vmem>>
      %dma_wait3A_471 = tpu.memref_squeeze %dma_wait3A_470 : memref<1x100xi32, #tpu.memory_space<vmem>> -> memref<100xi32, #tpu.memory_space<vmem>>
      %dma_wait3A_472 = arith.constant 0 : i32
      %dma_wait3A_473 = arith.constant 0 : i32
      %dma_wait3A_474 = tpu.memref_slice %arg2[%dma_wait3A_472, %dma_wait3A_473] : memref<20000x16xf32, #tpu.memory_space<hbm>> -> memref<20000x16xf32, #tpu.memory_space<hbm>>
      tpu.wait_indirect_dma semaphore(%arg14 : memref<!tpu.dma_semaphore, #tpu.memory_space<semaphore_mem>>) src(%dma_wait3A_474 : memref<20000x16xf32, #tpu.memory_space<hbm>>) dst(%dma_wait3A_468 : memref<100x16xf32, #tpu.memory_space<vmem>>)
      %dma_wait3A_475 = arith.constant 22 : i32
      %dma_wait3A_476 = arith.constant 2200 : i32
      %dma_wait3A_477 = arith.constant 0 : i32
      %dma_wait3A_478 = tpu.memref_slice %arg9[%dma_wait3A_476, %dma_wait3A_477] : memref<2400x16xf32, #tpu.memory_space<vmem>> -> memref<100x16xf32, #tpu.memory_space<vmem>>
      %dma_wait3A_479 = arith.constant 0 : i32
      %dma_wait3A_480 = tpu.memref_slice %arg8[%dma_wait3A_475, %dma_wait3A_479] : memref<24x100xi32, #tpu.memory_space<vmem>> -> memref<1x100xi32, #tpu.memory_space<vmem>>
      %dma_wait3A_481 = tpu.memref_squeeze %dma_wait3A_480 : memref<1x100xi32, #tpu.memory_space<vmem>> -> memref<100xi32, #tpu.memory_space<vmem>>
      %dma_wait3A_482 = arith.constant 0 : i32
      %dma_wait3A_483 = arith.constant 0 : i32
      %dma_wait3A_484 = tpu.memref_slice %arg2[%dma_wait3A_482, %dma_wait3A_483] : memref<20000x16xf32, #tpu.memory_space<hbm>> -> memref<20000x16xf32, #tpu.memory_space<hbm>>
      tpu.wait_indirect_dma semaphore(%arg14 : memref<!tpu.dma_semaphore, #tpu.memory_space<semaphore_mem>>) src(%dma_wait3A_484 : memref<20000x16xf32, #tpu.memory_space<hbm>>) dst(%dma_wait3A_478 : memref<100x16xf32, #tpu.memory_space<vmem>>)
      %dma_wait3A_485 = arith.constant 23 : i32
      %dma_wait3A_486 = arith.constant 2300 : i32
      %dma_wait3A_487 = arith.constant 0 : i32
      %dma_wait3A_488 = tpu.memref_slice %arg9[%dma_wait3A_486, %dma_wait3A_487] : memref<2400x16xf32, #tpu.memory_space<vmem>> -> memref<100x16xf32, #tpu.memory_space<vmem>>
      %dma_wait3A_489 = arith.constant 0 : i32
      %dma_wait3A_490 = tpu.memref_slice %arg8[%dma_wait3A_485, %dma_wait3A_489] : memref<24x100xi32, #tpu.memory_space<vmem>> -> memref<1x100xi32, #tpu.memory_space<vmem>>
      %dma_wait3A_491 = tpu.memref_squeeze %dma_wait3A_490 : memref<1x100xi32, #tpu.memory_space<vmem>> -> memref<100xi32, #tpu.memory_space<vmem>>
      %dma_wait3A_492 = arith.constant 0 : i32
      %dma_wait3A_493 = arith.constant 0 : i32
      %dma_wait3A_494 = tpu.memref_slice %arg2[%dma_wait3A_492, %dma_wait3A_493] : memref<20000x16xf32, #tpu.memory_space<hbm>> -> memref<20000x16xf32, #tpu.memory_space<hbm>>
      tpu.wait_indirect_dma semaphore(%arg14 : memref<!tpu.dma_semaphore, #tpu.memory_space<semaphore_mem>>) src(%dma_wait3A_494 : memref<20000x16xf32, #tpu.memory_space<hbm>>) dst(%dma_wait3A_488 : memref<100x16xf32, #tpu.memory_space<vmem>>)
      %scan3A_495 = arith.constant 0 : i32
      %scan3A_496 = arith.constant 0 : i32
      %scan3A_497 = arith.constant 8 : i32
      %scan3A_498 = arith.addi %scan3A_496, %scan3A_497 : i32
      %scan3A_499 = arith.constant 1 : i32
      scf.for %scan3A_501 = %scan3A_496 to %scan3A_498 step %scan3A_499  : i32 {
        %broadcast_in_dim3A = vector.broadcast %scan3A_501 : i32 to vector<16xi32>
        %mul3A_502 = arith.constant 300 : i32
        %mul3A_503 = arith.muli %scan3A_501, %mul3A_502 : i32
        %parallel_loop3A_504 = arith.constant 0 : i32
        %parallel_loop3A_505 = arith.constant 300 : i32
        %parallel_loop3A_506 = arith.constant 1 : i32
        scf.for %parallel_loop3A_507 = %parallel_loop3A_504 to %parallel_loop3A_505 step %parallel_loop3A_506  : i32 {
          %parallel_loop3A_508 = arith.addi %mul3A_503, %parallel_loop3A_507 : i32
          %parallel_loop3A_509 = arith.index_cast %parallel_loop3A_508 : i32 to index
          %parallel_loop3A_510 = arith.constant 0 : index
          %parallel_loop3A_511 = tpu.vector_load %arg9[%parallel_loop3A_509, %parallel_loop3A_510] {strides = array<i32>} : memref<2400x16xf32, #tpu.memory_space<vmem>>, vector<16xf32>,
          %parallel_loop3A_512 = vector.broadcast %parallel_loop3A_507 : i32 to vector<16xi32>
          %parallel_loop3A_513 = arith.addi %mul3A_3, %parallel_loop3A_512 : vector<16xi32>
          tpu.vector_store_idx %arg10[%parallel_loop3A_513, %broadcast_in_dim3A], %parallel_loop3A_511 : memref<6080x8xf32, #tpu.memory_space<vmem>>[vector<16xi32>, vector<16xi32>], vector<16xf32>,
        } {sc.loop_unroll_factor = 8 : i64, sc.parallel_access}
      }
      %scan3A_500 = arith.constant 8 : i32
      "tpu.region"() ({
        %run_scoped3A = tpu.sem_alloc : memref<!tpu.dma_semaphore, #tpu.memory_space<semaphore_mem>>
        %dma_start3A_501 = arith.constant 0 : i32
        %dma_start3A_502 = tpu.memref_slice %arg7[%dma_start3A_501, %add3A_14] : memref<6080x2048xf32, #tpu.memory_space<hbm>> -> memref<6080x8xf32, #tpu.memory_space<hbm>>
        %dma_start3A_503 = arith.constant 0 : i32
        %dma_start3A_504 = tpu.memref_slice %arg7[%dma_start3A_503, %add3A_14] : memref<6080x2048xf32, #tpu.memory_space<hbm>> -> memref<6080x8xf32, #tpu.memory_space<hbm>>
        tpu.enqueue_dma source(%arg10 : memref<6080x8xf32, #tpu.memory_space<vmem>>) target(%dma_start3A_504 : memref<6080x8xf32, #tpu.memory_space<hbm>>) target_semaphore(%run_scoped3A : memref<!tpu.dma_semaphore, #tpu.memory_space<semaphore_mem>>)
        %dma_wait3A_505 = arith.constant 0 : i32
        %dma_wait3A_506 = tpu.memref_slice %arg7[%dma_wait3A_505, %add3A_14] : memref<6080x2048xf32, #tpu.memory_space<hbm>> -> memref<6080x8xf32, #tpu.memory_space<hbm>>
        %dma_wait3A_507 = arith.constant 0 : i32
        %dma_wait3A_508 = tpu.memref_slice %arg7[%dma_wait3A_507, %add3A_14] : memref<6080x2048xf32, #tpu.memory_space<hbm>> -> memref<6080x8xf32, #tpu.memory_space<hbm>>
        tpu.wait_dma2 semaphore(%run_scoped3A : memref<!tpu.dma_semaphore, #tpu.memory_space<semaphore_mem>>) src(%arg10 : memref<6080x8xf32, #tpu.memory_space<vmem>>) dst(%dma_wait3A_508 : memref<6080x8xf32, #tpu.memory_space<hbm>>)
        tpu.yield
      }) : () -> ()
    }
    %scan3A_8 = arith.constant 8 : i32
    return
  }
}

module attributes {stable_mosaic.version = 14 : i64} {
  func.func @_tc_body(%arg0: i32, %arg1: memref<33x300x128xi32, #tpu.memory_space<vmem>>, %arg2: memref<6080x128xf32, #tpu.memory_space<vmem>>, %arg3: memref<33x20x128xf32, #tpu.memory_space<vmem>>) attributes {dimension_semantics = [#tpu.dimension_semantics<arbitrary>], iteration_bounds = array<i64: 16>, scalar_prefetch = 0 : i64, scratch_operands = 0 : i64, tpu.core_type = #tpu.core_type<tc>, window_params = [{transform_indices = @transform_0, window_bounds = array<i64: 33, 300, 128>}, {transform_indices = @transform_1, window_bounds = array<i64: 6080, 128>}, {transform_indices = @transform_2, window_bounds = array<i64: 33, 20, 128>}]} {
    %scan3A = arith.constant 0 : i32
    %scan3A_0 = arith.constant 16 : i32
    %scan3A_1 = arith.addi %scan3A, %scan3A_0 : i32
    %scan3A_2 = arith.constant 1 : i32
    scf.for %scan3A_245 = %scan3A to %scan3A_1 step %scan3A_2  : i32 {
      %mul3A_246 = arith.constant 2 : i32
      %mul3A_247 = arith.muli %scan3A_245, %mul3A_246 : i32
      %get3A_248 = arith.index_cast %mul3A_247 : i32 to index
      %get3A_249 = arith.constant 0 : index
      %get3A_250 = arith.constant 0 : index
      %get3A_251 = vector.load %arg1[%get3A_248, %get3A_249, %get3A_250] : memref<33x300x128xi32, #tpu.memory_space<vmem>>, vector<1x300x128xi32>
      %get3A_252 = vector.shape_cast %get3A_251 : vector<1x300x128xi32> to vector<300x128xi32>
      %convert_element_type3A_253 = arith.sitofp %get3A_252 : vector<300x128xi32> to vector<300x128xf32>
      %add3A = arith.constant 1 : i32
      %add3A_254 = arith.addi %mul3A_247, %add3A : i32
      %get3A_255 = arith.index_cast %add3A_254 : i32 to index
      %get3A_256 = arith.constant 0 : index
      %get3A_257 = arith.constant 0 : index
      %get3A_258 = vector.load %arg1[%get3A_255, %get3A_256, %get3A_257] : memref<33x300x128xi32, #tpu.memory_space<vmem>>, vector<1x300x128xi32>
      %get3A_259 = vector.shape_cast %get3A_258 : vector<1x300x128xi32> to vector<300x128xi32>
      %convert_element_type3A_260 = arith.sitofp %get3A_259 : vector<300x128xi32> to vector<300x128xf32>
      %get3A_261 = arith.constant 0 : index
      %get3A_262 = arith.constant 0 : index
      %get3A_263 = vector.load %arg2[%get3A_261, %get3A_262] : memref<6080x128xf32, #tpu.memory_space<vmem>>, vector<300x128xf32>
      %mul3A_264 = arith.mulf %convert_element_type3A_253, %get3A_263 : vector<300x128xf32>
      %reduce_sum3A_265 = arith.constant dense<0.000000e+00> : vector<128xf32>
      %reduce_sum3A_266 = vector.multi_reduction <add>, %mul3A_264, %reduce_sum3A_265 [0] : vector<300x128xf32> to vector<128xf32>
      %swap3A_267 = arith.index_cast %mul3A_247 : i32 to index
      %swap3A_268 = arith.constant 0 : index
      %swap3A_269 = arith.constant 0 : index
      %swap3A_270 = vector.load %arg3[%swap3A_267, %swap3A_268, %swap3A_269] : memref<33x20x128xf32, #tpu.memory_space<vmem>>, vector<1x1x128xf32>
      %swap3A_271 = vector.shape_cast %swap3A_270 : vector<1x1x128xf32> to vector<128xf32>
      %swap3A_272 = vector.shape_cast %reduce_sum3A_266 : vector<128xf32> to vector<1x1x128xf32>
      tpu.vector_store %arg3[%swap3A_267, %swap3A_268, %swap3A_269], %swap3A_272 {strides = array<i32>} : memref<33x20x128xf32, #tpu.memory_space<vmem>>, vector<1x1x128xf32>,
      %mul3A_273 = arith.mulf %convert_element_type3A_260, %get3A_263 : vector<300x128xf32>
      %reduce_sum3A_274 = arith.constant dense<0.000000e+00> : vector<128xf32>
      %reduce_sum3A_275 = vector.multi_reduction <add>, %mul3A_273, %reduce_sum3A_274 [0] : vector<300x128xf32> to vector<128xf32>
      %add3A_276 = arith.constant 1 : i32
      %add3A_277 = arith.addi %mul3A_247, %add3A_276 : i32
      %swap3A_278 = arith.index_cast %add3A_277 : i32 to index
      %swap3A_279 = arith.constant 0 : index
      %swap3A_280 = arith.constant 0 : index
      %swap3A_281 = vector.load %arg3[%swap3A_278, %swap3A_279, %swap3A_280] : memref<33x20x128xf32, #tpu.memory_space<vmem>>, vector<1x1x128xf32>
      %swap3A_282 = vector.shape_cast %swap3A_281 : vector<1x1x128xf32> to vector<128xf32>
      %swap3A_283 = vector.shape_cast %reduce_sum3A_275 : vector<128xf32> to vector<1x1x128xf32>
      tpu.vector_store %arg3[%swap3A_278, %swap3A_279, %swap3A_280], %swap3A_283 {strides = array<i32>} : memref<33x20x128xf32, #tpu.memory_space<vmem>>, vector<1x1x128xf32>,
      %get3A_284 = arith.constant 304 : index
      %get3A_285 = arith.constant 0 : index
      %get3A_286 = vector.load %arg2[%get3A_284, %get3A_285] : memref<6080x128xf32, #tpu.memory_space<vmem>>, vector<300x128xf32>
      %mul3A_287 = arith.mulf %convert_element_type3A_253, %get3A_286 : vector<300x128xf32>
      %reduce_sum3A_288 = arith.constant dense<0.000000e+00> : vector<128xf32>
      %reduce_sum3A_289 = vector.multi_reduction <add>, %mul3A_287, %reduce_sum3A_288 [0] : vector<300x128xf32> to vector<128xf32>
      %swap3A_290 = arith.index_cast %mul3A_247 : i32 to index
      %swap3A_291 = arith.constant 1 : index
      %swap3A_292 = arith.constant 0 : index
      %swap3A_293 = vector.load %arg3[%swap3A_290, %swap3A_291, %swap3A_292] : memref<33x20x128xf32, #tpu.memory_space<vmem>>, vector<1x1x128xf32>
      %swap3A_294 = vector.shape_cast %swap3A_293 : vector<1x1x128xf32> to vector<128xf32>
      %swap3A_295 = vector.shape_cast %reduce_sum3A_289 : vector<128xf32> to vector<1x1x128xf32>
      tpu.vector_store %arg3[%swap3A_290, %swap3A_291, %swap3A_292], %swap3A_295 {strides = array<i32>} : memref<33x20x128xf32, #tpu.memory_space<vmem>>, vector<1x1x128xf32>,
      %mul3A_296 = arith.mulf %convert_element_type3A_260, %get3A_286 : vector<300x128xf32>
      %reduce_sum3A_297 = arith.constant dense<0.000000e+00> : vector<128xf32>
      %reduce_sum3A_298 = vector.multi_reduction <add>, %mul3A_296, %reduce_sum3A_297 [0] : vector<300x128xf32> to vector<128xf32>
      %add3A_299 = arith.constant 1 : i32
      %add3A_300 = arith.addi %mul3A_247, %add3A_299 : i32
      %swap3A_301 = arith.index_cast %add3A_300 : i32 to index
      %swap3A_302 = arith.constant 1 : index
      %swap3A_303 = arith.constant 0 : index
      %swap3A_304 = vector.load %arg3[%swap3A_301, %swap3A_302, %swap3A_303] : memref<33x20x128xf32, #tpu.memory_space<vmem>>, vector<1x1x128xf32>
      %swap3A_305 = vector.shape_cast %swap3A_304 : vector<1x1x128xf32> to vector<128xf32>
      %swap3A_306 = vector.shape_cast %reduce_sum3A_298 : vector<128xf32> to vector<1x1x128xf32>
      tpu.vector_store %arg3[%swap3A_301, %swap3A_302, %swap3A_303], %swap3A_306 {strides = array<i32>} : memref<33x20x128xf32, #tpu.memory_space<vmem>>, vector<1x1x128xf32>,
      %get3A_307 = arith.constant 608 : index
      %get3A_308 = arith.constant 0 : index
      %get3A_309 = vector.load %arg2[%get3A_307, %get3A_308] : memref<6080x128xf32, #tpu.memory_space<vmem>>, vector<300x128xf32>
      %mul3A_310 = arith.mulf %convert_element_type3A_253, %get3A_309 : vector<300x128xf32>
      %reduce_sum3A_311 = arith.constant dense<0.000000e+00> : vector<128xf32>
      %reduce_sum3A_312 = vector.multi_reduction <add>, %mul3A_310, %reduce_sum3A_311 [0] : vector<300x128xf32> to vector<128xf32>
      %swap3A_313 = arith.index_cast %mul3A_247 : i32 to index
      %swap3A_314 = arith.constant 2 : index
      %swap3A_315 = arith.constant 0 : index
      %swap3A_316 = vector.load %arg3[%swap3A_313, %swap3A_314, %swap3A_315] : memref<33x20x128xf32, #tpu.memory_space<vmem>>, vector<1x1x128xf32>
      %swap3A_317 = vector.shape_cast %swap3A_316 : vector<1x1x128xf32> to vector<128xf32>
      %swap3A_318 = vector.shape_cast %reduce_sum3A_312 : vector<128xf32> to vector<1x1x128xf32>
      tpu.vector_store %arg3[%swap3A_313, %swap3A_314, %swap3A_315], %swap3A_318 {strides = array<i32>} : memref<33x20x128xf32, #tpu.memory_space<vmem>>, vector<1x1x128xf32>,
      %mul3A_319 = arith.mulf %convert_element_type3A_260, %get3A_309 : vector<300x128xf32>
      %reduce_sum3A_320 = arith.constant dense<0.000000e+00> : vector<128xf32>
      %reduce_sum3A_321 = vector.multi_reduction <add>, %mul3A_319, %reduce_sum3A_320 [0] : vector<300x128xf32> to vector<128xf32>
      %add3A_322 = arith.constant 1 : i32
      %add3A_323 = arith.addi %mul3A_247, %add3A_322 : i32
      %swap3A_324 = arith.index_cast %add3A_323 : i32 to index
      %swap3A_325 = arith.constant 2 : index
      %swap3A_326 = arith.constant 0 : index
      %swap3A_327 = vector.load %arg3[%swap3A_324, %swap3A_325, %swap3A_326] : memref<33x20x128xf32, #tpu.memory_space<vmem>>, vector<1x1x128xf32>
      %swap3A_328 = vector.shape_cast %swap3A_327 : vector<1x1x128xf32> to vector<128xf32>
      %swap3A_329 = vector.shape_cast %reduce_sum3A_321 : vector<128xf32> to vector<1x1x128xf32>
      tpu.vector_store %arg3[%swap3A_324, %swap3A_325, %swap3A_326], %swap3A_329 {strides = array<i32>} : memref<33x20x128xf32, #tpu.memory_space<vmem>>, vector<1x1x128xf32>,
      %get3A_330 = arith.constant 912 : index
      %get3A_331 = arith.constant 0 : index
      %get3A_332 = vector.load %arg2[%get3A_330, %get3A_331] : memref<6080x128xf32, #tpu.memory_space<vmem>>, vector<300x128xf32>
      %mul3A_333 = arith.mulf %convert_element_type3A_253, %get3A_332 : vector<300x128xf32>
      %reduce_sum3A_334 = arith.constant dense<0.000000e+00> : vector<128xf32>
      %reduce_sum3A_335 = vector.multi_reduction <add>, %mul3A_333, %reduce_sum3A_334 [0] : vector<300x128xf32> to vector<128xf32>
      %swap3A_336 = arith.index_cast %mul3A_247 : i32 to index
      %swap3A_337 = arith.constant 3 : index
      %swap3A_338 = arith.constant 0 : index
      %swap3A_339 = vector.load %arg3[%swap3A_336, %swap3A_337, %swap3A_338] : memref<33x20x128xf32, #tpu.memory_space<vmem>>, vector<1x1x128xf32>
      %swap3A_340 = vector.shape_cast %swap3A_339 : vector<1x1x128xf32> to vector<128xf32>
      %swap3A_341 = vector.shape_cast %reduce_sum3A_335 : vector<128xf32> to vector<1x1x128xf32>
      tpu.vector_store %arg3[%swap3A_336, %swap3A_337, %swap3A_338], %swap3A_341 {strides = array<i32>} : memref<33x20x128xf32, #tpu.memory_space<vmem>>, vector<1x1x128xf32>,
      %mul3A_342 = arith.mulf %convert_element_type3A_260, %get3A_332 : vector<300x128xf32>
      %reduce_sum3A_343 = arith.constant dense<0.000000e+00> : vector<128xf32>
      %reduce_sum3A_344 = vector.multi_reduction <add>, %mul3A_342, %reduce_sum3A_343 [0] : vector<300x128xf32> to vector<128xf32>
      %add3A_345 = arith.constant 1 : i32
      %add3A_346 = arith.addi %mul3A_247, %add3A_345 : i32
      %swap3A_347 = arith.index_cast %add3A_346 : i32 to index
      %swap3A_348 = arith.constant 3 : index
      %swap3A_349 = arith.constant 0 : index
      %swap3A_350 = vector.load %arg3[%swap3A_347, %swap3A_348, %swap3A_349] : memref<33x20x128xf32, #tpu.memory_space<vmem>>, vector<1x1x128xf32>
      %swap3A_351 = vector.shape_cast %swap3A_350 : vector<1x1x128xf32> to vector<128xf32>
      %swap3A_352 = vector.shape_cast %reduce_sum3A_344 : vector<128xf32> to vector<1x1x128xf32>
      tpu.vector_store %arg3[%swap3A_347, %swap3A_348, %swap3A_349], %swap3A_352 {strides = array<i32>} : memref<33x20x128xf32, #tpu.memory_space<vmem>>, vector<1x1x128xf32>,
      %get3A_353 = arith.constant 1216 : index
      %get3A_354 = arith.constant 0 : index
      %get3A_355 = vector.load %arg2[%get3A_353, %get3A_354] : memref<6080x128xf32, #tpu.memory_space<vmem>>, vector<300x128xf32>
      %mul3A_356 = arith.mulf %convert_element_type3A_253, %get3A_355 : vector<300x128xf32>
      %reduce_sum3A_357 = arith.constant dense<0.000000e+00> : vector<128xf32>
      %reduce_sum3A_358 = vector.multi_reduction <add>, %mul3A_356, %reduce_sum3A_357 [0] : vector<300x128xf32> to vector<128xf32>
      %swap3A_359 = arith.index_cast %mul3A_247 : i32 to index
      %swap3A_360 = arith.constant 4 : index
      %swap3A_361 = arith.constant 0 : index
      %swap3A_362 = vector.load %arg3[%swap3A_359, %swap3A_360, %swap3A_361] : memref<33x20x128xf32, #tpu.memory_space<vmem>>, vector<1x1x128xf32>
      %swap3A_363 = vector.shape_cast %swap3A_362 : vector<1x1x128xf32> to vector<128xf32>
      %swap3A_364 = vector.shape_cast %reduce_sum3A_358 : vector<128xf32> to vector<1x1x128xf32>
      tpu.vector_store %arg3[%swap3A_359, %swap3A_360, %swap3A_361], %swap3A_364 {strides = array<i32>} : memref<33x20x128xf32, #tpu.memory_space<vmem>>, vector<1x1x128xf32>,
      %mul3A_365 = arith.mulf %convert_element_type3A_260, %get3A_355 : vector<300x128xf32>
      %reduce_sum3A_366 = arith.constant dense<0.000000e+00> : vector<128xf32>
      %reduce_sum3A_367 = vector.multi_reduction <add>, %mul3A_365, %reduce_sum3A_366 [0] : vector<300x128xf32> to vector<128xf32>
      %add3A_368 = arith.constant 1 : i32
      %add3A_369 = arith.addi %mul3A_247, %add3A_368 : i32
      %swap3A_370 = arith.index_cast %add3A_369 : i32 to index
      %swap3A_371 = arith.constant 4 : index
      %swap3A_372 = arith.constant 0 : index
      %swap3A_373 = vector.load %arg3[%swap3A_370, %swap3A_371, %swap3A_372] : memref<33x20x128xf32, #tpu.memory_space<vmem>>, vector<1x1x128xf32>
      %swap3A_374 = vector.shape_cast %swap3A_373 : vector<1x1x128xf32> to vector<128xf32>
      %swap3A_375 = vector.shape_cast %reduce_sum3A_367 : vector<128xf32> to vector<1x1x128xf32>
      tpu.vector_store %arg3[%swap3A_370, %swap3A_371, %swap3A_372], %swap3A_375 {strides = array<i32>} : memref<33x20x128xf32, #tpu.memory_space<vmem>>, vector<1x1x128xf32>,
      %get3A_376 = arith.constant 1520 : index
      %get3A_377 = arith.constant 0 : index
      %get3A_378 = vector.load %arg2[%get3A_376, %get3A_377] : memref<6080x128xf32, #tpu.memory_space<vmem>>, vector<300x128xf32>
      %mul3A_379 = arith.mulf %convert_element_type3A_253, %get3A_378 : vector<300x128xf32>
      %reduce_sum3A_380 = arith.constant dense<0.000000e+00> : vector<128xf32>
      %reduce_sum3A_381 = vector.multi_reduction <add>, %mul3A_379, %reduce_sum3A_380 [0] : vector<300x128xf32> to vector<128xf32>
      %swap3A_382 = arith.index_cast %mul3A_247 : i32 to index
      %swap3A_383 = arith.constant 5 : index
      %swap3A_384 = arith.constant 0 : index
      %swap3A_385 = vector.load %arg3[%swap3A_382, %swap3A_383, %swap3A_384] : memref<33x20x128xf32, #tpu.memory_space<vmem>>, vector<1x1x128xf32>
      %swap3A_386 = vector.shape_cast %swap3A_385 : vector<1x1x128xf32> to vector<128xf32>
      %swap3A_387 = vector.shape_cast %reduce_sum3A_381 : vector<128xf32> to vector<1x1x128xf32>
      tpu.vector_store %arg3[%swap3A_382, %swap3A_383, %swap3A_384], %swap3A_387 {strides = array<i32>} : memref<33x20x128xf32, #tpu.memory_space<vmem>>, vector<1x1x128xf32>,
      %mul3A_388 = arith.mulf %convert_element_type3A_260, %get3A_378 : vector<300x128xf32>
      %reduce_sum3A_389 = arith.constant dense<0.000000e+00> : vector<128xf32>
      %reduce_sum3A_390 = vector.multi_reduction <add>, %mul3A_388, %reduce_sum3A_389 [0] : vector<300x128xf32> to vector<128xf32>
      %add3A_391 = arith.constant 1 : i32
      %add3A_392 = arith.addi %mul3A_247, %add3A_391 : i32
      %swap3A_393 = arith.index_cast %add3A_392 : i32 to index
      %swap3A_394 = arith.constant 5 : index
      %swap3A_395 = arith.constant 0 : index
      %swap3A_396 = vector.load %arg3[%swap3A_393, %swap3A_394, %swap3A_395] : memref<33x20x128xf32, #tpu.memory_space<vmem>>, vector<1x1x128xf32>
      %swap3A_397 = vector.shape_cast %swap3A_396 : vector<1x1x128xf32> to vector<128xf32>
      %swap3A_398 = vector.shape_cast %reduce_sum3A_390 : vector<128xf32> to vector<1x1x128xf32>
      tpu.vector_store %arg3[%swap3A_393, %swap3A_394, %swap3A_395], %swap3A_398 {strides = array<i32>} : memref<33x20x128xf32, #tpu.memory_space<vmem>>, vector<1x1x128xf32>,
      %get3A_399 = arith.constant 1824 : index
      %get3A_400 = arith.constant 0 : index
      %get3A_401 = vector.load %arg2[%get3A_399, %get3A_400] : memref<6080x128xf32, #tpu.memory_space<vmem>>, vector<300x128xf32>
      %mul3A_402 = arith.mulf %convert_element_type3A_253, %get3A_401 : vector<300x128xf32>
      %reduce_sum3A_403 = arith.constant dense<0.000000e+00> : vector<128xf32>
      %reduce_sum3A_404 = vector.multi_reduction <add>, %mul3A_402, %reduce_sum3A_403 [0] : vector<300x128xf32> to vector<128xf32>
      %swap3A_405 = arith.index_cast %mul3A_247 : i32 to index
      %swap3A_406 = arith.constant 6 : index
      %swap3A_407 = arith.constant 0 : index
      %swap3A_408 = vector.load %arg3[%swap3A_405, %swap3A_406, %swap3A_407] : memref<33x20x128xf32, #tpu.memory_space<vmem>>, vector<1x1x128xf32>
      %swap3A_409 = vector.shape_cast %swap3A_408 : vector<1x1x128xf32> to vector<128xf32>
      %swap3A_410 = vector.shape_cast %reduce_sum3A_404 : vector<128xf32> to vector<1x1x128xf32>
      tpu.vector_store %arg3[%swap3A_405, %swap3A_406, %swap3A_407], %swap3A_410 {strides = array<i32>} : memref<33x20x128xf32, #tpu.memory_space<vmem>>, vector<1x1x128xf32>,
      %mul3A_411 = arith.mulf %convert_element_type3A_260, %get3A_401 : vector<300x128xf32>
      %reduce_sum3A_412 = arith.constant dense<0.000000e+00> : vector<128xf32>
      %reduce_sum3A_413 = vector.multi_reduction <add>, %mul3A_411, %reduce_sum3A_412 [0] : vector<300x128xf32> to vector<128xf32>
      %add3A_414 = arith.constant 1 : i32
      %add3A_415 = arith.addi %mul3A_247, %add3A_414 : i32
      %swap3A_416 = arith.index_cast %add3A_415 : i32 to index
      %swap3A_417 = arith.constant 6 : index
      %swap3A_418 = arith.constant 0 : index
      %swap3A_419 = vector.load %arg3[%swap3A_416, %swap3A_417, %swap3A_418] : memref<33x20x128xf32, #tpu.memory_space<vmem>>, vector<1x1x128xf32>
      %swap3A_420 = vector.shape_cast %swap3A_419 : vector<1x1x128xf32> to vector<128xf32>
      %swap3A_421 = vector.shape_cast %reduce_sum3A_413 : vector<128xf32> to vector<1x1x128xf32>
      tpu.vector_store %arg3[%swap3A_416, %swap3A_417, %swap3A_418], %swap3A_421 {strides = array<i32>} : memref<33x20x128xf32, #tpu.memory_space<vmem>>, vector<1x1x128xf32>,
      %get3A_422 = arith.constant 2128 : index
      %get3A_423 = arith.constant 0 : index
      %get3A_424 = vector.load %arg2[%get3A_422, %get3A_423] : memref<6080x128xf32, #tpu.memory_space<vmem>>, vector<300x128xf32>
      %mul3A_425 = arith.mulf %convert_element_type3A_253, %get3A_424 : vector<300x128xf32>
      %reduce_sum3A_426 = arith.constant dense<0.000000e+00> : vector<128xf32>
      %reduce_sum3A_427 = vector.multi_reduction <add>, %mul3A_425, %reduce_sum3A_426 [0] : vector<300x128xf32> to vector<128xf32>
      %swap3A_428 = arith.index_cast %mul3A_247 : i32 to index
      %swap3A_429 = arith.constant 7 : index
      %swap3A_430 = arith.constant 0 : index
      %swap3A_431 = vector.load %arg3[%swap3A_428, %swap3A_429, %swap3A_430] : memref<33x20x128xf32, #tpu.memory_space<vmem>>, vector<1x1x128xf32>
      %swap3A_432 = vector.shape_cast %swap3A_431 : vector<1x1x128xf32> to vector<128xf32>
      %swap3A_433 = vector.shape_cast %reduce_sum3A_427 : vector<128xf32> to vector<1x1x128xf32>
      tpu.vector_store %arg3[%swap3A_428, %swap3A_429, %swap3A_430], %swap3A_433 {strides = array<i32>} : memref<33x20x128xf32, #tpu.memory_space<vmem>>, vector<1x1x128xf32>,
      %mul3A_434 = arith.mulf %convert_element_type3A_260, %get3A_424 : vector<300x128xf32>
      %reduce_sum3A_435 = arith.constant dense<0.000000e+00> : vector<128xf32>
      %reduce_sum3A_436 = vector.multi_reduction <add>, %mul3A_434, %reduce_sum3A_435 [0] : vector<300x128xf32> to vector<128xf32>
      %add3A_437 = arith.constant 1 : i32
      %add3A_438 = arith.addi %mul3A_247, %add3A_437 : i32
      %swap3A_439 = arith.index_cast %add3A_438 : i32 to index
      %swap3A_440 = arith.constant 7 : index
      %swap3A_441 = arith.constant 0 : index
      %swap3A_442 = vector.load %arg3[%swap3A_439, %swap3A_440, %swap3A_441] : memref<33x20x128xf32, #tpu.memory_space<vmem>>, vector<1x1x128xf32>
      %swap3A_443 = vector.shape_cast %swap3A_442 : vector<1x1x128xf32> to vector<128xf32>
      %swap3A_444 = vector.shape_cast %reduce_sum3A_436 : vector<128xf32> to vector<1x1x128xf32>
      tpu.vector_store %arg3[%swap3A_439, %swap3A_440, %swap3A_441], %swap3A_444 {strides = array<i32>} : memref<33x20x128xf32, #tpu.memory_space<vmem>>, vector<1x1x128xf32>,
      %get3A_445 = arith.constant 2432 : index
      %get3A_446 = arith.constant 0 : index
      %get3A_447 = vector.load %arg2[%get3A_445, %get3A_446] : memref<6080x128xf32, #tpu.memory_space<vmem>>, vector<300x128xf32>
      %mul3A_448 = arith.mulf %convert_element_type3A_253, %get3A_447 : vector<300x128xf32>
      %reduce_sum3A_449 = arith.constant dense<0.000000e+00> : vector<128xf32>
      %reduce_sum3A_450 = vector.multi_reduction <add>, %mul3A_448, %reduce_sum3A_449 [0] : vector<300x128xf32> to vector<128xf32>
      %swap3A_451 = arith.index_cast %mul3A_247 : i32 to index
      %swap3A_452 = arith.constant 8 : index
      %swap3A_453 = arith.constant 0 : index
      %swap3A_454 = vector.load %arg3[%swap3A_451, %swap3A_452, %swap3A_453] : memref<33x20x128xf32, #tpu.memory_space<vmem>>, vector<1x1x128xf32>
      %swap3A_455 = vector.shape_cast %swap3A_454 : vector<1x1x128xf32> to vector<128xf32>
      %swap3A_456 = vector.shape_cast %reduce_sum3A_450 : vector<128xf32> to vector<1x1x128xf32>
      tpu.vector_store %arg3[%swap3A_451, %swap3A_452, %swap3A_453], %swap3A_456 {strides = array<i32>} : memref<33x20x128xf32, #tpu.memory_space<vmem>>, vector<1x1x128xf32>,
      %mul3A_457 = arith.mulf %convert_element_type3A_260, %get3A_447 : vector<300x128xf32>
      %reduce_sum3A_458 = arith.constant dense<0.000000e+00> : vector<128xf32>
      %reduce_sum3A_459 = vector.multi_reduction <add>, %mul3A_457, %reduce_sum3A_458 [0] : vector<300x128xf32> to vector<128xf32>
      %add3A_460 = arith.constant 1 : i32
      %add3A_461 = arith.addi %mul3A_247, %add3A_460 : i32
      %swap3A_462 = arith.index_cast %add3A_461 : i32 to index
      %swap3A_463 = arith.constant 8 : index
      %swap3A_464 = arith.constant 0 : index
      %swap3A_465 = vector.load %arg3[%swap3A_462, %swap3A_463, %swap3A_464] : memref<33x20x128xf32, #tpu.memory_space<vmem>>, vector<1x1x128xf32>
      %swap3A_466 = vector.shape_cast %swap3A_465 : vector<1x1x128xf32> to vector<128xf32>
      %swap3A_467 = vector.shape_cast %reduce_sum3A_459 : vector<128xf32> to vector<1x1x128xf32>
      tpu.vector_store %arg3[%swap3A_462, %swap3A_463, %swap3A_464], %swap3A_467 {strides = array<i32>} : memref<33x20x128xf32, #tpu.memory_space<vmem>>, vector<1x1x128xf32>,
      %get3A_468 = arith.constant 2736 : index
      %get3A_469 = arith.constant 0 : index
      %get3A_470 = vector.load %arg2[%get3A_468, %get3A_469] : memref<6080x128xf32, #tpu.memory_space<vmem>>, vector<300x128xf32>
      %mul3A_471 = arith.mulf %convert_element_type3A_253, %get3A_470 : vector<300x128xf32>
      %reduce_sum3A_472 = arith.constant dense<0.000000e+00> : vector<128xf32>
      %reduce_sum3A_473 = vector.multi_reduction <add>, %mul3A_471, %reduce_sum3A_472 [0] : vector<300x128xf32> to vector<128xf32>
      %swap3A_474 = arith.index_cast %mul3A_247 : i32 to index
      %swap3A_475 = arith.constant 9 : index
      %swap3A_476 = arith.constant 0 : index
      %swap3A_477 = vector.load %arg3[%swap3A_474, %swap3A_475, %swap3A_476] : memref<33x20x128xf32, #tpu.memory_space<vmem>>, vector<1x1x128xf32>
      %swap3A_478 = vector.shape_cast %swap3A_477 : vector<1x1x128xf32> to vector<128xf32>
      %swap3A_479 = vector.shape_cast %reduce_sum3A_473 : vector<128xf32> to vector<1x1x128xf32>
      tpu.vector_store %arg3[%swap3A_474, %swap3A_475, %swap3A_476], %swap3A_479 {strides = array<i32>} : memref<33x20x128xf32, #tpu.memory_space<vmem>>, vector<1x1x128xf32>,
      %mul3A_480 = arith.mulf %convert_element_type3A_260, %get3A_470 : vector<300x128xf32>
      %reduce_sum3A_481 = arith.constant dense<0.000000e+00> : vector<128xf32>
      %reduce_sum3A_482 = vector.multi_reduction <add>, %mul3A_480, %reduce_sum3A_481 [0] : vector<300x128xf32> to vector<128xf32>
      %add3A_483 = arith.constant 1 : i32
      %add3A_484 = arith.addi %mul3A_247, %add3A_483 : i32
      %swap3A_485 = arith.index_cast %add3A_484 : i32 to index
      %swap3A_486 = arith.constant 9 : index
      %swap3A_487 = arith.constant 0 : index
      %swap3A_488 = vector.load %arg3[%swap3A_485, %swap3A_486, %swap3A_487] : memref<33x20x128xf32, #tpu.memory_space<vmem>>, vector<1x1x128xf32>
      %swap3A_489 = vector.shape_cast %swap3A_488 : vector<1x1x128xf32> to vector<128xf32>
      %swap3A_490 = vector.shape_cast %reduce_sum3A_482 : vector<128xf32> to vector<1x1x128xf32>
      tpu.vector_store %arg3[%swap3A_485, %swap3A_486, %swap3A_487], %swap3A_490 {strides = array<i32>} : memref<33x20x128xf32, #tpu.memory_space<vmem>>, vector<1x1x128xf32>,
      %get3A_491 = arith.constant 3040 : index
      %get3A_492 = arith.constant 0 : index
      %get3A_493 = vector.load %arg2[%get3A_491, %get3A_492] : memref<6080x128xf32, #tpu.memory_space<vmem>>, vector<300x128xf32>
      %mul3A_494 = arith.mulf %convert_element_type3A_253, %get3A_493 : vector<300x128xf32>
      %reduce_sum3A_495 = arith.constant dense<0.000000e+00> : vector<128xf32>
      %reduce_sum3A_496 = vector.multi_reduction <add>, %mul3A_494, %reduce_sum3A_495 [0] : vector<300x128xf32> to vector<128xf32>
      %swap3A_497 = arith.index_cast %mul3A_247 : i32 to index
      %swap3A_498 = arith.constant 10 : index
      %swap3A_499 = arith.constant 0 : index
      %swap3A_500 = vector.load %arg3[%swap3A_497, %swap3A_498, %swap3A_499] : memref<33x20x128xf32, #tpu.memory_space<vmem>>, vector<1x1x128xf32>
      %swap3A_501 = vector.shape_cast %swap3A_500 : vector<1x1x128xf32> to vector<128xf32>
      %swap3A_502 = vector.shape_cast %reduce_sum3A_496 : vector<128xf32> to vector<1x1x128xf32>
      tpu.vector_store %arg3[%swap3A_497, %swap3A_498, %swap3A_499], %swap3A_502 {strides = array<i32>} : memref<33x20x128xf32, #tpu.memory_space<vmem>>, vector<1x1x128xf32>,
      %mul3A_503 = arith.mulf %convert_element_type3A_260, %get3A_493 : vector<300x128xf32>
      %reduce_sum3A_504 = arith.constant dense<0.000000e+00> : vector<128xf32>
      %reduce_sum3A_505 = vector.multi_reduction <add>, %mul3A_503, %reduce_sum3A_504 [0] : vector<300x128xf32> to vector<128xf32>
      %add3A_506 = arith.constant 1 : i32
      %add3A_507 = arith.addi %mul3A_247, %add3A_506 : i32
      %swap3A_508 = arith.index_cast %add3A_507 : i32 to index
      %swap3A_509 = arith.constant 10 : index
      %swap3A_510 = arith.constant 0 : index
      %swap3A_511 = vector.load %arg3[%swap3A_508, %swap3A_509, %swap3A_510] : memref<33x20x128xf32, #tpu.memory_space<vmem>>, vector<1x1x128xf32>
      %swap3A_512 = vector.shape_cast %swap3A_511 : vector<1x1x128xf32> to vector<128xf32>
      %swap3A_513 = vector.shape_cast %reduce_sum3A_505 : vector<128xf32> to vector<1x1x128xf32>
      tpu.vector_store %arg3[%swap3A_508, %swap3A_509, %swap3A_510], %swap3A_513 {strides = array<i32>} : memref<33x20x128xf32, #tpu.memory_space<vmem>>, vector<1x1x128xf32>,
      %get3A_514 = arith.constant 3344 : index
      %get3A_515 = arith.constant 0 : index
      %get3A_516 = vector.load %arg2[%get3A_514, %get3A_515] : memref<6080x128xf32, #tpu.memory_space<vmem>>, vector<300x128xf32>
      %mul3A_517 = arith.mulf %convert_element_type3A_253, %get3A_516 : vector<300x128xf32>
      %reduce_sum3A_518 = arith.constant dense<0.000000e+00> : vector<128xf32>
      %reduce_sum3A_519 = vector.multi_reduction <add>, %mul3A_517, %reduce_sum3A_518 [0] : vector<300x128xf32> to vector<128xf32>
      %swap3A_520 = arith.index_cast %mul3A_247 : i32 to index
      %swap3A_521 = arith.constant 11 : index
      %swap3A_522 = arith.constant 0 : index
      %swap3A_523 = vector.load %arg3[%swap3A_520, %swap3A_521, %swap3A_522] : memref<33x20x128xf32, #tpu.memory_space<vmem>>, vector<1x1x128xf32>
      %swap3A_524 = vector.shape_cast %swap3A_523 : vector<1x1x128xf32> to vector<128xf32>
      %swap3A_525 = vector.shape_cast %reduce_sum3A_519 : vector<128xf32> to vector<1x1x128xf32>
      tpu.vector_store %arg3[%swap3A_520, %swap3A_521, %swap3A_522], %swap3A_525 {strides = array<i32>} : memref<33x20x128xf32, #tpu.memory_space<vmem>>, vector<1x1x128xf32>,
      %mul3A_526 = arith.mulf %convert_element_type3A_260, %get3A_516 : vector<300x128xf32>
      %reduce_sum3A_527 = arith.constant dense<0.000000e+00> : vector<128xf32>
      %reduce_sum3A_528 = vector.multi_reduction <add>, %mul3A_526, %reduce_sum3A_527 [0] : vector<300x128xf32> to vector<128xf32>
      %add3A_529 = arith.constant 1 : i32
      %add3A_530 = arith.addi %mul3A_247, %add3A_529 : i32
      %swap3A_531 = arith.index_cast %add3A_530 : i32 to index
      %swap3A_532 = arith.constant 11 : index
      %swap3A_533 = arith.constant 0 : index
      %swap3A_534 = vector.load %arg3[%swap3A_531, %swap3A_532, %swap3A_533] : memref<33x20x128xf32, #tpu.memory_space<vmem>>, vector<1x1x128xf32>
      %swap3A_535 = vector.shape_cast %swap3A_534 : vector<1x1x128xf32> to vector<128xf32>
      %swap3A_536 = vector.shape_cast %reduce_sum3A_528 : vector<128xf32> to vector<1x1x128xf32>
      tpu.vector_store %arg3[%swap3A_531, %swap3A_532, %swap3A_533], %swap3A_536 {strides = array<i32>} : memref<33x20x128xf32, #tpu.memory_space<vmem>>, vector<1x1x128xf32>,
      %get3A_537 = arith.constant 3648 : index
      %get3A_538 = arith.constant 0 : index
      %get3A_539 = vector.load %arg2[%get3A_537, %get3A_538] : memref<6080x128xf32, #tpu.memory_space<vmem>>, vector<300x128xf32>
      %mul3A_540 = arith.mulf %convert_element_type3A_253, %get3A_539 : vector<300x128xf32>
      %reduce_sum3A_541 = arith.constant dense<0.000000e+00> : vector<128xf32>
      %reduce_sum3A_542 = vector.multi_reduction <add>, %mul3A_540, %reduce_sum3A_541 [0] : vector<300x128xf32> to vector<128xf32>
      %swap3A_543 = arith.index_cast %mul3A_247 : i32 to index
      %swap3A_544 = arith.constant 12 : index
      %swap3A_545 = arith.constant 0 : index
      %swap3A_546 = vector.load %arg3[%swap3A_543, %swap3A_544, %swap3A_545] : memref<33x20x128xf32, #tpu.memory_space<vmem>>, vector<1x1x128xf32>
      %swap3A_547 = vector.shape_cast %swap3A_546 : vector<1x1x128xf32> to vector<128xf32>
      %swap3A_548 = vector.shape_cast %reduce_sum3A_542 : vector<128xf32> to vector<1x1x128xf32>
      tpu.vector_store %arg3[%swap3A_543, %swap3A_544, %swap3A_545], %swap3A_548 {strides = array<i32>} : memref<33x20x128xf32, #tpu.memory_space<vmem>>, vector<1x1x128xf32>,
      %mul3A_549 = arith.mulf %convert_element_type3A_260, %get3A_539 : vector<300x128xf32>
      %reduce_sum3A_550 = arith.constant dense<0.000000e+00> : vector<128xf32>
      %reduce_sum3A_551 = vector.multi_reduction <add>, %mul3A_549, %reduce_sum3A_550 [0] : vector<300x128xf32> to vector<128xf32>
      %add3A_552 = arith.constant 1 : i32
      %add3A_553 = arith.addi %mul3A_247, %add3A_552 : i32
      %swap3A_554 = arith.index_cast %add3A_553 : i32 to index
      %swap3A_555 = arith.constant 12 : index
      %swap3A_556 = arith.constant 0 : index
      %swap3A_557 = vector.load %arg3[%swap3A_554, %swap3A_555, %swap3A_556] : memref<33x20x128xf32, #tpu.memory_space<vmem>>, vector<1x1x128xf32>
      %swap3A_558 = vector.shape_cast %swap3A_557 : vector<1x1x128xf32> to vector<128xf32>
      %swap3A_559 = vector.shape_cast %reduce_sum3A_551 : vector<128xf32> to vector<1x1x128xf32>
      tpu.vector_store %arg3[%swap3A_554, %swap3A_555, %swap3A_556], %swap3A_559 {strides = array<i32>} : memref<33x20x128xf32, #tpu.memory_space<vmem>>, vector<1x1x128xf32>,
      %get3A_560 = arith.constant 3952 : index
      %get3A_561 = arith.constant 0 : index
      %get3A_562 = vector.load %arg2[%get3A_560, %get3A_561] : memref<6080x128xf32, #tpu.memory_space<vmem>>, vector<300x128xf32>
      %mul3A_563 = arith.mulf %convert_element_type3A_253, %get3A_562 : vector<300x128xf32>
      %reduce_sum3A_564 = arith.constant dense<0.000000e+00> : vector<128xf32>
      %reduce_sum3A_565 = vector.multi_reduction <add>, %mul3A_563, %reduce_sum3A_564 [0] : vector<300x128xf32> to vector<128xf32>
      %swap3A_566 = arith.index_cast %mul3A_247 : i32 to index
      %swap3A_567 = arith.constant 13 : index
      %swap3A_568 = arith.constant 0 : index
      %swap3A_569 = vector.load %arg3[%swap3A_566, %swap3A_567, %swap3A_568] : memref<33x20x128xf32, #tpu.memory_space<vmem>>, vector<1x1x128xf32>
      %swap3A_570 = vector.shape_cast %swap3A_569 : vector<1x1x128xf32> to vector<128xf32>
      %swap3A_571 = vector.shape_cast %reduce_sum3A_565 : vector<128xf32> to vector<1x1x128xf32>
      tpu.vector_store %arg3[%swap3A_566, %swap3A_567, %swap3A_568], %swap3A_571 {strides = array<i32>} : memref<33x20x128xf32, #tpu.memory_space<vmem>>, vector<1x1x128xf32>,
      %mul3A_572 = arith.mulf %convert_element_type3A_260, %get3A_562 : vector<300x128xf32>
      %reduce_sum3A_573 = arith.constant dense<0.000000e+00> : vector<128xf32>
      %reduce_sum3A_574 = vector.multi_reduction <add>, %mul3A_572, %reduce_sum3A_573 [0] : vector<300x128xf32> to vector<128xf32>
      %add3A_575 = arith.constant 1 : i32
      %add3A_576 = arith.addi %mul3A_247, %add3A_575 : i32
      %swap3A_577 = arith.index_cast %add3A_576 : i32 to index
      %swap3A_578 = arith.constant 13 : index
      %swap3A_579 = arith.constant 0 : index
      %swap3A_580 = vector.load %arg3[%swap3A_577, %swap3A_578, %swap3A_579] : memref<33x20x128xf32, #tpu.memory_space<vmem>>, vector<1x1x128xf32>
      %swap3A_581 = vector.shape_cast %swap3A_580 : vector<1x1x128xf32> to vector<128xf32>
      %swap3A_582 = vector.shape_cast %reduce_sum3A_574 : vector<128xf32> to vector<1x1x128xf32>
      tpu.vector_store %arg3[%swap3A_577, %swap3A_578, %swap3A_579], %swap3A_582 {strides = array<i32>} : memref<33x20x128xf32, #tpu.memory_space<vmem>>, vector<1x1x128xf32>,
      %get3A_583 = arith.constant 4256 : index
      %get3A_584 = arith.constant 0 : index
      %get3A_585 = vector.load %arg2[%get3A_583, %get3A_584] : memref<6080x128xf32, #tpu.memory_space<vmem>>, vector<300x128xf32>
      %mul3A_586 = arith.mulf %convert_element_type3A_253, %get3A_585 : vector<300x128xf32>
      %reduce_sum3A_587 = arith.constant dense<0.000000e+00> : vector<128xf32>
      %reduce_sum3A_588 = vector.multi_reduction <add>, %mul3A_586, %reduce_sum3A_587 [0] : vector<300x128xf32> to vector<128xf32>
      %swap3A_589 = arith.index_cast %mul3A_247 : i32 to index
      %swap3A_590 = arith.constant 14 : index
      %swap3A_591 = arith.constant 0 : index
      %swap3A_592 = vector.load %arg3[%swap3A_589, %swap3A_590, %swap3A_591] : memref<33x20x128xf32, #tpu.memory_space<vmem>>, vector<1x1x128xf32>
      %swap3A_593 = vector.shape_cast %swap3A_592 : vector<1x1x128xf32> to vector<128xf32>
      %swap3A_594 = vector.shape_cast %reduce_sum3A_588 : vector<128xf32> to vector<1x1x128xf32>
      tpu.vector_store %arg3[%swap3A_589, %swap3A_590, %swap3A_591], %swap3A_594 {strides = array<i32>} : memref<33x20x128xf32, #tpu.memory_space<vmem>>, vector<1x1x128xf32>,
      %mul3A_595 = arith.mulf %convert_element_type3A_260, %get3A_585 : vector<300x128xf32>
      %reduce_sum3A_596 = arith.constant dense<0.000000e+00> : vector<128xf32>
      %reduce_sum3A_597 = vector.multi_reduction <add>, %mul3A_595, %reduce_sum3A_596 [0] : vector<300x128xf32> to vector<128xf32>
      %add3A_598 = arith.constant 1 : i32
      %add3A_599 = arith.addi %mul3A_247, %add3A_598 : i32
      %swap3A_600 = arith.index_cast %add3A_599 : i32 to index
      %swap3A_601 = arith.constant 14 : index
      %swap3A_602 = arith.constant 0 : index
      %swap3A_603 = vector.load %arg3[%swap3A_600, %swap3A_601, %swap3A_602] : memref<33x20x128xf32, #tpu.memory_space<vmem>>, vector<1x1x128xf32>
      %swap3A_604 = vector.shape_cast %swap3A_603 : vector<1x1x128xf32> to vector<128xf32>
      %swap3A_605 = vector.shape_cast %reduce_sum3A_597 : vector<128xf32> to vector<1x1x128xf32>
      tpu.vector_store %arg3[%swap3A_600, %swap3A_601, %swap3A_602], %swap3A_605 {strides = array<i32>} : memref<33x20x128xf32, #tpu.memory_space<vmem>>, vector<1x1x128xf32>,
      %get3A_606 = arith.constant 4560 : index
      %get3A_607 = arith.constant 0 : index
      %get3A_608 = vector.load %arg2[%get3A_606, %get3A_607] : memref<6080x128xf32, #tpu.memory_space<vmem>>, vector<300x128xf32>
      %mul3A_609 = arith.mulf %convert_element_type3A_253, %get3A_608 : vector<300x128xf32>
      %reduce_sum3A_610 = arith.constant dense<0.000000e+00> : vector<128xf32>
      %reduce_sum3A_611 = vector.multi_reduction <add>, %mul3A_609, %reduce_sum3A_610 [0] : vector<300x128xf32> to vector<128xf32>
      %swap3A_612 = arith.index_cast %mul3A_247 : i32 to index
      %swap3A_613 = arith.constant 15 : index
      %swap3A_614 = arith.constant 0 : index
      %swap3A_615 = vector.load %arg3[%swap3A_612, %swap3A_613, %swap3A_614] : memref<33x20x128xf32, #tpu.memory_space<vmem>>, vector<1x1x128xf32>
      %swap3A_616 = vector.shape_cast %swap3A_615 : vector<1x1x128xf32> to vector<128xf32>
      %swap3A_617 = vector.shape_cast %reduce_sum3A_611 : vector<128xf32> to vector<1x1x128xf32>
      tpu.vector_store %arg3[%swap3A_612, %swap3A_613, %swap3A_614], %swap3A_617 {strides = array<i32>} : memref<33x20x128xf32, #tpu.memory_space<vmem>>, vector<1x1x128xf32>,
      %mul3A_618 = arith.mulf %convert_element_type3A_260, %get3A_608 : vector<300x128xf32>
      %reduce_sum3A_619 = arith.constant dense<0.000000e+00> : vector<128xf32>
      %reduce_sum3A_620 = vector.multi_reduction <add>, %mul3A_618, %reduce_sum3A_619 [0] : vector<300x128xf32> to vector<128xf32>
      %add3A_621 = arith.constant 1 : i32
      %add3A_622 = arith.addi %mul3A_247, %add3A_621 : i32
      %swap3A_623 = arith.index_cast %add3A_622 : i32 to index
      %swap3A_624 = arith.constant 15 : index
      %swap3A_625 = arith.constant 0 : index
      %swap3A_626 = vector.load %arg3[%swap3A_623, %swap3A_624, %swap3A_625] : memref<33x20x128xf32, #tpu.memory_space<vmem>>, vector<1x1x128xf32>
      %swap3A_627 = vector.shape_cast %swap3A_626 : vector<1x1x128xf32> to vector<128xf32>
      %swap3A_628 = vector.shape_cast %reduce_sum3A_620 : vector<128xf32> to vector<1x1x128xf32>
      tpu.vector_store %arg3[%swap3A_623, %swap3A_624, %swap3A_625], %swap3A_628 {strides = array<i32>} : memref<33x20x128xf32, #tpu.memory_space<vmem>>, vector<1x1x128xf32>,
      %get3A_629 = arith.constant 4864 : index
      %get3A_630 = arith.constant 0 : index
      %get3A_631 = vector.load %arg2[%get3A_629, %get3A_630] : memref<6080x128xf32, #tpu.memory_space<vmem>>, vector<300x128xf32>
      %mul3A_632 = arith.mulf %convert_element_type3A_253, %get3A_631 : vector<300x128xf32>
      %reduce_sum3A_633 = arith.constant dense<0.000000e+00> : vector<128xf32>
      %reduce_sum3A_634 = vector.multi_reduction <add>, %mul3A_632, %reduce_sum3A_633 [0] : vector<300x128xf32> to vector<128xf32>
      %swap3A_635 = arith.index_cast %mul3A_247 : i32 to index
      %swap3A_636 = arith.constant 16 : index
      %swap3A_637 = arith.constant 0 : index
      %swap3A_638 = vector.load %arg3[%swap3A_635, %swap3A_636, %swap3A_637] : memref<33x20x128xf32, #tpu.memory_space<vmem>>, vector<1x1x128xf32>
      %swap3A_639 = vector.shape_cast %swap3A_638 : vector<1x1x128xf32> to vector<128xf32>
      %swap3A_640 = vector.shape_cast %reduce_sum3A_634 : vector<128xf32> to vector<1x1x128xf32>
      tpu.vector_store %arg3[%swap3A_635, %swap3A_636, %swap3A_637], %swap3A_640 {strides = array<i32>} : memref<33x20x128xf32, #tpu.memory_space<vmem>>, vector<1x1x128xf32>,
      %mul3A_641 = arith.mulf %convert_element_type3A_260, %get3A_631 : vector<300x128xf32>
      %reduce_sum3A_642 = arith.constant dense<0.000000e+00> : vector<128xf32>
      %reduce_sum3A_643 = vector.multi_reduction <add>, %mul3A_641, %reduce_sum3A_642 [0] : vector<300x128xf32> to vector<128xf32>
      %add3A_644 = arith.constant 1 : i32
      %add3A_645 = arith.addi %mul3A_247, %add3A_644 : i32
      %swap3A_646 = arith.index_cast %add3A_645 : i32 to index
      %swap3A_647 = arith.constant 16 : index
      %swap3A_648 = arith.constant 0 : index
      %swap3A_649 = vector.load %arg3[%swap3A_646, %swap3A_647, %swap3A_648] : memref<33x20x128xf32, #tpu.memory_space<vmem>>, vector<1x1x128xf32>
      %swap3A_650 = vector.shape_cast %swap3A_649 : vector<1x1x128xf32> to vector<128xf32>
      %swap3A_651 = vector.shape_cast %reduce_sum3A_643 : vector<128xf32> to vector<1x1x128xf32>
      tpu.vector_store %arg3[%swap3A_646, %swap3A_647, %swap3A_648], %swap3A_651 {strides = array<i32>} : memref<33x20x128xf32, #tpu.memory_space<vmem>>, vector<1x1x128xf32>,
      %get3A_652 = arith.constant 5168 : index
      %get3A_653 = arith.constant 0 : index
      %get3A_654 = vector.load %arg2[%get3A_652, %get3A_653] : memref<6080x128xf32, #tpu.memory_space<vmem>>, vector<300x128xf32>
      %mul3A_655 = arith.mulf %convert_element_type3A_253, %get3A_654 : vector<300x128xf32>
      %reduce_sum3A_656 = arith.constant dense<0.000000e+00> : vector<128xf32>
      %reduce_sum3A_657 = vector.multi_reduction <add>, %mul3A_655, %reduce_sum3A_656 [0] : vector<300x128xf32> to vector<128xf32>
      %swap3A_658 = arith.index_cast %mul3A_247 : i32 to index
      %swap3A_659 = arith.constant 17 : index
      %swap3A_660 = arith.constant 0 : index
      %swap3A_661 = vector.load %arg3[%swap3A_658, %swap3A_659, %swap3A_660] : memref<33x20x128xf32, #tpu.memory_space<vmem>>, vector<1x1x128xf32>
      %swap3A_662 = vector.shape_cast %swap3A_661 : vector<1x1x128xf32> to vector<128xf32>
      %swap3A_663 = vector.shape_cast %reduce_sum3A_657 : vector<128xf32> to vector<1x1x128xf32>
      tpu.vector_store %arg3[%swap3A_658, %swap3A_659, %swap3A_660], %swap3A_663 {strides = array<i32>} : memref<33x20x128xf32, #tpu.memory_space<vmem>>, vector<1x1x128xf32>,
      %mul3A_664 = arith.mulf %convert_element_type3A_260, %get3A_654 : vector<300x128xf32>
      %reduce_sum3A_665 = arith.constant dense<0.000000e+00> : vector<128xf32>
      %reduce_sum3A_666 = vector.multi_reduction <add>, %mul3A_664, %reduce_sum3A_665 [0] : vector<300x128xf32> to vector<128xf32>
      %add3A_667 = arith.constant 1 : i32
      %add3A_668 = arith.addi %mul3A_247, %add3A_667 : i32
      %swap3A_669 = arith.index_cast %add3A_668 : i32 to index
      %swap3A_670 = arith.constant 17 : index
      %swap3A_671 = arith.constant 0 : index
      %swap3A_672 = vector.load %arg3[%swap3A_669, %swap3A_670, %swap3A_671] : memref<33x20x128xf32, #tpu.memory_space<vmem>>, vector<1x1x128xf32>
      %swap3A_673 = vector.shape_cast %swap3A_672 : vector<1x1x128xf32> to vector<128xf32>
      %swap3A_674 = vector.shape_cast %reduce_sum3A_666 : vector<128xf32> to vector<1x1x128xf32>
      tpu.vector_store %arg3[%swap3A_669, %swap3A_670, %swap3A_671], %swap3A_674 {strides = array<i32>} : memref<33x20x128xf32, #tpu.memory_space<vmem>>, vector<1x1x128xf32>,
      %get3A_675 = arith.constant 5472 : index
      %get3A_676 = arith.constant 0 : index
      %get3A_677 = vector.load %arg2[%get3A_675, %get3A_676] : memref<6080x128xf32, #tpu.memory_space<vmem>>, vector<300x128xf32>
      %mul3A_678 = arith.mulf %convert_element_type3A_253, %get3A_677 : vector<300x128xf32>
      %reduce_sum3A_679 = arith.constant dense<0.000000e+00> : vector<128xf32>
      %reduce_sum3A_680 = vector.multi_reduction <add>, %mul3A_678, %reduce_sum3A_679 [0] : vector<300x128xf32> to vector<128xf32>
      %swap3A_681 = arith.index_cast %mul3A_247 : i32 to index
      %swap3A_682 = arith.constant 18 : index
      %swap3A_683 = arith.constant 0 : index
      %swap3A_684 = vector.load %arg3[%swap3A_681, %swap3A_682, %swap3A_683] : memref<33x20x128xf32, #tpu.memory_space<vmem>>, vector<1x1x128xf32>
      %swap3A_685 = vector.shape_cast %swap3A_684 : vector<1x1x128xf32> to vector<128xf32>
      %swap3A_686 = vector.shape_cast %reduce_sum3A_680 : vector<128xf32> to vector<1x1x128xf32>
      tpu.vector_store %arg3[%swap3A_681, %swap3A_682, %swap3A_683], %swap3A_686 {strides = array<i32>} : memref<33x20x128xf32, #tpu.memory_space<vmem>>, vector<1x1x128xf32>,
      %mul3A_687 = arith.mulf %convert_element_type3A_260, %get3A_677 : vector<300x128xf32>
      %reduce_sum3A_688 = arith.constant dense<0.000000e+00> : vector<128xf32>
      %reduce_sum3A_689 = vector.multi_reduction <add>, %mul3A_687, %reduce_sum3A_688 [0] : vector<300x128xf32> to vector<128xf32>
      %add3A_690 = arith.constant 1 : i32
      %add3A_691 = arith.addi %mul3A_247, %add3A_690 : i32
      %swap3A_692 = arith.index_cast %add3A_691 : i32 to index
      %swap3A_693 = arith.constant 18 : index
      %swap3A_694 = arith.constant 0 : index
      %swap3A_695 = vector.load %arg3[%swap3A_692, %swap3A_693, %swap3A_694] : memref<33x20x128xf32, #tpu.memory_space<vmem>>, vector<1x1x128xf32>
      %swap3A_696 = vector.shape_cast %swap3A_695 : vector<1x1x128xf32> to vector<128xf32>
      %swap3A_697 = vector.shape_cast %reduce_sum3A_689 : vector<128xf32> to vector<1x1x128xf32>
      tpu.vector_store %arg3[%swap3A_692, %swap3A_693, %swap3A_694], %swap3A_697 {strides = array<i32>} : memref<33x20x128xf32, #tpu.memory_space<vmem>>, vector<1x1x128xf32>,
      %get3A_698 = arith.constant 5776 : index
      %get3A_699 = arith.constant 0 : index
      %get3A_700 = vector.load %arg2[%get3A_698, %get3A_699] : memref<6080x128xf32, #tpu.memory_space<vmem>>, vector<300x128xf32>
      %mul3A_701 = arith.mulf %convert_element_type3A_253, %get3A_700 : vector<300x128xf32>
      %reduce_sum3A_702 = arith.constant dense<0.000000e+00> : vector<128xf32>
      %reduce_sum3A_703 = vector.multi_reduction <add>, %mul3A_701, %reduce_sum3A_702 [0] : vector<300x128xf32> to vector<128xf32>
      %swap3A_704 = arith.index_cast %mul3A_247 : i32 to index
      %swap3A_705 = arith.constant 19 : index
      %swap3A_706 = arith.constant 0 : index
      %swap3A_707 = vector.load %arg3[%swap3A_704, %swap3A_705, %swap3A_706] : memref<33x20x128xf32, #tpu.memory_space<vmem>>, vector<1x1x128xf32>
      %swap3A_708 = vector.shape_cast %swap3A_707 : vector<1x1x128xf32> to vector<128xf32>
      %swap3A_709 = vector.shape_cast %reduce_sum3A_703 : vector<128xf32> to vector<1x1x128xf32>
      tpu.vector_store %arg3[%swap3A_704, %swap3A_705, %swap3A_706], %swap3A_709 {strides = array<i32>} : memref<33x20x128xf32, #tpu.memory_space<vmem>>, vector<1x1x128xf32>,
      %mul3A_710 = arith.mulf %convert_element_type3A_260, %get3A_700 : vector<300x128xf32>
      %reduce_sum3A_711 = arith.constant dense<0.000000e+00> : vector<128xf32>
      %reduce_sum3A_712 = vector.multi_reduction <add>, %mul3A_710, %reduce_sum3A_711 [0] : vector<300x128xf32> to vector<128xf32>
      %add3A_713 = arith.constant 1 : i32
      %add3A_714 = arith.addi %mul3A_247, %add3A_713 : i32
      %swap3A_715 = arith.index_cast %add3A_714 : i32 to index
      %swap3A_716 = arith.constant 19 : index
      %swap3A_717 = arith.constant 0 : index
      %swap3A_718 = vector.load %arg3[%swap3A_715, %swap3A_716, %swap3A_717] : memref<33x20x128xf32, #tpu.memory_space<vmem>>, vector<1x1x128xf32>
      %swap3A_719 = vector.shape_cast %swap3A_718 : vector<1x1x128xf32> to vector<128xf32>
      %swap3A_720 = vector.shape_cast %reduce_sum3A_712 : vector<128xf32> to vector<1x1x128xf32>
      tpu.vector_store %arg3[%swap3A_715, %swap3A_716, %swap3A_717], %swap3A_720 {strides = array<i32>} : memref<33x20x128xf32, #tpu.memory_space<vmem>>, vector<1x1x128xf32>,
    }
    %scan3A_3 = arith.constant 16 : i32
    %get3A = arith.constant 32 : index
    %get3A_4 = arith.constant 0 : index
    %get3A_5 = arith.constant 0 : index
    %get3A_6 = vector.load %arg1[%get3A, %get3A_4, %get3A_5] : memref<33x300x128xi32, #tpu.memory_space<vmem>>, vector<1x300x128xi32>
    %get3A_7 = vector.shape_cast %get3A_6 : vector<1x300x128xi32> to vector<300x128xi32>
    %convert_element_type3A = arith.sitofp %get3A_7 : vector<300x128xi32> to vector<300x128xf32>
    %get3A_8 = arith.constant 0 : index
    %get3A_9 = arith.constant 0 : index
    %get3A_10 = vector.load %arg2[%get3A_8, %get3A_9] : memref<6080x128xf32, #tpu.memory_space<vmem>>, vector<300x128xf32>
    %mul3A = arith.mulf %convert_element_type3A, %get3A_10 : vector<300x128xf32>
    %reduce_sum3A = arith.constant dense<0.000000e+00> : vector<128xf32>
    %reduce_sum3A_11 = vector.multi_reduction <add>, %mul3A, %reduce_sum3A [0] : vector<300x128xf32> to vector<128xf32>
    %swap3A = arith.constant 32 : index
    %swap3A_12 = arith.constant 0 : index
    %swap3A_13 = arith.constant 0 : index
    %swap3A_14 = vector.load %arg3[%swap3A, %swap3A_12, %swap3A_13] : memref<33x20x128xf32, #tpu.memory_space<vmem>>, vector<1x1x128xf32>
    %swap3A_15 = vector.shape_cast %swap3A_14 : vector<1x1x128xf32> to vector<128xf32>
    %swap3A_16 = vector.shape_cast %reduce_sum3A_11 : vector<128xf32> to vector<1x1x128xf32>
    tpu.vector_store %arg3[%swap3A, %swap3A_12, %swap3A_13], %swap3A_16 {strides = array<i32>} : memref<33x20x128xf32, #tpu.memory_space<vmem>>, vector<1x1x128xf32>,
    %get3A_17 = arith.constant 304 : index
    %get3A_18 = arith.constant 0 : index
    %get3A_19 = vector.load %arg2[%get3A_17, %get3A_18] : memref<6080x128xf32, #tpu.memory_space<vmem>>, vector<300x128xf32>
    %mul3A_20 = arith.mulf %convert_element_type3A, %get3A_19 : vector<300x128xf32>
    %reduce_sum3A_21 = arith.constant dense<0.000000e+00> : vector<128xf32>
    %reduce_sum3A_22 = vector.multi_reduction <add>, %mul3A_20, %reduce_sum3A_21 [0] : vector<300x128xf32> to vector<128xf32>
    %swap3A_23 = arith.constant 32 : index
    %swap3A_24 = arith.constant 1 : index
    %swap3A_25 = arith.constant 0 : index
    %swap3A_26 = vector.load %arg3[%swap3A_23, %swap3A_24, %swap3A_25] : memref<33x20x128xf32, #tpu.memory_space<vmem>>, vector<1x1x128xf32>
    %swap3A_27 = vector.shape_cast %swap3A_26 : vector<1x1x128xf32> to vector<128xf32>
    %swap3A_28 = vector.shape_cast %reduce_sum3A_22 : vector<128xf32> to vector<1x1x128xf32>
    tpu.vector_store %arg3[%swap3A_23, %swap3A_24, %swap3A_25], %swap3A_28 {strides = array<i32>} : memref<33x20x128xf32, #tpu.memory_space<vmem>>, vector<1x1x128xf32>,
    %get3A_29 = arith.constant 608 : index
    %get3A_30 = arith.constant 0 : index
    %get3A_31 = vector.load %arg2[%get3A_29, %get3A_30] : memref<6080x128xf32, #tpu.memory_space<vmem>>, vector<300x128xf32>
    %mul3A_32 = arith.mulf %convert_element_type3A, %get3A_31 : vector<300x128xf32>
    %reduce_sum3A_33 = arith.constant dense<0.000000e+00> : vector<128xf32>
    %reduce_sum3A_34 = vector.multi_reduction <add>, %mul3A_32, %reduce_sum3A_33 [0] : vector<300x128xf32> to vector<128xf32>
    %swap3A_35 = arith.constant 32 : index
    %swap3A_36 = arith.constant 2 : index
    %swap3A_37 = arith.constant 0 : index
    %swap3A_38 = vector.load %arg3[%swap3A_35, %swap3A_36, %swap3A_37] : memref<33x20x128xf32, #tpu.memory_space<vmem>>, vector<1x1x128xf32>
    %swap3A_39 = vector.shape_cast %swap3A_38 : vector<1x1x128xf32> to vector<128xf32>
    %swap3A_40 = vector.shape_cast %reduce_sum3A_34 : vector<128xf32> to vector<1x1x128xf32>
    tpu.vector_store %arg3[%swap3A_35, %swap3A_36, %swap3A_37], %swap3A_40 {strides = array<i32>} : memref<33x20x128xf32, #tpu.memory_space<vmem>>, vector<1x1x128xf32>,
    %get3A_41 = arith.constant 912 : index
    %get3A_42 = arith.constant 0 : index
    %get3A_43 = vector.load %arg2[%get3A_41, %get3A_42] : memref<6080x128xf32, #tpu.memory_space<vmem>>, vector<300x128xf32>
    %mul3A_44 = arith.mulf %convert_element_type3A, %get3A_43 : vector<300x128xf32>
    %reduce_sum3A_45 = arith.constant dense<0.000000e+00> : vector<128xf32>
    %reduce_sum3A_46 = vector.multi_reduction <add>, %mul3A_44, %reduce_sum3A_45 [0] : vector<300x128xf32> to vector<128xf32>
    %swap3A_47 = arith.constant 32 : index
    %swap3A_48 = arith.constant 3 : index
    %swap3A_49 = arith.constant 0 : index
    %swap3A_50 = vector.load %arg3[%swap3A_47, %swap3A_48, %swap3A_49] : memref<33x20x128xf32, #tpu.memory_space<vmem>>, vector<1x1x128xf32>
    %swap3A_51 = vector.shape_cast %swap3A_50 : vector<1x1x128xf32> to vector<128xf32>
    %swap3A_52 = vector.shape_cast %reduce_sum3A_46 : vector<128xf32> to vector<1x1x128xf32>
    tpu.vector_store %arg3[%swap3A_47, %swap3A_48, %swap3A_49], %swap3A_52 {strides = array<i32>} : memref<33x20x128xf32, #tpu.memory_space<vmem>>, vector<1x1x128xf32>,
    %get3A_53 = arith.constant 1216 : index
    %get3A_54 = arith.constant 0 : index
    %get3A_55 = vector.load %arg2[%get3A_53, %get3A_54] : memref<6080x128xf32, #tpu.memory_space<vmem>>, vector<300x128xf32>
    %mul3A_56 = arith.mulf %convert_element_type3A, %get3A_55 : vector<300x128xf32>
    %reduce_sum3A_57 = arith.constant dense<0.000000e+00> : vector<128xf32>
    %reduce_sum3A_58 = vector.multi_reduction <add>, %mul3A_56, %reduce_sum3A_57 [0] : vector<300x128xf32> to vector<128xf32>
    %swap3A_59 = arith.constant 32 : index
    %swap3A_60 = arith.constant 4 : index
    %swap3A_61 = arith.constant 0 : index
    %swap3A_62 = vector.load %arg3[%swap3A_59, %swap3A_60, %swap3A_61] : memref<33x20x128xf32, #tpu.memory_space<vmem>>, vector<1x1x128xf32>
    %swap3A_63 = vector.shape_cast %swap3A_62 : vector<1x1x128xf32> to vector<128xf32>
    %swap3A_64 = vector.shape_cast %reduce_sum3A_58 : vector<128xf32> to vector<1x1x128xf32>
    tpu.vector_store %arg3[%swap3A_59, %swap3A_60, %swap3A_61], %swap3A_64 {strides = array<i32>} : memref<33x20x128xf32, #tpu.memory_space<vmem>>, vector<1x1x128xf32>,
    %get3A_65 = arith.constant 1520 : index
    %get3A_66 = arith.constant 0 : index
    %get3A_67 = vector.load %arg2[%get3A_65, %get3A_66] : memref<6080x128xf32, #tpu.memory_space<vmem>>, vector<300x128xf32>
    %mul3A_68 = arith.mulf %convert_element_type3A, %get3A_67 : vector<300x128xf32>
    %reduce_sum3A_69 = arith.constant dense<0.000000e+00> : vector<128xf32>
    %reduce_sum3A_70 = vector.multi_reduction <add>, %mul3A_68, %reduce_sum3A_69 [0] : vector<300x128xf32> to vector<128xf32>
    %swap3A_71 = arith.constant 32 : index
    %swap3A_72 = arith.constant 5 : index
    %swap3A_73 = arith.constant 0 : index
    %swap3A_74 = vector.load %arg3[%swap3A_71, %swap3A_72, %swap3A_73] : memref<33x20x128xf32, #tpu.memory_space<vmem>>, vector<1x1x128xf32>
    %swap3A_75 = vector.shape_cast %swap3A_74 : vector<1x1x128xf32> to vector<128xf32>
    %swap3A_76 = vector.shape_cast %reduce_sum3A_70 : vector<128xf32> to vector<1x1x128xf32>
    tpu.vector_store %arg3[%swap3A_71, %swap3A_72, %swap3A_73], %swap3A_76 {strides = array<i32>} : memref<33x20x128xf32, #tpu.memory_space<vmem>>, vector<1x1x128xf32>,
    %get3A_77 = arith.constant 1824 : index
    %get3A_78 = arith.constant 0 : index
    %get3A_79 = vector.load %arg2[%get3A_77, %get3A_78] : memref<6080x128xf32, #tpu.memory_space<vmem>>, vector<300x128xf32>
    %mul3A_80 = arith.mulf %convert_element_type3A, %get3A_79 : vector<300x128xf32>
    %reduce_sum3A_81 = arith.constant dense<0.000000e+00> : vector<128xf32>
    %reduce_sum3A_82 = vector.multi_reduction <add>, %mul3A_80, %reduce_sum3A_81 [0] : vector<300x128xf32> to vector<128xf32>
    %swap3A_83 = arith.constant 32 : index
    %swap3A_84 = arith.constant 6 : index
    %swap3A_85 = arith.constant 0 : index
    %swap3A_86 = vector.load %arg3[%swap3A_83, %swap3A_84, %swap3A_85] : memref<33x20x128xf32, #tpu.memory_space<vmem>>, vector<1x1x128xf32>
    %swap3A_87 = vector.shape_cast %swap3A_86 : vector<1x1x128xf32> to vector<128xf32>
    %swap3A_88 = vector.shape_cast %reduce_sum3A_82 : vector<128xf32> to vector<1x1x128xf32>
    tpu.vector_store %arg3[%swap3A_83, %swap3A_84, %swap3A_85], %swap3A_88 {strides = array<i32>} : memref<33x20x128xf32, #tpu.memory_space<vmem>>, vector<1x1x128xf32>,
    %get3A_89 = arith.constant 2128 : index
    %get3A_90 = arith.constant 0 : index
    %get3A_91 = vector.load %arg2[%get3A_89, %get3A_90] : memref<6080x128xf32, #tpu.memory_space<vmem>>, vector<300x128xf32>
    %mul3A_92 = arith.mulf %convert_element_type3A, %get3A_91 : vector<300x128xf32>
    %reduce_sum3A_93 = arith.constant dense<0.000000e+00> : vector<128xf32>
    %reduce_sum3A_94 = vector.multi_reduction <add>, %mul3A_92, %reduce_sum3A_93 [0] : vector<300x128xf32> to vector<128xf32>
    %swap3A_95 = arith.constant 32 : index
    %swap3A_96 = arith.constant 7 : index
    %swap3A_97 = arith.constant 0 : index
    %swap3A_98 = vector.load %arg3[%swap3A_95, %swap3A_96, %swap3A_97] : memref<33x20x128xf32, #tpu.memory_space<vmem>>, vector<1x1x128xf32>
    %swap3A_99 = vector.shape_cast %swap3A_98 : vector<1x1x128xf32> to vector<128xf32>
    %swap3A_100 = vector.shape_cast %reduce_sum3A_94 : vector<128xf32> to vector<1x1x128xf32>
    tpu.vector_store %arg3[%swap3A_95, %swap3A_96, %swap3A_97], %swap3A_100 {strides = array<i32>} : memref<33x20x128xf32, #tpu.memory_space<vmem>>, vector<1x1x128xf32>,
    %get3A_101 = arith.constant 2432 : index
    %get3A_102 = arith.constant 0 : index
    %get3A_103 = vector.load %arg2[%get3A_101, %get3A_102] : memref<6080x128xf32, #tpu.memory_space<vmem>>, vector<300x128xf32>
    %mul3A_104 = arith.mulf %convert_element_type3A, %get3A_103 : vector<300x128xf32>
    %reduce_sum3A_105 = arith.constant dense<0.000000e+00> : vector<128xf32>
    %reduce_sum3A_106 = vector.multi_reduction <add>, %mul3A_104, %reduce_sum3A_105 [0] : vector<300x128xf32> to vector<128xf32>
    %swap3A_107 = arith.constant 32 : index
    %swap3A_108 = arith.constant 8 : index
    %swap3A_109 = arith.constant 0 : index
    %swap3A_110 = vector.load %arg3[%swap3A_107, %swap3A_108, %swap3A_109] : memref<33x20x128xf32, #tpu.memory_space<vmem>>, vector<1x1x128xf32>
    %swap3A_111 = vector.shape_cast %swap3A_110 : vector<1x1x128xf32> to vector<128xf32>
    %swap3A_112 = vector.shape_cast %reduce_sum3A_106 : vector<128xf32> to vector<1x1x128xf32>
    tpu.vector_store %arg3[%swap3A_107, %swap3A_108, %swap3A_109], %swap3A_112 {strides = array<i32>} : memref<33x20x128xf32, #tpu.memory_space<vmem>>, vector<1x1x128xf32>,
    %get3A_113 = arith.constant 2736 : index
    %get3A_114 = arith.constant 0 : index
    %get3A_115 = vector.load %arg2[%get3A_113, %get3A_114] : memref<6080x128xf32, #tpu.memory_space<vmem>>, vector<300x128xf32>
    %mul3A_116 = arith.mulf %convert_element_type3A, %get3A_115 : vector<300x128xf32>
    %reduce_sum3A_117 = arith.constant dense<0.000000e+00> : vector<128xf32>
    %reduce_sum3A_118 = vector.multi_reduction <add>, %mul3A_116, %reduce_sum3A_117 [0] : vector<300x128xf32> to vector<128xf32>
    %swap3A_119 = arith.constant 32 : index
    %swap3A_120 = arith.constant 9 : index
    %swap3A_121 = arith.constant 0 : index
    %swap3A_122 = vector.load %arg3[%swap3A_119, %swap3A_120, %swap3A_121] : memref<33x20x128xf32, #tpu.memory_space<vmem>>, vector<1x1x128xf32>
    %swap3A_123 = vector.shape_cast %swap3A_122 : vector<1x1x128xf32> to vector<128xf32>
    %swap3A_124 = vector.shape_cast %reduce_sum3A_118 : vector<128xf32> to vector<1x1x128xf32>
    tpu.vector_store %arg3[%swap3A_119, %swap3A_120, %swap3A_121], %swap3A_124 {strides = array<i32>} : memref<33x20x128xf32, #tpu.memory_space<vmem>>, vector<1x1x128xf32>,
    %get3A_125 = arith.constant 3040 : index
    %get3A_126 = arith.constant 0 : index
    %get3A_127 = vector.load %arg2[%get3A_125, %get3A_126] : memref<6080x128xf32, #tpu.memory_space<vmem>>, vector<300x128xf32>
    %mul3A_128 = arith.mulf %convert_element_type3A, %get3A_127 : vector<300x128xf32>
    %reduce_sum3A_129 = arith.constant dense<0.000000e+00> : vector<128xf32>
    %reduce_sum3A_130 = vector.multi_reduction <add>, %mul3A_128, %reduce_sum3A_129 [0] : vector<300x128xf32> to vector<128xf32>
    %swap3A_131 = arith.constant 32 : index
    %swap3A_132 = arith.constant 10 : index
    %swap3A_133 = arith.constant 0 : index
    %swap3A_134 = vector.load %arg3[%swap3A_131, %swap3A_132, %swap3A_133] : memref<33x20x128xf32, #tpu.memory_space<vmem>>, vector<1x1x128xf32>
    %swap3A_135 = vector.shape_cast %swap3A_134 : vector<1x1x128xf32> to vector<128xf32>
    %swap3A_136 = vector.shape_cast %reduce_sum3A_130 : vector<128xf32> to vector<1x1x128xf32>
    tpu.vector_store %arg3[%swap3A_131, %swap3A_132, %swap3A_133], %swap3A_136 {strides = array<i32>} : memref<33x20x128xf32, #tpu.memory_space<vmem>>, vector<1x1x128xf32>,
    %get3A_137 = arith.constant 3344 : index
    %get3A_138 = arith.constant 0 : index
    %get3A_139 = vector.load %arg2[%get3A_137, %get3A_138] : memref<6080x128xf32, #tpu.memory_space<vmem>>, vector<300x128xf32>
    %mul3A_140 = arith.mulf %convert_element_type3A, %get3A_139 : vector<300x128xf32>
    %reduce_sum3A_141 = arith.constant dense<0.000000e+00> : vector<128xf32>
    %reduce_sum3A_142 = vector.multi_reduction <add>, %mul3A_140, %reduce_sum3A_141 [0] : vector<300x128xf32> to vector<128xf32>
    %swap3A_143 = arith.constant 32 : index
    %swap3A_144 = arith.constant 11 : index
    %swap3A_145 = arith.constant 0 : index
    %swap3A_146 = vector.load %arg3[%swap3A_143, %swap3A_144, %swap3A_145] : memref<33x20x128xf32, #tpu.memory_space<vmem>>, vector<1x1x128xf32>
    %swap3A_147 = vector.shape_cast %swap3A_146 : vector<1x1x128xf32> to vector<128xf32>
    %swap3A_148 = vector.shape_cast %reduce_sum3A_142 : vector<128xf32> to vector<1x1x128xf32>
    tpu.vector_store %arg3[%swap3A_143, %swap3A_144, %swap3A_145], %swap3A_148 {strides = array<i32>} : memref<33x20x128xf32, #tpu.memory_space<vmem>>, vector<1x1x128xf32>,
    %get3A_149 = arith.constant 3648 : index
    %get3A_150 = arith.constant 0 : index
    %get3A_151 = vector.load %arg2[%get3A_149, %get3A_150] : memref<6080x128xf32, #tpu.memory_space<vmem>>, vector<300x128xf32>
    %mul3A_152 = arith.mulf %convert_element_type3A, %get3A_151 : vector<300x128xf32>
    %reduce_sum3A_153 = arith.constant dense<0.000000e+00> : vector<128xf32>
    %reduce_sum3A_154 = vector.multi_reduction <add>, %mul3A_152, %reduce_sum3A_153 [0] : vector<300x128xf32> to vector<128xf32>
    %swap3A_155 = arith.constant 32 : index
    %swap3A_156 = arith.constant 12 : index
    %swap3A_157 = arith.constant 0 : index
    %swap3A_158 = vector.load %arg3[%swap3A_155, %swap3A_156, %swap3A_157] : memref<33x20x128xf32, #tpu.memory_space<vmem>>, vector<1x1x128xf32>
    %swap3A_159 = vector.shape_cast %swap3A_158 : vector<1x1x128xf32> to vector<128xf32>
    %swap3A_160 = vector.shape_cast %reduce_sum3A_154 : vector<128xf32> to vector<1x1x128xf32>
    tpu.vector_store %arg3[%swap3A_155, %swap3A_156, %swap3A_157], %swap3A_160 {strides = array<i32>} : memref<33x20x128xf32, #tpu.memory_space<vmem>>, vector<1x1x128xf32>,
    %get3A_161 = arith.constant 3952 : index
    %get3A_162 = arith.constant 0 : index
    %get3A_163 = vector.load %arg2[%get3A_161, %get3A_162] : memref<6080x128xf32, #tpu.memory_space<vmem>>, vector<300x128xf32>
    %mul3A_164 = arith.mulf %convert_element_type3A, %get3A_163 : vector<300x128xf32>
    %reduce_sum3A_165 = arith.constant dense<0.000000e+00> : vector<128xf32>
    %reduce_sum3A_166 = vector.multi_reduction <add>, %mul3A_164, %reduce_sum3A_165 [0] : vector<300x128xf32> to vector<128xf32>
    %swap3A_167 = arith.constant 32 : index
    %swap3A_168 = arith.constant 13 : index
    %swap3A_169 = arith.constant 0 : index
    %swap3A_170 = vector.load %arg3[%swap3A_167, %swap3A_168, %swap3A_169] : memref<33x20x128xf32, #tpu.memory_space<vmem>>, vector<1x1x128xf32>
    %swap3A_171 = vector.shape_cast %swap3A_170 : vector<1x1x128xf32> to vector<128xf32>
    %swap3A_172 = vector.shape_cast %reduce_sum3A_166 : vector<128xf32> to vector<1x1x128xf32>
    tpu.vector_store %arg3[%swap3A_167, %swap3A_168, %swap3A_169], %swap3A_172 {strides = array<i32>} : memref<33x20x128xf32, #tpu.memory_space<vmem>>, vector<1x1x128xf32>,
    %get3A_173 = arith.constant 4256 : index
    %get3A_174 = arith.constant 0 : index
    %get3A_175 = vector.load %arg2[%get3A_173, %get3A_174] : memref<6080x128xf32, #tpu.memory_space<vmem>>, vector<300x128xf32>
    %mul3A_176 = arith.mulf %convert_element_type3A, %get3A_175 : vector<300x128xf32>
    %reduce_sum3A_177 = arith.constant dense<0.000000e+00> : vector<128xf32>
    %reduce_sum3A_178 = vector.multi_reduction <add>, %mul3A_176, %reduce_sum3A_177 [0] : vector<300x128xf32> to vector<128xf32>
    %swap3A_179 = arith.constant 32 : index
    %swap3A_180 = arith.constant 14 : index
    %swap3A_181 = arith.constant 0 : index
    %swap3A_182 = vector.load %arg3[%swap3A_179, %swap3A_180, %swap3A_181] : memref<33x20x128xf32, #tpu.memory_space<vmem>>, vector<1x1x128xf32>
    %swap3A_183 = vector.shape_cast %swap3A_182 : vector<1x1x128xf32> to vector<128xf32>
    %swap3A_184 = vector.shape_cast %reduce_sum3A_178 : vector<128xf32> to vector<1x1x128xf32>
    tpu.vector_store %arg3[%swap3A_179, %swap3A_180, %swap3A_181], %swap3A_184 {strides = array<i32>} : memref<33x20x128xf32, #tpu.memory_space<vmem>>, vector<1x1x128xf32>,
    %get3A_185 = arith.constant 4560 : index
    %get3A_186 = arith.constant 0 : index
    %get3A_187 = vector.load %arg2[%get3A_185, %get3A_186] : memref<6080x128xf32, #tpu.memory_space<vmem>>, vector<300x128xf32>
    %mul3A_188 = arith.mulf %convert_element_type3A, %get3A_187 : vector<300x128xf32>
    %reduce_sum3A_189 = arith.constant dense<0.000000e+00> : vector<128xf32>
    %reduce_sum3A_190 = vector.multi_reduction <add>, %mul3A_188, %reduce_sum3A_189 [0] : vector<300x128xf32> to vector<128xf32>
    %swap3A_191 = arith.constant 32 : index
    %swap3A_192 = arith.constant 15 : index
    %swap3A_193 = arith.constant 0 : index
    %swap3A_194 = vector.load %arg3[%swap3A_191, %swap3A_192, %swap3A_193] : memref<33x20x128xf32, #tpu.memory_space<vmem>>, vector<1x1x128xf32>
    %swap3A_195 = vector.shape_cast %swap3A_194 : vector<1x1x128xf32> to vector<128xf32>
    %swap3A_196 = vector.shape_cast %reduce_sum3A_190 : vector<128xf32> to vector<1x1x128xf32>
    tpu.vector_store %arg3[%swap3A_191, %swap3A_192, %swap3A_193], %swap3A_196 {strides = array<i32>} : memref<33x20x128xf32, #tpu.memory_space<vmem>>, vector<1x1x128xf32>,
    %get3A_197 = arith.constant 4864 : index
    %get3A_198 = arith.constant 0 : index
    %get3A_199 = vector.load %arg2[%get3A_197, %get3A_198] : memref<6080x128xf32, #tpu.memory_space<vmem>>, vector<300x128xf32>
    %mul3A_200 = arith.mulf %convert_element_type3A, %get3A_199 : vector<300x128xf32>
    %reduce_sum3A_201 = arith.constant dense<0.000000e+00> : vector<128xf32>
    %reduce_sum3A_202 = vector.multi_reduction <add>, %mul3A_200, %reduce_sum3A_201 [0] : vector<300x128xf32> to vector<128xf32>
    %swap3A_203 = arith.constant 32 : index
    %swap3A_204 = arith.constant 16 : index
    %swap3A_205 = arith.constant 0 : index
    %swap3A_206 = vector.load %arg3[%swap3A_203, %swap3A_204, %swap3A_205] : memref<33x20x128xf32, #tpu.memory_space<vmem>>, vector<1x1x128xf32>
    %swap3A_207 = vector.shape_cast %swap3A_206 : vector<1x1x128xf32> to vector<128xf32>
    %swap3A_208 = vector.shape_cast %reduce_sum3A_202 : vector<128xf32> to vector<1x1x128xf32>
    tpu.vector_store %arg3[%swap3A_203, %swap3A_204, %swap3A_205], %swap3A_208 {strides = array<i32>} : memref<33x20x128xf32, #tpu.memory_space<vmem>>, vector<1x1x128xf32>,
    %get3A_209 = arith.constant 5168 : index
    %get3A_210 = arith.constant 0 : index
    %get3A_211 = vector.load %arg2[%get3A_209, %get3A_210] : memref<6080x128xf32, #tpu.memory_space<vmem>>, vector<300x128xf32>
    %mul3A_212 = arith.mulf %convert_element_type3A, %get3A_211 : vector<300x128xf32>
    %reduce_sum3A_213 = arith.constant dense<0.000000e+00> : vector<128xf32>
    %reduce_sum3A_214 = vector.multi_reduction <add>, %mul3A_212, %reduce_sum3A_213 [0] : vector<300x128xf32> to vector<128xf32>
    %swap3A_215 = arith.constant 32 : index
    %swap3A_216 = arith.constant 17 : index
    %swap3A_217 = arith.constant 0 : index
    %swap3A_218 = vector.load %arg3[%swap3A_215, %swap3A_216, %swap3A_217] : memref<33x20x128xf32, #tpu.memory_space<vmem>>, vector<1x1x128xf32>
    %swap3A_219 = vector.shape_cast %swap3A_218 : vector<1x1x128xf32> to vector<128xf32>
    %swap3A_220 = vector.shape_cast %reduce_sum3A_214 : vector<128xf32> to vector<1x1x128xf32>
    tpu.vector_store %arg3[%swap3A_215, %swap3A_216, %swap3A_217], %swap3A_220 {strides = array<i32>} : memref<33x20x128xf32, #tpu.memory_space<vmem>>, vector<1x1x128xf32>,
    %get3A_221 = arith.constant 5472 : index
    %get3A_222 = arith.constant 0 : index
    %get3A_223 = vector.load %arg2[%get3A_221, %get3A_222] : memref<6080x128xf32, #tpu.memory_space<vmem>>, vector<300x128xf32>
    %mul3A_224 = arith.mulf %convert_element_type3A, %get3A_223 : vector<300x128xf32>
    %reduce_sum3A_225 = arith.constant dense<0.000000e+00> : vector<128xf32>
    %reduce_sum3A_226 = vector.multi_reduction <add>, %mul3A_224, %reduce_sum3A_225 [0] : vector<300x128xf32> to vector<128xf32>
    %swap3A_227 = arith.constant 32 : index
    %swap3A_228 = arith.constant 18 : index
    %swap3A_229 = arith.constant 0 : index
    %swap3A_230 = vector.load %arg3[%swap3A_227, %swap3A_228, %swap3A_229] : memref<33x20x128xf32, #tpu.memory_space<vmem>>, vector<1x1x128xf32>
    %swap3A_231 = vector.shape_cast %swap3A_230 : vector<1x1x128xf32> to vector<128xf32>
    %swap3A_232 = vector.shape_cast %reduce_sum3A_226 : vector<128xf32> to vector<1x1x128xf32>
    tpu.vector_store %arg3[%swap3A_227, %swap3A_228, %swap3A_229], %swap3A_232 {strides = array<i32>} : memref<33x20x128xf32, #tpu.memory_space<vmem>>, vector<1x1x128xf32>,
    %get3A_233 = arith.constant 5776 : index
    %get3A_234 = arith.constant 0 : index
    %get3A_235 = vector.load %arg2[%get3A_233, %get3A_234] : memref<6080x128xf32, #tpu.memory_space<vmem>>, vector<300x128xf32>
    %mul3A_236 = arith.mulf %convert_element_type3A, %get3A_235 : vector<300x128xf32>
    %reduce_sum3A_237 = arith.constant dense<0.000000e+00> : vector<128xf32>
    %reduce_sum3A_238 = vector.multi_reduction <add>, %mul3A_236, %reduce_sum3A_237 [0] : vector<300x128xf32> to vector<128xf32>
    %swap3A_239 = arith.constant 32 : index
    %swap3A_240 = arith.constant 19 : index
    %swap3A_241 = arith.constant 0 : index
    %swap3A_242 = vector.load %arg3[%swap3A_239, %swap3A_240, %swap3A_241] : memref<33x20x128xf32, #tpu.memory_space<vmem>>, vector<1x1x128xf32>
    %swap3A_243 = vector.shape_cast %swap3A_242 : vector<1x1x128xf32> to vector<128xf32>
    %swap3A_244 = vector.shape_cast %reduce_sum3A_238 : vector<128xf32> to vector<1x1x128xf32>
    tpu.vector_store %arg3[%swap3A_239, %swap3A_240, %swap3A_241], %swap3A_244 {strides = array<i32>} : memref<33x20x128xf32, #tpu.memory_space<vmem>>, vector<1x1x128xf32>,
    return
  }
  func.func @transform_0(%arg0: i32) -> (i32, i32, i32) {
    %add3A = arith.constant 16 : i32
    %add3A_0 = arith.addi %arg0, %add3A : i32
    %c0_i32 = arith.constant 0 : i32
    %c0_i32_1 = arith.constant 0 : i32
    %c0_i32_2 = arith.constant 0 : i32
    return %c0_i32, %c0_i32_1, %add3A_0 : i32, i32, i32
  }
  func.func @transform_1(%arg0: i32) -> (i32, i32) {
    %c0_i32 = arith.constant 0 : i32
    %c0_i32_0 = arith.constant 0 : i32
    return %c0_i32, %arg0 : i32, i32
  }
  func.func @transform_2(%arg0: i32) -> (i32, i32, i32) {
    %c0_i32 = arith.constant 0 : i32
    %c0_i32_0 = arith.constant 0 : i32
    %c0_i32_1 = arith.constant 0 : i32
    return %c0_i32, %c0_i32_0, %arg0 : i32, i32, i32
  }
}

module attributes {stable_mosaic.version = 14 : i64} {
  func.func @_tc_body(%arg0: i32, %arg1: memref<33x300x128xi32, #tpu.memory_space<vmem>>, %arg2: memref<6080x128xf32, #tpu.memory_space<vmem>>, %arg3: memref<33x20x128xf32, #tpu.memory_space<vmem>>) attributes {dimension_semantics = [#tpu.dimension_semantics<arbitrary>], iteration_bounds = array<i64: 16>, scalar_prefetch = 0 : i64, scratch_operands = 0 : i64, tpu.core_type = #tpu.core_type<tc>, window_params = [{transform_indices = @transform_0, window_bounds = array<i64: 33, 300, 128>}, {transform_indices = @transform_1, window_bounds = array<i64: 6080, 128>}, {transform_indices = @transform_2, window_bounds = array<i64: 33, 20, 128>}]} {
    %scan3A = arith.constant 0 : i32
    %scan3A_0 = arith.constant 16 : i32
    %scan3A_1 = arith.addi %scan3A, %scan3A_0 : i32
    %scan3A_2 = arith.constant 1 : i32
    scf.for %scan3A_245 = %scan3A to %scan3A_1 step %scan3A_2  : i32 {
      %mul3A_246 = arith.constant 2 : i32
      %mul3A_247 = arith.muli %scan3A_245, %mul3A_246 : i32
      %get3A_248 = arith.index_cast %mul3A_247 : i32 to index
      %get3A_249 = arith.constant 0 : index
      %get3A_250 = arith.constant 0 : index
      %get3A_251 = vector.load %arg1[%get3A_248, %get3A_249, %get3A_250] : memref<33x300x128xi32, #tpu.memory_space<vmem>>, vector<1x300x128xi32>
      %get3A_252 = vector.shape_cast %get3A_251 : vector<1x300x128xi32> to vector<300x128xi32>
      %convert_element_type3A_253 = arith.sitofp %get3A_252 : vector<300x128xi32> to vector<300x128xf32>
      %add3A = arith.constant 1 : i32
      %add3A_254 = arith.addi %mul3A_247, %add3A : i32
      %get3A_255 = arith.index_cast %add3A_254 : i32 to index
      %get3A_256 = arith.constant 0 : index
      %get3A_257 = arith.constant 0 : index
      %get3A_258 = vector.load %arg1[%get3A_255, %get3A_256, %get3A_257] : memref<33x300x128xi32, #tpu.memory_space<vmem>>, vector<1x300x128xi32>
      %get3A_259 = vector.shape_cast %get3A_258 : vector<1x300x128xi32> to vector<300x128xi32>
      %convert_element_type3A_260 = arith.sitofp %get3A_259 : vector<300x128xi32> to vector<300x128xf32>
      %get3A_261 = arith.constant 0 : index
      %get3A_262 = arith.constant 0 : index
      %get3A_263 = vector.load %arg2[%get3A_261, %get3A_262] : memref<6080x128xf32, #tpu.memory_space<vmem>>, vector<300x128xf32>
      %mul3A_264 = arith.mulf %convert_element_type3A_253, %get3A_263 : vector<300x128xf32>
      %reduce_sum3A_265 = arith.constant dense<0.000000e+00> : vector<128xf32>
      %reduce_sum3A_266 = vector.multi_reduction <add>, %mul3A_264, %reduce_sum3A_265 [0] : vector<300x128xf32> to vector<128xf32>
      %swap3A_267 = arith.index_cast %mul3A_247 : i32 to index
      %swap3A_268 = arith.constant 0 : index
      %swap3A_269 = arith.constant 0 : index
      %swap3A_270 = vector.load %arg3[%swap3A_267, %swap3A_268, %swap3A_269] : memref<33x20x128xf32, #tpu.memory_space<vmem>>, vector<1x1x128xf32>
      %swap3A_271 = vector.shape_cast %swap3A_270 : vector<1x1x128xf32> to vector<128xf32>
      %swap3A_272 = vector.shape_cast %reduce_sum3A_266 : vector<128xf32> to vector<1x1x128xf32>
      tpu.vector_store %arg3[%swap3A_267, %swap3A_268, %swap3A_269], %swap3A_272 {strides = array<i32>} : memref<33x20x128xf32, #tpu.memory_space<vmem>>, vector<1x1x128xf32>,
      %mul3A_273 = arith.mulf %convert_element_type3A_260, %get3A_263 : vector<300x128xf32>
      %reduce_sum3A_274 = arith.constant dense<0.000000e+00> : vector<128xf32>
      %reduce_sum3A_275 = vector.multi_reduction <add>, %mul3A_273, %reduce_sum3A_274 [0] : vector<300x128xf32> to vector<128xf32>
      %add3A_276 = arith.constant 1 : i32
      %add3A_277 = arith.addi %mul3A_247, %add3A_276 : i32
      %swap3A_278 = arith.index_cast %add3A_277 : i32 to index
      %swap3A_279 = arith.constant 0 : index
      %swap3A_280 = arith.constant 0 : index
      %swap3A_281 = vector.load %arg3[%swap3A_278, %swap3A_279, %swap3A_280] : memref<33x20x128xf32, #tpu.memory_space<vmem>>, vector<1x1x128xf32>
      %swap3A_282 = vector.shape_cast %swap3A_281 : vector<1x1x128xf32> to vector<128xf32>
      %swap3A_283 = vector.shape_cast %reduce_sum3A_275 : vector<128xf32> to vector<1x1x128xf32>
      tpu.vector_store %arg3[%swap3A_278, %swap3A_279, %swap3A_280], %swap3A_283 {strides = array<i32>} : memref<33x20x128xf32, #tpu.memory_space<vmem>>, vector<1x1x128xf32>,
      %get3A_284 = arith.constant 304 : index
      %get3A_285 = arith.constant 0 : index
      %get3A_286 = vector.load %arg2[%get3A_284, %get3A_285] : memref<6080x128xf32, #tpu.memory_space<vmem>>, vector<300x128xf32>
      %mul3A_287 = arith.mulf %convert_element_type3A_253, %get3A_286 : vector<300x128xf32>
      %reduce_sum3A_288 = arith.constant dense<0.000000e+00> : vector<128xf32>
      %reduce_sum3A_289 = vector.multi_reduction <add>, %mul3A_287, %reduce_sum3A_288 [0] : vector<300x128xf32> to vector<128xf32>
      %swap3A_290 = arith.index_cast %mul3A_247 : i32 to index
      %swap3A_291 = arith.constant 1 : index
      %swap3A_292 = arith.constant 0 : index
      %swap3A_293 = vector.load %arg3[%swap3A_290, %swap3A_291, %swap3A_292] : memref<33x20x128xf32, #tpu.memory_space<vmem>>, vector<1x1x128xf32>
      %swap3A_294 = vector.shape_cast %swap3A_293 : vector<1x1x128xf32> to vector<128xf32>
      %swap3A_295 = vector.shape_cast %reduce_sum3A_289 : vector<128xf32> to vector<1x1x128xf32>
      tpu.vector_store %arg3[%swap3A_290, %swap3A_291, %swap3A_292], %swap3A_295 {strides = array<i32>} : memref<33x20x128xf32, #tpu.memory_space<vmem>>, vector<1x1x128xf32>,
      %mul3A_296 = arith.mulf %convert_element_type3A_260, %get3A_286 : vector<300x128xf32>
      %reduce_sum3A_297 = arith.constant dense<0.000000e+00> : vector<128xf32>
      %reduce_sum3A_298 = vector.multi_reduction <add>, %mul3A_296, %reduce_sum3A_297 [0] : vector<300x128xf32> to vector<128xf32>
      %add3A_299 = arith.constant 1 : i32
      %add3A_300 = arith.addi %mul3A_247, %add3A_299 : i32
      %swap3A_301 = arith.index_cast %add3A_300 : i32 to index
      %swap3A_302 = arith.constant 1 : index
      %swap3A_303 = arith.constant 0 : index
      %swap3A_304 = vector.load %arg3[%swap3A_301, %swap3A_302, %swap3A_303] : memref<33x20x128xf32, #tpu.memory_space<vmem>>, vector<1x1x128xf32>
      %swap3A_305 = vector.shape_cast %swap3A_304 : vector<1x1x128xf32> to vector<128xf32>
      %swap3A_306 = vector.shape_cast %reduce_sum3A_298 : vector<128xf32> to vector<1x1x128xf32>
      tpu.vector_store %arg3[%swap3A_301, %swap3A_302, %swap3A_303], %swap3A_306 {strides = array<i32>} : memref<33x20x128xf32, #tpu.memory_space<vmem>>, vector<1x1x128xf32>,
      %get3A_307 = arith.constant 608 : index
      %get3A_308 = arith.constant 0 : index
      %get3A_309 = vector.load %arg2[%get3A_307, %get3A_308] : memref<6080x128xf32, #tpu.memory_space<vmem>>, vector<300x128xf32>
      %mul3A_310 = arith.mulf %convert_element_type3A_253, %get3A_309 : vector<300x128xf32>
      %reduce_sum3A_311 = arith.constant dense<0.000000e+00> : vector<128xf32>
      %reduce_sum3A_312 = vector.multi_reduction <add>, %mul3A_310, %reduce_sum3A_311 [0] : vector<300x128xf32> to vector<128xf32>
      %swap3A_313 = arith.index_cast %mul3A_247 : i32 to index
      %swap3A_314 = arith.constant 2 : index
      %swap3A_315 = arith.constant 0 : index
      %swap3A_316 = vector.load %arg3[%swap3A_313, %swap3A_314, %swap3A_315] : memref<33x20x128xf32, #tpu.memory_space<vmem>>, vector<1x1x128xf32>
      %swap3A_317 = vector.shape_cast %swap3A_316 : vector<1x1x128xf32> to vector<128xf32>
      %swap3A_318 = vector.shape_cast %reduce_sum3A_312 : vector<128xf32> to vector<1x1x128xf32>
      tpu.vector_store %arg3[%swap3A_313, %swap3A_314, %swap3A_315], %swap3A_318 {strides = array<i32>} : memref<33x20x128xf32, #tpu.memory_space<vmem>>, vector<1x1x128xf32>,
      %mul3A_319 = arith.mulf %convert_element_type3A_260, %get3A_309 : vector<300x128xf32>
      %reduce_sum3A_320 = arith.constant dense<0.000000e+00> : vector<128xf32>
      %reduce_sum3A_321 = vector.multi_reduction <add>, %mul3A_319, %reduce_sum3A_320 [0] : vector<300x128xf32> to vector<128xf32>
      %add3A_322 = arith.constant 1 : i32
      %add3A_323 = arith.addi %mul3A_247, %add3A_322 : i32
      %swap3A_324 = arith.index_cast %add3A_323 : i32 to index
      %swap3A_325 = arith.constant 2 : index
      %swap3A_326 = arith.constant 0 : index
      %swap3A_327 = vector.load %arg3[%swap3A_324, %swap3A_325, %swap3A_326] : memref<33x20x128xf32, #tpu.memory_space<vmem>>, vector<1x1x128xf32>
      %swap3A_328 = vector.shape_cast %swap3A_327 : vector<1x1x128xf32> to vector<128xf32>
      %swap3A_329 = vector.shape_cast %reduce_sum3A_321 : vector<128xf32> to vector<1x1x128xf32>
      tpu.vector_store %arg3[%swap3A_324, %swap3A_325, %swap3A_326], %swap3A_329 {strides = array<i32>} : memref<33x20x128xf32, #tpu.memory_space<vmem>>, vector<1x1x128xf32>,
      %get3A_330 = arith.constant 912 : index
      %get3A_331 = arith.constant 0 : index
      %get3A_332 = vector.load %arg2[%get3A_330, %get3A_331] : memref<6080x128xf32, #tpu.memory_space<vmem>>, vector<300x128xf32>
      %mul3A_333 = arith.mulf %convert_element_type3A_253, %get3A_332 : vector<300x128xf32>
      %reduce_sum3A_334 = arith.constant dense<0.000000e+00> : vector<128xf32>
      %reduce_sum3A_335 = vector.multi_reduction <add>, %mul3A_333, %reduce_sum3A_334 [0] : vector<300x128xf32> to vector<128xf32>
      %swap3A_336 = arith.index_cast %mul3A_247 : i32 to index
      %swap3A_337 = arith.constant 3 : index
      %swap3A_338 = arith.constant 0 : index
      %swap3A_339 = vector.load %arg3[%swap3A_336, %swap3A_337, %swap3A_338] : memref<33x20x128xf32, #tpu.memory_space<vmem>>, vector<1x1x128xf32>
      %swap3A_340 = vector.shape_cast %swap3A_339 : vector<1x1x128xf32> to vector<128xf32>
      %swap3A_341 = vector.shape_cast %reduce_sum3A_335 : vector<128xf32> to vector<1x1x128xf32>
      tpu.vector_store %arg3[%swap3A_336, %swap3A_337, %swap3A_338], %swap3A_341 {strides = array<i32>} : memref<33x20x128xf32, #tpu.memory_space<vmem>>, vector<1x1x128xf32>,
      %mul3A_342 = arith.mulf %convert_element_type3A_260, %get3A_332 : vector<300x128xf32>
      %reduce_sum3A_343 = arith.constant dense<0.000000e+00> : vector<128xf32>
      %reduce_sum3A_344 = vector.multi_reduction <add>, %mul3A_342, %reduce_sum3A_343 [0] : vector<300x128xf32> to vector<128xf32>
      %add3A_345 = arith.constant 1 : i32
      %add3A_346 = arith.addi %mul3A_247, %add3A_345 : i32
      %swap3A_347 = arith.index_cast %add3A_346 : i32 to index
      %swap3A_348 = arith.constant 3 : index
      %swap3A_349 = arith.constant 0 : index
      %swap3A_350 = vector.load %arg3[%swap3A_347, %swap3A_348, %swap3A_349] : memref<33x20x128xf32, #tpu.memory_space<vmem>>, vector<1x1x128xf32>
      %swap3A_351 = vector.shape_cast %swap3A_350 : vector<1x1x128xf32> to vector<128xf32>
      %swap3A_352 = vector.shape_cast %reduce_sum3A_344 : vector<128xf32> to vector<1x1x128xf32>
      tpu.vector_store %arg3[%swap3A_347, %swap3A_348, %swap3A_349], %swap3A_352 {strides = array<i32>} : memref<33x20x128xf32, #tpu.memory_space<vmem>>, vector<1x1x128xf32>,
      %get3A_353 = arith.constant 1216 : index
      %get3A_354 = arith.constant 0 : index
      %get3A_355 = vector.load %arg2[%get3A_353, %get3A_354] : memref<6080x128xf32, #tpu.memory_space<vmem>>, vector<300x128xf32>
      %mul3A_356 = arith.mulf %convert_element_type3A_253, %get3A_355 : vector<300x128xf32>
      %reduce_sum3A_357 = arith.constant dense<0.000000e+00> : vector<128xf32>
      %reduce_sum3A_358 = vector.multi_reduction <add>, %mul3A_356, %reduce_sum3A_357 [0] : vector<300x128xf32> to vector<128xf32>
      %swap3A_359 = arith.index_cast %mul3A_247 : i32 to index
      %swap3A_360 = arith.constant 4 : index
      %swap3A_361 = arith.constant 0 : index
      %swap3A_362 = vector.load %arg3[%swap3A_359, %swap3A_360, %swap3A_361] : memref<33x20x128xf32, #tpu.memory_space<vmem>>, vector<1x1x128xf32>
      %swap3A_363 = vector.shape_cast %swap3A_362 : vector<1x1x128xf32> to vector<128xf32>
      %swap3A_364 = vector.shape_cast %reduce_sum3A_358 : vector<128xf32> to vector<1x1x128xf32>
      tpu.vector_store %arg3[%swap3A_359, %swap3A_360, %swap3A_361], %swap3A_364 {strides = array<i32>} : memref<33x20x128xf32, #tpu.memory_space<vmem>>, vector<1x1x128xf32>,
      %mul3A_365 = arith.mulf %convert_element_type3A_260, %get3A_355 : vector<300x128xf32>
      %reduce_sum3A_366 = arith.constant dense<0.000000e+00> : vector<128xf32>
      %reduce_sum3A_367 = vector.multi_reduction <add>, %mul3A_365, %reduce_sum3A_366 [0] : vector<300x128xf32> to vector<128xf32>
      %add3A_368 = arith.constant 1 : i32
      %add3A_369 = arith.addi %mul3A_247, %add3A_368 : i32
      %swap3A_370 = arith.index_cast %add3A_369 : i32 to index
      %swap3A_371 = arith.constant 4 : index
      %swap3A_372 = arith.constant 0 : index
      %swap3A_373 = vector.load %arg3[%swap3A_370, %swap3A_371, %swap3A_372] : memref<33x20x128xf32, #tpu.memory_space<vmem>>, vector<1x1x128xf32>
      %swap3A_374 = vector.shape_cast %swap3A_373 : vector<1x1x128xf32> to vector<128xf32>
      %swap3A_375 = vector.shape_cast %reduce_sum3A_367 : vector<128xf32> to vector<1x1x128xf32>
      tpu.vector_store %arg3[%swap3A_370, %swap3A_371, %swap3A_372], %swap3A_375 {strides = array<i32>} : memref<33x20x128xf32, #tpu.memory_space<vmem>>, vector<1x1x128xf32>,
      %get3A_376 = arith.constant 1520 : index
      %get3A_377 = arith.constant 0 : index
      %get3A_378 = vector.load %arg2[%get3A_376, %get3A_377] : memref<6080x128xf32, #tpu.memory_space<vmem>>, vector<300x128xf32>
      %mul3A_379 = arith.mulf %convert_element_type3A_253, %get3A_378 : vector<300x128xf32>
      %reduce_sum3A_380 = arith.constant dense<0.000000e+00> : vector<128xf32>
      %reduce_sum3A_381 = vector.multi_reduction <add>, %mul3A_379, %reduce_sum3A_380 [0] : vector<300x128xf32> to vector<128xf32>
      %swap3A_382 = arith.index_cast %mul3A_247 : i32 to index
      %swap3A_383 = arith.constant 5 : index
      %swap3A_384 = arith.constant 0 : index
      %swap3A_385 = vector.load %arg3[%swap3A_382, %swap3A_383, %swap3A_384] : memref<33x20x128xf32, #tpu.memory_space<vmem>>, vector<1x1x128xf32>
      %swap3A_386 = vector.shape_cast %swap3A_385 : vector<1x1x128xf32> to vector<128xf32>
      %swap3A_387 = vector.shape_cast %reduce_sum3A_381 : vector<128xf32> to vector<1x1x128xf32>
      tpu.vector_store %arg3[%swap3A_382, %swap3A_383, %swap3A_384], %swap3A_387 {strides = array<i32>} : memref<33x20x128xf32, #tpu.memory_space<vmem>>, vector<1x1x128xf32>,
      %mul3A_388 = arith.mulf %convert_element_type3A_260, %get3A_378 : vector<300x128xf32>
      %reduce_sum3A_389 = arith.constant dense<0.000000e+00> : vector<128xf32>
      %reduce_sum3A_390 = vector.multi_reduction <add>, %mul3A_388, %reduce_sum3A_389 [0] : vector<300x128xf32> to vector<128xf32>
      %add3A_391 = arith.constant 1 : i32
      %add3A_392 = arith.addi %mul3A_247, %add3A_391 : i32
      %swap3A_393 = arith.index_cast %add3A_392 : i32 to index
      %swap3A_394 = arith.constant 5 : index
      %swap3A_395 = arith.constant 0 : index
      %swap3A_396 = vector.load %arg3[%swap3A_393, %swap3A_394, %swap3A_395] : memref<33x20x128xf32, #tpu.memory_space<vmem>>, vector<1x1x128xf32>
      %swap3A_397 = vector.shape_cast %swap3A_396 : vector<1x1x128xf32> to vector<128xf32>
      %swap3A_398 = vector.shape_cast %reduce_sum3A_390 : vector<128xf32> to vector<1x1x128xf32>
      tpu.vector_store %arg3[%swap3A_393, %swap3A_394, %swap3A_395], %swap3A_398 {strides = array<i32>} : memref<33x20x128xf32, #tpu.memory_space<vmem>>, vector<1x1x128xf32>,
      %get3A_399 = arith.constant 1824 : index
      %get3A_400 = arith.constant 0 : index
      %get3A_401 = vector.load %arg2[%get3A_399, %get3A_400] : memref<6080x128xf32, #tpu.memory_space<vmem>>, vector<300x128xf32>
      %mul3A_402 = arith.mulf %convert_element_type3A_253, %get3A_401 : vector<300x128xf32>
      %reduce_sum3A_403 = arith.constant dense<0.000000e+00> : vector<128xf32>
      %reduce_sum3A_404 = vector.multi_reduction <add>, %mul3A_402, %reduce_sum3A_403 [0] : vector<300x128xf32> to vector<128xf32>
      %swap3A_405 = arith.index_cast %mul3A_247 : i32 to index
      %swap3A_406 = arith.constant 6 : index
      %swap3A_407 = arith.constant 0 : index
      %swap3A_408 = vector.load %arg3[%swap3A_405, %swap3A_406, %swap3A_407] : memref<33x20x128xf32, #tpu.memory_space<vmem>>, vector<1x1x128xf32>
      %swap3A_409 = vector.shape_cast %swap3A_408 : vector<1x1x128xf32> to vector<128xf32>
      %swap3A_410 = vector.shape_cast %reduce_sum3A_404 : vector<128xf32> to vector<1x1x128xf32>
      tpu.vector_store %arg3[%swap3A_405, %swap3A_406, %swap3A_407], %swap3A_410 {strides = array<i32>} : memref<33x20x128xf32, #tpu.memory_space<vmem>>, vector<1x1x128xf32>,
      %mul3A_411 = arith.mulf %convert_element_type3A_260, %get3A_401 : vector<300x128xf32>
      %reduce_sum3A_412 = arith.constant dense<0.000000e+00> : vector<128xf32>
      %reduce_sum3A_413 = vector.multi_reduction <add>, %mul3A_411, %reduce_sum3A_412 [0] : vector<300x128xf32> to vector<128xf32>
      %add3A_414 = arith.constant 1 : i32
      %add3A_415 = arith.addi %mul3A_247, %add3A_414 : i32
      %swap3A_416 = arith.index_cast %add3A_415 : i32 to index
      %swap3A_417 = arith.constant 6 : index
      %swap3A_418 = arith.constant 0 : index
      %swap3A_419 = vector.load %arg3[%swap3A_416, %swap3A_417, %swap3A_418] : memref<33x20x128xf32, #tpu.memory_space<vmem>>, vector<1x1x128xf32>
      %swap3A_420 = vector.shape_cast %swap3A_419 : vector<1x1x128xf32> to vector<128xf32>
      %swap3A_421 = vector.shape_cast %reduce_sum3A_413 : vector<128xf32> to vector<1x1x128xf32>
      tpu.vector_store %arg3[%swap3A_416, %swap3A_417, %swap3A_418], %swap3A_421 {strides = array<i32>} : memref<33x20x128xf32, #tpu.memory_space<vmem>>, vector<1x1x128xf32>,
      %get3A_422 = arith.constant 2128 : index
      %get3A_423 = arith.constant 0 : index
      %get3A_424 = vector.load %arg2[%get3A_422, %get3A_423] : memref<6080x128xf32, #tpu.memory_space<vmem>>, vector<300x128xf32>
      %mul3A_425 = arith.mulf %convert_element_type3A_253, %get3A_424 : vector<300x128xf32>
      %reduce_sum3A_426 = arith.constant dense<0.000000e+00> : vector<128xf32>
      %reduce_sum3A_427 = vector.multi_reduction <add>, %mul3A_425, %reduce_sum3A_426 [0] : vector<300x128xf32> to vector<128xf32>
      %swap3A_428 = arith.index_cast %mul3A_247 : i32 to index
      %swap3A_429 = arith.constant 7 : index
      %swap3A_430 = arith.constant 0 : index
      %swap3A_431 = vector.load %arg3[%swap3A_428, %swap3A_429, %swap3A_430] : memref<33x20x128xf32, #tpu.memory_space<vmem>>, vector<1x1x128xf32>
      %swap3A_432 = vector.shape_cast %swap3A_431 : vector<1x1x128xf32> to vector<128xf32>
      %swap3A_433 = vector.shape_cast %reduce_sum3A_427 : vector<128xf32> to vector<1x1x128xf32>
      tpu.vector_store %arg3[%swap3A_428, %swap3A_429, %swap3A_430], %swap3A_433 {strides = array<i32>} : memref<33x20x128xf32, #tpu.memory_space<vmem>>, vector<1x1x128xf32>,
      %mul3A_434 = arith.mulf %convert_element_type3A_260, %get3A_424 : vector<300x128xf32>
      %reduce_sum3A_435 = arith.constant dense<0.000000e+00> : vector<128xf32>
      %reduce_sum3A_436 = vector.multi_reduction <add>, %mul3A_434, %reduce_sum3A_435 [0] : vector<300x128xf32> to vector<128xf32>
      %add3A_437 = arith.constant 1 : i32
      %add3A_438 = arith.addi %mul3A_247, %add3A_437 : i32
      %swap3A_439 = arith.index_cast %add3A_438 : i32 to index
      %swap3A_440 = arith.constant 7 : index
      %swap3A_441 = arith.constant 0 : index
      %swap3A_442 = vector.load %arg3[%swap3A_439, %swap3A_440, %swap3A_441] : memref<33x20x128xf32, #tpu.memory_space<vmem>>, vector<1x1x128xf32>
      %swap3A_443 = vector.shape_cast %swap3A_442 : vector<1x1x128xf32> to vector<128xf32>
      %swap3A_444 = vector.shape_cast %reduce_sum3A_436 : vector<128xf32> to vector<1x1x128xf32>
      tpu.vector_store %arg3[%swap3A_439, %swap3A_440, %swap3A_441], %swap3A_444 {strides = array<i32>} : memref<33x20x128xf32, #tpu.memory_space<vmem>>, vector<1x1x128xf32>,
      %get3A_445 = arith.constant 2432 : index
      %get3A_446 = arith.constant 0 : index
      %get3A_447 = vector.load %arg2[%get3A_445, %get3A_446] : memref<6080x128xf32, #tpu.memory_space<vmem>>, vector<300x128xf32>
      %mul3A_448 = arith.mulf %convert_element_type3A_253, %get3A_447 : vector<300x128xf32>
      %reduce_sum3A_449 = arith.constant dense<0.000000e+00> : vector<128xf32>
      %reduce_sum3A_450 = vector.multi_reduction <add>, %mul3A_448, %reduce_sum3A_449 [0] : vector<300x128xf32> to vector<128xf32>
      %swap3A_451 = arith.index_cast %mul3A_247 : i32 to index
      %swap3A_452 = arith.constant 8 : index
      %swap3A_453 = arith.constant 0 : index
      %swap3A_454 = vector.load %arg3[%swap3A_451, %swap3A_452, %swap3A_453] : memref<33x20x128xf32, #tpu.memory_space<vmem>>, vector<1x1x128xf32>
      %swap3A_455 = vector.shape_cast %swap3A_454 : vector<1x1x128xf32> to vector<128xf32>
      %swap3A_456 = vector.shape_cast %reduce_sum3A_450 : vector<128xf32> to vector<1x1x128xf32>
      tpu.vector_store %arg3[%swap3A_451, %swap3A_452, %swap3A_453], %swap3A_456 {strides = array<i32>} : memref<33x20x128xf32, #tpu.memory_space<vmem>>, vector<1x1x128xf32>,
      %mul3A_457 = arith.mulf %convert_element_type3A_260, %get3A_447 : vector<300x128xf32>
      %reduce_sum3A_458 = arith.constant dense<0.000000e+00> : vector<128xf32>
      %reduce_sum3A_459 = vector.multi_reduction <add>, %mul3A_457, %reduce_sum3A_458 [0] : vector<300x128xf32> to vector<128xf32>
      %add3A_460 = arith.constant 1 : i32
      %add3A_461 = arith.addi %mul3A_247, %add3A_460 : i32
      %swap3A_462 = arith.index_cast %add3A_461 : i32 to index
      %swap3A_463 = arith.constant 8 : index
      %swap3A_464 = arith.constant 0 : index
      %swap3A_465 = vector.load %arg3[%swap3A_462, %swap3A_463, %swap3A_464] : memref<33x20x128xf32, #tpu.memory_space<vmem>>, vector<1x1x128xf32>
      %swap3A_466 = vector.shape_cast %swap3A_465 : vector<1x1x128xf32> to vector<128xf32>
      %swap3A_467 = vector.shape_cast %reduce_sum3A_459 : vector<128xf32> to vector<1x1x128xf32>
      tpu.vector_store %arg3[%swap3A_462, %swap3A_463, %swap3A_464], %swap3A_467 {strides = array<i32>} : memref<33x20x128xf32, #tpu.memory_space<vmem>>, vector<1x1x128xf32>,
      %get3A_468 = arith.constant 2736 : index
      %get3A_469 = arith.constant 0 : index
      %get3A_470 = vector.load %arg2[%get3A_468, %get3A_469] : memref<6080x128xf32, #tpu.memory_space<vmem>>, vector<300x128xf32>
      %mul3A_471 = arith.mulf %convert_element_type3A_253, %get3A_470 : vector<300x128xf32>
      %reduce_sum3A_472 = arith.constant dense<0.000000e+00> : vector<128xf32>
      %reduce_sum3A_473 = vector.multi_reduction <add>, %mul3A_471, %reduce_sum3A_472 [0] : vector<300x128xf32> to vector<128xf32>
      %swap3A_474 = arith.index_cast %mul3A_247 : i32 to index
      %swap3A_475 = arith.constant 9 : index
      %swap3A_476 = arith.constant 0 : index
      %swap3A_477 = vector.load %arg3[%swap3A_474, %swap3A_475, %swap3A_476] : memref<33x20x128xf32, #tpu.memory_space<vmem>>, vector<1x1x128xf32>
      %swap3A_478 = vector.shape_cast %swap3A_477 : vector<1x1x128xf32> to vector<128xf32>
      %swap3A_479 = vector.shape_cast %reduce_sum3A_473 : vector<128xf32> to vector<1x1x128xf32>
      tpu.vector_store %arg3[%swap3A_474, %swap3A_475, %swap3A_476], %swap3A_479 {strides = array<i32>} : memref<33x20x128xf32, #tpu.memory_space<vmem>>, vector<1x1x128xf32>,
      %mul3A_480 = arith.mulf %convert_element_type3A_260, %get3A_470 : vector<300x128xf32>
      %reduce_sum3A_481 = arith.constant dense<0.000000e+00> : vector<128xf32>
      %reduce_sum3A_482 = vector.multi_reduction <add>, %mul3A_480, %reduce_sum3A_481 [0] : vector<300x128xf32> to vector<128xf32>
      %add3A_483 = arith.constant 1 : i32
      %add3A_484 = arith.addi %mul3A_247, %add3A_483 : i32
      %swap3A_485 = arith.index_cast %add3A_484 : i32 to index
      %swap3A_486 = arith.constant 9 : index
      %swap3A_487 = arith.constant 0 : index
      %swap3A_488 = vector.load %arg3[%swap3A_485, %swap3A_486, %swap3A_487] : memref<33x20x128xf32, #tpu.memory_space<vmem>>, vector<1x1x128xf32>
      %swap3A_489 = vector.shape_cast %swap3A_488 : vector<1x1x128xf32> to vector<128xf32>
      %swap3A_490 = vector.shape_cast %reduce_sum3A_482 : vector<128xf32> to vector<1x1x128xf32>
      tpu.vector_store %arg3[%swap3A_485, %swap3A_486, %swap3A_487], %swap3A_490 {strides = array<i32>} : memref<33x20x128xf32, #tpu.memory_space<vmem>>, vector<1x1x128xf32>,
      %get3A_491 = arith.constant 3040 : index
      %get3A_492 = arith.constant 0 : index
      %get3A_493 = vector.load %arg2[%get3A_491, %get3A_492] : memref<6080x128xf32, #tpu.memory_space<vmem>>, vector<300x128xf32>
      %mul3A_494 = arith.mulf %convert_element_type3A_253, %get3A_493 : vector<300x128xf32>
      %reduce_sum3A_495 = arith.constant dense<0.000000e+00> : vector<128xf32>
      %reduce_sum3A_496 = vector.multi_reduction <add>, %mul3A_494, %reduce_sum3A_495 [0] : vector<300x128xf32> to vector<128xf32>
      %swap3A_497 = arith.index_cast %mul3A_247 : i32 to index
      %swap3A_498 = arith.constant 10 : index
      %swap3A_499 = arith.constant 0 : index
      %swap3A_500 = vector.load %arg3[%swap3A_497, %swap3A_498, %swap3A_499] : memref<33x20x128xf32, #tpu.memory_space<vmem>>, vector<1x1x128xf32>
      %swap3A_501 = vector.shape_cast %swap3A_500 : vector<1x1x128xf32> to vector<128xf32>
      %swap3A_502 = vector.shape_cast %reduce_sum3A_496 : vector<128xf32> to vector<1x1x128xf32>
      tpu.vector_store %arg3[%swap3A_497, %swap3A_498, %swap3A_499], %swap3A_502 {strides = array<i32>} : memref<33x20x128xf32, #tpu.memory_space<vmem>>, vector<1x1x128xf32>,
      %mul3A_503 = arith.mulf %convert_element_type3A_260, %get3A_493 : vector<300x128xf32>
      %reduce_sum3A_504 = arith.constant dense<0.000000e+00> : vector<128xf32>
      %reduce_sum3A_505 = vector.multi_reduction <add>, %mul3A_503, %reduce_sum3A_504 [0] : vector<300x128xf32> to vector<128xf32>
      %add3A_506 = arith.constant 1 : i32
      %add3A_507 = arith.addi %mul3A_247, %add3A_506 : i32
      %swap3A_508 = arith.index_cast %add3A_507 : i32 to index
      %swap3A_509 = arith.constant 10 : index
      %swap3A_510 = arith.constant 0 : index
      %swap3A_511 = vector.load %arg3[%swap3A_508, %swap3A_509, %swap3A_510] : memref<33x20x128xf32, #tpu.memory_space<vmem>>, vector<1x1x128xf32>
      %swap3A_512 = vector.shape_cast %swap3A_511 : vector<1x1x128xf32> to vector<128xf32>
      %swap3A_513 = vector.shape_cast %reduce_sum3A_505 : vector<128xf32> to vector<1x1x128xf32>
      tpu.vector_store %arg3[%swap3A_508, %swap3A_509, %swap3A_510], %swap3A_513 {strides = array<i32>} : memref<33x20x128xf32, #tpu.memory_space<vmem>>, vector<1x1x128xf32>,
      %get3A_514 = arith.constant 3344 : index
      %get3A_515 = arith.constant 0 : index
      %get3A_516 = vector.load %arg2[%get3A_514, %get3A_515] : memref<6080x128xf32, #tpu.memory_space<vmem>>, vector<300x128xf32>
      %mul3A_517 = arith.mulf %convert_element_type3A_253, %get3A_516 : vector<300x128xf32>
      %reduce_sum3A_518 = arith.constant dense<0.000000e+00> : vector<128xf32>
      %reduce_sum3A_519 = vector.multi_reduction <add>, %mul3A_517, %reduce_sum3A_518 [0] : vector<300x128xf32> to vector<128xf32>
      %swap3A_520 = arith.index_cast %mul3A_247 : i32 to index
      %swap3A_521 = arith.constant 11 : index
      %swap3A_522 = arith.constant 0 : index
      %swap3A_523 = vector.load %arg3[%swap3A_520, %swap3A_521, %swap3A_522] : memref<33x20x128xf32, #tpu.memory_space<vmem>>, vector<1x1x128xf32>
      %swap3A_524 = vector.shape_cast %swap3A_523 : vector<1x1x128xf32> to vector<128xf32>
      %swap3A_525 = vector.shape_cast %reduce_sum3A_519 : vector<128xf32> to vector<1x1x128xf32>
      tpu.vector_store %arg3[%swap3A_520, %swap3A_521, %swap3A_522], %swap3A_525 {strides = array<i32>} : memref<33x20x128xf32, #tpu.memory_space<vmem>>, vector<1x1x128xf32>,
      %mul3A_526 = arith.mulf %convert_element_type3A_260, %get3A_516 : vector<300x128xf32>
      %reduce_sum3A_527 = arith.constant dense<0.000000e+00> : vector<128xf32>
      %reduce_sum3A_528 = vector.multi_reduction <add>, %mul3A_526, %reduce_sum3A_527 [0] : vector<300x128xf32> to vector<128xf32>
      %add3A_529 = arith.constant 1 : i32
      %add3A_530 = arith.addi %mul3A_247, %add3A_529 : i32
      %swap3A_531 = arith.index_cast %add3A_530 : i32 to index
      %swap3A_532 = arith.constant 11 : index
      %swap3A_533 = arith.constant 0 : index
      %swap3A_534 = vector.load %arg3[%swap3A_531, %swap3A_532, %swap3A_533] : memref<33x20x128xf32, #tpu.memory_space<vmem>>, vector<1x1x128xf32>
      %swap3A_535 = vector.shape_cast %swap3A_534 : vector<1x1x128xf32> to vector<128xf32>
      %swap3A_536 = vector.shape_cast %reduce_sum3A_528 : vector<128xf32> to vector<1x1x128xf32>
      tpu.vector_store %arg3[%swap3A_531, %swap3A_532, %swap3A_533], %swap3A_536 {strides = array<i32>} : memref<33x20x128xf32, #tpu.memory_space<vmem>>, vector<1x1x128xf32>,
      %get3A_537 = arith.constant 3648 : index
      %get3A_538 = arith.constant 0 : index
      %get3A_539 = vector.load %arg2[%get3A_537, %get3A_538] : memref<6080x128xf32, #tpu.memory_space<vmem>>, vector<300x128xf32>
      %mul3A_540 = arith.mulf %convert_element_type3A_253, %get3A_539 : vector<300x128xf32>
      %reduce_sum3A_541 = arith.constant dense<0.000000e+00> : vector<128xf32>
      %reduce_sum3A_542 = vector.multi_reduction <add>, %mul3A_540, %reduce_sum3A_541 [0] : vector<300x128xf32> to vector<128xf32>
      %swap3A_543 = arith.index_cast %mul3A_247 : i32 to index
      %swap3A_544 = arith.constant 12 : index
      %swap3A_545 = arith.constant 0 : index
      %swap3A_546 = vector.load %arg3[%swap3A_543, %swap3A_544, %swap3A_545] : memref<33x20x128xf32, #tpu.memory_space<vmem>>, vector<1x1x128xf32>
      %swap3A_547 = vector.shape_cast %swap3A_546 : vector<1x1x128xf32> to vector<128xf32>
      %swap3A_548 = vector.shape_cast %reduce_sum3A_542 : vector<128xf32> to vector<1x1x128xf32>
      tpu.vector_store %arg3[%swap3A_543, %swap3A_544, %swap3A_545], %swap3A_548 {strides = array<i32>} : memref<33x20x128xf32, #tpu.memory_space<vmem>>, vector<1x1x128xf32>,
      %mul3A_549 = arith.mulf %convert_element_type3A_260, %get3A_539 : vector<300x128xf32>
      %reduce_sum3A_550 = arith.constant dense<0.000000e+00> : vector<128xf32>
      %reduce_sum3A_551 = vector.multi_reduction <add>, %mul3A_549, %reduce_sum3A_550 [0] : vector<300x128xf32> to vector<128xf32>
      %add3A_552 = arith.constant 1 : i32
      %add3A_553 = arith.addi %mul3A_247, %add3A_552 : i32
      %swap3A_554 = arith.index_cast %add3A_553 : i32 to index
      %swap3A_555 = arith.constant 12 : index
      %swap3A_556 = arith.constant 0 : index
      %swap3A_557 = vector.load %arg3[%swap3A_554, %swap3A_555, %swap3A_556] : memref<33x20x128xf32, #tpu.memory_space<vmem>>, vector<1x1x128xf32>
      %swap3A_558 = vector.shape_cast %swap3A_557 : vector<1x1x128xf32> to vector<128xf32>
      %swap3A_559 = vector.shape_cast %reduce_sum3A_551 : vector<128xf32> to vector<1x1x128xf32>
      tpu.vector_store %arg3[%swap3A_554, %swap3A_555, %swap3A_556], %swap3A_559 {strides = array<i32>} : memref<33x20x128xf32, #tpu.memory_space<vmem>>, vector<1x1x128xf32>,
      %get3A_560 = arith.constant 3952 : index
      %get3A_561 = arith.constant 0 : index
      %get3A_562 = vector.load %arg2[%get3A_560, %get3A_561] : memref<6080x128xf32, #tpu.memory_space<vmem>>, vector<300x128xf32>
      %mul3A_563 = arith.mulf %convert_element_type3A_253, %get3A_562 : vector<300x128xf32>
      %reduce_sum3A_564 = arith.constant dense<0.000000e+00> : vector<128xf32>
      %reduce_sum3A_565 = vector.multi_reduction <add>, %mul3A_563, %reduce_sum3A_564 [0] : vector<300x128xf32> to vector<128xf32>
      %swap3A_566 = arith.index_cast %mul3A_247 : i32 to index
      %swap3A_567 = arith.constant 13 : index
      %swap3A_568 = arith.constant 0 : index
      %swap3A_569 = vector.load %arg3[%swap3A_566, %swap3A_567, %swap3A_568] : memref<33x20x128xf32, #tpu.memory_space<vmem>>, vector<1x1x128xf32>
      %swap3A_570 = vector.shape_cast %swap3A_569 : vector<1x1x128xf32> to vector<128xf32>
      %swap3A_571 = vector.shape_cast %reduce_sum3A_565 : vector<128xf32> to vector<1x1x128xf32>
      tpu.vector_store %arg3[%swap3A_566, %swap3A_567, %swap3A_568], %swap3A_571 {strides = array<i32>} : memref<33x20x128xf32, #tpu.memory_space<vmem>>, vector<1x1x128xf32>,
      %mul3A_572 = arith.mulf %convert_element_type3A_260, %get3A_562 : vector<300x128xf32>
      %reduce_sum3A_573 = arith.constant dense<0.000000e+00> : vector<128xf32>
      %reduce_sum3A_574 = vector.multi_reduction <add>, %mul3A_572, %reduce_sum3A_573 [0] : vector<300x128xf32> to vector<128xf32>
      %add3A_575 = arith.constant 1 : i32
      %add3A_576 = arith.addi %mul3A_247, %add3A_575 : i32
      %swap3A_577 = arith.index_cast %add3A_576 : i32 to index
      %swap3A_578 = arith.constant 13 : index
      %swap3A_579 = arith.constant 0 : index
      %swap3A_580 = vector.load %arg3[%swap3A_577, %swap3A_578, %swap3A_579] : memref<33x20x128xf32, #tpu.memory_space<vmem>>, vector<1x1x128xf32>
      %swap3A_581 = vector.shape_cast %swap3A_580 : vector<1x1x128xf32> to vector<128xf32>
      %swap3A_582 = vector.shape_cast %reduce_sum3A_574 : vector<128xf32> to vector<1x1x128xf32>
      tpu.vector_store %arg3[%swap3A_577, %swap3A_578, %swap3A_579], %swap3A_582 {strides = array<i32>} : memref<33x20x128xf32, #tpu.memory_space<vmem>>, vector<1x1x128xf32>,
      %get3A_583 = arith.constant 4256 : index
      %get3A_584 = arith.constant 0 : index
      %get3A_585 = vector.load %arg2[%get3A_583, %get3A_584] : memref<6080x128xf32, #tpu.memory_space<vmem>>, vector<300x128xf32>
      %mul3A_586 = arith.mulf %convert_element_type3A_253, %get3A_585 : vector<300x128xf32>
      %reduce_sum3A_587 = arith.constant dense<0.000000e+00> : vector<128xf32>
      %reduce_sum3A_588 = vector.multi_reduction <add>, %mul3A_586, %reduce_sum3A_587 [0] : vector<300x128xf32> to vector<128xf32>
      %swap3A_589 = arith.index_cast %mul3A_247 : i32 to index
      %swap3A_590 = arith.constant 14 : index
      %swap3A_591 = arith.constant 0 : index
      %swap3A_592 = vector.load %arg3[%swap3A_589, %swap3A_590, %swap3A_591] : memref<33x20x128xf32, #tpu.memory_space<vmem>>, vector<1x1x128xf32>
      %swap3A_593 = vector.shape_cast %swap3A_592 : vector<1x1x128xf32> to vector<128xf32>
      %swap3A_594 = vector.shape_cast %reduce_sum3A_588 : vector<128xf32> to vector<1x1x128xf32>
      tpu.vector_store %arg3[%swap3A_589, %swap3A_590, %swap3A_591], %swap3A_594 {strides = array<i32>} : memref<33x20x128xf32, #tpu.memory_space<vmem>>, vector<1x1x128xf32>,
      %mul3A_595 = arith.mulf %convert_element_type3A_260, %get3A_585 : vector<300x128xf32>
      %reduce_sum3A_596 = arith.constant dense<0.000000e+00> : vector<128xf32>
      %reduce_sum3A_597 = vector.multi_reduction <add>, %mul3A_595, %reduce_sum3A_596 [0] : vector<300x128xf32> to vector<128xf32>
      %add3A_598 = arith.constant 1 : i32
      %add3A_599 = arith.addi %mul3A_247, %add3A_598 : i32
      %swap3A_600 = arith.index_cast %add3A_599 : i32 to index
      %swap3A_601 = arith.constant 14 : index
      %swap3A_602 = arith.constant 0 : index
      %swap3A_603 = vector.load %arg3[%swap3A_600, %swap3A_601, %swap3A_602] : memref<33x20x128xf32, #tpu.memory_space<vmem>>, vector<1x1x128xf32>
      %swap3A_604 = vector.shape_cast %swap3A_603 : vector<1x1x128xf32> to vector<128xf32>
      %swap3A_605 = vector.shape_cast %reduce_sum3A_597 : vector<128xf32> to vector<1x1x128xf32>
      tpu.vector_store %arg3[%swap3A_600, %swap3A_601, %swap3A_602], %swap3A_605 {strides = array<i32>} : memref<33x20x128xf32, #tpu.memory_space<vmem>>, vector<1x1x128xf32>,
      %get3A_606 = arith.constant 4560 : index
      %get3A_607 = arith.constant 0 : index
      %get3A_608 = vector.load %arg2[%get3A_606, %get3A_607] : memref<6080x128xf32, #tpu.memory_space<vmem>>, vector<300x128xf32>
      %mul3A_609 = arith.mulf %convert_element_type3A_253, %get3A_608 : vector<300x128xf32>
      %reduce_sum3A_610 = arith.constant dense<0.000000e+00> : vector<128xf32>
      %reduce_sum3A_611 = vector.multi_reduction <add>, %mul3A_609, %reduce_sum3A_610 [0] : vector<300x128xf32> to vector<128xf32>
      %swap3A_612 = arith.index_cast %mul3A_247 : i32 to index
      %swap3A_613 = arith.constant 15 : index
      %swap3A_614 = arith.constant 0 : index
      %swap3A_615 = vector.load %arg3[%swap3A_612, %swap3A_613, %swap3A_614] : memref<33x20x128xf32, #tpu.memory_space<vmem>>, vector<1x1x128xf32>
      %swap3A_616 = vector.shape_cast %swap3A_615 : vector<1x1x128xf32> to vector<128xf32>
      %swap3A_617 = vector.shape_cast %reduce_sum3A_611 : vector<128xf32> to vector<1x1x128xf32>
      tpu.vector_store %arg3[%swap3A_612, %swap3A_613, %swap3A_614], %swap3A_617 {strides = array<i32>} : memref<33x20x128xf32, #tpu.memory_space<vmem>>, vector<1x1x128xf32>,
      %mul3A_618 = arith.mulf %convert_element_type3A_260, %get3A_608 : vector<300x128xf32>
      %reduce_sum3A_619 = arith.constant dense<0.000000e+00> : vector<128xf32>
      %reduce_sum3A_620 = vector.multi_reduction <add>, %mul3A_618, %reduce_sum3A_619 [0] : vector<300x128xf32> to vector<128xf32>
      %add3A_621 = arith.constant 1 : i32
      %add3A_622 = arith.addi %mul3A_247, %add3A_621 : i32
      %swap3A_623 = arith.index_cast %add3A_622 : i32 to index
      %swap3A_624 = arith.constant 15 : index
      %swap3A_625 = arith.constant 0 : index
      %swap3A_626 = vector.load %arg3[%swap3A_623, %swap3A_624, %swap3A_625] : memref<33x20x128xf32, #tpu.memory_space<vmem>>, vector<1x1x128xf32>
      %swap3A_627 = vector.shape_cast %swap3A_626 : vector<1x1x128xf32> to vector<128xf32>
      %swap3A_628 = vector.shape_cast %reduce_sum3A_620 : vector<128xf32> to vector<1x1x128xf32>
      tpu.vector_store %arg3[%swap3A_623, %swap3A_624, %swap3A_625], %swap3A_628 {strides = array<i32>} : memref<33x20x128xf32, #tpu.memory_space<vmem>>, vector<1x1x128xf32>,
      %get3A_629 = arith.constant 4864 : index
      %get3A_630 = arith.constant 0 : index
      %get3A_631 = vector.load %arg2[%get3A_629, %get3A_630] : memref<6080x128xf32, #tpu.memory_space<vmem>>, vector<300x128xf32>
      %mul3A_632 = arith.mulf %convert_element_type3A_253, %get3A_631 : vector<300x128xf32>
      %reduce_sum3A_633 = arith.constant dense<0.000000e+00> : vector<128xf32>
      %reduce_sum3A_634 = vector.multi_reduction <add>, %mul3A_632, %reduce_sum3A_633 [0] : vector<300x128xf32> to vector<128xf32>
      %swap3A_635 = arith.index_cast %mul3A_247 : i32 to index
      %swap3A_636 = arith.constant 16 : index
      %swap3A_637 = arith.constant 0 : index
      %swap3A_638 = vector.load %arg3[%swap3A_635, %swap3A_636, %swap3A_637] : memref<33x20x128xf32, #tpu.memory_space<vmem>>, vector<1x1x128xf32>
      %swap3A_639 = vector.shape_cast %swap3A_638 : vector<1x1x128xf32> to vector<128xf32>
      %swap3A_640 = vector.shape_cast %reduce_sum3A_634 : vector<128xf32> to vector<1x1x128xf32>
      tpu.vector_store %arg3[%swap3A_635, %swap3A_636, %swap3A_637], %swap3A_640 {strides = array<i32>} : memref<33x20x128xf32, #tpu.memory_space<vmem>>, vector<1x1x128xf32>,
      %mul3A_641 = arith.mulf %convert_element_type3A_260, %get3A_631 : vector<300x128xf32>
      %reduce_sum3A_642 = arith.constant dense<0.000000e+00> : vector<128xf32>
      %reduce_sum3A_643 = vector.multi_reduction <add>, %mul3A_641, %reduce_sum3A_642 [0] : vector<300x128xf32> to vector<128xf32>
      %add3A_644 = arith.constant 1 : i32
      %add3A_645 = arith.addi %mul3A_247, %add3A_644 : i32
      %swap3A_646 = arith.index_cast %add3A_645 : i32 to index
      %swap3A_647 = arith.constant 16 : index
      %swap3A_648 = arith.constant 0 : index
      %swap3A_649 = vector.load %arg3[%swap3A_646, %swap3A_647, %swap3A_648] : memref<33x20x128xf32, #tpu.memory_space<vmem>>, vector<1x1x128xf32>
      %swap3A_650 = vector.shape_cast %swap3A_649 : vector<1x1x128xf32> to vector<128xf32>
      %swap3A_651 = vector.shape_cast %reduce_sum3A_643 : vector<128xf32> to vector<1x1x128xf32>
      tpu.vector_store %arg3[%swap3A_646, %swap3A_647, %swap3A_648], %swap3A_651 {strides = array<i32>} : memref<33x20x128xf32, #tpu.memory_space<vmem>>, vector<1x1x128xf32>,
      %get3A_652 = arith.constant 5168 : index
      %get3A_653 = arith.constant 0 : index
      %get3A_654 = vector.load %arg2[%get3A_652, %get3A_653] : memref<6080x128xf32, #tpu.memory_space<vmem>>, vector<300x128xf32>
      %mul3A_655 = arith.mulf %convert_element_type3A_253, %get3A_654 : vector<300x128xf32>
      %reduce_sum3A_656 = arith.constant dense<0.000000e+00> : vector<128xf32>
      %reduce_sum3A_657 = vector.multi_reduction <add>, %mul3A_655, %reduce_sum3A_656 [0] : vector<300x128xf32> to vector<128xf32>
      %swap3A_658 = arith.index_cast %mul3A_247 : i32 to index
      %swap3A_659 = arith.constant 17 : index
      %swap3A_660 = arith.constant 0 : index
      %swap3A_661 = vector.load %arg3[%swap3A_658, %swap3A_659, %swap3A_660] : memref<33x20x128xf32, #tpu.memory_space<vmem>>, vector<1x1x128xf32>
      %swap3A_662 = vector.shape_cast %swap3A_661 : vector<1x1x128xf32> to vector<128xf32>
      %swap3A_663 = vector.shape_cast %reduce_sum3A_657 : vector<128xf32> to vector<1x1x128xf32>
      tpu.vector_store %arg3[%swap3A_658, %swap3A_659, %swap3A_660], %swap3A_663 {strides = array<i32>} : memref<33x20x128xf32, #tpu.memory_space<vmem>>, vector<1x1x128xf32>,
      %mul3A_664 = arith.mulf %convert_element_type3A_260, %get3A_654 : vector<300x128xf32>
      %reduce_sum3A_665 = arith.constant dense<0.000000e+00> : vector<128xf32>
      %reduce_sum3A_666 = vector.multi_reduction <add>, %mul3A_664, %reduce_sum3A_665 [0] : vector<300x128xf32> to vector<128xf32>
      %add3A_667 = arith.constant 1 : i32
      %add3A_668 = arith.addi %mul3A_247, %add3A_667 : i32
      %swap3A_669 = arith.index_cast %add3A_668 : i32 to index
      %swap3A_670 = arith.constant 17 : index
      %swap3A_671 = arith.constant 0 : index
      %swap3A_672 = vector.load %arg3[%swap3A_669, %swap3A_670, %swap3A_671] : memref<33x20x128xf32, #tpu.memory_space<vmem>>, vector<1x1x128xf32>
      %swap3A_673 = vector.shape_cast %swap3A_672 : vector<1x1x128xf32> to vector<128xf32>
      %swap3A_674 = vector.shape_cast %reduce_sum3A_666 : vector<128xf32> to vector<1x1x128xf32>
      tpu.vector_store %arg3[%swap3A_669, %swap3A_670, %swap3A_671], %swap3A_674 {strides = array<i32>} : memref<33x20x128xf32, #tpu.memory_space<vmem>>, vector<1x1x128xf32>,
      %get3A_675 = arith.constant 5472 : index
      %get3A_676 = arith.constant 0 : index
      %get3A_677 = vector.load %arg2[%get3A_675, %get3A_676] : memref<6080x128xf32, #tpu.memory_space<vmem>>, vector<300x128xf32>
      %mul3A_678 = arith.mulf %convert_element_type3A_253, %get3A_677 : vector<300x128xf32>
      %reduce_sum3A_679 = arith.constant dense<0.000000e+00> : vector<128xf32>
      %reduce_sum3A_680 = vector.multi_reduction <add>, %mul3A_678, %reduce_sum3A_679 [0] : vector<300x128xf32> to vector<128xf32>
      %swap3A_681 = arith.index_cast %mul3A_247 : i32 to index
      %swap3A_682 = arith.constant 18 : index
      %swap3A_683 = arith.constant 0 : index
      %swap3A_684 = vector.load %arg3[%swap3A_681, %swap3A_682, %swap3A_683] : memref<33x20x128xf32, #tpu.memory_space<vmem>>, vector<1x1x128xf32>
      %swap3A_685 = vector.shape_cast %swap3A_684 : vector<1x1x128xf32> to vector<128xf32>
      %swap3A_686 = vector.shape_cast %reduce_sum3A_680 : vector<128xf32> to vector<1x1x128xf32>
      tpu.vector_store %arg3[%swap3A_681, %swap3A_682, %swap3A_683], %swap3A_686 {strides = array<i32>} : memref<33x20x128xf32, #tpu.memory_space<vmem>>, vector<1x1x128xf32>,
      %mul3A_687 = arith.mulf %convert_element_type3A_260, %get3A_677 : vector<300x128xf32>
      %reduce_sum3A_688 = arith.constant dense<0.000000e+00> : vector<128xf32>
      %reduce_sum3A_689 = vector.multi_reduction <add>, %mul3A_687, %reduce_sum3A_688 [0] : vector<300x128xf32> to vector<128xf32>
      %add3A_690 = arith.constant 1 : i32
      %add3A_691 = arith.addi %mul3A_247, %add3A_690 : i32
      %swap3A_692 = arith.index_cast %add3A_691 : i32 to index
      %swap3A_693 = arith.constant 18 : index
      %swap3A_694 = arith.constant 0 : index
      %swap3A_695 = vector.load %arg3[%swap3A_692, %swap3A_693, %swap3A_694] : memref<33x20x128xf32, #tpu.memory_space<vmem>>, vector<1x1x128xf32>
      %swap3A_696 = vector.shape_cast %swap3A_695 : vector<1x1x128xf32> to vector<128xf32>
      %swap3A_697 = vector.shape_cast %reduce_sum3A_689 : vector<128xf32> to vector<1x1x128xf32>
      tpu.vector_store %arg3[%swap3A_692, %swap3A_693, %swap3A_694], %swap3A_697 {strides = array<i32>} : memref<33x20x128xf32, #tpu.memory_space<vmem>>, vector<1x1x128xf32>,
      %get3A_698 = arith.constant 5776 : index
      %get3A_699 = arith.constant 0 : index
      %get3A_700 = vector.load %arg2[%get3A_698, %get3A_699] : memref<6080x128xf32, #tpu.memory_space<vmem>>, vector<300x128xf32>
      %mul3A_701 = arith.mulf %convert_element_type3A_253, %get3A_700 : vector<300x128xf32>
      %reduce_sum3A_702 = arith.constant dense<0.000000e+00> : vector<128xf32>
      %reduce_sum3A_703 = vector.multi_reduction <add>, %mul3A_701, %reduce_sum3A_702 [0] : vector<300x128xf32> to vector<128xf32>
      %swap3A_704 = arith.index_cast %mul3A_247 : i32 to index
      %swap3A_705 = arith.constant 19 : index
      %swap3A_706 = arith.constant 0 : index
      %swap3A_707 = vector.load %arg3[%swap3A_704, %swap3A_705, %swap3A_706] : memref<33x20x128xf32, #tpu.memory_space<vmem>>, vector<1x1x128xf32>
      %swap3A_708 = vector.shape_cast %swap3A_707 : vector<1x1x128xf32> to vector<128xf32>
      %swap3A_709 = vector.shape_cast %reduce_sum3A_703 : vector<128xf32> to vector<1x1x128xf32>
      tpu.vector_store %arg3[%swap3A_704, %swap3A_705, %swap3A_706], %swap3A_709 {strides = array<i32>} : memref<33x20x128xf32, #tpu.memory_space<vmem>>, vector<1x1x128xf32>,
      %mul3A_710 = arith.mulf %convert_element_type3A_260, %get3A_700 : vector<300x128xf32>
      %reduce_sum3A_711 = arith.constant dense<0.000000e+00> : vector<128xf32>
      %reduce_sum3A_712 = vector.multi_reduction <add>, %mul3A_710, %reduce_sum3A_711 [0] : vector<300x128xf32> to vector<128xf32>
      %add3A_713 = arith.constant 1 : i32
      %add3A_714 = arith.addi %mul3A_247, %add3A_713 : i32
      %swap3A_715 = arith.index_cast %add3A_714 : i32 to index
      %swap3A_716 = arith.constant 19 : index
      %swap3A_717 = arith.constant 0 : index
      %swap3A_718 = vector.load %arg3[%swap3A_715, %swap3A_716, %swap3A_717] : memref<33x20x128xf32, #tpu.memory_space<vmem>>, vector<1x1x128xf32>
      %swap3A_719 = vector.shape_cast %swap3A_718 : vector<1x1x128xf32> to vector<128xf32>
      %swap3A_720 = vector.shape_cast %reduce_sum3A_712 : vector<128xf32> to vector<1x1x128xf32>
      tpu.vector_store %arg3[%swap3A_715, %swap3A_716, %swap3A_717], %swap3A_720 {strides = array<i32>} : memref<33x20x128xf32, #tpu.memory_space<vmem>>, vector<1x1x128xf32>,
    }
    %scan3A_3 = arith.constant 16 : i32
    %get3A = arith.constant 32 : index
    %get3A_4 = arith.constant 0 : index
    %get3A_5 = arith.constant 0 : index
    %get3A_6 = vector.load %arg1[%get3A, %get3A_4, %get3A_5] : memref<33x300x128xi32, #tpu.memory_space<vmem>>, vector<1x300x128xi32>
    %get3A_7 = vector.shape_cast %get3A_6 : vector<1x300x128xi32> to vector<300x128xi32>
    %convert_element_type3A = arith.sitofp %get3A_7 : vector<300x128xi32> to vector<300x128xf32>
    %get3A_8 = arith.constant 0 : index
    %get3A_9 = arith.constant 0 : index
    %get3A_10 = vector.load %arg2[%get3A_8, %get3A_9] : memref<6080x128xf32, #tpu.memory_space<vmem>>, vector<300x128xf32>
    %mul3A = arith.mulf %convert_element_type3A, %get3A_10 : vector<300x128xf32>
    %reduce_sum3A = arith.constant dense<0.000000e+00> : vector<128xf32>
    %reduce_sum3A_11 = vector.multi_reduction <add>, %mul3A, %reduce_sum3A [0] : vector<300x128xf32> to vector<128xf32>
    %swap3A = arith.constant 32 : index
    %swap3A_12 = arith.constant 0 : index
    %swap3A_13 = arith.constant 0 : index
    %swap3A_14 = vector.load %arg3[%swap3A, %swap3A_12, %swap3A_13] : memref<33x20x128xf32, #tpu.memory_space<vmem>>, vector<1x1x128xf32>
    %swap3A_15 = vector.shape_cast %swap3A_14 : vector<1x1x128xf32> to vector<128xf32>
    %swap3A_16 = vector.shape_cast %reduce_sum3A_11 : vector<128xf32> to vector<1x1x128xf32>
    tpu.vector_store %arg3[%swap3A, %swap3A_12, %swap3A_13], %swap3A_16 {strides = array<i32>} : memref<33x20x128xf32, #tpu.memory_space<vmem>>, vector<1x1x128xf32>,
    %get3A_17 = arith.constant 304 : index
    %get3A_18 = arith.constant 0 : index
    %get3A_19 = vector.load %arg2[%get3A_17, %get3A_18] : memref<6080x128xf32, #tpu.memory_space<vmem>>, vector<300x128xf32>
    %mul3A_20 = arith.mulf %convert_element_type3A, %get3A_19 : vector<300x128xf32>
    %reduce_sum3A_21 = arith.constant dense<0.000000e+00> : vector<128xf32>
    %reduce_sum3A_22 = vector.multi_reduction <add>, %mul3A_20, %reduce_sum3A_21 [0] : vector<300x128xf32> to vector<128xf32>
    %swap3A_23 = arith.constant 32 : index
    %swap3A_24 = arith.constant 1 : index
    %swap3A_25 = arith.constant 0 : index
    %swap3A_26 = vector.load %arg3[%swap3A_23, %swap3A_24, %swap3A_25] : memref<33x20x128xf32, #tpu.memory_space<vmem>>, vector<1x1x128xf32>
    %swap3A_27 = vector.shape_cast %swap3A_26 : vector<1x1x128xf32> to vector<128xf32>
    %swap3A_28 = vector.shape_cast %reduce_sum3A_22 : vector<128xf32> to vector<1x1x128xf32>
    tpu.vector_store %arg3[%swap3A_23, %swap3A_24, %swap3A_25], %swap3A_28 {strides = array<i32>} : memref<33x20x128xf32, #tpu.memory_space<vmem>>, vector<1x1x128xf32>,
    %get3A_29 = arith.constant 608 : index
    %get3A_30 = arith.constant 0 : index
    %get3A_31 = vector.load %arg2[%get3A_29, %get3A_30] : memref<6080x128xf32, #tpu.memory_space<vmem>>, vector<300x128xf32>
    %mul3A_32 = arith.mulf %convert_element_type3A, %get3A_31 : vector<300x128xf32>
    %reduce_sum3A_33 = arith.constant dense<0.000000e+00> : vector<128xf32>
    %reduce_sum3A_34 = vector.multi_reduction <add>, %mul3A_32, %reduce_sum3A_33 [0] : vector<300x128xf32> to vector<128xf32>
    %swap3A_35 = arith.constant 32 : index
    %swap3A_36 = arith.constant 2 : index
    %swap3A_37 = arith.constant 0 : index
    %swap3A_38 = vector.load %arg3[%swap3A_35, %swap3A_36, %swap3A_37] : memref<33x20x128xf32, #tpu.memory_space<vmem>>, vector<1x1x128xf32>
    %swap3A_39 = vector.shape_cast %swap3A_38 : vector<1x1x128xf32> to vector<128xf32>
    %swap3A_40 = vector.shape_cast %reduce_sum3A_34 : vector<128xf32> to vector<1x1x128xf32>
    tpu.vector_store %arg3[%swap3A_35, %swap3A_36, %swap3A_37], %swap3A_40 {strides = array<i32>} : memref<33x20x128xf32, #tpu.memory_space<vmem>>, vector<1x1x128xf32>,
    %get3A_41 = arith.constant 912 : index
    %get3A_42 = arith.constant 0 : index
    %get3A_43 = vector.load %arg2[%get3A_41, %get3A_42] : memref<6080x128xf32, #tpu.memory_space<vmem>>, vector<300x128xf32>
    %mul3A_44 = arith.mulf %convert_element_type3A, %get3A_43 : vector<300x128xf32>
    %reduce_sum3A_45 = arith.constant dense<0.000000e+00> : vector<128xf32>
    %reduce_sum3A_46 = vector.multi_reduction <add>, %mul3A_44, %reduce_sum3A_45 [0] : vector<300x128xf32> to vector<128xf32>
    %swap3A_47 = arith.constant 32 : index
    %swap3A_48 = arith.constant 3 : index
    %swap3A_49 = arith.constant 0 : index
    %swap3A_50 = vector.load %arg3[%swap3A_47, %swap3A_48, %swap3A_49] : memref<33x20x128xf32, #tpu.memory_space<vmem>>, vector<1x1x128xf32>
    %swap3A_51 = vector.shape_cast %swap3A_50 : vector<1x1x128xf32> to vector<128xf32>
    %swap3A_52 = vector.shape_cast %reduce_sum3A_46 : vector<128xf32> to vector<1x1x128xf32>
    tpu.vector_store %arg3[%swap3A_47, %swap3A_48, %swap3A_49], %swap3A_52 {strides = array<i32>} : memref<33x20x128xf32, #tpu.memory_space<vmem>>, vector<1x1x128xf32>,
    %get3A_53 = arith.constant 1216 : index
    %get3A_54 = arith.constant 0 : index
    %get3A_55 = vector.load %arg2[%get3A_53, %get3A_54] : memref<6080x128xf32, #tpu.memory_space<vmem>>, vector<300x128xf32>
    %mul3A_56 = arith.mulf %convert_element_type3A, %get3A_55 : vector<300x128xf32>
    %reduce_sum3A_57 = arith.constant dense<0.000000e+00> : vector<128xf32>
    %reduce_sum3A_58 = vector.multi_reduction <add>, %mul3A_56, %reduce_sum3A_57 [0] : vector<300x128xf32> to vector<128xf32>
    %swap3A_59 = arith.constant 32 : index
    %swap3A_60 = arith.constant 4 : index
    %swap3A_61 = arith.constant 0 : index
    %swap3A_62 = vector.load %arg3[%swap3A_59, %swap3A_60, %swap3A_61] : memref<33x20x128xf32, #tpu.memory_space<vmem>>, vector<1x1x128xf32>
    %swap3A_63 = vector.shape_cast %swap3A_62 : vector<1x1x128xf32> to vector<128xf32>
    %swap3A_64 = vector.shape_cast %reduce_sum3A_58 : vector<128xf32> to vector<1x1x128xf32>
    tpu.vector_store %arg3[%swap3A_59, %swap3A_60, %swap3A_61], %swap3A_64 {strides = array<i32>} : memref<33x20x128xf32, #tpu.memory_space<vmem>>, vector<1x1x128xf32>,
    %get3A_65 = arith.constant 1520 : index
    %get3A_66 = arith.constant 0 : index
    %get3A_67 = vector.load %arg2[%get3A_65, %get3A_66] : memref<6080x128xf32, #tpu.memory_space<vmem>>, vector<300x128xf32>
    %mul3A_68 = arith.mulf %convert_element_type3A, %get3A_67 : vector<300x128xf32>
    %reduce_sum3A_69 = arith.constant dense<0.000000e+00> : vector<128xf32>
    %reduce_sum3A_70 = vector.multi_reduction <add>, %mul3A_68, %reduce_sum3A_69 [0] : vector<300x128xf32> to vector<128xf32>
    %swap3A_71 = arith.constant 32 : index
    %swap3A_72 = arith.constant 5 : index
    %swap3A_73 = arith.constant 0 : index
    %swap3A_74 = vector.load %arg3[%swap3A_71, %swap3A_72, %swap3A_73] : memref<33x20x128xf32, #tpu.memory_space<vmem>>, vector<1x1x128xf32>
    %swap3A_75 = vector.shape_cast %swap3A_74 : vector<1x1x128xf32> to vector<128xf32>
    %swap3A_76 = vector.shape_cast %reduce_sum3A_70 : vector<128xf32> to vector<1x1x128xf32>
    tpu.vector_store %arg3[%swap3A_71, %swap3A_72, %swap3A_73], %swap3A_76 {strides = array<i32>} : memref<33x20x128xf32, #tpu.memory_space<vmem>>, vector<1x1x128xf32>,
    %get3A_77 = arith.constant 1824 : index
    %get3A_78 = arith.constant 0 : index
    %get3A_79 = vector.load %arg2[%get3A_77, %get3A_78] : memref<6080x128xf32, #tpu.memory_space<vmem>>, vector<300x128xf32>
    %mul3A_80 = arith.mulf %convert_element_type3A, %get3A_79 : vector<300x128xf32>
    %reduce_sum3A_81 = arith.constant dense<0.000000e+00> : vector<128xf32>
    %reduce_sum3A_82 = vector.multi_reduction <add>, %mul3A_80, %reduce_sum3A_81 [0] : vector<300x128xf32> to vector<128xf32>
    %swap3A_83 = arith.constant 32 : index
    %swap3A_84 = arith.constant 6 : index
    %swap3A_85 = arith.constant 0 : index
    %swap3A_86 = vector.load %arg3[%swap3A_83, %swap3A_84, %swap3A_85] : memref<33x20x128xf32, #tpu.memory_space<vmem>>, vector<1x1x128xf32>
    %swap3A_87 = vector.shape_cast %swap3A_86 : vector<1x1x128xf32> to vector<128xf32>
    %swap3A_88 = vector.shape_cast %reduce_sum3A_82 : vector<128xf32> to vector<1x1x128xf32>
    tpu.vector_store %arg3[%swap3A_83, %swap3A_84, %swap3A_85], %swap3A_88 {strides = array<i32>} : memref<33x20x128xf32, #tpu.memory_space<vmem>>, vector<1x1x128xf32>,
    %get3A_89 = arith.constant 2128 : index
    %get3A_90 = arith.constant 0 : index
    %get3A_91 = vector.load %arg2[%get3A_89, %get3A_90] : memref<6080x128xf32, #tpu.memory_space<vmem>>, vector<300x128xf32>
    %mul3A_92 = arith.mulf %convert_element_type3A, %get3A_91 : vector<300x128xf32>
    %reduce_sum3A_93 = arith.constant dense<0.000000e+00> : vector<128xf32>
    %reduce_sum3A_94 = vector.multi_reduction <add>, %mul3A_92, %reduce_sum3A_93 [0] : vector<300x128xf32> to vector<128xf32>
    %swap3A_95 = arith.constant 32 : index
    %swap3A_96 = arith.constant 7 : index
    %swap3A_97 = arith.constant 0 : index
    %swap3A_98 = vector.load %arg3[%swap3A_95, %swap3A_96, %swap3A_97] : memref<33x20x128xf32, #tpu.memory_space<vmem>>, vector<1x1x128xf32>
    %swap3A_99 = vector.shape_cast %swap3A_98 : vector<1x1x128xf32> to vector<128xf32>
    %swap3A_100 = vector.shape_cast %reduce_sum3A_94 : vector<128xf32> to vector<1x1x128xf32>
    tpu.vector_store %arg3[%swap3A_95, %swap3A_96, %swap3A_97], %swap3A_100 {strides = array<i32>} : memref<33x20x128xf32, #tpu.memory_space<vmem>>, vector<1x1x128xf32>,
    %get3A_101 = arith.constant 2432 : index
    %get3A_102 = arith.constant 0 : index
    %get3A_103 = vector.load %arg2[%get3A_101, %get3A_102] : memref<6080x128xf32, #tpu.memory_space<vmem>>, vector<300x128xf32>
    %mul3A_104 = arith.mulf %convert_element_type3A, %get3A_103 : vector<300x128xf32>
    %reduce_sum3A_105 = arith.constant dense<0.000000e+00> : vector<128xf32>
    %reduce_sum3A_106 = vector.multi_reduction <add>, %mul3A_104, %reduce_sum3A_105 [0] : vector<300x128xf32> to vector<128xf32>
    %swap3A_107 = arith.constant 32 : index
    %swap3A_108 = arith.constant 8 : index
    %swap3A_109 = arith.constant 0 : index
    %swap3A_110 = vector.load %arg3[%swap3A_107, %swap3A_108, %swap3A_109] : memref<33x20x128xf32, #tpu.memory_space<vmem>>, vector<1x1x128xf32>
    %swap3A_111 = vector.shape_cast %swap3A_110 : vector<1x1x128xf32> to vector<128xf32>
    %swap3A_112 = vector.shape_cast %reduce_sum3A_106 : vector<128xf32> to vector<1x1x128xf32>
    tpu.vector_store %arg3[%swap3A_107, %swap3A_108, %swap3A_109], %swap3A_112 {strides = array<i32>} : memref<33x20x128xf32, #tpu.memory_space<vmem>>, vector<1x1x128xf32>,
    %get3A_113 = arith.constant 2736 : index
    %get3A_114 = arith.constant 0 : index
    %get3A_115 = vector.load %arg2[%get3A_113, %get3A_114] : memref<6080x128xf32, #tpu.memory_space<vmem>>, vector<300x128xf32>
    %mul3A_116 = arith.mulf %convert_element_type3A, %get3A_115 : vector<300x128xf32>
    %reduce_sum3A_117 = arith.constant dense<0.000000e+00> : vector<128xf32>
    %reduce_sum3A_118 = vector.multi_reduction <add>, %mul3A_116, %reduce_sum3A_117 [0] : vector<300x128xf32> to vector<128xf32>
    %swap3A_119 = arith.constant 32 : index
    %swap3A_120 = arith.constant 9 : index
    %swap3A_121 = arith.constant 0 : index
    %swap3A_122 = vector.load %arg3[%swap3A_119, %swap3A_120, %swap3A_121] : memref<33x20x128xf32, #tpu.memory_space<vmem>>, vector<1x1x128xf32>
    %swap3A_123 = vector.shape_cast %swap3A_122 : vector<1x1x128xf32> to vector<128xf32>
    %swap3A_124 = vector.shape_cast %reduce_sum3A_118 : vector<128xf32> to vector<1x1x128xf32>
    tpu.vector_store %arg3[%swap3A_119, %swap3A_120, %swap3A_121], %swap3A_124 {strides = array<i32>} : memref<33x20x128xf32, #tpu.memory_space<vmem>>, vector<1x1x128xf32>,
    %get3A_125 = arith.constant 3040 : index
    %get3A_126 = arith.constant 0 : index
    %get3A_127 = vector.load %arg2[%get3A_125, %get3A_126] : memref<6080x128xf32, #tpu.memory_space<vmem>>, vector<300x128xf32>
    %mul3A_128 = arith.mulf %convert_element_type3A, %get3A_127 : vector<300x128xf32>
    %reduce_sum3A_129 = arith.constant dense<0.000000e+00> : vector<128xf32>
    %reduce_sum3A_130 = vector.multi_reduction <add>, %mul3A_128, %reduce_sum3A_129 [0] : vector<300x128xf32> to vector<128xf32>
    %swap3A_131 = arith.constant 32 : index
    %swap3A_132 = arith.constant 10 : index
    %swap3A_133 = arith.constant 0 : index
    %swap3A_134 = vector.load %arg3[%swap3A_131, %swap3A_132, %swap3A_133] : memref<33x20x128xf32, #tpu.memory_space<vmem>>, vector<1x1x128xf32>
    %swap3A_135 = vector.shape_cast %swap3A_134 : vector<1x1x128xf32> to vector<128xf32>
    %swap3A_136 = vector.shape_cast %reduce_sum3A_130 : vector<128xf32> to vector<1x1x128xf32>
    tpu.vector_store %arg3[%swap3A_131, %swap3A_132, %swap3A_133], %swap3A_136 {strides = array<i32>} : memref<33x20x128xf32, #tpu.memory_space<vmem>>, vector<1x1x128xf32>,
    %get3A_137 = arith.constant 3344 : index
    %get3A_138 = arith.constant 0 : index
    %get3A_139 = vector.load %arg2[%get3A_137, %get3A_138] : memref<6080x128xf32, #tpu.memory_space<vmem>>, vector<300x128xf32>
    %mul3A_140 = arith.mulf %convert_element_type3A, %get3A_139 : vector<300x128xf32>
    %reduce_sum3A_141 = arith.constant dense<0.000000e+00> : vector<128xf32>
    %reduce_sum3A_142 = vector.multi_reduction <add>, %mul3A_140, %reduce_sum3A_141 [0] : vector<300x128xf32> to vector<128xf32>
    %swap3A_143 = arith.constant 32 : index
    %swap3A_144 = arith.constant 11 : index
    %swap3A_145 = arith.constant 0 : index
    %swap3A_146 = vector.load %arg3[%swap3A_143, %swap3A_144, %swap3A_145] : memref<33x20x128xf32, #tpu.memory_space<vmem>>, vector<1x1x128xf32>
    %swap3A_147 = vector.shape_cast %swap3A_146 : vector<1x1x128xf32> to vector<128xf32>
    %swap3A_148 = vector.shape_cast %reduce_sum3A_142 : vector<128xf32> to vector<1x1x128xf32>
    tpu.vector_store %arg3[%swap3A_143, %swap3A_144, %swap3A_145], %swap3A_148 {strides = array<i32>} : memref<33x20x128xf32, #tpu.memory_space<vmem>>, vector<1x1x128xf32>,
    %get3A_149 = arith.constant 3648 : index
    %get3A_150 = arith.constant 0 : index
    %get3A_151 = vector.load %arg2[%get3A_149, %get3A_150] : memref<6080x128xf32, #tpu.memory_space<vmem>>, vector<300x128xf32>
    %mul3A_152 = arith.mulf %convert_element_type3A, %get3A_151 : vector<300x128xf32>
    %reduce_sum3A_153 = arith.constant dense<0.000000e+00> : vector<128xf32>
    %reduce_sum3A_154 = vector.multi_reduction <add>, %mul3A_152, %reduce_sum3A_153 [0] : vector<300x128xf32> to vector<128xf32>
    %swap3A_155 = arith.constant 32 : index
    %swap3A_156 = arith.constant 12 : index
    %swap3A_157 = arith.constant 0 : index
    %swap3A_158 = vector.load %arg3[%swap3A_155, %swap3A_156, %swap3A_157] : memref<33x20x128xf32, #tpu.memory_space<vmem>>, vector<1x1x128xf32>
    %swap3A_159 = vector.shape_cast %swap3A_158 : vector<1x1x128xf32> to vector<128xf32>
    %swap3A_160 = vector.shape_cast %reduce_sum3A_154 : vector<128xf32> to vector<1x1x128xf32>
    tpu.vector_store %arg3[%swap3A_155, %swap3A_156, %swap3A_157], %swap3A_160 {strides = array<i32>} : memref<33x20x128xf32, #tpu.memory_space<vmem>>, vector<1x1x128xf32>,
    %get3A_161 = arith.constant 3952 : index
    %get3A_162 = arith.constant 0 : index
    %get3A_163 = vector.load %arg2[%get3A_161, %get3A_162] : memref<6080x128xf32, #tpu.memory_space<vmem>>, vector<300x128xf32>
    %mul3A_164 = arith.mulf %convert_element_type3A, %get3A_163 : vector<300x128xf32>
    %reduce_sum3A_165 = arith.constant dense<0.000000e+00> : vector<128xf32>
    %reduce_sum3A_166 = vector.multi_reduction <add>, %mul3A_164, %reduce_sum3A_165 [0] : vector<300x128xf32> to vector<128xf32>
    %swap3A_167 = arith.constant 32 : index
    %swap3A_168 = arith.constant 13 : index
    %swap3A_169 = arith.constant 0 : index
    %swap3A_170 = vector.load %arg3[%swap3A_167, %swap3A_168, %swap3A_169] : memref<33x20x128xf32, #tpu.memory_space<vmem>>, vector<1x1x128xf32>
    %swap3A_171 = vector.shape_cast %swap3A_170 : vector<1x1x128xf32> to vector<128xf32>
    %swap3A_172 = vector.shape_cast %reduce_sum3A_166 : vector<128xf32> to vector<1x1x128xf32>
    tpu.vector_store %arg3[%swap3A_167, %swap3A_168, %swap3A_169], %swap3A_172 {strides = array<i32>} : memref<33x20x128xf32, #tpu.memory_space<vmem>>, vector<1x1x128xf32>,
    %get3A_173 = arith.constant 4256 : index
    %get3A_174 = arith.constant 0 : index
    %get3A_175 = vector.load %arg2[%get3A_173, %get3A_174] : memref<6080x128xf32, #tpu.memory_space<vmem>>, vector<300x128xf32>
    %mul3A_176 = arith.mulf %convert_element_type3A, %get3A_175 : vector<300x128xf32>
    %reduce_sum3A_177 = arith.constant dense<0.000000e+00> : vector<128xf32>
    %reduce_sum3A_178 = vector.multi_reduction <add>, %mul3A_176, %reduce_sum3A_177 [0] : vector<300x128xf32> to vector<128xf32>
    %swap3A_179 = arith.constant 32 : index
    %swap3A_180 = arith.constant 14 : index
    %swap3A_181 = arith.constant 0 : index
    %swap3A_182 = vector.load %arg3[%swap3A_179, %swap3A_180, %swap3A_181] : memref<33x20x128xf32, #tpu.memory_space<vmem>>, vector<1x1x128xf32>
    %swap3A_183 = vector.shape_cast %swap3A_182 : vector<1x1x128xf32> to vector<128xf32>
    %swap3A_184 = vector.shape_cast %reduce_sum3A_178 : vector<128xf32> to vector<1x1x128xf32>
    tpu.vector_store %arg3[%swap3A_179, %swap3A_180, %swap3A_181], %swap3A_184 {strides = array<i32>} : memref<33x20x128xf32, #tpu.memory_space<vmem>>, vector<1x1x128xf32>,
    %get3A_185 = arith.constant 4560 : index
    %get3A_186 = arith.constant 0 : index
    %get3A_187 = vector.load %arg2[%get3A_185, %get3A_186] : memref<6080x128xf32, #tpu.memory_space<vmem>>, vector<300x128xf32>
    %mul3A_188 = arith.mulf %convert_element_type3A, %get3A_187 : vector<300x128xf32>
    %reduce_sum3A_189 = arith.constant dense<0.000000e+00> : vector<128xf32>
    %reduce_sum3A_190 = vector.multi_reduction <add>, %mul3A_188, %reduce_sum3A_189 [0] : vector<300x128xf32> to vector<128xf32>
    %swap3A_191 = arith.constant 32 : index
    %swap3A_192 = arith.constant 15 : index
    %swap3A_193 = arith.constant 0 : index
    %swap3A_194 = vector.load %arg3[%swap3A_191, %swap3A_192, %swap3A_193] : memref<33x20x128xf32, #tpu.memory_space<vmem>>, vector<1x1x128xf32>
    %swap3A_195 = vector.shape_cast %swap3A_194 : vector<1x1x128xf32> to vector<128xf32>
    %swap3A_196 = vector.shape_cast %reduce_sum3A_190 : vector<128xf32> to vector<1x1x128xf32>
    tpu.vector_store %arg3[%swap3A_191, %swap3A_192, %swap3A_193], %swap3A_196 {strides = array<i32>} : memref<33x20x128xf32, #tpu.memory_space<vmem>>, vector<1x1x128xf32>,
    %get3A_197 = arith.constant 4864 : index
    %get3A_198 = arith.constant 0 : index
    %get3A_199 = vector.load %arg2[%get3A_197, %get3A_198] : memref<6080x128xf32, #tpu.memory_space<vmem>>, vector<300x128xf32>
    %mul3A_200 = arith.mulf %convert_element_type3A, %get3A_199 : vector<300x128xf32>
    %reduce_sum3A_201 = arith.constant dense<0.000000e+00> : vector<128xf32>
    %reduce_sum3A_202 = vector.multi_reduction <add>, %mul3A_200, %reduce_sum3A_201 [0] : vector<300x128xf32> to vector<128xf32>
    %swap3A_203 = arith.constant 32 : index
    %swap3A_204 = arith.constant 16 : index
    %swap3A_205 = arith.constant 0 : index
    %swap3A_206 = vector.load %arg3[%swap3A_203, %swap3A_204, %swap3A_205] : memref<33x20x128xf32, #tpu.memory_space<vmem>>, vector<1x1x128xf32>
    %swap3A_207 = vector.shape_cast %swap3A_206 : vector<1x1x128xf32> to vector<128xf32>
    %swap3A_208 = vector.shape_cast %reduce_sum3A_202 : vector<128xf32> to vector<1x1x128xf32>
    tpu.vector_store %arg3[%swap3A_203, %swap3A_204, %swap3A_205], %swap3A_208 {strides = array<i32>} : memref<33x20x128xf32, #tpu.memory_space<vmem>>, vector<1x1x128xf32>,
    %get3A_209 = arith.constant 5168 : index
    %get3A_210 = arith.constant 0 : index
    %get3A_211 = vector.load %arg2[%get3A_209, %get3A_210] : memref<6080x128xf32, #tpu.memory_space<vmem>>, vector<300x128xf32>
    %mul3A_212 = arith.mulf %convert_element_type3A, %get3A_211 : vector<300x128xf32>
    %reduce_sum3A_213 = arith.constant dense<0.000000e+00> : vector<128xf32>
    %reduce_sum3A_214 = vector.multi_reduction <add>, %mul3A_212, %reduce_sum3A_213 [0] : vector<300x128xf32> to vector<128xf32>
    %swap3A_215 = arith.constant 32 : index
    %swap3A_216 = arith.constant 17 : index
    %swap3A_217 = arith.constant 0 : index
    %swap3A_218 = vector.load %arg3[%swap3A_215, %swap3A_216, %swap3A_217] : memref<33x20x128xf32, #tpu.memory_space<vmem>>, vector<1x1x128xf32>
    %swap3A_219 = vector.shape_cast %swap3A_218 : vector<1x1x128xf32> to vector<128xf32>
    %swap3A_220 = vector.shape_cast %reduce_sum3A_214 : vector<128xf32> to vector<1x1x128xf32>
    tpu.vector_store %arg3[%swap3A_215, %swap3A_216, %swap3A_217], %swap3A_220 {strides = array<i32>} : memref<33x20x128xf32, #tpu.memory_space<vmem>>, vector<1x1x128xf32>,
    %get3A_221 = arith.constant 5472 : index
    %get3A_222 = arith.constant 0 : index
    %get3A_223 = vector.load %arg2[%get3A_221, %get3A_222] : memref<6080x128xf32, #tpu.memory_space<vmem>>, vector<300x128xf32>
    %mul3A_224 = arith.mulf %convert_element_type3A, %get3A_223 : vector<300x128xf32>
    %reduce_sum3A_225 = arith.constant dense<0.000000e+00> : vector<128xf32>
    %reduce_sum3A_226 = vector.multi_reduction <add>, %mul3A_224, %reduce_sum3A_225 [0] : vector<300x128xf32> to vector<128xf32>
    %swap3A_227 = arith.constant 32 : index
    %swap3A_228 = arith.constant 18 : index
    %swap3A_229 = arith.constant 0 : index
    %swap3A_230 = vector.load %arg3[%swap3A_227, %swap3A_228, %swap3A_229] : memref<33x20x128xf32, #tpu.memory_space<vmem>>, vector<1x1x128xf32>
    %swap3A_231 = vector.shape_cast %swap3A_230 : vector<1x1x128xf32> to vector<128xf32>
    %swap3A_232 = vector.shape_cast %reduce_sum3A_226 : vector<128xf32> to vector<1x1x128xf32>
    tpu.vector_store %arg3[%swap3A_227, %swap3A_228, %swap3A_229], %swap3A_232 {strides = array<i32>} : memref<33x20x128xf32, #tpu.memory_space<vmem>>, vector<1x1x128xf32>,
    %get3A_233 = arith.constant 5776 : index
    %get3A_234 = arith.constant 0 : index
    %get3A_235 = vector.load %arg2[%get3A_233, %get3A_234] : memref<6080x128xf32, #tpu.memory_space<vmem>>, vector<300x128xf32>
    %mul3A_236 = arith.mulf %convert_element_type3A, %get3A_235 : vector<300x128xf32>
    %reduce_sum3A_237 = arith.constant dense<0.000000e+00> : vector<128xf32>
    %reduce_sum3A_238 = vector.multi_reduction <add>, %mul3A_236, %reduce_sum3A_237 [0] : vector<300x128xf32> to vector<128xf32>
    %swap3A_239 = arith.constant 32 : index
    %swap3A_240 = arith.constant 19 : index
    %swap3A_241 = arith.constant 0 : index
    %swap3A_242 = vector.load %arg3[%swap3A_239, %swap3A_240, %swap3A_241] : memref<33x20x128xf32, #tpu.memory_space<vmem>>, vector<1x1x128xf32>
    %swap3A_243 = vector.shape_cast %swap3A_242 : vector<1x1x128xf32> to vector<128xf32>
    %swap3A_244 = vector.shape_cast %reduce_sum3A_238 : vector<128xf32> to vector<1x1x128xf32>
    tpu.vector_store %arg3[%swap3A_239, %swap3A_240, %swap3A_241], %swap3A_244 {strides = array<i32>} : memref<33x20x128xf32, #tpu.memory_space<vmem>>, vector<1x1x128xf32>,
    return
  }
  func.func @transform_0(%arg0: i32) -> (i32, i32, i32) {
    %add3A = arith.constant 0 : i32
    %add3A_0 = arith.addi %arg0, %add3A : i32
    %c0_i32 = arith.constant 0 : i32
    %c0_i32_1 = arith.constant 0 : i32
    %c0_i32_2 = arith.constant 0 : i32
    return %c0_i32, %c0_i32_1, %add3A_0 : i32, i32, i32
  }
  func.func @transform_1(%arg0: i32) -> (i32, i32) {
    %c0_i32 = arith.constant 0 : i32
    %c0_i32_0 = arith.constant 0 : i32
    return %c0_i32, %arg0 : i32, i32
  }
  func.func @transform_2(%arg0: i32) -> (i32, i32, i32) {
    %c0_i32 = arith.constant 0 : i32
    %c0_i32_0 = arith.constant 0 : i32
    %c0_i32_1 = arith.constant 0 : i32
    return %c0_i32, %c0_i32_0, %arg0 : i32, i32, i32
  }
}

</mosaic_0001>

<sc_bundles>
// kernel: kernel.6.cloned.1.call-start
scs
__scs_entry_jumppad:
0x0: {  	(pc) =	sbr.rel $0x88, $3  }
0x1: {  	(tag) =	ssettag $0x0;
	lr =	simm.s32 $0x1  }
0x2: {  	[smem:$0x3F9C] =	sst lr;
	_ =	strace $0xD0000000  }
0x3: {  	_ = 	snop  }
0x4: {  	_ = 	snop  }
0x5: {  	_ = 	snop  }
0x6: {  	_ = 	snop  }
0x7: {  	_ = 	snop  }
__scs_overlays_trampoline_lowered:
0x8: {  	[smem:$0x3FAB] =	sst s0  }
0x9: {  	[smem:$0x3FAC] =	sst s1  }
0xa: {  	[smem:$0x3FAD] =	sst s2  }
0xb: {  	[smem:$0x3FAE] =	sst s3  }
0xc: {  	[smem:$0x3FAF] =	sst s4  }
0xd: {  	[smem:$0x3FB0] =	sst s5  }
0xe: {  	[smem:$0x3FB1] =	sst s6  }
0xf: {  	[smem:$0x3FB2] =	sst s7  }
0x10: {  	[smem:$0x3FB3] =	sst s8  }
0x11: {  	[smem:$0x3FB4] =	sst s9;
	s0 =	simm.s32 @!p0 $0x0  }
0x12: {  	s1 =	sld [smem:$0x3F9A];
	s0 =	simm.s32 @p0 $0x1  }
0x13: {  	[smem:$0x3FB5] =	sst s0;
	s0 =	simm.s32 @!p1 $0x0  }
0x14: {  	s2 =	sld [smem:$0x3F99];
	s0 =	simm.s32 @p1 $0x1  }
0x15: {  	[smem:$0x3FB6] =	sst s0;
	s0 =	simm.s32 @!p2 $0x0  }
0x16: {  	s3 =	sld [smem:$0x3FDB];
	s0 =	simm.s32 @p2 $0x1  }
0x17: {  	s4 =	simm.s32 $0x1BF5;
	[smem:$0x3FB8] =	sst s0  }
0x18: {  	s0 =	sld [smem:$0x3F9B];
	_ =	swait.ge [sflag:s4], $0x0  }
0x19: {  	s7 =	sld [smem:$0x3F9C]  }
0x1a: {  	s8 =	sadd.s32 $0xFFFFE003, lr  }
0x1b: {  	s9 =	sadd.s32 $0xFFFFFEF7, lr;
	s5 =	simm.s32 $0xFFFFFFFF;
	p2 =	slt.u32 s8, $0xFFFFF086  }
0x1c: {  	p1 =	slt.u32 s9, $0xF7A;
	s5 =	simm.s32 @!p2 $0x0  }
0x1d: {  	s5 =	simm.s32 @p1 $0x1;
	p0 =	seq.s32 s7, s2  }
0x1e: {  	s7 =	smul.u32 @!p0 $0xF7A, s2;
	p2 =	seq.s32 @!p0 s5, $0x0  }
0x1f: {  	s9 =	smul.u32 $0xF7A, s1;
	s8 =	simm.s32 @!p0 $0x1BF5;
	p2 =	por !p2, p0  }
0x20: {  	[sflag:s8] =	ssyncset.s32 @!p0 $0xFFFFF086;
	s6 =	sadd.s32 @!p0 s3, s7;
	s7 =	simm.s32 @!p0 $0x108  }
0x21: {  	s3 =	sadd.s32 s3, s9;
	s6 =	sadd.s32 @!p0 $0x88, s6;
	s7 =	simm.s32 @p2 $0x1082  }
0x22: {  	[simem:s7], [sflag:s8] =	dma.local @!p0 [hbm:s6], $0xF7A  }
0x23: {  	s9 =	sor.u32 $0xD0000000, s2;
	s6 =	simm.s32 $0x108;
	_ =	swait.ge @!p0 [sflag:s8], $0x0  }
0x24: {  	s3 =	sadd.s32 $0x88, s3;
	s6 =	simm.s32 @!p1 $0x1082;
	[sflag:s4] =	ssyncset.s32 $0xFFFFF086  }
0x25: {  	[simem:s6], [sflag:s4] =	dma.local [hbm:s3], $0xF7A  }
0x26: {  	[smem:$0x3F9C] =	sst s1;
	(tag) =	ssettag s2;
	_ =	strace s9  }
0x27: {  	s1 =	sld [smem:$0x3FAC]  }
0x28: {  	s2 =	sld [smem:$0x3FAD]  }
0x29: {  	s4 =	sld [smem:$0x3FAF]  }
0x2a: {  	p0 =	seq.s32 s5, $0x0;
	s5 =	sld [smem:$0x3FB0]  }
0x2b: {  	s6 =	sld [smem:$0x3FB1]  }
0x2c: {  	s7 =	sld [smem:$0x3FB2]  }
0x2d: {  	s3 =	simm.s32 $0x108;
	s8 =	sld [smem:$0x3FB3]  }
0x2e: {  	s3 =	simm.s32 @!p0 $0x1082;
	s9 =	sld [smem:$0x3FB4]  }
0x2f: {  	lr =	sadd.s32 s0, s3;
	s0 =	sld [smem:$0x3FAB]  }
0x30: {  	s3 =	sld [smem:$0x3FAE]  }
0x31: {  	[smem:$0x3FB7] =	sst s10  }
0x32: {  	s10 =	sld [smem:$0x3FB5];
	_ =	sdelay $0x3  }
0x33: {  	p0 =	seq.s32 s10, $0x1;
	s10 =	sld [smem:$0x3FB7];
	_ =	sdelay $0x3  }
0x34: {  	[smem:$0x3FB7] =	sst s10  }
0x35: {  	s10 =	sld [smem:$0x3FB6];
	_ =	sdelay $0x3  }
0x36: {  	p1 =	seq.s32 s10, $0x1;
	s10 =	sld [smem:$0x3FB7];
	_ =	sdelay $0x3  }
0x37: {  	[smem:$0x3FB7] =	sst s10  }
0x38: {  	s10 =	sld [smem:$0x3FB8]  }
0x39: {  	_ = 	snop;
	(pc) =	sbr.ind lr, $3  }
0x3a: {  	_ = 	snop  }
0x3b: {  	_ = 	snop  }
0x3c: {  	p2 =	seq.s32 s10, $0x1;
	s10 =	sld [smem:$0x3FB7]  }
0x3d: {  	_ =	shalt  }
0x3e: {  	_ =	shalt  }
0x3f: {  	_ =	shalt  }
0x40: {  	_ =	shalt  }
0x41: {  	_ =	shalt  }
0x42: {  	_ =	shalt  }
0x43: {  	_ =	shalt  }
0x44: {  	_ =	shalt  }
0x45: {  	_ =	shalt  }
0x46: {  	_ =	shalt  }
0x47: {  	_ =	shalt  }
0x48: {  	_ =	shalt  }
0x49: {  	_ =	shalt  }
0x4a: {  	_ =	shalt  }
0x4b: {  	_ =	shalt  }
0x4c: {  	_ =	shalt  }
0x4d: {  	_ =	shalt  }
0x4e: {  	_ =	shalt  }
0x4f: {  	_ =	shalt  }
0x50: {  	_ =	shalt  }
0x51: {  	_ =	shalt  }
0x52: {  	_ =	shalt  }
0x53: {  	_ =	shalt  }
0x54: {  	_ =	shalt  }
0x55: {  	_ =	shalt  }
0x56: {  	_ =	shalt  }
0x57: {  	_ =	shalt  }
0x58: {  	_ =	shalt  }
0x59: {  	_ =	shalt  }
0x5a: {  	_ =	shalt  }
0x5b: {  	_ =	shalt  }
0x5c: {  	_ =	shalt  }
0x5d: {  	_ =	shalt  }
0x5e: {  	_ =	shalt  }
0x5f: {  	_ =	shalt  }
0x60: {  	_ =	shalt  }
0x61: {  	_ =	shalt  }
0x62: {  	_ =	shalt  }
0x63: {  	_ =	shalt  }
0x64: {  	_ =	shalt  }
0x65: {  	_ =	shalt  }
0x66: {  	_ =	shalt  }
0x67: {  	_ =	shalt  }
0x68: {  	_ =	shalt  }
0x69: {  	_ =	shalt  }
0x6a: {  	_ =	shalt  }
0x6b: {  	_ =	shalt  }
0x6c: {  	_ =	shalt  }
0x6d: {  	_ =	shalt  }
0x6e: {  	_ =	shalt  }
0x6f: {  	_ =	shalt  }
0x70: {  	_ =	shalt  }
0x71: {  	_ =	shalt  }
0x72: {  	_ =	shalt  }
0x73: {  	_ =	shalt  }
0x74: {  	_ =	shalt  }
0x75: {  	_ =	shalt  }
0x76: {  	_ =	shalt  }
0x77: {  	_ =	shalt  }
0x78: {  	_ =	shalt  }
0x79: {  	_ =	shalt  }
0x7a: {  	_ =	shalt  }
0x7b: {  	_ =	shalt  }
0x7c: {  	_ =	shalt  }
0x7d: {  	_ =	shalt  }
0x7e: {  	_ =	shalt  }
0x7f: {  	_ =	shalt  }
0x80: {  	_ =	shalt  }
0x81: {  	_ =	shalt  }
0x82: {  	_ =	shalt  }
0x83: {  	_ =	shalt  }
0x84: {  	_ =	shalt  }
0x85: {  	_ =	shalt  }
0x86: {  	_ =	shalt  }
0x87: {  	_ =	shalt  }
.Lfunc_end0:
.L_simem_size_0:
called_computation_lowered:
.L_overlay_start_0:
0x88: {  	s2 =	sld [smem:$0x3FD9]  }
0x89: {  	s3 =	sld [smem:$0x3FFE];
	_ =	sdelay $0x1  }
0x8a: {  	s1 =	srdreg.scid  }
0x8b: {  	s0 =	sand.u32 $0x1, s1  }
0x8c: {  	s17 =	sshll.u32 s0, $0xA;
	s2 =	sadd.s32 s3, s2  }
0x8d: {  	s2 =	sadd.s32 s2, s17  }
0x8e: {  	[smem:$0x3FC3] =	sst s2  }
0x8f: {  	_ = 	snop  }
0x90: {  	(tm) =	ssettm $0x1  }
0x91: {  	s18 =	sld [smem:$0x3FFB];
	_ =	sdelay $0x3  }
0x92: {  	_ =	strace s18  }
0x93: {  	s2 =	sld [smem:$0x3FFC];
	_ =	sdelay $0x3  }
0x94: {  	_ =	strace s2  }
0x95: {  	s2 =	sld [smem:$0x3FFD];
	_ =	sdelay $0x3  }
0x96: {  	_ =	strace s2  }
0x97: {  	_ =	strace $0x8FFFFFFF  }
0x98: {  	s19 =	sld [smem:$0x3FDB];
	_ =	sdelay $0x1  }
0x99: {  	s20 =	simm.s32 $_scs_section_size  }
0x9a: {  	s4 =	simm.s32 $_size__tile_overlayer_lowered;
	s5 =	simm.s32 $_tile_overlayer_lowered  }
0x9b: {  	s6 =	simm.s32 $0x1BFF;
	s21 =	sshll.u32 s5, $0x1;
	s3 =	sadd.s32 s20, s19  }
0x9c: {  	s22 =	simm.s32 $0x0;
	s4 =	sshll.u32 s4, $0x1;
	s5 =	sadd.s32 s21, s3  }
0x9d: {  	[timem:s22], [sflag:s6] =	dma.local [hbm:s5], s4  }
0x9e: {  	_ =	swait.ge [sflag:s6], s4  }
0x9f: {  	s4 =	ssub.s32 $0x0, s4;
	[sflag:s6] =	ssyncset.done $0x0  }
0xa0: {  	[sflag:s6] =	ssyncadd.s32 s4;
	_ =	sdelay $0x1  }
0xa1: {  	s23 =	simm.s32 $0x1B8B  }
0xa2: {  	_ =	swait.ge [sflag:s23], $0x1  }
0xa3: {  	[sflag:s23] =	ssyncset.done $0x0  }
0xa4: {  	[sflag:s23] =	ssyncadd.s32 $0xFFFFFFFF  }
0xa5: {  	s4 =	sld [smem:$0x0]  }
0xa6: {  	s5 =	sand.u32 $0xFFFFFFFE, s1  }
0xa7: {  	p0 =	sne.s32 s1, s5  }
0xa8: {  	s5 =	sshll.u32 @p0 s5, $0xE  }
0xa9: {  	s5 =	sadd.s32 @p0 $0x11B8D, s5;
	s6 =	sshll.u32 @p0 s4, $0x11  }
0xaa: {  	s5 =	sor.u32 @p0 s6, s5  }
0xab: {  	[sflag:s5] =	ssyncadd.remote.s32 @p0 $0x1;
	_ =	sdelay $0x1  }
0xac: {  	s5 =	simm.s32 @p0 $0x1B8D  }
0xad: {  	_ =	swait.eq @p0 [sflag:s5], $0x1  }
0xae: {  	[sflag:s5] =	ssyncadd.s32 @p0 $0xFFFFFFFF  }
0xaf: {  	s6 =	sshll.u32 @!p0 s1, $0xE  }
0xb0: {  	s6 =	sor.u32 @!p0 $0x4000, s6;
	s5 =	simm.s32 @!p0 $0x1B8D  }
0xb1: {  	s4 =	sshll.u32 @!p0 s4, $0x11;
	s6 =	sadd.s32 @!p0 $0x11B8D, s6;
	_ =	swait.eq @!p0 [sflag:s5], $0x1  }
0xb2: {  	s4 =	sor.u32 @!p0 s4, s6;
	[sflag:s5] =	ssyncadd.s32 @!p0 $0xFFFFFFFF  }
0xb3: {  	s25 =	simm.s32 $0x1B8E;
	s24 =	sld [smem:$0x3FFE];
	[sflag:s4] =	ssyncadd.remote.s32 @!p0 $0x1  }
0xb4: {  	s26 =	simm.s32 $execute0_lowered;
	[smem:$0x3FD2] =	sst s25  }
0xb5: {  	s5 =	sshll.u32 s26, $0x1;
	_ =	strace $0x80000049;
	[dreg:$0x1] =	wrdreg $0xFFFFFFFF  }
0xb6: {  	s28 =	simm.s32 $_size_execute0_lowered;
	s3 =	sadd.s32 s3, s5;
	[dreg:$0x0] =	wrdreg $0x0  }
0xb7: {  	s5 =	sshll.u32 s28, $0x1;
	[dreg:$0x2] =	wrdreg s3  }
0xb8: {  	[dreg:$0x3] =	wrdreg s5  }
0xb9: {  	[dreg:$0x4] =	wrdreg $0xC0  }
0xba: {  	_ =	task [dreg:s22], $0x5FFFF  }
0xbb: {  	[dreg:$0x1] =	wrdreg $0xFFFFFFFF  }
0xbc: {  	[dreg:$0x0] =	wrdreg $0x60  }
0xbd: {  	[dreg:$0x2] =	wrdreg s24  }
0xbe: {  	[dreg:$0x3] =	wrdreg $0x9  }
0xbf: {  	_ =	task.clear_ibuf [dreg:s22], $0x4FFFF;
	_ =	strace $0x90000049  }
0xc0: {  	s29 =	simm.s32 $0x9;
	_ =	strace $0x8000004B  }
0xc1: {  	_ =	swait.ge [sflag:s29], $0x1  }
0xc2: {  	[sflag:s29] =	ssyncadd.s32 $0xFFFFFFFF  }
0xc3: {  	_ =	strace $0x9000004B  }
0xc4: {  	_ =	sfence  }
0xc5: {  	s30 =	sld [smem:$0x0];
	_ =	sdelay $0x2  }
0xc6: {  	s31 =	sshll.u32 s1, $0xD;
	s1 =	sshrl.u32 s1, $0x2  }
0xc7: {  	s4 =	sand.u32 $0x4000, s31;
	s1 =	sadd.s32 s1, s30  }
0xc8: {  	s0 =	sor.u32 s4, s0;
	s1 =	sshll.u32 s1, $0x11  }
0xc9: {  	s0 =	sor.u32 s1, s0  }
0xca: {  	s0 =	sadd.s32 $0x8F2B, s0  }
0xcb: {  	[sflag:s0] =	ssyncadd.remote.s32 $0x1  }
0xcc: {  	_ =	sfence.sel $0xFFFF  }
0xcd: {  	[dreg:$0x0] =	wrdreg $0xFFFFFFFF;
	(pc) =	sbr.abs _section_cstart, $3  }
0xce: {  	[dreg:$0x1] =	wrdreg $0xFFFFFFFF  }
0xcf: {  	_ =	task.clear_ibuf [dreg:s22], $0x2FFFF;
	_ =	strace $0x9FFFFFFF  }
0xd0: {  	(tm) =	ssettm $0x7FFFFFFF  }
0xd1: {  	_ =	shalt  }
tec
execute0_lowered:
.L_overlay_start_1:
0x0: {  	(tag) =	ssettag $0x1  }
0x1: {  	s0 =	rddreg [dreg:$0x0]  }
0x2: {  	s1 =	simm.s32 $0x0;
	s2 =	srdreg.scid;
	s6 =	stileid.u32  }
0x3: {  	s12 =	simm.s32 $0x17080;
	s13 =	simm.s32 $0x2;
	s15 =	simm.s32 $0x64  }
0x4: {  	s16 =	simm.s32 $0x8D00;
	s17 =	simm.s32 $0x8F0;
	s18 =	simm.s32 $0x9340  }
0x5: {  	s19 =	simm.s32 $0x958;
	s20 =	simm.s32 $0x9980;
	s21 =	simm.s32 $0x15DC0  }
0x6: {  	s22 =	simm.s32 $0x9FC0;
	s23 =	simm.s32 $0x1;
	s24 =	simm.s32 $0x8  }
0x7: {  	s25 =	simm.s32 $0x800;
	[smem:$0x7FF] =	sst s1;
	s3 =	sadd.s32 $0x14A00, s0  }
0x8: {  	s4 =	sadd.s32 $0x19A800, s0;
	s2 =	sand.u32 $0x1, s2;
	s6 =	sshll.u32 s6, $0x1  }
0x9: {  	s7 =	sadd.s32 $0x1C00, s0;
	s29 =	sadd.s32 $0x1A00, s0;
	_ =	strace $0x8000004A  }
0xa: {  	[dreg:$0x2] =	wrdreg s7;
	s6 =	sor.u32 s2, s6;
	s2 =	ssub.s32 $0x2, s2  }
0xb: {  	s5 =	sadd.s32 $0x1AE000, s0;
	[dreg:$0x3] =	wrdreg s29;
	s8 =	sshrl.u32 s2, $0x1  }
0xc: {  	s30 =	sshll.u32 s6, $0x3;
	s9 =	smul.u32 $0x4B00, s6;
	s2 =	ssub.s32 s2, s8  }
0xd: {  	v1 =	vlaneseq.u32;
	s0 =	sadd.s32 s30, s0;
	s8 =	smul.u32 $0x4E00, s6;
	s31 =	smax.u32 s2, $0x1  }
0xe: {  	v0 =	vimm.s32 $0x0;
	v1 =	vmul.u32 $0x980, v1;
	s10 =	sadd.s32 $0x1C0C00, s0;
	s2 =	simm.s32 $0x0;
	[dreg:$0x4] =	wrdreg s31  }
.LBB2_1:
0xf: {  	[dreg:$0x5] =	wrdreg s2  }
0x10: {  	s0 =	rddreg [dreg:$0x2]  }
0x11: {  	[tilespmem:s12], [sflag:$0x2] =	stream.linear.gather [hbm4b:s0+s1], $0x28, $0x38;
	[tilespmem:$0x170A8] =	vst v63  }
0x12: {  	_ =	swait.ge [sflag:s13], $0x28  }
0x13: {  	[sflag:s13] =	ssyncset.done $0x0  }
0x14: {  	s31 =	simm.s32 $0x16720;
	s30 =	rddreg [dreg:$0x3];
	[sflag:s13] =	ssyncadd.s32 $0xFFFFFFD8  }
0x15: {  	[tilespmem:s31], [sflag:$0x2] =	stream.linear.gather [hbm4b:s30+s1], $0x960, $0x38;
	[tilespmem:$0x170A8] =	vst v63  }
0x16: {  	_ =	swait.ge [sflag:s13], $0x960  }
0x17: {  	[sflag:s13] =	ssyncset.done $0x0  }
0x18: {  	s26 =	simm.s32 $0x0;
	[sflag:s13] =	ssyncadd.s32 $0xFFFFF6A0  }
.LBB2_2:
0x19: {  	s0 =	smul.u32 $0x9C0, s26;
	_ =	sdelay $0x1  }
0x1a: {  	s0 =	sadd.s32 s8, s0  }
0x1b: {  	s0 =	sshrl.u32 s0, $0x3  }
0x1c: {  	s0 =	sadd.s32 s4, s0  }
0x1d: {  	[tilespmem:s1], [sflag:$0x2] =	stream.linear.gather [hbm4b:s0+s1], $0x9C0, $0x38;
	[tilespmem:$0x170A8] =	vst v63  }
0x1e: {  	_ =	swait.ge [sflag:s13], $0x9C0  }
0x1f: {  	[sflag:s13] =	ssyncset.done $0x0  }
0x20: {  	s7 =	simm.s32 $0x9C0;
	[sflag:s13] =	ssyncadd.s32 $0xFFFFF640  }
0x21: {  	[tilespmem:s7], [sflag:$0x1] =	stream.indirect.gather [hbm4b:s3+s15], $0x10, s1, s15, $0xb8;
	[tilespmem:$0x170A8] =	vst v63  }
0x22: {  	s11 =	simm.s32 $0x68;
	s2 =	simm.s32 $0x1000  }
0x23: {  	[tilespmem:s2], [sflag:$0x1] =	stream.indirect.gather [hbm4b:s3+s15], $0x10, s11, s15, $0xb8;
	[tilespmem:$0x170A8] =	vst v63  }
0x24: {  	s14 =	simm.s32 $0xD0;
	s31 =	simm.s32 $0x1640  }
0x25: {  	[tilespmem:s31], [sflag:$0x1] =	stream.indirect.gather [hbm4b:s3+s15], $0x10, s14, s15, $0xb8;
	[tilespmem:$0x170A8] =	vst v63  }
0x26: {  	s6 =	simm.s32 $0x1C80;
	s2 =	simm.s32 $0x138  }
0x27: {  	[tilespmem:s6], [sflag:$0x1] =	stream.indirect.gather [hbm4b:s3+s15], $0x10, s2, s15, $0xb8;
	[tilespmem:$0x170A8] =	vst v63  }
0x28: {  	s7 =	simm.s32 $0x1A0;
	s11 =	simm.s32 $0x22C0  }
0x29: {  	[tilespmem:s11], [sflag:$0x1] =	stream.indirect.gather [hbm4b:s3+s15], $0x10, s7, s15, $0xb8;
	[tilespmem:$0x170A8] =	vst v63  }
0x2a: {  	s14 =	simm.s32 $0x208;
	s31 =	simm.s32 $0x2900  }
0x2b: {  	[tilespmem:s31], [sflag:$0x1] =	stream.indirect.gather [hbm4b:s3+s15], $0x10, s14, s15, $0xb8;
	[tilespmem:$0x170A8] =	vst v63  }
0x2c: {  	s2 =	simm.s32 $0x270;
	s6 =	simm.s32 $0x2F40  }
0x2d: {  	[tilespmem:s6], [sflag:$0x1] =	stream.indirect.gather [hbm4b:s3+s15], $0x10, s2, s15, $0xb8;
	[tilespmem:$0x170A8] =	vst v63  }
0x2e: {  	s7 =	simm.s32 $0x2D8;
	s11 =	simm.s32 $0x3580  }
0x2f: {  	[tilespmem:s11], [sflag:$0x1] =	stream.indirect.gather [hbm4b:s3+s15], $0x10, s7, s15, $0xb8;
	[tilespmem:$0x170A8] =	vst v63  }
0x30: {  	s14 =	simm.s32 $0x340;
	s31 =	simm.s32 $0x3BC0  }
0x31: {  	[tilespmem:s31], [sflag:$0x1] =	stream.indirect.gather [hbm4b:s3+s15], $0x10, s14, s15, $0xb8;
	[tilespmem:$0x170A8] =	vst v63  }
0x32: {  	s2 =	simm.s32 $0x3A8;
	s6 =	simm.s32 $0x4200  }
0x33: {  	[tilespmem:s6], [sflag:$0x1] =	stream.indirect.gather [hbm4b:s3+s15], $0x10, s2, s15, $0xb8;
	[tilespmem:$0x170A8] =	vst v63  }
0x34: {  	s7 =	simm.s32 $0x410;
	s11 =	simm.s32 $0x4840  }
0x35: {  	[tilespmem:s11], [sflag:$0x1] =	stream.indirect.gather [hbm4b:s3+s15], $0x10, s7, s15, $0xb8;
	[tilespmem:$0x170A8] =	vst v63  }
0x36: {  	s14 =	simm.s32 $0x478;
	s31 =	simm.s32 $0x4E80  }
0x37: {  	[tilespmem:s31], [sflag:$0x1] =	stream.indirect.gather [hbm4b:s3+s15], $0x10, s14, s15, $0xb8;
	[tilespmem:$0x170A8] =	vst v63  }
0x38: {  	s2 =	simm.s32 $0x4E0;
	s6 =	simm.s32 $0x54C0  }
0x39: {  	[tilespmem:s6], [sflag:$0x1] =	stream.indirect.gather [hbm4b:s3+s15], $0x10, s2, s15, $0xb8;
	[tilespmem:$0x170A8] =	vst v63  }
0x3a: {  	s7 =	simm.s32 $0x548;
	s11 =	simm.s32 $0x5B00  }
0x3b: {  	[tilespmem:s11], [sflag:$0x1] =	stream.indirect.gather [hbm4b:s3+s15], $0x10, s7, s15, $0xb8;
	[tilespmem:$0x170A8] =	vst v63  }
0x3c: {  	s14 =	simm.s32 $0x5B0;
	s31 =	simm.s32 $0x6140  }
0x3d: {  	[tilespmem:s31], [sflag:$0x1] =	stream.indirect.gather [hbm4b:s3+s15], $0x10, s14, s15, $0xb8;
	[tilespmem:$0x170A8] =	vst v63  }
0x3e: {  	s2 =	simm.s32 $0x618;
	s6 =	simm.s32 $0x6780  }
0x3f: {  	[tilespmem:s6], [sflag:$0x1] =	stream.indirect.gather [hbm4b:s3+s15], $0x10, s2, s15, $0xb8;
	[tilespmem:$0x170A8] =	vst v63  }
0x40: {  	s7 =	simm.s32 $0x680;
	s11 =	simm.s32 $0x6DC0  }
0x41: {  	[tilespmem:s11], [sflag:$0x1] =	stream.indirect.gather [hbm4b:s3+s15], $0x10, s7, s15, $0xb8;
	[tilespmem:$0x170A8] =	vst v63  }
0x42: {  	s14 =	simm.s32 $0x6E8;
	s31 =	simm.s32 $0x7400  }
0x43: {  	[tilespmem:s31], [sflag:$0x1] =	stream.indirect.gather [hbm4b:s3+s15], $0x10, s14, s15, $0xb8;
	[tilespmem:$0x170A8] =	vst v63  }
0x44: {  	s2 =	simm.s32 $0x750;
	s6 =	simm.s32 $0x7A40  }
0x45: {  	[tilespmem:s6], [sflag:$0x1] =	stream.indirect.gather [hbm4b:s3+s15], $0x10, s2, s15, $0xb8;
	[tilespmem:$0x170A8] =	vst v63  }
0x46: {  	s7 =	simm.s32 $0x7B8;
	s11 =	simm.s32 $0x8080  }
0x47: {  	[tilespmem:s11], [sflag:$0x1] =	stream.indirect.gather [hbm4b:s3+s15], $0x10, s7, s15, $0xb8;
	[tilespmem:$0x170A8] =	vst v63  }
0x48: {  	s14 =	simm.s32 $0x820;
	s31 =	simm.s32 $0x86C0  }
0x49: {  	[tilespmem:s31], [sflag:$0x1] =	stream.indirect.gather [hbm4b:s3+s15], $0x10, s14, s15, $0xb8;
	[tilespmem:$0x170A8] =	vst v63  }
0x4a: {  	s6 =	simm.s32 $0x888;
	s7 =	smul.u32 $0x960, s26  }
0x4b: {  	[tilespmem:s16], [sflag:$0x1] =	stream.indirect.gather [hbm4b:s3+s15], $0x10, s6, s15, $0xb8;
	[tilespmem:$0x170A8] =	vst v63  }
0x4c: {  	s0 =	sadd.s32 s9, s7  }
0x4d: {  	[tilespmem:s18], [sflag:$0x1] =	stream.indirect.gather [hbm4b:s3+s15], $0x10, s17, s15, $0xb8;
	[tilespmem:$0x170A8] =	vst v63  }
0x4e: {  	s0 =	sshrl.u32 s0, $0x3  }
0x4f: {  	[tilespmem:s20], [sflag:$0x1] =	stream.indirect.gather [hbm4b:s3+s15], $0x10, s19, s15, $0xb8;
	[tilespmem:$0x170A8] =	vst v63  }
0x50: {  	s0 =	sadd.s32 s5, s0  }
0x51: {  	[tilespmem:s21], [sflag:$0x2] =	stream.linear.gather [hbm4b:s0+s1], $0x960, $0x38;
	[tilespmem:$0x170A8] =	vst v63  }
0x52: {  	_ =	swait.ge [sflag:s13], $0x960  }
0x53: {  	[sflag:s13] =	ssyncset.done $0x0  }
0x54: {  	s11 =	simm.s32 $0x15DD0;
	[sflag:s13] =	ssyncadd.s32 $0xFFFFF6A0  }
0x55: {  	v2 =	vld [tilespmem:s11+$0x0];
	_ =	sdelay $0x2  }
0x56: {  	v5 =	vld [tilespmem:s11+$0xFFFFFFF0];
	_ =	sdelay $0x1  }
0x57: {  	vm0 =	vgt.f32 v2, $1.000000010e-01  }
0x58: {  	vm1 =	vgt.f32 v2, $2.000000030e-01;
	vm2 =	vgt.f32 v2, $3.000000120e-01;
	vm8 =	vgt.f32 v2, $4.000000060e-01  }
0x59: {  	s14 =	simm.s32 $0x16730;
	vm9 =	vgt.f32 v2, $5.000000000e-01;
	vm10 =	vgt.f32 v2, $6.000000240e-01;
	vm11 =	vgt.f32 v2, $6.999999880e-01  }
0x5a: {  	vm12 =	vgt.f32 v2, $8.000000110e-01;
	vm13 =	vgt.f32 v2, $8.999999760e-01;
	vm14 =	vgt.f32 v5, $1.000000010e-01  }
0x5b: {  	v8 =	vld [tilespmem:s14+$0x0];
	vm15 =	vgt.f32 v5, $2.000000030e-01;
	v3 =	vsel vm0, $0x1, v0;
	v4 =	vsel vm1, $0x1, v0  }
0x5c: {  	v7 =	vld [tilespmem:s14+$0xFFFFFFF0];
	vm4 =	vgt.f32 v5, $3.000000120e-01;
	v3 =	vadd.s32 v4, v3;
	v4 =	vsel vm2, $0x1, v0  }
0x5d: {  	vm5 =	vgt.f32 v5, $4.000000060e-01;
	v3 =	vadd.s32 v4, v3;
	v4 =	vsel vm8, $0x1, v0  }
0x5e: {  	s31 =	simm.s32 $0x15DF0;
	vm6 =	vgt.f32 v5, $5.000000000e-01;
	v3 =	vadd.s32 v4, v3;
	v4 =	vsel vm9, $0x1, v0  }
0x5f: {  	v10 =	vld [tilespmem:s31+$0x0];
	vm7 =	vgt.f32 v5, $6.000000240e-01;
	v3 =	vadd.s32 v4, v3;
	v4 =	vsel vm10, $0x1, v0  }
0x60: {  	v9 =	vadd.s32 $0x9800, v8;
	v3 =	vadd.s32 v4, v3;
	v4 =	vsel vm11, $0x1, v0  }
0x61: {  	v12 =	vadd.s32 $0x9800, v7;
	v3 =	vadd.s32 v4, v3;
	v4 =	vsel vm12, $0x1, v0  }
0x62: {  	v13 =	vadd.s32 $0xA180, v7;
	v2 =	vadd.s32 v4, v3;
	v3 =	vsel vm13, $0x1, v0  }
0x63: {  	vm8 =	vgt.f32 v5, $6.999999880e-01;
	vm9 =	vgt.f32 v5, $8.000000110e-01;
	v2 =	vadd.s32 v3, v2  }
0x64: {  	vm10 =	vgt.f32 v5, $8.999999760e-01;
	vm11 =	vgt.f32 v10, $1.000000010e-01;
	v6 =	vshll.u32 v2, $0x2  }
0x65: {  	vm12 =	vgt.f32 v10, $2.000000030e-01;
	v4 =	vsel vm15, $0x1, v0;
	v3 =	vsel vm14, $0x1, v0  }
0x66: {  	v16 =	vsel vm11, $0x1, v0;
	v2 =	vadd.s32 v4, v3;
	v3 =	vsel vm4, $0x1, v0  }
0x67: {  	vm13 =	vgt.f32 v10, $3.000000120e-01;
	v4 =	vsel vm5, $0x1, v0;
	v2 =	vadd.s32 v3, v2  }
0x68: {  	v17 =	vsel vm12, $0x1, v0;
	v3 =	vsel vm6, $0x1, v0;
	v2 =	vadd.s32 v4, v2  }
0x69: {  	vm15 =	vgt.f32 v10, $5.000000000e-01;
	v4 =	vsel vm7, $0x1, v0;
	v2 =	vadd.s32 v3, v2;
	v5 =	vld.idx.msk [tilespmem:v6+s12+$0x0], $0xffff  }
0x6a: {  	v11 =	vor.u32 $0x1, v6;
	v3 =	vsel vm8, $0x1, v0;
	v2 =	vadd.s32 v4, v2  }
0x6b: {  	v16 =	vadd.s32 v17, v16;
	v2 =	vadd.s32 v3, v2;
	v3 =	vsel vm9, $0x1, v0  }
0x6c: {  	v17 =	vsel vm13, $0x1, v0;
	v2 =	vadd.s32 v3, v2;
	v3 =	vsel vm10, $0x1, v0  }
0x6d: {  	vm14 =	vgt.f32 v10, $4.000000060e-01;
	vm4 =	vgt.f32 v10, $6.000000240e-01;
	v2 =	vadd.s32 v3, v2  }
0x6e: {  	v3 =	vadd.s32 $0xAB00, v7;
	v4 =	vshll.u32 v2, $0x2;
	v2 =	vadd.s32 $0xB480, v7;
	[tilespmem:v9+s22+$0x0] =	vst.idx.msk $0xffff, v5  }
0x6f: {  	v7 =	vadd.s32 $0xA180, v8;
	v9 =	vadd.s32 v17, v16;
	v16 =	vsel vm14, $0x1, v0;
	v11 =	vld.idx.msk [tilespmem:v11+s12+$0x0], $0xffff  }
0x70: {  	v18 =	vor.u32 $0x2, v6;
	v9 =	vadd.s32 v16, v9;
	v16 =	vsel vm15, $0x1, v0  }
0x71: {  	vm5 =	vgt.f32 v10, $6.999999880e-01;
	v5 =	vld [tilespmem:s31+$0xFFFFFFF0];
	v9 =	vadd.s32 v16, v9;
	v16 =	vsel vm4, $0x1, v0  }
0x72: {  	vm6 =	vgt.f32 v10, $8.000000110e-01;
	v9 =	vadd.s32 v16, v9;
	v16 =	vsel vm5, $0x1, v0  }
0x73: {  	vm7 =	vgt.f32 v10, $8.999999760e-01;
	v17 =	vld.idx.msk [tilespmem:v4+s12+$0x0], $0xffff;
	v9 =	vadd.s32 v16, v9;
	v16 =	vsel vm6, $0x1, v0  }
0x74: {  	v10 =	vsel vm7, $0x1, v0;
	v14 =	vor.u32 $0x1, v4;
	v9 =	vadd.s32 v16, v9;
	[tilespmem:v7+s22+$0x0] =	vst.idx.msk $0xffff, v11  }
0x75: {  	v15 =	vadd.s32 $0xAB00, v8;
	v16 =	vor.u32 $0x3, v6;
	v6 =	vadd.s32 v10, v9;
	v10 =	vld.idx.msk [tilespmem:v18+s12+$0x0], $0xffff  }
0x76: {  	vm8 =	vgt.f32 v5, $1.000000010e-01;
	vm9 =	vgt.f32 v5, $2.000000030e-01;
	vm10 =	vgt.f32 v5, $3.000000120e-01  }
0x77: {  	s28 =	simm.s32 $0x16750;
	vm11 =	vgt.f32 v5, $4.000000060e-01;
	v7 =	vsel vm8, $0x1, v0;
	v9 =	vsel vm9, $0x1, v0  }
0x78: {  	v11 =	vsel vm10, $0x1, v0;
	v6 =	vshll.u32 v6, $0x2;
	v9 =	vadd.s32 v9, v7;
	v7 =	vld [tilespmem:s28+$0x0];
	[tilespmem:v12+s22+$0x0] =	vst.idx.msk $0xffff, v17  }
0x79: {  	v12 =	vsel vm11, $0x1, v0;
	v9 =	vadd.s32 v11, v9;
	v14 =	vld.idx.msk [tilespmem:v14+s12+$0x0], $0xffff  }
0x7a: {  	vm12 =	vgt.f32 v5, $5.000000000e-01;
	v12 =	vadd.s32 v12, v9;
	v9 =	vadd.s32 $0xB480, v8;
	v8 =	vld [tilespmem:s28+$0xFFFFFFF0];
	[tilespmem:v15+s22+$0x0] =	vst.idx.msk $0xffff, v10  }
0x7b: {  	vm13 =	vgt.f32 v5, $6.000000240e-01;
	vm14 =	vgt.f32 v5, $6.999999880e-01;
	v11 =	vsel vm12, $0x1, v0;
	v10 =	vld.idx.msk [tilespmem:v16+s12+$0x0], $0xffff  }
0x7c: {  	vm15 =	vgt.f32 v5, $8.000000110e-01;
	v17 =	vsel vm13, $0x1, v0;
	v11 =	vadd.s32 v11, v12  }
0x7d: {  	v15 =	vadd.s32 v17, v11;
	v12 =	vadd.s32 $0x9800, v7;
	v11 =	vld.idx.msk [tilespmem:v6+s12+$0x0], $0xffff;
	v16 =	vsel vm14, $0x1, v0  }
0x7e: {  	s29 =	simm.s32 $0x2;
	s30 =	simm.s32 $0x15E10;
	[tilespmem:v13+s22+$0x0] =	vst.idx.msk $0xffff, v14;
	v14 =	vadd.s32 v16, v15;
	v15 =	vsel vm15, $0x1, v0;
	v13 =	vor.u32 $0x1, v6  }
.LBB2_3:
0x7f: {  	v16 =	vld [tilespmem:s30+$0x0];
	s29 =	sadd.s32 $0x2, s29;
	v14 =	vadd.s32 v15, v14;
	vm0 =	vgt.f32 v5, $8.999999760e-01;
	v15 =	vadd.s32 $0x9800, v8  }
0x80: {  	v18 =	vadd.s32 $0xA180, v8;
	v19 =	vor.u32 $0x2, v4;
	v5 =	vld [tilespmem:s30+$0xFFFFFFF0];
	p0 =	slt.u32 s29, $0x94;
	v17 =	vsel vm0, $0x1, v0;
	[tilespmem:v9+s22+$0x0] =	vst.idx.msk $0xffff, v10  }
0x81: {  	v10 =	vadd.s32 $0xAB00, v8;
	v9 =	vadd.s32 v17, v14;
	v14 =	vor.u32 $0x3, v4  }
0x82: {  	v17 =	vadd.s32 $0xB480, v8;
	v4 =	vshll.u32 v9, $0x2;
	[tilespmem:v12+s22+$0x0] =	vst.idx.msk $0xffff, v11  }
0x83: {  	v11 =	vadd.s32 $0xA180, v7;
	v12 =	vadd.s32 $0xAB00, v7;
	v8 =	vor.u32 $0x1, v4;
	v9 =	vld.idx.msk [tilespmem:v13+s12+$0x0], $0xffff  }
0x84: {  	vm0 =	vgt.f32 v16, $1.000000010e-01;
	vm1 =	vgt.f32 v16, $2.000000030e-01;
	vm2 =	vgt.f32 v16, $3.000000120e-01  }
0x85: {  	v21 =	vor.u32 $0x2, v6;
	v13 =	vsel vm0, $0x1, v0;
	v20 =	vsel vm1, $0x1, v0;
	v19 =	vld.idx.msk [tilespmem:v19+s12+$0x0], $0xffff  }
0x86: {  	vm0 =	vgt.f32 v16, $4.000000060e-01;
	v13 =	vadd.s32 v20, v13;
	v20 =	vsel vm2, $0x1, v0  }
0x87: {  	v13 =	vadd.s32 v20, v13;
	v20 =	vsel vm0, $0x1, v0;
	vm0 =	vgt.f32 v16, $5.000000000e-01;
	v22 =	vld.idx.msk [tilespmem:v4+s12+$0x0], $0xffff  }
0x88: {  	v13 =	vadd.s32 v20, v13;
	v20 =	vsel vm0, $0x1, v0;
	vm0 =	vgt.f32 v16, $6.000000240e-01  }
0x89: {  	v13 =	vadd.s32 v20, v13;
	v20 =	vsel vm0, $0x1, v0;
	vm0 =	vgt.f32 v16, $6.999999880e-01;
	[tilespmem:v11+s22+$0x0] =	vst.idx.msk $0xffff, v9  }
0x8a: {  	v9 =	vadd.s32 v20, v13;
	v11 =	vsel vm0, $0x1, v0;
	vm0 =	vgt.f32 v16, $8.000000110e-01;
	v13 =	vld.idx.msk [tilespmem:v21+s12+$0x0], $0xffff  }
0x8b: {  	v9 =	vadd.s32 v11, v9;
	v11 =	vsel vm0, $0x1, v0;
	vm0 =	vgt.f32 v16, $8.999999760e-01;
	[tilespmem:v3+s22+$0x0] =	vst.idx.msk $0xffff, v19;
	v3 =	vmovc v10  }
0x8c: {  	v9 =	vadd.s32 v11, v9;
	v10 =	vsel vm0, $0x1, v0;
	v11 =	vor.u32 $0x3, v6;
	v14 =	vld.idx.msk [tilespmem:v14+s12+$0x0], $0xffff  }
0x8d: {  	vm1 =	vgt.f32 v5, $2.000000030e-01;
	vm0 =	vgt.f32 v5, $1.000000010e-01;
	v6 =	vadd.s32 v10, v9;
	[tilespmem:v15+s22+$0x0] =	vst.idx.msk $0xffff, v22  }
0x8e: {  	s28 =	sadd.s32 $0x20, s28;
	v9 =	vsel vm0, $0x1, v0;
	v10 =	vsel vm1, $0x1, v0;
	v6 =	vshll.u32 v6, $0x2;
	v15 =	vld.idx.msk [tilespmem:v8+s12+$0x0], $0xffff  }
0x8f: {  	vm0 =	vgt.f32 v5, $3.000000120e-01;
	vm1 =	vgt.f32 v5, $4.000000060e-01;
	v9 =	vadd.s32 v10, v9;
	v16 =	vld [tilespmem:s28+$0x0]  }
0x90: {  	v10 =	vsel vm0, $0x1, v0;
	v19 =	vsel vm1, $0x1, v0;
	vm0 =	vgt.f32 v5, $5.000000000e-01;
	v8 =	vld [tilespmem:s28+$0xFFFFFFF0];
	[tilespmem:v12+s22+$0x0] =	vst.idx.msk $0xffff, v13  }
.Ltmp0:
0x91: {  	v9 =	vadd.s32 v10, v9;
	v12 =	vsel vm0, $0x1, v0;
	vm0 =	vgt.f32 v5, $6.000000240e-01;
	v10 =	vld.idx.msk [tilespmem:v11+s12+$0x0], $0xffff;
	(pc) =	sbr.rel @p0 .LBB2_3-.Ltmp0, $4  }
0x92: {  	v11 =	vadd.s32 v19, v9;
	v13 =	vsel vm0, $0x1, v0;
	v9 =	vadd.s32 $0xB480, v7;
	[tilespmem:v2+s22+$0x0] =	vst.idx.msk $0xffff, v14;
	v2 =	vmovc v17  }
0x93: {  	vm1 =	vgt.f32 v5, $8.000000110e-01;
	vm0 =	vgt.f32 v5, $6.999999880e-01;
	v17 =	vadd.s32 v12, v11;
	v11 =	vld.idx.msk [tilespmem:v6+s12+$0x0], $0xffff  }
0x94: {  	v14 =	vsel vm0, $0x1, v0;
	v13 =	vadd.s32 v13, v17;
	v12 =	vadd.s32 $0x9800, v16;
	[tilespmem:v18+s22+$0x0] =	vst.idx.msk $0xffff, v15;
	v7 =	vmovc v16  }
0x95: {  	s30 =	sadd.s32 $0x20, s30;
	v14 =	vadd.s32 v14, v13;
	v15 =	vsel vm1, $0x1, v0;
	v13 =	vor.u32 $0x1, v6  }
0x96: {  	vm0 =	vgt.f32 v5, $8.999999760e-01  }
0x97: {  	v48 =	vadd.s32 v15, v14;
	v49 =	vsel vm0, $0x1, v0  }
0x98: {  	v5 =	vadd.s32 v49, v48  }
0x99: {  	v5 =	vshll.u32 v5, $0x2;
	_ =	sdelay $0x4  }
0x9a: {  	v50 =	vadd.s32 $0x9800, v8;
	v51 =	vld.idx.msk [tilespmem:v5+s12+$0x0], $0xffff  }
0x9b: {  	v16 =	vor.u32 $0x1, v5;
	_ =	sdelay $0x2  }
0x9c: {  	[tilespmem:v12+s22+$0x0] =	vst.idx.msk $0xffff, v11  }
0x9d: {  	v52 =	vor.u32 $0x2, v4;
	v53 =	vadd.s32 $0xA180, v7;
	v12 =	vld.idx.msk [tilespmem:v13+s12+$0x0], $0xffff;
	[tilespmem:v50+s22+$0x0] =	vst.idx.msk $0xffff, v51  }
0x9e: {  	v54 =	vadd.s32 $0xA180, v8;
	v55 =	vor.u32 $0x2, v6;
	v16 =	vld.idx.msk [tilespmem:v16+s12+$0x0], $0xffff  }
0x9f: {  	v17 =	vor.u32 $0x2, v5;
	_ =	sdelay $0x2  }
0xa0: {  	v11 =	vld.idx.msk [tilespmem:v52+s12+$0x0], $0xffff;
	[tilespmem:v53+s22+$0x0] =	vst.idx.msk $0xffff, v12  }
0xa1: {  	v56 =	vor.u32 $0x3, v4;
	v57 =	vadd.s32 $0xAB00, v7;
	v13 =	vld.idx.msk [tilespmem:v55+s12+$0x0], $0xffff;
	[tilespmem:v54+s22+$0x0] =	vst.idx.msk $0xffff, v16  }
0xa2: {  	v58 =	vadd.s32 $0xAB00, v8;
	v59 =	vor.u32 $0x3, v6;
	v60 =	vld.idx.msk [tilespmem:v17+s12+$0x0], $0xffff  }
0xa3: {  	v5 =	vor.u32 $0x3, v5;
	_ =	sdelay $0x1  }
0xa4: {  	[tilespmem:v3+s22+$0x0] =	vst.idx.msk $0xffff, v11  }
0xa5: {  	v3 =	vld.idx.msk [tilespmem:v56+s12+$0x0], $0xffff;
	[tilespmem:v57+s22+$0x0] =	vst.idx.msk $0xffff, v13  }
0xa6: {  	v62 =	vadd.s32 $0xB480, v7;
	v61 =	vld.idx.msk [tilespmem:v59+s12+$0x0], $0xffff;
	[tilespmem:v58+s22+$0x0] =	vst.idx.msk $0xffff, v60  }
0xa7: {  	v63 =	vadd.s32 $0xB480, v8;
	v5 =	vld.idx.msk [tilespmem:v5+s12+$0x0], $0xffff;
	_ =	sdelay $0x1  }
0xa8: {  	[tilespmem:v9+s22+$0x0] =	vst.idx.msk $0xffff, v10  }
0xa9: {  	[tilespmem:v2+s22+$0x0] =	vst.idx.msk $0xffff, v3  }
0xaa: {  	[tilespmem:v62+s22+$0x0] =	vst.idx.msk $0xffff, v61  }
0xab: {  	[tilespmem:v63+s22+$0x0] =	vst.idx.msk $0xffff, v5  }
0xac: {  	_ =	swait.ge [sflag:s23], $0x640  }
0xad: {  	[sflag:s23] =	ssyncset.done $0x0  }
0xae: {  	[sflag:s23] =	ssyncadd.s32 $0xFFFFF9C0  }
0xaf: {  	_ =	swait.ge [sflag:s23], $0x640  }
0xb0: {  	[sflag:s23] =	ssyncset.done $0x0  }
0xb1: {  	[sflag:s23] =	ssyncadd.s32 $0xFFFFF9C0  }
0xb2: {  	_ =	swait.ge [sflag:s23], $0x640  }
0xb3: {  	[sflag:s23] =	ssyncset.done $0x0  }
0xb4: {  	[sflag:s23] =	ssyncadd.s32 $0xFFFFF9C0  }
0xb5: {  	_ =	swait.ge [sflag:s23], $0x640  }
0xb6: {  	[sflag:s23] =	ssyncset.done $0x0  }
0xb7: {  	[sflag:s23] =	ssyncadd.s32 $0xFFFFF9C0  }
0xb8: {  	_ =	swait.ge [sflag:s23], $0x640  }
0xb9: {  	[sflag:s23] =	ssyncset.done $0x0  }
0xba: {  	[sflag:s23] =	ssyncadd.s32 $0xFFFFF9C0  }
0xbb: {  	_ =	swait.ge [sflag:s23], $0x640  }
0xbc: {  	[sflag:s23] =	ssyncset.done $0x0  }
0xbd: {  	[sflag:s23] =	ssyncadd.s32 $0xFFFFF9C0  }
0xbe: {  	_ =	swait.ge [sflag:s23], $0x640  }
0xbf: {  	[sflag:s23] =	ssyncset.done $0x0  }
0xc0: {  	[sflag:s23] =	ssyncadd.s32 $0xFFFFF9C0  }
0xc1: {  	_ =	swait.ge [sflag:s23], $0x640  }
0xc2: {  	[sflag:s23] =	ssyncset.done $0x0  }
0xc3: {  	[sflag:s23] =	ssyncadd.s32 $0xFFFFF9C0  }
0xc4: {  	_ =	swait.ge [sflag:s23], $0x640  }
0xc5: {  	[sflag:s23] =	ssyncset.done $0x0  }
0xc6: {  	[sflag:s23] =	ssyncadd.s32 $0xFFFFF9C0  }
0xc7: {  	_ =	swait.ge [sflag:s23], $0x640  }
0xc8: {  	[sflag:s23] =	ssyncset.done $0x0  }
0xc9: {  	[sflag:s23] =	ssyncadd.s32 $0xFFFFF9C0  }
0xca: {  	_ =	swait.ge [sflag:s23], $0x640  }
0xcb: {  	[sflag:s23] =	ssyncset.done $0x0  }
0xcc: {  	[sflag:s23] =	ssyncadd.s32 $0xFFFFF9C0  }
0xcd: {  	_ =	swait.ge [sflag:s23], $0x640  }
0xce: {  	[sflag:s23] =	ssyncset.done $0x0  }
0xcf: {  	[sflag:s23] =	ssyncadd.s32 $0xFFFFF9C0  }
0xd0: {  	_ =	swait.ge [sflag:s23], $0x640  }
0xd1: {  	[sflag:s23] =	ssyncset.done $0x0  }
0xd2: {  	[sflag:s23] =	ssyncadd.s32 $0xFFFFF9C0  }
0xd3: {  	_ =	swait.ge [sflag:s23], $0x640  }
0xd4: {  	[sflag:s23] =	ssyncset.done $0x0  }
0xd5: {  	[sflag:s23] =	ssyncadd.s32 $0xFFFFF9C0  }
0xd6: {  	_ =	swait.ge [sflag:s23], $0x640  }
0xd7: {  	[sflag:s23] =	ssyncset.done $0x0  }
0xd8: {  	[sflag:s23] =	ssyncadd.s32 $0xFFFFF9C0  }
0xd9: {  	_ =	swait.ge [sflag:s23], $0x640  }
0xda: {  	[sflag:s23] =	ssyncset.done $0x0  }
0xdb: {  	[sflag:s23] =	ssyncadd.s32 $0xFFFFF9C0  }
0xdc: {  	_ =	swait.ge [sflag:s23], $0x640  }
0xdd: {  	[sflag:s23] =	ssyncset.done $0x0  }
0xde: {  	[sflag:s23] =	ssyncadd.s32 $0xFFFFF9C0  }
0xdf: {  	_ =	swait.ge [sflag:s23], $0x640  }
0xe0: {  	[sflag:s23] =	ssyncset.done $0x0  }
0xe1: {  	[sflag:s23] =	ssyncadd.s32 $0xFFFFF9C0  }
0xe2: {  	_ =	swait.ge [sflag:s23], $0x640  }
0xe3: {  	[sflag:s23] =	ssyncset.done $0x0  }
0xe4: {  	[sflag:s23] =	ssyncadd.s32 $0xFFFFF9C0  }
0xe5: {  	_ =	swait.ge [sflag:s23], $0x640  }
0xe6: {  	[sflag:s23] =	ssyncset.done $0x0  }
0xe7: {  	[sflag:s23] =	ssyncadd.s32 $0xFFFFF9C0  }
0xe8: {  	_ =	swait.ge [sflag:s23], $0x640  }
0xe9: {  	[sflag:s23] =	ssyncset.done $0x0  }
0xea: {  	[sflag:s23] =	ssyncadd.s32 $0xFFFFF9C0  }
0xeb: {  	_ =	swait.ge [sflag:s23], $0x640  }
0xec: {  	[sflag:s23] =	ssyncset.done $0x0  }
0xed: {  	[sflag:s23] =	ssyncadd.s32 $0xFFFFF9C0  }
0xee: {  	_ =	swait.ge [sflag:s23], $0x640  }
0xef: {  	[sflag:s23] =	ssyncset.done $0x0  }
0xf0: {  	[sflag:s23] =	ssyncadd.s32 $0xFFFFF9C0  }
0xf1: {  	_ =	swait.ge [sflag:s23], $0x640  }
0xf2: {  	s28 =	simm.s32 $0x0;
	s2 =	simm.s32 $0xA00;
	[sflag:s23] =	ssyncset.done $0x0  }
0xf3: {  	s30 =	simm.s32 $0x1C40;
	s31 =	simm.s32 $0x0;
	[sflag:s23] =	ssyncadd.s32 $0xFFFFF9C0  }
.LBB2_5:
0xf4: {  	s0 =	simm.s32 $0x1  }
0xf5: {  	v2 =	vmov s31;
	s6 =	simm.s32 $0x2;
	v3 =	vmov s28;
	s14 =	simm.s32 $0x3;
	s7 =	simm.s32 $0x7;
	v4 =	vmov s0  }
0xf6: {  	s11 =	simm.s32 $0x4;
	v5 =	vmov s6;
	v6 =	vmov s14;
	s14 =	simm.s32 $0x5;
	v7 =	vmov s7  }
0xf7: {  	v8 =	vmov s11;
	s11 =	simm.s32 $0x6;
	v10 =	vmov s14;
	v7 =	vshll.u32 v7, $0x3  }
0xf8: {  	v4 =	vshll.u32 v4, $0x3;
	v11 =	vmov s11;
	v7 =	vadd.s32 v1, v7  }
0xf9: {  	v12 =	vld [tilespmem:s2+$0x30];
	v5 =	vshll.u32 v5, $0x3;
	v4 =	vadd.s32 v1, v4;
	v13 =	vadd.s32 v2, v7  }
0xfa: {  	v14 =	vld [tilespmem:s2+$0xFFFFFFD0];
	v15 =	vadd.s32 v2, v4;
	v4 =	vadd.s32 v1, v5;
	v5 =	vshll.u32 v6, $0x3  }
0xfb: {  	v16 =	vld [tilespmem:s2+$0xFFFFFFE0];
	v17 =	vadd.s32 v2, v4;
	v4 =	vadd.s32 v1, v5;
	v5 =	vshll.u32 v8, $0x3  }
0xfc: {  	v6 =	vld [tilespmem:s2+$0xFFFFFFF0];
	v8 =	vshll.u32 v10, $0x3;
	v9 =	vadd.s32 v2, v4;
	v5 =	vadd.s32 v1, v5  }
0xfd: {  	v10 =	vshll.u32 v11, $0x3;
	v4 =	vld [tilespmem:s2+$0x0];
	v8 =	vadd.s32 v1, v8;
	v7 =	vadd.s32 v2, v5  }
0xfe: {  	s29 =	smov.u32 s2;
	v3 =	vshll.u32 v3, $0x3;
	v11 =	vadd.s32 v1, v10;
	v5 =	vld [tilespmem:s2+$0x10];
	v8 =	vadd.s32 v2, v8;
	[tilespmem:v13+s22+$0x0] =	vst.idx.msk $0xffff, v12  }
0xff: {  	s0 =	simm.s32 $0x8;
	s6 =	simm.s32 $0xA;
	s14 =	simm.s32 $0x9;
	v10 =	vld [tilespmem:s2+$0x20];
	v11 =	vadd.s32 v2, v11;
	v13 =	vadd.s32 v1, v3;
	[tilespmem:v15+s22+$0x0] =	vst.idx.msk $0xffff, v14  }
0x100: {  	s7 =	simm.s32 $0xF;
	s11 =	simm.s32 $0xB;
	v3 =	vmov s0;
	v14 =	vmov s14;
	s14 =	simm.s32 $0x10;
	v12 =	vld [tilespmem:s2+$0xFFFFFFC0];
	v13 =	vadd.s32 v2, v13;
	[tilespmem:v17+s22+$0x0] =	vst.idx.msk $0xffff, v16  }
.LBB2_6:
0x101: {  	p0 =	slt.u32 s14, $0x120;
	v15 =	vmov s6;
	v16 =	vmov s11;
	s6 =	sadd.s32 $0x4, s0;
	s11 =	sadd.s32 $0x5, s0;
	v17 =	vmov s7;
	[tilespmem:v9+s22+$0x0] =	vst.idx.msk $0xffff, v6  }
0x102: {  	v6 =	vmov s6;
	v18 =	vmov s11;
	s6 =	sadd.s32 $0x6, s0;
	v9 =	vshll.u32 v17, $0x3;
	[tilespmem:v7+s22+$0x0] =	vst.idx.msk $0xffff, v4;
	s0 =	smov.u32 s14  }
0x103: {  	s29 =	sadd.s32 $0x80, s29;
	v4 =	vshll.u32 v14, $0x3;
	v14 =	vmov s6;
	v7 =	vadd.s32 v1, v9;
	[tilespmem:v8+s22+$0x0] =	vst.idx.msk $0xffff, v5  }
0x104: {  	v4 =	vadd.s32 v1, v4;
	v5 =	vshll.u32 v15, $0x3;
	v15 =	vld [tilespmem:s29+$0x30];
	v17 =	vadd.s32 v2, v7;
	[tilespmem:v11+s22+$0x0] =	vst.idx.msk $0xffff, v10  }
0x105: {  	v11 =	vadd.s32 v2, v4;
	v4 =	vadd.s32 v1, v5;
	v5 =	vshll.u32 v16, $0x3;
	v10 =	vld [tilespmem:s29+$0xFFFFFFD0];
	[tilespmem:v13+s22+$0x0] =	vst.idx.msk $0xffff, v12  }
0x106: {  	v19 =	vadd.s32 v2, v4;
	v4 =	vadd.s32 v1, v5;
	v5 =	vshll.u32 v6, $0x3;
	v16 =	vld [tilespmem:s29+$0xFFFFFFE0]  }
.Ltmp1:
0x107: {  	v8 =	vshll.u32 v18, $0x3;
	v9 =	vadd.s32 v2, v4;
	v5 =	vadd.s32 v1, v5;
	v6 =	vld [tilespmem:s29+$0xFFFFFFF0];
	(pc) =	sbr.rel @p0 .LBB2_6-.Ltmp1, $4  }
0x108: {  	v8 =	vadd.s32 v1, v8;
	v12 =	vshll.u32 v14, $0x3;
	v7 =	vadd.s32 v2, v5;
	v4 =	vld [tilespmem:s29+$0x0]  }
0x109: {  	v3 =	vshll.u32 v3, $0x3;
	v8 =	vadd.s32 v2, v8;
	v12 =	vadd.s32 v1, v12;
	v5 =	vld [tilespmem:s29+$0x10];
	[tilespmem:v17+s22+$0x0] =	vst.idx.msk $0xffff, v15  }
0x10a: {  	s7 =	sadd.s32 $0x1, s14;
	s6 =	sadd.s32 $0x2, s14;
	v13 =	vadd.s32 v1, v3;
	[tilespmem:v11+s22+$0x0] =	vst.idx.msk $0xffff, v10;
	v10 =	vld [tilespmem:s29+$0x20];
	v11 =	vadd.s32 v2, v12  }
0x10b: {  	s11 =	sadd.s32 $0x3, s0;
	s14 =	sadd.s32 $0x8, s14;
	v3 =	vmov s0;
	v14 =	vmov s7;
	s7 =	sadd.s32 $0x7, s0;
	v13 =	vadd.s32 v2, v13;
	v12 =	vld [tilespmem:s29+$0xFFFFFFC0];
	[tilespmem:v19+s22+$0x0] =	vst.idx.msk $0xffff, v16  }
0x10c: {  	_ = 	snop  }
0x10d: {  	v15 =	vmov s6;
	v16 =	vmov s11;
	s11 =	sadd.s32 $0x4, s0;
	v17 =	vmov s7  }
0x10e: {  	s14 =	sadd.s32 $0x5, s0;
	v14 =	vshll.u32 v14, $0x3;
	v3 =	vshll.u32 v3, $0x3;
	v18 =	vmov s11  }
0x10f: {  	s29 =	sadd.s32 $0x80, s29;
	v19 =	vmov s14;
	v17 =	vshll.u32 v17, $0x3;
	v46 =	vadd.s32 v1, v14  }
0x110: {  	[tilespmem:v9+s22+$0x0] =	vst.idx.msk $0xffff, v6;
	v47 =	vshll.u32 v15, $0x3;
	v50 =	vld [tilespmem:s29+$0xFFFFFFD0];
	v3 =	vadd.s32 v1, v3;
	v6 =	vadd.s32 v2, v46  }
0x111: {  	s14 =	sadd.s32 $0x6, s0;
	[tilespmem:v7+s22+$0x0] =	vst.idx.msk $0xffff, v4;
	v52 =	vshll.u32 v16, $0x3;
	v63 =	vld [tilespmem:s29+$0xFFFFFFC0];
	v17 =	vadd.s32 v1, v17;
	v3 =	vadd.s32 v2, v3  }
0x112: {  	v48 =	vld [tilespmem:s29+$0x30];
	v20 =	vmov s14;
	v51 =	vadd.s32 v1, v47;
	[tilespmem:v8+s22+$0x0] =	vst.idx.msk $0xffff, v5;
	v49 =	vadd.s32 v2, v17  }
0x113: {  	v53 =	vld [tilespmem:s29+$0xFFFFFFE0];
	v54 =	vadd.s32 v1, v52;
	v55 =	vshll.u32 v18, $0x3;
	v7 =	vadd.s32 v2, v51;
	[tilespmem:v11+s22+$0x0] =	vst.idx.msk $0xffff, v10  }
0x114: {  	v56 =	vld [tilespmem:s29+$0xFFFFFFF0];
	v57 =	vshll.u32 v19, $0x3;
	v8 =	vadd.s32 v2, v54;
	v9 =	vadd.s32 v1, v55;
	[tilespmem:v13+s22+$0x0] =	vst.idx.msk $0xffff, v12  }
0x115: {  	v58 =	vld [tilespmem:s29+$0x0];
	v11 =	vadd.s32 v1, v57;
	v59 =	vshll.u32 v20, $0x3;
	v9 =	vadd.s32 v2, v9;
	[tilespmem:v6+s22+$0x0] =	vst.idx.msk $0xffff, v50  }
0x116: {  	v60 =	vld [tilespmem:s29+$0x10];
	v11 =	vadd.s32 v2, v11;
	v13 =	vadd.s32 v1, v59;
	[tilespmem:v3+s22+$0x0] =	vst.idx.msk $0xffff, v63  }
0x117: {  	v61 =	vld [tilespmem:s29+$0x20];
	v62 =	vadd.s32 v2, v13;
	[tilespmem:v49+s22+$0x0] =	vst.idx.msk $0xffff, v48  }
0x118: {  	[tilespmem:v7+s22+$0x0] =	vst.idx.msk $0xffff, v53  }
0x119: {  	[tilespmem:v8+s22+$0x0] =	vst.idx.msk $0xffff, v56  }
0x11a: {  	[tilespmem:v9+s22+$0x0] =	vst.idx.msk $0xffff, v58  }
0x11b: {  	[tilespmem:v11+s22+$0x0] =	vst.idx.msk $0xffff, v60  }
0x11c: {  	s6 =	smov.u32 s30;
	s0 =	simm.s32 $0x128;
	[tilespmem:v62+s22+$0x0] =	vst.idx.msk $0xffff, v61  }
.LBB2_8:
0x11d: {  	v3 =	vmov s0  }
0x11e: {  	v3 =	vshll.u32 v3, $0x3  }
0x11f: {  	v3 =	vadd.s32 v1, v3  }
0x120: {  	v4 =	vld [tilespmem:s6+$0x0];
	p0 =	sne.s32 s0, $0x12B;
	v3 =	vadd.s32 v2, v3  }
.Ltmp2:
0x121: {  	_ = 	snop;
	(pc) =	sbr.rel @p0 .LBB2_8-.Ltmp2, $2  }
0x122: {  	_ =	sdelay $0x2  }
0x123: {  	s6 =	sadd.s32 $0x10, s6;
	s0 =	sadd.s32 $0x1, s0;
	[tilespmem:v3+s22+$0x0] =	vst.idx.msk $0xffff, v4  }
0x124: {  	s31 =	sadd.s32 $0x1, s31  }
0x125: {  	p0 =	sne.s32 s31, $0x8  }
.Ltmp3:
0x126: {  	_ = 	snop;
	(pc) =	sbr.rel @p0 .LBB2_5-.Ltmp3, $2  }
0x127: {  	_ =	sdelay $0x2  }
0x128: {  	s2 =	sadd.s32 $0x12C0, s2;
	s30 =	sadd.s32 $0x12C0, s30  }
0x129: {  	s0 =	sadd.s32 s26, s10;
	s26 =	sadd.s32 $0x1, s26  }
0x12a: {  	p0 =	sne.s32 s26, $0x8  }
.Ltmp4:
0x12b: {  	_ = 	snop;
	(pc) =	sbr.rel @p0 .LBB2_2-.Ltmp4, $4  }
0x12c: {  	[hbm4b:s0+s24] =	stream.strided.scatter [tilespmem:s22], [sflag:$0x2], $0xBE00, s25, s24, $0x38;
	[tilespmem:$0x170A8] =	vst v63  }
0x12d: {  	_ =	swait.ge [sflag:s13], $0xBE00  }
0x12e: {  	[sflag:s13] =	ssyncset.done $0x0  }
0x12f: {  	[sflag:s13] =	ssyncadd.s32 $0xFFFF4200  }
0x130: {  	s2 =	rddreg [dreg:$0x5]  }
0x131: {  	s0 =	rddreg [dreg:$0x4];
	s2 =	sadd.s32 $0x1, s2  }
0x132: {  	p0 =	sne.s32 s2, s0  }
.Ltmp5:
0x133: {  	_ = 	snop;
	(pc) =	sbr.rel @p0 .LBB2_1-.Ltmp5, $1  }
0x134: {  	_ =	sdelay $0x3  }
0x135: {  	_ =	sfence.sel $0x180000  }
0x136: {  	[bflag:$0x0] =	sbarrier.arrive $0xFFFF  }
0x137: {  	_ =	strace $0x9000004A  }
0x138: {  	s0 =	stileid.u32;
	[bflag:$0x2] =	sbarrier.arrive $0xFFFF  }
0x139: {  	p0 =	sne.s32 s0, $0x0;
	s0 =	rddreg [dreg:$0x1]  }
0x13a: {  	s0 =	sadd.s32 @!p0 $0x100000, s0  }
0x13b: {  	[sflag:s0] =	ssyncadd.tile.s32 @!p0 $0x1;
	_ =	shalt  }
.Lfunc_end2:
_tile_overlayer_lowered:
.L_overlay_start_2:
0x13c: {  	(tag) =	ssettag $0x2  }
0x13d: {  	s0 =	rddreg [dreg:$0x0];
	s2 =	stileid.u32  }
0x13e: {  	s1 =	rddreg [dreg:$0x1];
	p0 =	sne.s32 s2, $0x0  }
0x13f: {  	s3 =	rddreg [dreg:$0x2];
	[bflag:$0x3] =	sbarrier.arrive $0xFFFF;
	s2 =	simm.s32 @!p0 $0x1C02  }
0x140: {  	[timem:s3], [sflag:s2] =	dma.local @!p0 [hbm:s0], s1  }
0x141: {  	s0 =	simm.s32 @!p0 $0x2  }
0x142: {  	_ =	swait.ge @!p0 [sflag:s0], s1  }
0x143: {  	s1 =	ssub.s32 @!p0 $0x0, s1;
	[sflag:s0] =	ssyncset.done @!p0 $0x0  }
0x144: {  	[sflag:s0] =	ssyncadd.s32 @!p0 s1  }
0x145: {  	[bflag:$0x3] =	sbarrier.arrive $0xFFFF  }
0x146: {  	_ =	shalt  }

// kernel: kernel.9.cloned.1.call-start
scs
__scs_entry_jumppad:
0x0: {  	(pc) =	sbr.rel $0x88, $3  }
0x1: {  	(tag) =	ssettag $0x0;
	lr =	simm.s32 $0x1  }
0x2: {  	[smem:$0x3F9C] =	sst lr;
	_ =	strace $0xD0000000  }
0x3: {  	_ = 	snop  }
0x4: {  	_ = 	snop  }
0x5: {  	_ = 	snop  }
0x6: {  	_ = 	snop  }
0x7: {  	_ = 	snop  }
__scs_overlays_trampoline_lowered:
0x8: {  	[smem:$0x3FAB] =	sst s0  }
0x9: {  	[smem:$0x3FAC] =	sst s1  }
0xa: {  	[smem:$0x3FAD] =	sst s2  }
0xb: {  	[smem:$0x3FAE] =	sst s3  }
0xc: {  	[smem:$0x3FAF] =	sst s4  }
0xd: {  	[smem:$0x3FB0] =	sst s5  }
0xe: {  	[smem:$0x3FB1] =	sst s6  }
0xf: {  	[smem:$0x3FB2] =	sst s7  }
0x10: {  	[smem:$0x3FB3] =	sst s8  }
0x11: {  	[smem:$0x3FB4] =	sst s9;
	s0 =	simm.s32 @!p0 $0x0  }
0x12: {  	s1 =	sld [smem:$0x3F9A];
	s0 =	simm.s32 @p0 $0x1  }
0x13: {  	[smem:$0x3FB5] =	sst s0;
	s0 =	simm.s32 @!p1 $0x0  }
0x14: {  	s2 =	sld [smem:$0x3F99];
	s0 =	simm.s32 @p1 $0x1  }
0x15: {  	[smem:$0x3FB6] =	sst s0;
	s0 =	simm.s32 @!p2 $0x0  }
0x16: {  	s3 =	sld [smem:$0x3FDB];
	s0 =	simm.s32 @p2 $0x1  }
0x17: {  	s4 =	simm.s32 $0x1BF5;
	[smem:$0x3FB8] =	sst s0  }
0x18: {  	s0 =	sld [smem:$0x3F9B];
	_ =	swait.ge [sflag:s4], $0x0  }
0x19: {  	s7 =	sld [smem:$0x3F9C]  }
0x1a: {  	s8 =	sadd.s32 $0xFFFFE003, lr  }
0x1b: {  	s9 =	sadd.s32 $0xFFFFFEF7, lr;
	s5 =	simm.s32 $0xFFFFFFFF;
	p2 =	slt.u32 s8, $0xFFFFF086  }
0x1c: {  	p1 =	slt.u32 s9, $0xF7A;
	s5 =	simm.s32 @!p2 $0x0  }
0x1d: {  	s5 =	simm.s32 @p1 $0x1;
	p0 =	seq.s32 s7, s2  }
0x1e: {  	s7 =	smul.u32 @!p0 $0xF7A, s2;
	p2 =	seq.s32 @!p0 s5, $0x0  }
0x1f: {  	s9 =	smul.u32 $0xF7A, s1;
	s8 =	simm.s32 @!p0 $0x1BF5;
	p2 =	por !p2, p0  }
0x20: {  	[sflag:s8] =	ssyncset.s32 @!p0 $0xFFFFF086;
	s6 =	sadd.s32 @!p0 s3, s7;
	s7 =	simm.s32 @!p0 $0x108  }
0x21: {  	s3 =	sadd.s32 s3, s9;
	s6 =	sadd.s32 @!p0 $0x88, s6;
	s7 =	simm.s32 @p2 $0x1082  }
0x22: {  	[simem:s7], [sflag:s8] =	dma.local @!p0 [hbm:s6], $0xF7A  }
0x23: {  	s9 =	sor.u32 $0xD0000000, s2;
	s6 =	simm.s32 $0x108;
	_ =	swait.ge @!p0 [sflag:s8], $0x0  }
0x24: {  	s3 =	sadd.s32 $0x88, s3;
	s6 =	simm.s32 @!p1 $0x1082;
	[sflag:s4] =	ssyncset.s32 $0xFFFFF086  }
0x25: {  	[simem:s6], [sflag:s4] =	dma.local [hbm:s3], $0xF7A  }
0x26: {  	[smem:$0x3F9C] =	sst s1;
	(tag) =	ssettag s2;
	_ =	strace s9  }
0x27: {  	s1 =	sld [smem:$0x3FAC]  }
0x28: {  	s2 =	sld [smem:$0x3FAD]  }
0x29: {  	s4 =	sld [smem:$0x3FAF]  }
0x2a: {  	p0 =	seq.s32 s5, $0x0;
	s5 =	sld [smem:$0x3FB0]  }
0x2b: {  	s6 =	sld [smem:$0x3FB1]  }
0x2c: {  	s7 =	sld [smem:$0x3FB2]  }
0x2d: {  	s3 =	simm.s32 $0x108;
	s8 =	sld [smem:$0x3FB3]  }
0x2e: {  	s3 =	simm.s32 @!p0 $0x1082;
	s9 =	sld [smem:$0x3FB4]  }
0x2f: {  	lr =	sadd.s32 s0, s3;
	s0 =	sld [smem:$0x3FAB]  }
0x30: {  	s3 =	sld [smem:$0x3FAE]  }
0x31: {  	[smem:$0x3FB7] =	sst s10  }
0x32: {  	s10 =	sld [smem:$0x3FB5];
	_ =	sdelay $0x3  }
0x33: {  	p0 =	seq.s32 s10, $0x1;
	s10 =	sld [smem:$0x3FB7];
	_ =	sdelay $0x3  }
0x34: {  	[smem:$0x3FB7] =	sst s10  }
0x35: {  	s10 =	sld [smem:$0x3FB6];
	_ =	sdelay $0x3  }
0x36: {  	p1 =	seq.s32 s10, $0x1;
	s10 =	sld [smem:$0x3FB7];
	_ =	sdelay $0x3  }
0x37: {  	[smem:$0x3FB7] =	sst s10  }
0x38: {  	s10 =	sld [smem:$0x3FB8]  }
0x39: {  	_ = 	snop;
	(pc) =	sbr.ind lr, $3  }
0x3a: {  	_ = 	snop  }
0x3b: {  	_ = 	snop  }
0x3c: {  	p2 =	seq.s32 s10, $0x1;
	s10 =	sld [smem:$0x3FB7]  }
0x3d: {  	_ =	shalt  }
0x3e: {  	_ =	shalt  }
0x3f: {  	_ =	shalt  }
0x40: {  	_ =	shalt  }
0x41: {  	_ =	shalt  }
0x42: {  	_ =	shalt  }
0x43: {  	_ =	shalt  }
0x44: {  	_ =	shalt  }
0x45: {  	_ =	shalt  }
0x46: {  	_ =	shalt  }
0x47: {  	_ =	shalt  }
0x48: {  	_ =	shalt  }
0x49: {  	_ =	shalt  }
0x4a: {  	_ =	shalt  }
0x4b: {  	_ =	shalt  }
0x4c: {  	_ =	shalt  }
0x4d: {  	_ =	shalt  }
0x4e: {  	_ =	shalt  }
0x4f: {  	_ =	shalt  }
0x50: {  	_ =	shalt  }
0x51: {  	_ =	shalt  }
0x52: {  	_ =	shalt  }
0x53: {  	_ =	shalt  }
0x54: {  	_ =	shalt  }
0x55: {  	_ =	shalt  }
0x56: {  	_ =	shalt  }
0x57: {  	_ =	shalt  }
0x58: {  	_ =	shalt  }
0x59: {  	_ =	shalt  }
0x5a: {  	_ =	shalt  }
0x5b: {  	_ =	shalt  }
0x5c: {  	_ =	shalt  }
0x5d: {  	_ =	shalt  }
0x5e: {  	_ =	shalt  }
0x5f: {  	_ =	shalt  }
0x60: {  	_ =	shalt  }
0x61: {  	_ =	shalt  }
0x62: {  	_ =	shalt  }
0x63: {  	_ =	shalt  }
0x64: {  	_ =	shalt  }
0x65: {  	_ =	shalt  }
0x66: {  	_ =	shalt  }
0x67: {  	_ =	shalt  }
0x68: {  	_ =	shalt  }
0x69: {  	_ =	shalt  }
0x6a: {  	_ =	shalt  }
0x6b: {  	_ =	shalt  }
0x6c: {  	_ =	shalt  }
0x6d: {  	_ =	shalt  }
0x6e: {  	_ =	shalt  }
0x6f: {  	_ =	shalt  }
0x70: {  	_ =	shalt  }
0x71: {  	_ =	shalt  }
0x72: {  	_ =	shalt  }
0x73: {  	_ =	shalt  }
0x74: {  	_ =	shalt  }
0x75: {  	_ =	shalt  }
0x76: {  	_ =	shalt  }
0x77: {  	_ =	shalt  }
0x78: {  	_ =	shalt  }
0x79: {  	_ =	shalt  }
0x7a: {  	_ =	shalt  }
0x7b: {  	_ =	shalt  }
0x7c: {  	_ =	shalt  }
0x7d: {  	_ =	shalt  }
0x7e: {  	_ =	shalt  }
0x7f: {  	_ =	shalt  }
0x80: {  	_ =	shalt  }
0x81: {  	_ =	shalt  }
0x82: {  	_ =	shalt  }
0x83: {  	_ =	shalt  }
0x84: {  	_ =	shalt  }
0x85: {  	_ =	shalt  }
0x86: {  	_ =	shalt  }
0x87: {  	_ =	shalt  }
.Lfunc_end0:
.L_simem_size_0:
called_computation.1_lowered:
.L_overlay_start_0:
0x88: {  	s2 =	sld [smem:$0x3FD9]  }
0x89: {  	s3 =	sld [smem:$0x3FFE];
	_ =	sdelay $0x1  }
0x8a: {  	s1 =	srdreg.scid  }
0x8b: {  	s0 =	sand.u32 $0x1, s1  }
0x8c: {  	s17 =	sshll.u32 s0, $0xA;
	s2 =	sadd.s32 s3, s2  }
0x8d: {  	s2 =	sadd.s32 s2, s17  }
0x8e: {  	[smem:$0x3FC3] =	sst s2  }
0x8f: {  	_ = 	snop  }
0x90: {  	s2 =	sld [smem:$0x3FD0];
	(tm) =	ssettm $0x1  }
0x91: {  	s18 =	sld [smem:$0x3FFB];
	_ =	sdelay $0x3  }
0x92: {  	_ =	strace s18  }
0x93: {  	s3 =	sld [smem:$0x3FFC];
	_ =	sdelay $0x3  }
0x94: {  	_ =	strace s3  }
0x95: {  	s3 =	sld [smem:$0x3FFD];
	_ =	sdelay $0x3  }
0x96: {  	_ =	strace s3  }
0x97: {  	_ =	strace $0x8FFFFFFF  }
0x98: {  	s19 =	sld [smem:$0x3FDB];
	_ =	sdelay $0x1  }
0x99: {  	s4 =	simm.s32 $_scs_section_size  }
0x9a: {  	s5 =	simm.s32 $_size__tile_overlayer_lowered;
	s6 =	simm.s32 $_tile_overlayer_lowered  }
0x9b: {  	s22 =	simm.s32 $0x1BFF;
	s21 =	sshll.u32 s6, $0x1;
	s3 =	sadd.s32 s4, s19  }
0x9c: {  	s7 =	simm.s32 $0x0;
	s20 =	sshll.u32 s5, $0x1;
	s5 =	sadd.s32 s21, s3  }
0x9d: {  	[timem:s7], [sflag:s22] =	dma.local [hbm:s5], s20  }
0x9e: {  	_ =	swait.ge [sflag:s22], s20  }
0x9f: {  	s4 =	ssub.s32 $0x0, s20;
	[sflag:s22] =	ssyncset.done $0x0  }
0xa0: {  	[sflag:s22] =	ssyncadd.s32 s4;
	_ =	sdelay $0x1  }
0xa1: {  	s23 =	simm.s32 $0x1B8B  }
0xa2: {  	_ =	swait.ge [sflag:s23], $0x1  }
0xa3: {  	[sflag:s23] =	ssyncset.done $0x0  }
0xa4: {  	s25 =	simm.s32 $0x1B8E;
	s24 =	sld [smem:$0x3FFE];
	[sflag:s23] =	ssyncadd.s32 $0xFFFFFFFF  }
0xa5: {  	s26 =	simm.s32 $execute0_lowered;
	[smem:$0x3FD2] =	sst s25  }
0xa6: {  	s5 =	sshll.u32 s26, $0x1;
	_ =	strace $0x80000046;
	[dreg:$0x1] =	wrdreg $0xFFFFFFFF  }
0xa7: {  	s28 =	simm.s32 $_size_execute0_lowered;
	s3 =	sadd.s32 s3, s5;
	[dreg:$0x0] =	wrdreg $0x0  }
0xa8: {  	s5 =	sshll.u32 s28, $0x1;
	[dreg:$0x2] =	wrdreg s3  }
0xa9: {  	[dreg:$0x3] =	wrdreg s5  }
0xaa: {  	[dreg:$0x4] =	wrdreg $0xC0  }
0xab: {  	_ =	task [dreg:s7], $0x5FFFF  }
0xac: {  	[dreg:$0x1] =	wrdreg $0xFFFFFFFF  }
0xad: {  	[dreg:$0x0] =	wrdreg $0x60  }
0xae: {  	[dreg:$0x2] =	wrdreg s24  }
0xaf: {  	[dreg:$0x3] =	wrdreg s2  }
0xb0: {  	[dreg:$0x4] =	wrdreg $0xA  }
0xb1: {  	_ =	task.clear_ibuf [dreg:s7], $0x5FFFF;
	_ =	strace $0x90000046  }
0xb2: {  	s29 =	simm.s32 $0xA;
	_ =	strace $0x80000048  }
0xb3: {  	_ =	swait.ge [sflag:s29], $0x1  }
0xb4: {  	[sflag:s29] =	ssyncadd.s32 $0xFFFFFFFF  }
0xb5: {  	_ =	strace $0x90000048  }
0xb6: {  	_ =	sfence  }
0xb7: {  	s30 =	sld [smem:$0x0];
	_ =	sdelay $0x2  }
0xb8: {  	s31 =	sshll.u32 s1, $0xD;
	s1 =	sshrl.u32 s1, $0x2  }
0xb9: {  	s3 =	sand.u32 $0x4000, s31;
	s1 =	sadd.s32 s1, s30  }
0xba: {  	s0 =	sor.u32 s3, s0;
	s1 =	sshll.u32 s1, $0x11  }
0xbb: {  	s0 =	sor.u32 s1, s0  }
0xbc: {  	s0 =	sadd.s32 $0x8F2B, s0  }
0xbd: {  	[sflag:s0] =	ssyncadd.remote.s32 $0x1  }
0xbe: {  	_ =	sfence.sel $0xFFFF  }
0xbf: {  	[dreg:$0x0] =	wrdreg $0xFFFFFFFF;
	(pc) =	sbr.abs _section_cstart, $3  }
0xc0: {  	[dreg:$0x1] =	wrdreg $0xFFFFFFFF  }
0xc1: {  	_ =	task.clear_ibuf [dreg:s7], $0x2FFFF;
	_ =	strace $0x9FFFFFFF  }
0xc2: {  	(tm) =	ssettm $0x7FFFFFFF  }
0xc3: {  	_ =	shalt  }
tec
execute0_lowered:
.L_overlay_start_1:
0x0: {  	(tag) =	ssettag $0x1  }
0x1: {  	s0 =	rddreg [dreg:$0x0]  }
0x2: {  	s2 =	simm.s32 $0x0;
	s1 =	srdreg.scid;
	s3 =	stileid.u32  }
0x3: {  	s12 =	simm.s32 $0x17080;
	s13 =	simm.s32 $0x2;
	s15 =	simm.s32 $0x64  }
0x4: {  	s11 =	simm.s32 $0x8D00;
	s16 =	simm.s32 $0x9340;
	s17 =	simm.s32 $0x958  }
0x5: {  	s18 =	simm.s32 $0x9980;
	s19 =	simm.s32 $0x15DC0;
	s20 =	simm.s32 $0x9FC0  }
0x6: {  	s21 =	simm.s32 $0x1;
	s22 =	simm.s32 $0x8;
	s23 =	simm.s32 $0x800  }
0x7: {  	[smem:$0x7FF] =	sst s2;
	s4 =	sadd.s32 $0x14A00, s0;
	s5 =	sadd.s32 $0x1E00, s0  }
0x8: {  	s1 =	sand.u32 $0x1, s1;
	s3 =	sshll.u32 s3, $0x1;
	s6 =	sadd.s32 $0x1C00, s0  }
0x9: {  	s29 =	sadd.s32 $0x1A00, s0;
	_ =	strace $0x80000047;
	[dreg:$0x3] =	wrdreg s6  }
0xa: {  	s3 =	sor.u32 s1, s3;
	s1 =	ssub.s32 $0x2, s1;
	[dreg:$0x4] =	wrdreg s29  }
0xb: {  	s30 =	sshll.u32 s3, $0x3;
	s7 =	sshrl.u32 s1, $0x1;
	s8 =	smul.u32 $0x4E00, s3  }
0xc: {  	s9 =	smul.u32 $0x4B00, s3;
	s3 =	simm.s32 $0x0;
	s1 =	ssub.s32 s1, s7  }
0xd: {  	v1 =	vlaneseq.u32;
	s0 =	sadd.s32 s30, s0;
	s7 =	simm.s32 $0x888;
	s31 =	smax.u32 s1, $0x1  }
0xe: {  	v0 =	vimm.s32 $0x0;
	v1 =	vmul.u32 $0x980, v1;
	s10 =	sadd.s32 $0x1E800, s0;
	s1 =	simm.s32 $0x8F0;
	[dreg:$0x5] =	wrdreg s31  }
.LBB2_1:
0xf: {  	[dreg:$0x6] =	wrdreg s3  }
0x10: {  	s0 =	rddreg [dreg:$0x3]  }
0x11: {  	[tilespmem:s12], [sflag:$0x2] =	stream.linear.gather [hbm4b:s0+s2], $0x28, $0x38;
	[tilespmem:$0x170A8] =	vst v63  }
0x12: {  	_ =	swait.ge [sflag:s13], $0x28  }
0x13: {  	[sflag:s13] =	ssyncset.done $0x0  }
0x14: {  	s31 =	simm.s32 $0x16720;
	s30 =	rddreg [dreg:$0x4];
	[sflag:s13] =	ssyncadd.s32 $0xFFFFFFD8  }
0x15: {  	[tilespmem:s31], [sflag:$0x2] =	stream.linear.gather [hbm4b:s30+s2], $0x960, $0x38;
	[tilespmem:$0x170A8] =	vst v63  }
0x16: {  	_ =	swait.ge [sflag:s13], $0x960  }
0x17: {  	[sflag:s13] =	ssyncset.done $0x0  }
0x18: {  	s24 =	simm.s32 $0x0;
	[sflag:s13] =	ssyncadd.s32 $0xFFFFF6A0  }
.LBB2_2:
0x19: {  	s0 =	smul.u32 $0x9C0, s24;
	_ =	sdelay $0x1  }
0x1a: {  	s0 =	sadd.s32 s8, s0  }
0x1b: {  	s3 =	rddreg [dreg:$0x1];
	s0 =	sshrl.u32 s0, $0x3  }
0x1c: {  	s0 =	sadd.s32 s3, s0  }
0x1d: {  	[tilespmem:s2], [sflag:$0x2] =	stream.linear.gather [hbm4b:s0+s2], $0x9C0, $0x38;
	[tilespmem:$0x170A8] =	vst v63  }
0x1e: {  	_ =	swait.ge [sflag:s13], $0x9C0  }
0x1f: {  	[sflag:s13] =	ssyncset.done $0x0  }
0x20: {  	s25 =	simm.s32 $0x9C0;
	[sflag:s13] =	ssyncadd.s32 $0xFFFFF640  }
0x21: {  	[tilespmem:s25], [sflag:$0x1] =	stream.indirect.gather [hbm4b:s4+s15], $0x10, s2, s15, $0xb8;
	[tilespmem:$0x170A8] =	vst v63  }
0x22: {  	s26 =	simm.s32 $0x68;
	s29 =	simm.s32 $0x1000  }
0x23: {  	[tilespmem:s29], [sflag:$0x1] =	stream.indirect.gather [hbm4b:s4+s15], $0x10, s26, s15, $0xb8;
	[tilespmem:$0x170A8] =	vst v63  }
0x24: {  	s30 =	simm.s32 $0xD0;
	s31 =	simm.s32 $0x1640  }
0x25: {  	[tilespmem:s31], [sflag:$0x1] =	stream.indirect.gather [hbm4b:s4+s15], $0x10, s30, s15, $0xb8;
	[tilespmem:$0x170A8] =	vst v63  }
0x26: {  	s6 =	simm.s32 $0x1C80;
	s3 =	simm.s32 $0x138  }
0x27: {  	[tilespmem:s6], [sflag:$0x1] =	stream.indirect.gather [hbm4b:s4+s15], $0x10, s3, s15, $0xb8;
	[tilespmem:$0x170A8] =	vst v63  }
0x28: {  	s14 =	simm.s32 $0x1A0;
	s25 =	simm.s32 $0x22C0  }
0x29: {  	[tilespmem:s25], [sflag:$0x1] =	stream.indirect.gather [hbm4b:s4+s15], $0x10, s14, s15, $0xb8;
	[tilespmem:$0x170A8] =	vst v63  }
0x2a: {  	s26 =	simm.s32 $0x208;
	s29 =	simm.s32 $0x2900  }
0x2b: {  	[tilespmem:s29], [sflag:$0x1] =	stream.indirect.gather [hbm4b:s4+s15], $0x10, s26, s15, $0xb8;
	[tilespmem:$0x170A8] =	vst v63  }
0x2c: {  	s30 =	simm.s32 $0x270;
	s31 =	simm.s32 $0x2F40  }
0x2d: {  	[tilespmem:s31], [sflag:$0x1] =	stream.indirect.gather [hbm4b:s4+s15], $0x10, s30, s15, $0xb8;
	[tilespmem:$0x170A8] =	vst v63  }
0x2e: {  	s3 =	simm.s32 $0x2D8;
	s6 =	simm.s32 $0x3580  }
0x2f: {  	[tilespmem:s6], [sflag:$0x1] =	stream.indirect.gather [hbm4b:s4+s15], $0x10, s3, s15, $0xb8;
	[tilespmem:$0x170A8] =	vst v63  }
0x30: {  	s14 =	simm.s32 $0x340;
	s25 =	simm.s32 $0x3BC0  }
0x31: {  	[tilespmem:s25], [sflag:$0x1] =	stream.indirect.gather [hbm4b:s4+s15], $0x10, s14, s15, $0xb8;
	[tilespmem:$0x170A8] =	vst v63  }
0x32: {  	s26 =	simm.s32 $0x3A8;
	s29 =	simm.s32 $0x4200  }
0x33: {  	[tilespmem:s29], [sflag:$0x1] =	stream.indirect.gather [hbm4b:s4+s15], $0x10, s26, s15, $0xb8;
	[tilespmem:$0x170A8] =	vst v63  }
0x34: {  	s30 =	simm.s32 $0x410;
	s31 =	simm.s32 $0x4840  }
0x35: {  	[tilespmem:s31], [sflag:$0x1] =	stream.indirect.gather [hbm4b:s4+s15], $0x10, s30, s15, $0xb8;
	[tilespmem:$0x170A8] =	vst v63  }
0x36: {  	s3 =	simm.s32 $0x478;
	s6 =	simm.s32 $0x4E80  }
0x37: {  	[tilespmem:s6], [sflag:$0x1] =	stream.indirect.gather [hbm4b:s4+s15], $0x10, s3, s15, $0xb8;
	[tilespmem:$0x170A8] =	vst v63  }
0x38: {  	s14 =	simm.s32 $0x4E0;
	s25 =	simm.s32 $0x54C0  }
0x39: {  	[tilespmem:s25], [sflag:$0x1] =	stream.indirect.gather [hbm4b:s4+s15], $0x10, s14, s15, $0xb8;
	[tilespmem:$0x170A8] =	vst v63  }
0x3a: {  	s26 =	simm.s32 $0x548;
	s29 =	simm.s32 $0x5B00  }
0x3b: {  	[tilespmem:s29], [sflag:$0x1] =	stream.indirect.gather [hbm4b:s4+s15], $0x10, s26, s15, $0xb8;
	[tilespmem:$0x170A8] =	vst v63  }
0x3c: {  	s30 =	simm.s32 $0x5B0;
	s31 =	simm.s32 $0x6140  }
0x3d: {  	[tilespmem:s31], [sflag:$0x1] =	stream.indirect.gather [hbm4b:s4+s15], $0x10, s30, s15, $0xb8;
	[tilespmem:$0x170A8] =	vst v63  }
0x3e: {  	s3 =	simm.s32 $0x618;
	s6 =	simm.s32 $0x6780  }
0x3f: {  	[tilespmem:s6], [sflag:$0x1] =	stream.indirect.gather [hbm4b:s4+s15], $0x10, s3, s15, $0xb8;
	[tilespmem:$0x170A8] =	vst v63  }
0x40: {  	s14 =	simm.s32 $0x680;
	s25 =	simm.s32 $0x6DC0  }
0x41: {  	[tilespmem:s25], [sflag:$0x1] =	stream.indirect.gather [hbm4b:s4+s15], $0x10, s14, s15, $0xb8;
	[tilespmem:$0x170A8] =	vst v63  }
0x42: {  	s26 =	simm.s32 $0x6E8;
	s29 =	simm.s32 $0x7400  }
0x43: {  	[tilespmem:s29], [sflag:$0x1] =	stream.indirect.gather [hbm4b:s4+s15], $0x10, s26, s15, $0xb8;
	[tilespmem:$0x170A8] =	vst v63  }
0x44: {  	s30 =	simm.s32 $0x750;
	s31 =	simm.s32 $0x7A40  }
0x45: {  	[tilespmem:s31], [sflag:$0x1] =	stream.indirect.gather [hbm4b:s4+s15], $0x10, s30, s15, $0xb8;
	[tilespmem:$0x170A8] =	vst v63  }
0x46: {  	s3 =	simm.s32 $0x7B8;
	s6 =	simm.s32 $0x8080  }
0x47: {  	[tilespmem:s6], [sflag:$0x1] =	stream.indirect.gather [hbm4b:s4+s15], $0x10, s3, s15, $0xb8;
	[tilespmem:$0x170A8] =	vst v63  }
0x48: {  	s14 =	simm.s32 $0x820;
	s25 =	simm.s32 $0x86C0  }
0x49: {  	[tilespmem:s25], [sflag:$0x1] =	stream.indirect.gather [hbm4b:s4+s15], $0x10, s14, s15, $0xb8;
	[tilespmem:$0x170A8] =	vst v63  }
0x4a: {  	s26 =	smul.u32 $0x960, s24  }
0x4b: {  	[tilespmem:s11], [sflag:$0x1] =	stream.indirect.gather [hbm4b:s4+s15], $0x10, s7, s15, $0xb8;
	[tilespmem:$0x170A8] =	vst v63  }
0x4c: {  	s0 =	sadd.s32 s9, s26  }
0x4d: {  	[tilespmem:s16], [sflag:$0x1] =	stream.indirect.gather [hbm4b:s4+s15], $0x10, s1, s15, $0xb8;
	[tilespmem:$0x170A8] =	vst v63  }
0x4e: {  	s0 =	sshrl.u32 s0, $0x3  }
0x4f: {  	[tilespmem:s18], [sflag:$0x1] =	stream.indirect.gather [hbm4b:s4+s15], $0x10, s17, s15, $0xb8;
	[tilespmem:$0x170A8] =	vst v63  }
0x50: {  	s0 =	sadd.s32 s5, s0  }
0x51: {  	[tilespmem:s19], [sflag:$0x2] =	stream.linear.gather [hbm4b:s0+s2], $0x960, $0x38;
	[tilespmem:$0x170A8] =	vst v63  }
0x52: {  	_ =	swait.ge [sflag:s13], $0x960  }
0x53: {  	[sflag:s13] =	ssyncset.done $0x0  }
0x54: {  	s29 =	simm.s32 $0x15DD0;
	[sflag:s13] =	ssyncadd.s32 $0xFFFFF6A0  }
0x55: {  	v2 =	vld [tilespmem:s29+$0x0];
	_ =	sdelay $0x2  }
0x56: {  	v5 =	vld [tilespmem:s29+$0xFFFFFFF0];
	_ =	sdelay $0x1  }
0x57: {  	vm0 =	vgt.f32 v2, $1.000000010e-01  }
0x58: {  	vm1 =	vgt.f32 v2, $2.000000030e-01;
	vm2 =	vgt.f32 v2, $3.000000120e-01;
	vm8 =	vgt.f32 v2, $4.000000060e-01  }
0x59: {  	s30 =	simm.s32 $0x16730;
	vm9 =	vgt.f32 v2, $5.000000000e-01;
	vm10 =	vgt.f32 v2, $6.000000240e-01;
	vm11 =	vgt.f32 v2, $6.999999880e-01  }
0x5a: {  	vm12 =	vgt.f32 v2, $8.000000110e-01;
	vm13 =	vgt.f32 v2, $8.999999760e-01;
	vm14 =	vgt.f32 v5, $1.000000010e-01  }
0x5b: {  	v8 =	vld [tilespmem:s30+$0x0];
	vm15 =	vgt.f32 v5, $2.000000030e-01;
	v3 =	vsel vm0, $0x1, v0;
	v4 =	vsel vm1, $0x1, v0  }
0x5c: {  	v7 =	vld [tilespmem:s30+$0xFFFFFFF0];
	vm4 =	vgt.f32 v5, $3.000000120e-01;
	v3 =	vadd.s32 v4, v3;
	v4 =	vsel vm2, $0x1, v0  }
0x5d: {  	vm5 =	vgt.f32 v5, $4.000000060e-01;
	v3 =	vadd.s32 v4, v3;
	v4 =	vsel vm8, $0x1, v0  }
0x5e: {  	s31 =	simm.s32 $0x15DF0;
	vm6 =	vgt.f32 v5, $5.000000000e-01;
	v3 =	vadd.s32 v4, v3;
	v4 =	vsel vm9, $0x1, v0  }
0x5f: {  	v10 =	vld [tilespmem:s31+$0x0];
	vm7 =	vgt.f32 v5, $6.000000240e-01;
	v3 =	vadd.s32 v4, v3;
	v4 =	vsel vm10, $0x1, v0  }
0x60: {  	v9 =	vadd.s32 $0x9800, v8;
	v3 =	vadd.s32 v4, v3;
	v4 =	vsel vm11, $0x1, v0  }
0x61: {  	v12 =	vadd.s32 $0x9800, v7;
	v3 =	vadd.s32 v4, v3;
	v4 =	vsel vm12, $0x1, v0  }
0x62: {  	v13 =	vadd.s32 $0xA180, v7;
	v2 =	vadd.s32 v4, v3;
	v3 =	vsel vm13, $0x1, v0  }
0x63: {  	vm8 =	vgt.f32 v5, $6.999999880e-01;
	vm9 =	vgt.f32 v5, $8.000000110e-01;
	v2 =	vadd.s32 v3, v2  }
0x64: {  	vm10 =	vgt.f32 v5, $8.999999760e-01;
	vm11 =	vgt.f32 v10, $1.000000010e-01;
	v6 =	vshll.u32 v2, $0x2  }
0x65: {  	vm12 =	vgt.f32 v10, $2.000000030e-01;
	v4 =	vsel vm15, $0x1, v0;
	v3 =	vsel vm14, $0x1, v0  }
0x66: {  	v16 =	vsel vm11, $0x1, v0;
	v2 =	vadd.s32 v4, v3;
	v3 =	vsel vm4, $0x1, v0  }
0x67: {  	vm13 =	vgt.f32 v10, $3.000000120e-01;
	v4 =	vsel vm5, $0x1, v0;
	v2 =	vadd.s32 v3, v2  }
0x68: {  	v17 =	vsel vm12, $0x1, v0;
	v3 =	vsel vm6, $0x1, v0;
	v2 =	vadd.s32 v4, v2  }
0x69: {  	vm15 =	vgt.f32 v10, $5.000000000e-01;
	v4 =	vsel vm7, $0x1, v0;
	v2 =	vadd.s32 v3, v2;
	v5 =	vld.idx.msk [tilespmem:v6+s12+$0x0], $0xffff  }
0x6a: {  	v11 =	vor.u32 $0x1, v6;
	v3 =	vsel vm8, $0x1, v0;
	v2 =	vadd.s32 v4, v2  }
0x6b: {  	v16 =	vadd.s32 v17, v16;
	v2 =	vadd.s32 v3, v2;
	v3 =	vsel vm9, $0x1, v0  }
0x6c: {  	v17 =	vsel vm13, $0x1, v0;
	v2 =	vadd.s32 v3, v2;
	v3 =	vsel vm10, $0x1, v0  }
0x6d: {  	vm14 =	vgt.f32 v10, $4.000000060e-01;
	vm4 =	vgt.f32 v10, $6.000000240e-01;
	v2 =	vadd.s32 v3, v2  }
0x6e: {  	v3 =	vadd.s32 $0xAB00, v7;
	v4 =	vshll.u32 v2, $0x2;
	v2 =	vadd.s32 $0xB480, v7;
	[tilespmem:v9+s20+$0x0] =	vst.idx.msk $0xffff, v5  }
0x6f: {  	v7 =	vadd.s32 $0xA180, v8;
	v9 =	vadd.s32 v17, v16;
	v16 =	vsel vm14, $0x1, v0;
	v11 =	vld.idx.msk [tilespmem:v11+s12+$0x0], $0xffff  }
0x70: {  	v18 =	vor.u32 $0x2, v6;
	v9 =	vadd.s32 v16, v9;
	v16 =	vsel vm15, $0x1, v0  }
0x71: {  	vm5 =	vgt.f32 v10, $6.999999880e-01;
	v5 =	vld [tilespmem:s31+$0xFFFFFFF0];
	v9 =	vadd.s32 v16, v9;
	v16 =	vsel vm4, $0x1, v0  }
0x72: {  	vm6 =	vgt.f32 v10, $8.000000110e-01;
	v9 =	vadd.s32 v16, v9;
	v16 =	vsel vm5, $0x1, v0  }
0x73: {  	vm7 =	vgt.f32 v10, $8.999999760e-01;
	v17 =	vld.idx.msk [tilespmem:v4+s12+$0x0], $0xffff;
	v9 =	vadd.s32 v16, v9;
	v16 =	vsel vm6, $0x1, v0  }
0x74: {  	v10 =	vsel vm7, $0x1, v0;
	v14 =	vor.u32 $0x1, v4;
	v9 =	vadd.s32 v16, v9;
	[tilespmem:v7+s20+$0x0] =	vst.idx.msk $0xffff, v11  }
0x75: {  	v15 =	vadd.s32 $0xAB00, v8;
	v16 =	vor.u32 $0x3, v6;
	v6 =	vadd.s32 v10, v9;
	v10 =	vld.idx.msk [tilespmem:v18+s12+$0x0], $0xffff  }
0x76: {  	vm8 =	vgt.f32 v5, $1.000000010e-01;
	vm9 =	vgt.f32 v5, $2.000000030e-01;
	vm10 =	vgt.f32 v5, $3.000000120e-01  }
0x77: {  	s25 =	simm.s32 $0x16750;
	vm11 =	vgt.f32 v5, $4.000000060e-01;
	v7 =	vsel vm8, $0x1, v0;
	v9 =	vsel vm9, $0x1, v0  }
0x78: {  	v11 =	vsel vm10, $0x1, v0;
	v6 =	vshll.u32 v6, $0x2;
	v9 =	vadd.s32 v9, v7;
	v7 =	vld [tilespmem:s25+$0x0];
	[tilespmem:v12+s20+$0x0] =	vst.idx.msk $0xffff, v17  }
0x79: {  	v12 =	vsel vm11, $0x1, v0;
	v9 =	vadd.s32 v11, v9;
	v14 =	vld.idx.msk [tilespmem:v14+s12+$0x0], $0xffff  }
0x7a: {  	vm12 =	vgt.f32 v5, $5.000000000e-01;
	v12 =	vadd.s32 v12, v9;
	v9 =	vadd.s32 $0xB480, v8;
	v8 =	vld [tilespmem:s25+$0xFFFFFFF0];
	[tilespmem:v15+s20+$0x0] =	vst.idx.msk $0xffff, v10  }
0x7b: {  	vm13 =	vgt.f32 v5, $6.000000240e-01;
	vm14 =	vgt.f32 v5, $6.999999880e-01;
	v11 =	vsel vm12, $0x1, v0;
	v10 =	vld.idx.msk [tilespmem:v16+s12+$0x0], $0xffff  }
0x7c: {  	vm15 =	vgt.f32 v5, $8.000000110e-01;
	v17 =	vsel vm13, $0x1, v0;
	v11 =	vadd.s32 v11, v12  }
0x7d: {  	v15 =	vadd.s32 v17, v11;
	v12 =	vadd.s32 $0x9800, v7;
	v11 =	vld.idx.msk [tilespmem:v6+s12+$0x0], $0xffff;
	v16 =	vsel vm14, $0x1, v0  }
0x7e: {  	s28 =	simm.s32 $0x15E10;
	s26 =	simm.s32 $0x2;
	[tilespmem:v13+s20+$0x0] =	vst.idx.msk $0xffff, v14;
	v14 =	vadd.s32 v16, v15;
	v15 =	vsel vm15, $0x1, v0;
	v13 =	vor.u32 $0x1, v6  }
.LBB2_3:
0x7f: {  	v16 =	vld [tilespmem:s28+$0x0];
	s26 =	sadd.s32 $0x2, s26;
	v14 =	vadd.s32 v15, v14;
	vm0 =	vgt.f32 v5, $8.999999760e-01;
	v15 =	vadd.s32 $0x9800, v8  }
0x80: {  	v18 =	vadd.s32 $0xA180, v8;
	v19 =	vor.u32 $0x2, v4;
	v5 =	vld [tilespmem:s28+$0xFFFFFFF0];
	p0 =	slt.u32 s26, $0x94;
	v17 =	vsel vm0, $0x1, v0;
	[tilespmem:v9+s20+$0x0] =	vst.idx.msk $0xffff, v10  }
0x81: {  	v10 =	vadd.s32 $0xAB00, v8;
	v9 =	vadd.s32 v17, v14;
	v14 =	vor.u32 $0x3, v4  }
0x82: {  	v17 =	vadd.s32 $0xB480, v8;
	v4 =	vshll.u32 v9, $0x2;
	[tilespmem:v12+s20+$0x0] =	vst.idx.msk $0xffff, v11  }
0x83: {  	v11 =	vadd.s32 $0xA180, v7;
	v12 =	vadd.s32 $0xAB00, v7;
	v8 =	vor.u32 $0x1, v4;
	v9 =	vld.idx.msk [tilespmem:v13+s12+$0x0], $0xffff  }
0x84: {  	vm0 =	vgt.f32 v16, $1.000000010e-01;
	vm1 =	vgt.f32 v16, $2.000000030e-01;
	vm2 =	vgt.f32 v16, $3.000000120e-01  }
0x85: {  	v21 =	vor.u32 $0x2, v6;
	v13 =	vsel vm0, $0x1, v0;
	v20 =	vsel vm1, $0x1, v0;
	v19 =	vld.idx.msk [tilespmem:v19+s12+$0x0], $0xffff  }
0x86: {  	vm0 =	vgt.f32 v16, $4.000000060e-01;
	v13 =	vadd.s32 v20, v13;
	v20 =	vsel vm2, $0x1, v0  }
0x87: {  	v13 =	vadd.s32 v20, v13;
	v20 =	vsel vm0, $0x1, v0;
	vm0 =	vgt.f32 v16, $5.000000000e-01;
	v22 =	vld.idx.msk [tilespmem:v4+s12+$0x0], $0xffff  }
0x88: {  	v13 =	vadd.s32 v20, v13;
	v20 =	vsel vm0, $0x1, v0;
	vm0 =	vgt.f32 v16, $6.000000240e-01  }
0x89: {  	v13 =	vadd.s32 v20, v13;
	v20 =	vsel vm0, $0x1, v0;
	vm0 =	vgt.f32 v16, $6.999999880e-01;
	[tilespmem:v11+s20+$0x0] =	vst.idx.msk $0xffff, v9  }
0x8a: {  	v9 =	vadd.s32 v20, v13;
	v11 =	vsel vm0, $0x1, v0;
	vm0 =	vgt.f32 v16, $8.000000110e-01;
	v13 =	vld.idx.msk [tilespmem:v21+s12+$0x0], $0xffff  }
0x8b: {  	v9 =	vadd.s32 v11, v9;
	v11 =	vsel vm0, $0x1, v0;
	vm0 =	vgt.f32 v16, $8.999999760e-01;
	[tilespmem:v3+s20+$0x0] =	vst.idx.msk $0xffff, v19;
	v3 =	vmovc v10  }
0x8c: {  	v9 =	vadd.s32 v11, v9;
	v10 =	vsel vm0, $0x1, v0;
	v11 =	vor.u32 $0x3, v6;
	v14 =	vld.idx.msk [tilespmem:v14+s12+$0x0], $0xffff  }
0x8d: {  	vm1 =	vgt.f32 v5, $2.000000030e-01;
	vm0 =	vgt.f32 v5, $1.000000010e-01;
	v6 =	vadd.s32 v10, v9;
	[tilespmem:v15+s20+$0x0] =	vst.idx.msk $0xffff, v22  }
0x8e: {  	s25 =	sadd.s32 $0x20, s25;
	v9 =	vsel vm0, $0x1, v0;
	v10 =	vsel vm1, $0x1, v0;
	v6 =	vshll.u32 v6, $0x2;
	v15 =	vld.idx.msk [tilespmem:v8+s12+$0x0], $0xffff  }
0x8f: {  	vm0 =	vgt.f32 v5, $3.000000120e-01;
	vm1 =	vgt.f32 v5, $4.000000060e-01;
	v9 =	vadd.s32 v10, v9;
	v16 =	vld [tilespmem:s25+$0x0]  }
0x90: {  	v10 =	vsel vm0, $0x1, v0;
	v19 =	vsel vm1, $0x1, v0;
	vm0 =	vgt.f32 v5, $5.000000000e-01;
	v8 =	vld [tilespmem:s25+$0xFFFFFFF0];
	[tilespmem:v12+s20+$0x0] =	vst.idx.msk $0xffff, v13  }
.Ltmp0:
0x91: {  	v9 =	vadd.s32 v10, v9;
	v12 =	vsel vm0, $0x1, v0;
	vm0 =	vgt.f32 v5, $6.000000240e-01;
	v10 =	vld.idx.msk [tilespmem:v11+s12+$0x0], $0xffff;
	(pc) =	sbr.rel @p0 .LBB2_3-.Ltmp0, $4  }
0x92: {  	v11 =	vadd.s32 v19, v9;
	v13 =	vsel vm0, $0x1, v0;
	v9 =	vadd.s32 $0xB480, v7;
	[tilespmem:v2+s20+$0x0] =	vst.idx.msk $0xffff, v14;
	v2 =	vmovc v17  }
0x93: {  	vm1 =	vgt.f32 v5, $8.000000110e-01;
	vm0 =	vgt.f32 v5, $6.999999880e-01;
	v17 =	vadd.s32 v12, v11;
	v11 =	vld.idx.msk [tilespmem:v6+s12+$0x0], $0xffff  }
0x94: {  	v14 =	vsel vm0, $0x1, v0;
	v13 =	vadd.s32 v13, v17;
	v12 =	vadd.s32 $0x9800, v16;
	[tilespmem:v18+s20+$0x0] =	vst.idx.msk $0xffff, v15;
	v7 =	vmovc v16  }
0x95: {  	s28 =	sadd.s32 $0x20, s28;
	v14 =	vadd.s32 v14, v13;
	v15 =	vsel vm1, $0x1, v0;
	v13 =	vor.u32 $0x1, v6  }
0x96: {  	vm0 =	vgt.f32 v5, $8.999999760e-01  }
0x97: {  	v48 =	vadd.s32 v15, v14;
	v49 =	vsel vm0, $0x1, v0  }
0x98: {  	v5 =	vadd.s32 v49, v48  }
0x99: {  	v5 =	vshll.u32 v5, $0x2;
	_ =	sdelay $0x4  }
0x9a: {  	v50 =	vadd.s32 $0x9800, v8;
	v51 =	vld.idx.msk [tilespmem:v5+s12+$0x0], $0xffff  }
0x9b: {  	v16 =	vor.u32 $0x1, v5;
	_ =	sdelay $0x2  }
0x9c: {  	[tilespmem:v12+s20+$0x0] =	vst.idx.msk $0xffff, v11  }
0x9d: {  	v52 =	vor.u32 $0x2, v4;
	v53 =	vadd.s32 $0xA180, v7;
	v12 =	vld.idx.msk [tilespmem:v13+s12+$0x0], $0xffff;
	[tilespmem:v50+s20+$0x0] =	vst.idx.msk $0xffff, v51  }
0x9e: {  	v54 =	vadd.s32 $0xA180, v8;
	v55 =	vor.u32 $0x2, v6;
	v16 =	vld.idx.msk [tilespmem:v16+s12+$0x0], $0xffff  }
0x9f: {  	v17 =	vor.u32 $0x2, v5;
	_ =	sdelay $0x2  }
0xa0: {  	v11 =	vld.idx.msk [tilespmem:v52+s12+$0x0], $0xffff;
	[tilespmem:v53+s20+$0x0] =	vst.idx.msk $0xffff, v12  }
0xa1: {  	v56 =	vor.u32 $0x3, v4;
	v57 =	vadd.s32 $0xAB00, v7;
	v13 =	vld.idx.msk [tilespmem:v55+s12+$0x0], $0xffff;
	[tilespmem:v54+s20+$0x0] =	vst.idx.msk $0xffff, v16  }
0xa2: {  	v58 =	vadd.s32 $0xAB00, v8;
	v59 =	vor.u32 $0x3, v6;
	v60 =	vld.idx.msk [tilespmem:v17+s12+$0x0], $0xffff  }
0xa3: {  	v5 =	vor.u32 $0x3, v5;
	_ =	sdelay $0x1  }
0xa4: {  	[tilespmem:v3+s20+$0x0] =	vst.idx.msk $0xffff, v11  }
0xa5: {  	v3 =	vld.idx.msk [tilespmem:v56+s12+$0x0], $0xffff;
	[tilespmem:v57+s20+$0x0] =	vst.idx.msk $0xffff, v13  }
0xa6: {  	v62 =	vadd.s32 $0xB480, v7;
	v61 =	vld.idx.msk [tilespmem:v59+s12+$0x0], $0xffff;
	[tilespmem:v58+s20+$0x0] =	vst.idx.msk $0xffff, v60  }
0xa7: {  	v63 =	vadd.s32 $0xB480, v8;
	v5 =	vld.idx.msk [tilespmem:v5+s12+$0x0], $0xffff;
	_ =	sdelay $0x1  }
0xa8: {  	[tilespmem:v9+s20+$0x0] =	vst.idx.msk $0xffff, v10  }
0xa9: {  	[tilespmem:v2+s20+$0x0] =	vst.idx.msk $0xffff, v3  }
0xaa: {  	[tilespmem:v62+s20+$0x0] =	vst.idx.msk $0xffff, v61  }
0xab: {  	[tilespmem:v63+s20+$0x0] =	vst.idx.msk $0xffff, v5  }
0xac: {  	_ =	swait.ge [sflag:s21], $0x640  }
0xad: {  	[sflag:s21] =	ssyncset.done $0x0  }
0xae: {  	[sflag:s21] =	ssyncadd.s32 $0xFFFFF9C0  }
0xaf: {  	_ =	swait.ge [sflag:s21], $0x640  }
0xb0: {  	[sflag:s21] =	ssyncset.done $0x0  }
0xb1: {  	[sflag:s21] =	ssyncadd.s32 $0xFFFFF9C0  }
0xb2: {  	_ =	swait.ge [sflag:s21], $0x640  }
0xb3: {  	[sflag:s21] =	ssyncset.done $0x0  }
0xb4: {  	[sflag:s21] =	ssyncadd.s32 $0xFFFFF9C0  }
0xb5: {  	_ =	swait.ge [sflag:s21], $0x640  }
0xb6: {  	[sflag:s21] =	ssyncset.done $0x0  }
0xb7: {  	[sflag:s21] =	ssyncadd.s32 $0xFFFFF9C0  }
0xb8: {  	_ =	swait.ge [sflag:s21], $0x640  }
0xb9: {  	[sflag:s21] =	ssyncset.done $0x0  }
0xba: {  	[sflag:s21] =	ssyncadd.s32 $0xFFFFF9C0  }
0xbb: {  	_ =	swait.ge [sflag:s21], $0x640  }
0xbc: {  	[sflag:s21] =	ssyncset.done $0x0  }
0xbd: {  	[sflag:s21] =	ssyncadd.s32 $0xFFFFF9C0  }
0xbe: {  	_ =	swait.ge [sflag:s21], $0x640  }
0xbf: {  	[sflag:s21] =	ssyncset.done $0x0  }
0xc0: {  	[sflag:s21] =	ssyncadd.s32 $0xFFFFF9C0  }
0xc1: {  	_ =	swait.ge [sflag:s21], $0x640  }
0xc2: {  	[sflag:s21] =	ssyncset.done $0x0  }
0xc3: {  	[sflag:s21] =	ssyncadd.s32 $0xFFFFF9C0  }
0xc4: {  	_ =	swait.ge [sflag:s21], $0x640  }
0xc5: {  	[sflag:s21] =	ssyncset.done $0x0  }
0xc6: {  	[sflag:s21] =	ssyncadd.s32 $0xFFFFF9C0  }
0xc7: {  	_ =	swait.ge [sflag:s21], $0x640  }
0xc8: {  	[sflag:s21] =	ssyncset.done $0x0  }
0xc9: {  	[sflag:s21] =	ssyncadd.s32 $0xFFFFF9C0  }
0xca: {  	_ =	swait.ge [sflag:s21], $0x640  }
0xcb: {  	[sflag:s21] =	ssyncset.done $0x0  }
0xcc: {  	[sflag:s21] =	ssyncadd.s32 $0xFFFFF9C0  }
0xcd: {  	_ =	swait.ge [sflag:s21], $0x640  }
0xce: {  	[sflag:s21] =	ssyncset.done $0x0  }
0xcf: {  	[sflag:s21] =	ssyncadd.s32 $0xFFFFF9C0  }
0xd0: {  	_ =	swait.ge [sflag:s21], $0x640  }
0xd1: {  	[sflag:s21] =	ssyncset.done $0x0  }
0xd2: {  	[sflag:s21] =	ssyncadd.s32 $0xFFFFF9C0  }
0xd3: {  	_ =	swait.ge [sflag:s21], $0x640  }
0xd4: {  	[sflag:s21] =	ssyncset.done $0x0  }
0xd5: {  	[sflag:s21] =	ssyncadd.s32 $0xFFFFF9C0  }
0xd6: {  	_ =	swait.ge [sflag:s21], $0x640  }
0xd7: {  	[sflag:s21] =	ssyncset.done $0x0  }
0xd8: {  	[sflag:s21] =	ssyncadd.s32 $0xFFFFF9C0  }
0xd9: {  	_ =	swait.ge [sflag:s21], $0x640  }
0xda: {  	[sflag:s21] =	ssyncset.done $0x0  }
0xdb: {  	[sflag:s21] =	ssyncadd.s32 $0xFFFFF9C0  }
0xdc: {  	_ =	swait.ge [sflag:s21], $0x640  }
0xdd: {  	[sflag:s21] =	ssyncset.done $0x0  }
0xde: {  	[sflag:s21] =	ssyncadd.s32 $0xFFFFF9C0  }
0xdf: {  	_ =	swait.ge [sflag:s21], $0x640  }
0xe0: {  	[sflag:s21] =	ssyncset.done $0x0  }
0xe1: {  	[sflag:s21] =	ssyncadd.s32 $0xFFFFF9C0  }
0xe2: {  	_ =	swait.ge [sflag:s21], $0x640  }
0xe3: {  	[sflag:s21] =	ssyncset.done $0x0  }
0xe4: {  	[sflag:s21] =	ssyncadd.s32 $0xFFFFF9C0  }
0xe5: {  	_ =	swait.ge [sflag:s21], $0x640  }
0xe6: {  	[sflag:s21] =	ssyncset.done $0x0  }
0xe7: {  	[sflag:s21] =	ssyncadd.s32 $0xFFFFF9C0  }
0xe8: {  	_ =	swait.ge [sflag:s21], $0x640  }
0xe9: {  	[sflag:s21] =	ssyncset.done $0x0  }
0xea: {  	[sflag:s21] =	ssyncadd.s32 $0xFFFFF9C0  }
0xeb: {  	_ =	swait.ge [sflag:s21], $0x640  }
0xec: {  	[sflag:s21] =	ssyncset.done $0x0  }
0xed: {  	[sflag:s21] =	ssyncadd.s32 $0xFFFFF9C0  }
0xee: {  	_ =	swait.ge [sflag:s21], $0x640  }
0xef: {  	[sflag:s21] =	ssyncset.done $0x0  }
0xf0: {  	[sflag:s21] =	ssyncadd.s32 $0xFFFFF9C0  }
0xf1: {  	_ =	swait.ge [sflag:s21], $0x640  }
0xf2: {  	s25 =	simm.s32 $0x0;
	s31 =	simm.s32 $0xA00;
	[sflag:s21] =	ssyncset.done $0x0  }
0xf3: {  	s28 =	simm.s32 $0x1C40;
	s29 =	simm.s32 $0x0;
	[sflag:s21] =	ssyncadd.s32 $0xFFFFF9C0  }
.LBB2_5:
0xf4: {  	s0 =	simm.s32 $0x1  }
0xf5: {  	v2 =	vmov s29;
	s3 =	simm.s32 $0x2;
	v3 =	vmov s25;
	s26 =	simm.s32 $0x3;
	s6 =	simm.s32 $0x7;
	v4 =	vmov s0  }
0xf6: {  	s14 =	simm.s32 $0x4;
	v5 =	vmov s3;
	v6 =	vmov s26;
	s26 =	simm.s32 $0x5;
	v7 =	vmov s6  }
0xf7: {  	v8 =	vmov s14;
	s14 =	simm.s32 $0x6;
	v10 =	vmov s26;
	v7 =	vshll.u32 v7, $0x3  }
0xf8: {  	v4 =	vshll.u32 v4, $0x3;
	v11 =	vmov s14;
	v7 =	vadd.s32 v1, v7  }
0xf9: {  	v12 =	vld [tilespmem:s31+$0x30];
	v5 =	vshll.u32 v5, $0x3;
	v4 =	vadd.s32 v1, v4;
	v13 =	vadd.s32 v2, v7  }
0xfa: {  	v14 =	vld [tilespmem:s31+$0xFFFFFFD0];
	v15 =	vadd.s32 v2, v4;
	v4 =	vadd.s32 v1, v5;
	v5 =	vshll.u32 v6, $0x3  }
0xfb: {  	v16 =	vld [tilespmem:s31+$0xFFFFFFE0];
	v17 =	vadd.s32 v2, v4;
	v4 =	vadd.s32 v1, v5;
	v5 =	vshll.u32 v8, $0x3  }
0xfc: {  	v6 =	vld [tilespmem:s31+$0xFFFFFFF0];
	v8 =	vshll.u32 v10, $0x3;
	v9 =	vadd.s32 v2, v4;
	v5 =	vadd.s32 v1, v5  }
0xfd: {  	v10 =	vshll.u32 v11, $0x3;
	v4 =	vld [tilespmem:s31+$0x0];
	v8 =	vadd.s32 v1, v8;
	v7 =	vadd.s32 v2, v5  }
0xfe: {  	s30 =	simm.s32 $0x8;
	v3 =	vshll.u32 v3, $0x3;
	v11 =	vadd.s32 v1, v10;
	v5 =	vld [tilespmem:s31+$0x10];
	v8 =	vadd.s32 v2, v8;
	[tilespmem:v13+s20+$0x0] =	vst.idx.msk $0xffff, v12  }
0xff: {  	s3 =	simm.s32 $0xA;
	s6 =	simm.s32 $0xB;
	s26 =	simm.s32 $0x9;
	v10 =	vld [tilespmem:s31+$0x20];
	v11 =	vadd.s32 v2, v11;
	v13 =	vadd.s32 v1, v3;
	[tilespmem:v15+s20+$0x0] =	vst.idx.msk $0xffff, v14  }
0x100: {  	s0 =	simm.s32 $0x10;
	s14 =	simm.s32 $0xF;
	v3 =	vmov s30;
	v14 =	vmov s26;
	v12 =	vld [tilespmem:s31+$0xFFFFFFC0];
	s26 =	smov.u32 s31;
	v13 =	vadd.s32 v2, v13;
	[tilespmem:v17+s20+$0x0] =	vst.idx.msk $0xffff, v16  }
.LBB2_6:
0x101: {  	p0 =	slt.u32 s0, $0x120;
	v15 =	vmov s3;
	v16 =	vmov s6;
	s3 =	sadd.s32 $0x4, s30;
	s6 =	sadd.s32 $0x5, s30;
	v17 =	vmov s14;
	[tilespmem:v9+s20+$0x0] =	vst.idx.msk $0xffff, v6  }
0x102: {  	v6 =	vmov s3;
	v18 =	vmov s6;
	s3 =	sadd.s32 $0x6, s30;
	v9 =	vshll.u32 v17, $0x3;
	[tilespmem:v7+s20+$0x0] =	vst.idx.msk $0xffff, v4;
	s30 =	smov.u32 s0  }
0x103: {  	s26 =	sadd.s32 $0x80, s26;
	v4 =	vshll.u32 v14, $0x3;
	v14 =	vmov s3;
	v7 =	vadd.s32 v1, v9;
	[tilespmem:v8+s20+$0x0] =	vst.idx.msk $0xffff, v5  }
0x104: {  	v4 =	vadd.s32 v1, v4;
	v5 =	vshll.u32 v15, $0x3;
	v15 =	vld [tilespmem:s26+$0x30];
	v17 =	vadd.s32 v2, v7;
	[tilespmem:v11+s20+$0x0] =	vst.idx.msk $0xffff, v10  }
0x105: {  	v11 =	vadd.s32 v2, v4;
	v4 =	vadd.s32 v1, v5;
	v5 =	vshll.u32 v16, $0x3;
	v10 =	vld [tilespmem:s26+$0xFFFFFFD0];
	[tilespmem:v13+s20+$0x0] =	vst.idx.msk $0xffff, v12  }
0x106: {  	v19 =	vadd.s32 v2, v4;
	v4 =	vadd.s32 v1, v5;
	v5 =	vshll.u32 v6, $0x3;
	v16 =	vld [tilespmem:s26+$0xFFFFFFE0]  }
.Ltmp1:
0x107: {  	v8 =	vshll.u32 v18, $0x3;
	v9 =	vadd.s32 v2, v4;
	v5 =	vadd.s32 v1, v5;
	v6 =	vld [tilespmem:s26+$0xFFFFFFF0];
	(pc) =	sbr.rel @p0 .LBB2_6-.Ltmp1, $4  }
0x108: {  	v8 =	vadd.s32 v1, v8;
	v12 =	vshll.u32 v14, $0x3;
	v7 =	vadd.s32 v2, v5;
	v4 =	vld [tilespmem:s26+$0x0]  }
0x109: {  	v3 =	vshll.u32 v3, $0x3;
	v8 =	vadd.s32 v2, v8;
	v12 =	vadd.s32 v1, v12;
	v5 =	vld [tilespmem:s26+$0x10];
	[tilespmem:v17+s20+$0x0] =	vst.idx.msk $0xffff, v15  }
0x10a: {  	s6 =	sadd.s32 $0x1, s0;
	s3 =	sadd.s32 $0x2, s0;
	v13 =	vadd.s32 v1, v3;
	[tilespmem:v11+s20+$0x0] =	vst.idx.msk $0xffff, v10;
	v10 =	vld [tilespmem:s26+$0x20];
	v11 =	vadd.s32 v2, v12  }
0x10b: {  	s14 =	sadd.s32 $0x7, s30;
	s0 =	sadd.s32 $0x8, s0;
	v3 =	vmov s30;
	v14 =	vmov s6;
	s6 =	sadd.s32 $0x3, s30;
	v13 =	vadd.s32 v2, v13;
	v12 =	vld [tilespmem:s26+$0xFFFFFFC0];
	[tilespmem:v19+s20+$0x0] =	vst.idx.msk $0xffff, v16  }
0x10c: {  	_ = 	snop  }
0x10d: {  	v15 =	vmov s3;
	v16 =	vmov s6;
	s0 =	sadd.s32 $0x4, s30;
	v17 =	vmov s14  }
0x10e: {  	s6 =	sadd.s32 $0x5, s30;
	v14 =	vshll.u32 v14, $0x3;
	v3 =	vshll.u32 v3, $0x3;
	v18 =	vmov s0  }
0x10f: {  	s14 =	sadd.s32 $0x6, s30;
	s30 =	sadd.s32 $0x80, s26;
	v19 =	vmov s6;
	v17 =	vshll.u32 v17, $0x3;
	v46 =	vadd.s32 v1, v14  }
0x110: {  	[tilespmem:v9+s20+$0x0] =	vst.idx.msk $0xffff, v6;
	v20 =	vmov s14;
	v50 =	vld [tilespmem:s30+$0xFFFFFFD0];
	v3 =	vadd.s32 v1, v3;
	v6 =	vadd.s32 v2, v46  }
0x111: {  	v47 =	vshll.u32 v15, $0x3;
	[tilespmem:v7+s20+$0x0] =	vst.idx.msk $0xffff, v4;
	v63 =	vld [tilespmem:s30+$0xFFFFFFC0];
	v17 =	vadd.s32 v1, v17;
	v3 =	vadd.s32 v2, v3  }
0x112: {  	v48 =	vld [tilespmem:s30+$0x30];
	v52 =	vshll.u32 v16, $0x3;
	v51 =	vadd.s32 v1, v47;
	[tilespmem:v8+s20+$0x0] =	vst.idx.msk $0xffff, v5;
	v49 =	vadd.s32 v2, v17  }
0x113: {  	v53 =	vld [tilespmem:s30+$0xFFFFFFE0];
	v54 =	vadd.s32 v1, v52;
	v55 =	vshll.u32 v18, $0x3;
	v7 =	vadd.s32 v2, v51;
	[tilespmem:v11+s20+$0x0] =	vst.idx.msk $0xffff, v10  }
0x114: {  	v56 =	vld [tilespmem:s30+$0xFFFFFFF0];
	v57 =	vshll.u32 v19, $0x3;
	v8 =	vadd.s32 v2, v54;
	v9 =	vadd.s32 v1, v55;
	[tilespmem:v13+s20+$0x0] =	vst.idx.msk $0xffff, v12  }
0x115: {  	v58 =	vld [tilespmem:s30+$0x0];
	v59 =	vshll.u32 v20, $0x3;
	v11 =	vadd.s32 v1, v57;
	v9 =	vadd.s32 v2, v9;
	[tilespmem:v6+s20+$0x0] =	vst.idx.msk $0xffff, v50  }
0x116: {  	v60 =	vld [tilespmem:s30+$0x10];
	v11 =	vadd.s32 v2, v11;
	v13 =	vadd.s32 v1, v59;
	[tilespmem:v3+s20+$0x0] =	vst.idx.msk $0xffff, v63  }
0x117: {  	v61 =	vld [tilespmem:s30+$0x20];
	v62 =	vadd.s32 v2, v13;
	[tilespmem:v49+s20+$0x0] =	vst.idx.msk $0xffff, v48  }
0x118: {  	[tilespmem:v7+s20+$0x0] =	vst.idx.msk $0xffff, v53  }
0x119: {  	[tilespmem:v8+s20+$0x0] =	vst.idx.msk $0xffff, v56  }
0x11a: {  	[tilespmem:v9+s20+$0x0] =	vst.idx.msk $0xffff, v58  }
0x11b: {  	[tilespmem:v11+s20+$0x0] =	vst.idx.msk $0xffff, v60  }
0x11c: {  	s3 =	smov.u32 s28;
	s0 =	simm.s32 $0x128;
	[tilespmem:v62+s20+$0x0] =	vst.idx.msk $0xffff, v61  }
.LBB2_8:
0x11d: {  	v3 =	vmov s0  }
0x11e: {  	v3 =	vshll.u32 v3, $0x3  }
0x11f: {  	v3 =	vadd.s32 v1, v3  }
0x120: {  	v4 =	vld [tilespmem:s3+$0x0];
	p0 =	sne.s32 s0, $0x12B;
	v3 =	vadd.s32 v2, v3  }
.Ltmp2:
0x121: {  	_ = 	snop;
	(pc) =	sbr.rel @p0 .LBB2_8-.Ltmp2, $2  }
0x122: {  	_ =	sdelay $0x2  }
0x123: {  	s3 =	sadd.s32 $0x10, s3;
	s0 =	sadd.s32 $0x1, s0;
	[tilespmem:v3+s20+$0x0] =	vst.idx.msk $0xffff, v4  }
0x124: {  	s29 =	sadd.s32 $0x1, s29  }
0x125: {  	p0 =	sne.s32 s29, $0x8  }
.Ltmp3:
0x126: {  	_ = 	snop;
	(pc) =	sbr.rel @p0 .LBB2_5-.Ltmp3, $2  }
0x127: {  	_ =	sdelay $0x2  }
0x128: {  	s31 =	sadd.s32 $0x12C0, s31;
	s28 =	sadd.s32 $0x12C0, s28  }
0x129: {  	s0 =	sadd.s32 s24, s10;
	s24 =	sadd.s32 $0x1, s24  }
0x12a: {  	p0 =	sne.s32 s24, $0x8  }
.Ltmp4:
0x12b: {  	_ = 	snop;
	(pc) =	sbr.rel @p0 .LBB2_2-.Ltmp4, $4  }
0x12c: {  	[hbm4b:s0+s22] =	stream.strided.scatter [tilespmem:s20], [sflag:$0x2], $0xBE00, s23, s22, $0x38;
	[tilespmem:$0x170A8] =	vst v63  }
0x12d: {  	_ =	swait.ge [sflag:s13], $0xBE00  }
0x12e: {  	[sflag:s13] =	ssyncset.done $0x0  }
0x12f: {  	[sflag:s13] =	ssyncadd.s32 $0xFFFF4200  }
0x130: {  	s3 =	rddreg [dreg:$0x6]  }
0x131: {  	s0 =	rddreg [dreg:$0x5];
	s3 =	sadd.s32 $0x1, s3  }
0x132: {  	p0 =	sne.s32 s3, s0  }
.Ltmp5:
0x133: {  	_ = 	snop;
	(pc) =	sbr.rel @p0 .LBB2_1-.Ltmp5, $1  }
0x134: {  	_ =	sdelay $0x3  }
0x135: {  	_ =	sfence.sel $0x180000  }
0x136: {  	[bflag:$0x0] =	sbarrier.arrive $0xFFFF  }
0x137: {  	_ =	strace $0x90000047  }
0x138: {  	s0 =	stileid.u32;
	[bflag:$0x2] =	sbarrier.arrive $0xFFFF  }
0x139: {  	p0 =	sne.s32 s0, $0x0;
	s0 =	rddreg [dreg:$0x2]  }
0x13a: {  	s0 =	sadd.s32 @!p0 $0x100000, s0  }
0x13b: {  	[sflag:s0] =	ssyncadd.tile.s32 @!p0 $0x1;
	_ =	shalt  }
.Lfunc_end2:
_tile_overlayer_lowered:
.L_overlay_start_2:
0x13c: {  	(tag) =	ssettag $0x2  }
0x13d: {  	s0 =	rddreg [dreg:$0x0];
	s2 =	stileid.u32  }
0x13e: {  	s1 =	rddreg [dreg:$0x1];
	p0 =	sne.s32 s2, $0x0  }
0x13f: {  	s3 =	rddreg [dreg:$0x2];
	[bflag:$0x3] =	sbarrier.arrive $0xFFFF;
	s2 =	simm.s32 @!p0 $0x1C02  }
0x140: {  	[timem:s3], [sflag:s2] =	dma.local @!p0 [hbm:s0], s1  }
0x141: {  	s0 =	simm.s32 @!p0 $0x2  }
0x142: {  	_ =	swait.ge @!p0 [sflag:s0], s1  }
0x143: {  	s1 =	ssub.s32 @!p0 $0x0, s1;
	[sflag:s0] =	ssyncset.done @!p0 $0x0  }
0x144: {  	[sflag:s0] =	ssyncadd.s32 @!p0 s1  }
0x145: {  	[bflag:$0x3] =	sbarrier.arrive $0xFFFF  }
0x146: {  	_ =	shalt  }

</sc_bundles>
